<compile_context>
chip_gen: v7x
topology: tpu7x:2x2x1
jax: 0.10.2.dev20260603
libtpu: 0.0.44.dev20260713+nightly
codegen_flags: <defaults>
</compile_context>

<pallas_src>
import functools

import jax
import jax.numpy as jnp
from jax import lax
from jax.experimental import pallas as pl
from jax.experimental.pallas import tpu as pltpu
from jax.experimental.pallas import tpu_sc as plsc

TOPK_FRAC = 0.1
L = 16
ND = 256
UNROLL = 8
CAP_A = 22528
CAP_B = 1024


def _sc_body(x_hbm, out_hbm, row_a, row_b, bins_v, cand_a, cand_b,
             sem_la, sem_lb, sem_sa, sem_sb, *, k, rows_per_worker, hw,
             num_cores):
    wid = lax.axis_index("s") * num_cores + lax.axis_index("c")
    base = wid * rows_per_worker

    lane = lax.broadcasted_iota(jnp.int32, (L,), 0)
    ones = jnp.ones((L,), jnp.int32)
    zeros = jnp.zeros((L,), jnp.int32)
    tmask = jnp.full((L,), True)
    nvec = hw // L
    signmask = jnp.int32(0x7FFFFFFF)

    def zero_bins(nd):
        def zb(j, _):
            for u in range(UNROLL):
                bins_v[pl.ds((j * UNROLL + u) * L, L)] = zeros
            return 0
        lax.fori_loop(0, nd // UNROLL, zb, 0)

    def find_digit(r, nd):
        B = 8
        nblk = nd // B

        def blk(i, carry):
            acc, bsel, babove, found = carry
            jb = nblk - 1 - i
            v = bins_v[pl.ds(jb * B * L, L)]
            for t in range(1, B):
                v = v + bins_v[pl.ds((jb * B + t) * L, L)]
            nacc = acc + jnp.sum(v)
            hit = jnp.logical_and(found == 0, nacc >= r)
            bsel = jnp.where(hit, jb, bsel)
            babove = jnp.where(hit, acc, babove)
            found = found | hit.astype(jnp.int32)
            return (nacc, bsel, babove, found)

        _, bsel, babove, _ = lax.fori_loop(
            0, nblk, blk,
            (jnp.int32(0), jnp.int32(0), jnp.int32(0), jnp.int32(0)))

        def dig(u, carry):
            acc, dsel, above, found = carry
            d = bsel * B + (B - 1 - u)
            v = bins_v[pl.ds(d * L, L)]
            nacc = acc + jnp.sum(v)
            hit = jnp.logical_and(found == 0, nacc >= r)
            dsel = jnp.where(hit, d, dsel)
            above = jnp.where(hit, acc, above)
            found = found | hit.astype(jnp.int32)
            return (nacc, dsel, above, found)

        _, dsel, above, _ = lax.fori_loop(
            0, B, dig, (babove, jnp.int32(0), jnp.int32(0), jnp.int32(0)))
        return dsel, above

    def process(row_v):
        zero_bins(ND)

        def scan1(i, _):
            for u in range(UNROLL):
                xv = row_v[pl.ds((i * UNROLL + u) * L, L)]
                b = plsc.bitcast(xv, jnp.int32) & signmask
                idx = (lax.shift_right_logical(b, 19) & jnp.int32(0xFF0)) | lane
                plsc.addupdate_scatter(bins_v, [idx], ones)
            return 0

        lax.fori_loop(0, nvec // UNROLL, scan1, 0)
        dsel, above = find_digit(jnp.int32(k), ND)
        prefix = dsel
        r = jnp.int32(k) - above

        def c1body(i, offv):
            for u in range(4):
                xv = row_v[pl.ds((i * 4 + u) * L, L)]
                b = plsc.bitcast(xv, jnp.int32) & signmask
                m = lax.shift_right_logical(b, 23) == prefix
                plsc.store_compressed(cand_a.at[pl.ds(offv[0], L)], b, mask=m)
                offv = jnp.minimum(offv + plsc.all_reduce_population_count(m),
                                   CAP_A - 4 * L)
            return offv

        cnt = lax.fori_loop(0, nvec // 4, c1body, jnp.zeros((L,), jnp.int32))[0]
        for t in range(4):
            plsc.store_compressed(cand_a.at[pl.ds(cnt + t * L, L)], zeros,
                                  mask=tmask)

        for s, w, src, dst, cap_d in (
                (15, 8, cand_a, cand_b, CAP_B),
                (7, 8, cand_b, cand_a, CAP_A),
                (0, 7, cand_a, None, 0)):
            nd = 1 << w
            dmask = jnp.int32(nd - 1)
            nsrc = (cnt + (L - 1)) // L
            zero_bins(nd)

            def scan(i, _, s=s, w=w, dmask=dmask, src=src, prefix=prefix):
                b = src[pl.ds(i * L, L)]
                m = lax.shift_right_logical(b, s + w) == prefix
                digit = lax.shift_right_logical(b, s) & dmask
                plsc.addupdate_scatter(bins_v, [(digit << 4) | lane], ones,
                                       mask=m)
                return 0

            lax.fori_loop(0, nsrc, scan, 0)
            dsel, above = find_digit(r, nd)
            prefix = (prefix << w) | dsel
            r = r - above

            if dst is not None:
                def cbody(i, offv, s=s, src=src, dst=dst, cap_d=cap_d,
                          prefix=prefix):
                    b = src[pl.ds(i * L, L)]
                    m = lax.shift_right_logical(b, s) == prefix
                    plsc.store_compressed(dst.at[pl.ds(offv[0], L)], b,
                                          mask=m)
                    return jnp.minimum(
                        offv + plsc.all_reduce_population_count(m),
                        cap_d - 4 * L)

                cnt = lax.fori_loop(0, nsrc, cbody,
                                    jnp.zeros((L,), jnp.int32))[0]
                for t in range(4):
                    plsc.store_compressed(dst.at[pl.ds(cnt + t * L, L)],
                                          zeros, mask=tmask)

        vk = prefix

        def maskp(i, _, vk=vk):
            for u in range(UNROLL):
                sl = pl.ds((i * UNROLL + u) * L, L)
                xv = row_v[sl]
                b = plsc.bitcast(xv, jnp.int32) & signmask
                row_v[sl] = jnp.where(b >= vk, xv, 0.0)
            return 0

        lax.fori_loop(0, nvec // UNROLL, maskp, 0)

    def load_start(row, buf, sem):
        pltpu.make_async_copy(x_hbm.at[row], buf, sem).start()

    def load_wait(buf, sem):
        pltpu.make_async_copy(x_hbm.at[base], buf, sem).wait()

    def store_start(buf, row, sem):
        pltpu.make_async_copy(buf, out_hbm.at[row], sem).start()

    def store_wait(buf, sem):
        pltpu.make_async_copy(buf, out_hbm.at[base], sem).wait()

    npairs = rows_per_worker // 2
    load_start(base, row_a, sem_la)

    def pair_body(p, _):
        r0 = base + 2 * p
        load_wait(row_a, sem_la)

        @pl.when(p > 0)
        def _():
            store_wait(row_b, sem_sb)

        load_start(r0 + 1, row_b, sem_lb)
        process(row_a)
        store_start(row_a, r0, sem_sa)
        load_wait(row_b, sem_lb)
        process(row_b)
        store_start(row_b, r0 + 1, sem_sb)
        store_wait(row_a, sem_sa)

        @pl.when(p < npairs - 1)
        def _():
            load_start(r0 + 2, row_a, sem_la)
        return 0

    lax.fori_loop(0, npairs, pair_body, 0)
    store_wait(row_b, sem_sb)


def _tc_select_mask(x_ref, o_ref, *, k: int, n_iters: int = 31):
    xv = x_ref[...]
    bits = jax.lax.bitcast_convert_type(xv, jnp.int32) & jnp.int32(0x7FFFFFFF)
    rr = xv.shape[0]

    def body(_, lohi):
        lo, hi = lohi
        mid = lo + ((hi - lo) >> 1)
        cnt = jnp.sum((bits >= mid).astype(jnp.int32), axis=1, keepdims=True)
        ge = cnt >= k
        return (jnp.where(ge, mid, lo), jnp.where(ge, hi, mid))

    lo0 = jnp.zeros((rr, 1), jnp.int32)
    hi0 = jnp.full((rr, 1), 0x7FFFFFFF, jnp.int32)
    lo, _ = jax.lax.fori_loop(0, n_iters, body, (lo0, hi0))
    o_ref[...] = jnp.where(bits >= lo, xv, 0.0)


def kernel(x):
    n, c, h, w = x.shape
    hw = h * w
    k = max(1, int(TOPK_FRAC * hw))
    rows = n * c
    info = plsc.get_sparse_core_info()
    nw = info.num_cores * info.num_subcores
    sc_rows = rows // 2
    assert sc_rows % (2 * nw) == 0 and hw % (L * UNROLL) == 0
    xr = x.reshape(rows, hw)
    mesh = plsc.VectorSubcoreMesh(core_axis_name="c", subcore_axis_name="s")
    f = pl.kernel(
        functools.partial(_sc_body, k=k, rows_per_worker=sc_rows // nw,
                          hw=hw, num_cores=info.num_cores),
        out_type=jax.ShapeDtypeStruct((sc_rows, hw), jnp.float32),
        mesh=mesh,
        compiler_params=pltpu.CompilerParams(needs_layout_passes=False),
        scratch_types=[
            pltpu.VMEM((hw,), jnp.float32),
            pltpu.VMEM((hw,), jnp.float32),
            pltpu.VMEM((ND * L,), jnp.int32),
            pltpu.VMEM((CAP_A,), jnp.int32),
            pltpu.VMEM((CAP_B,), jnp.int32),
            pltpu.SemaphoreType.DMA,
            pltpu.SemaphoreType.DMA,
            pltpu.SemaphoreType.DMA,
            pltpu.SemaphoreType.DMA,
        ],
    )
    sc_out = f(xr[:sc_rows])

    tc_rows = rows - sc_rows
    rpb = 8
    tc_out = pl.pallas_call(
        functools.partial(_tc_select_mask, k=k),
        grid=(tc_rows // rpb,),
        in_specs=[pl.BlockSpec((rpb, hw), lambda i: (i, 0))],
        out_specs=pl.BlockSpec((rpb, hw), lambda i: (i, 0)),
        out_shape=jax.ShapeDtypeStruct((tc_rows, hw), jnp.float32),
    )(xr[sc_rows:])

    out = jnp.concatenate([sc_out, tc_out], axis=0)
    return out.reshape(n, c, h, w)

# --- scband reference (transcript-rebuilt; emitter-appended) ---
"""Pipeline reference for scband-top-klayer-54382875902679 (READ-ONLY COPY).

The authoritative reference and input builder live on the scoring server;
editing this copy changes nothing except your own understanding.
"""

import jax, jax.numpy as jnp
import numpy as np

TOPK = 0.1


def setup_inputs(seed: int = 0) -> dict:
    key = jax.random.key(seed)
    x = jax.random.normal(key, (8, 96, 224, 224), dtype=jnp.float32)
    return {"x": x}


def reference(x):
    n, c, h, w = x.shape
    hw = h * w
    x_reshape = x.reshape(n, c, hw)
    topk_keep_num = max(1, int(TOPK * hw))
    # top-k over absolute values along the flattened spatial dim
    _, index = jax.lax.top_k(jnp.abs(x_reshape), topk_keep_num)
    # scatter 1s at top-k indices along dim 2 (torch scatter_ equivalent)
    ni = jnp.arange(n)[:, None, None]
    ci = jnp.arange(c)[None, :, None]
    mask = jnp.zeros_like(x_reshape).at[ni, ci, index].set(1.0)
    sparse_x = mask * x_reshape
    out = sparse_x.reshape(n, c, h, w)
    return out

if __name__ == "__main__":
    import jax
    _d = setup_inputs()
    print(jax.jit(kernel)(*tuple(_d.values())))

</pallas_src>

<mosaic_0001>
#map = affine_map<(d0, d1) -> (0, 0)>
module attributes {stable_mosaic.version = 14 : i64} {
  func.func @_sc_body(%arg0: i32, %arg1: i32, %arg2: memref<384x50176xf32, #tpu.memory_space<hbm>>, %arg3: memref<384x50176xf32, #tpu.memory_space<hbm>>, %arg4: memref<50176xf32, #tpu.memory_space<vmem>>, %arg5: memref<50176xf32, #tpu.memory_space<vmem>>, %arg6: memref<4096xi32, #tpu.memory_space<vmem>>, %arg7: memref<22528xi32, #tpu.memory_space<vmem>>, %arg8: memref<1024xi32, #tpu.memory_space<vmem>>, %arg9: memref<!tpu.dma_semaphore, #tpu.memory_space<semaphore_mem>>, %arg10: memref<!tpu.dma_semaphore, #tpu.memory_space<semaphore_mem>>, %arg11: memref<!tpu.dma_semaphore, #tpu.memory_space<semaphore_mem>>, %arg12: memref<!tpu.dma_semaphore, #tpu.memory_space<semaphore_mem>>) attributes {dimension_semantics = [#tpu.dimension_semantics<core_parallel>, #tpu.dimension_semantics<subcore_parallel>], iteration_bounds = array<i64: 2, 16>, scalar_prefetch = 0 : i64, scratch_operands = 9 : i64, tpu.core_type = #tpu.core_type<sc_vector_subcore>, window_params = [{transform_indices = #map}, {transform_indices = #map}]} {
    %mul3A = arith.constant 2 : i32
    %mul3A_0 = arith.muli %arg1, %mul3A : i32
    %add3A = arith.addi %mul3A_0, %arg0 : i32
    %mul3A_1 = arith.constant 12 : i32
    %mul3A_2 = arith.muli %add3A, %mul3A_1 : i32
    %iota3A = tpu.iota {dimensions = array<i32: 0>} : vector<16xi32>
    %broadcast_in_dim3A = arith.constant 1 : i32
    %broadcast_in_dim3A_3 = vector.broadcast %broadcast_in_dim3A : i32 to vector<16xi32>
    %broadcast_in_dim3A_4 = arith.constant 0 : i32
    %broadcast_in_dim3A_5 = vector.broadcast %broadcast_in_dim3A_4 : i32 to vector<16xi32>
    %broadcast_in_dim3A_6 = arith.constant true
    %broadcast_in_dim3A_7 = vector.broadcast %broadcast_in_dim3A_6 : i1 to vector<16xi1>
    %dma_start3A = arith.constant 0 : i32
    %dma_start3A_8 = tpu.memref_slice %arg2[%mul3A_2, %dma_start3A] : memref<384x50176xf32, #tpu.memory_space<hbm>> -> memref<1x50176xf32, #tpu.memory_space<hbm>>
    %dma_start3A_9 = tpu.memref_squeeze %dma_start3A_8 : memref<1x50176xf32, #tpu.memory_space<hbm>> -> memref<50176xf32, #tpu.memory_space<hbm>>
    %dma_start3A_10 = arith.constant 0 : i32
    %dma_start3A_11 = tpu.memref_slice %arg2[%mul3A_2, %dma_start3A_10] : memref<384x50176xf32, #tpu.memory_space<hbm>> -> memref<1x50176xf32, #tpu.memory_space<hbm>>
    %dma_start3A_12 = tpu.memref_squeeze %dma_start3A_11 : memref<1x50176xf32, #tpu.memory_space<hbm>> -> memref<50176xf32, #tpu.memory_space<hbm>>
    tpu.enqueue_dma source(%dma_start3A_12 : memref<50176xf32, #tpu.memory_space<hbm>>) target(%arg4 : memref<50176xf32, #tpu.memory_space<vmem>>) target_semaphore(%arg9 : memref<!tpu.dma_semaphore, #tpu.memory_space<semaphore_mem>>)
    %scan3A = arith.constant 2147483647 : i32
    %scan3A_13 = arith.constant 0 : i32
    %scan3A_14 = arith.constant 0 : i32
    %scan3A_15 = arith.constant 6 : i32
    %scan3A_16 = arith.addi %scan3A_14, %scan3A_15 : i32
    %scan3A_17 = arith.constant 1 : i32
    %scan3A_18 = scf.for %scan3A_25 = %scan3A_14 to %scan3A_16 step %scan3A_17 iter_args(%scan3A_26 = %scan3A_13) -> (i32)  : i32 {
      %mul3A_27 = arith.constant 2 : i32
      %mul3A_28 = arith.muli %mul3A_27, %scan3A_25 : i32
      %add3A_29 = arith.addi %mul3A_2, %mul3A_28 : i32
      %dma_wait3A_30 = arith.constant 0 : i32
      %dma_wait3A_31 = tpu.memref_slice %arg2[%mul3A_2, %dma_wait3A_30] : memref<384x50176xf32, #tpu.memory_space<hbm>> -> memref<1x50176xf32, #tpu.memory_space<hbm>>
      %dma_wait3A_32 = tpu.memref_squeeze %dma_wait3A_31 : memref<1x50176xf32, #tpu.memory_space<hbm>> -> memref<50176xf32, #tpu.memory_space<hbm>>
      %dma_wait3A_33 = arith.constant 0 : i32
      %dma_wait3A_34 = tpu.memref_slice %arg2[%mul3A_2, %dma_wait3A_33] : memref<384x50176xf32, #tpu.memory_space<hbm>> -> memref<1x50176xf32, #tpu.memory_space<hbm>>
      %dma_wait3A_35 = tpu.memref_squeeze %dma_wait3A_34 : memref<1x50176xf32, #tpu.memory_space<hbm>> -> memref<50176xf32, #tpu.memory_space<hbm>>
      tpu.wait_dma2 semaphore(%arg9 : memref<!tpu.dma_semaphore, #tpu.memory_space<semaphore_mem>>) src(%dma_wait3A_35 : memref<50176xf32, #tpu.memory_space<hbm>>) dst(%arg4 : memref<50176xf32, #tpu.memory_space<vmem>>)
      %gt3A = arith.constant 0 : i32
      %gt3A_36 = arith.cmpi sgt, %scan3A_25, %gt3A : i32
      %convert_element_type3A = arith.extui %gt3A_36 : i1 to i32
      %cond3A = arith.constant 0 : i32
      %cond3A_37 = arith.cmpi ne, %convert_element_type3A, %cond3A : i32
      scf.if %cond3A_37 {
        %dma_wait3A_741 = arith.constant 0 : i32
        %dma_wait3A_742 = tpu.memref_slice %arg3[%mul3A_2, %dma_wait3A_741] : memref<384x50176xf32, #tpu.memory_space<hbm>> -> memref<1x50176xf32, #tpu.memory_space<hbm>>
        %dma_wait3A_743 = tpu.memref_squeeze %dma_wait3A_742 : memref<1x50176xf32, #tpu.memory_space<hbm>> -> memref<50176xf32, #tpu.memory_space<hbm>>
        %dma_wait3A_744 = arith.constant 0 : i32
        %dma_wait3A_745 = tpu.memref_slice %arg3[%mul3A_2, %dma_wait3A_744] : memref<384x50176xf32, #tpu.memory_space<hbm>> -> memref<1x50176xf32, #tpu.memory_space<hbm>>
        %dma_wait3A_746 = tpu.memref_squeeze %dma_wait3A_745 : memref<1x50176xf32, #tpu.memory_space<hbm>> -> memref<50176xf32, #tpu.memory_space<hbm>>
        tpu.wait_dma2 semaphore(%arg12 : memref<!tpu.dma_semaphore, #tpu.memory_space<semaphore_mem>>) src(%arg5 : memref<50176xf32, #tpu.memory_space<vmem>>) dst(%dma_wait3A_746 : memref<50176xf32, #tpu.memory_space<hbm>>)
      } else {
      }
      %add3A_38 = arith.constant 1 : i32
      %add3A_39 = arith.addi %add3A_29, %add3A_38 : i32
      %dma_start3A_40 = arith.constant 0 : i32
      %dma_start3A_41 = tpu.memref_slice %arg2[%add3A_39, %dma_start3A_40] : memref<384x50176xf32, #tpu.memory_space<hbm>> -> memref<1x50176xf32, #tpu.memory_space<hbm>>
      %dma_start3A_42 = tpu.memref_squeeze %dma_start3A_41 : memref<1x50176xf32, #tpu.memory_space<hbm>> -> memref<50176xf32, #tpu.memory_space<hbm>>
      %dma_start3A_43 = arith.constant 0 : i32
      %dma_start3A_44 = tpu.memref_slice %arg2[%add3A_39, %dma_start3A_43] : memref<384x50176xf32, #tpu.memory_space<hbm>> -> memref<1x50176xf32, #tpu.memory_space<hbm>>
      %dma_start3A_45 = tpu.memref_squeeze %dma_start3A_44 : memref<1x50176xf32, #tpu.memory_space<hbm>> -> memref<50176xf32, #tpu.memory_space<hbm>>
      tpu.enqueue_dma source(%dma_start3A_45 : memref<50176xf32, #tpu.memory_space<hbm>>) target(%arg5 : memref<50176xf32, #tpu.memory_space<vmem>>) target_semaphore(%arg10 : memref<!tpu.dma_semaphore, #tpu.memory_space<semaphore_mem>>)
      %scan3A_46 = arith.constant 0 : i32
      %scan3A_47 = arith.constant 0 : i32
      %scan3A_48 = arith.constant 32 : i32
      %scan3A_49 = arith.addi %scan3A_47, %scan3A_48 : i32
      %scan3A_50 = arith.constant 1 : i32
      %scan3A_51 = scf.for %scan3A_741 = %scan3A_47 to %scan3A_49 step %scan3A_50 iter_args(%scan3A_742 = %scan3A_46) -> (i32)  : i32 {
        %mul3A_743 = arith.constant 8 : i32
        %mul3A_744 = arith.muli %scan3A_741, %mul3A_743 : i32
        %add3A_745 = arith.constant 0 : i32
        %add3A_746 = arith.addi %mul3A_744, %add3A_745 : i32
        %mul3A_747 = arith.constant 16 : i32
        %mul3A_748 = arith.muli %add3A_746, %mul3A_747 : i32
        %swap3A_749 = arith.index_cast %mul3A_748 : i32 to index
        %swap3A_750 = tpu.vector_load %arg6[%swap3A_749] {strides = array<i32>} : memref<4096xi32, #tpu.memory_space<vmem>>, vector<16xi32>,
        tpu.vector_store %arg6[%swap3A_749], %broadcast_in_dim3A_5 {strides = array<i32>} : memref<4096xi32, #tpu.memory_space<vmem>>, vector<16xi32>,
        %mul3A_751 = arith.constant 8 : i32
        %mul3A_752 = arith.muli %scan3A_741, %mul3A_751 : i32
        %add3A_753 = arith.constant 1 : i32
        %add3A_754 = arith.addi %mul3A_752, %add3A_753 : i32
        %mul3A_755 = arith.constant 16 : i32
        %mul3A_756 = arith.muli %add3A_754, %mul3A_755 : i32
        %swap3A_757 = arith.index_cast %mul3A_756 : i32 to index
        %swap3A_758 = tpu.vector_load %arg6[%swap3A_757] {strides = array<i32>} : memref<4096xi32, #tpu.memory_space<vmem>>, vector<16xi32>,
        tpu.vector_store %arg6[%swap3A_757], %broadcast_in_dim3A_5 {strides = array<i32>} : memref<4096xi32, #tpu.memory_space<vmem>>, vector<16xi32>,
        %mul3A_759 = arith.constant 8 : i32
        %mul3A_760 = arith.muli %scan3A_741, %mul3A_759 : i32
        %add3A_761 = arith.constant 2 : i32
        %add3A_762 = arith.addi %mul3A_760, %add3A_761 : i32
        %mul3A_763 = arith.constant 16 : i32
        %mul3A_764 = arith.muli %add3A_762, %mul3A_763 : i32
        %swap3A_765 = arith.index_cast %mul3A_764 : i32 to index
        %swap3A_766 = tpu.vector_load %arg6[%swap3A_765] {strides = array<i32>} : memref<4096xi32, #tpu.memory_space<vmem>>, vector<16xi32>,
        tpu.vector_store %arg6[%swap3A_765], %broadcast_in_dim3A_5 {strides = array<i32>} : memref<4096xi32, #tpu.memory_space<vmem>>, vector<16xi32>,
        %mul3A_767 = arith.constant 8 : i32
        %mul3A_768 = arith.muli %scan3A_741, %mul3A_767 : i32
        %add3A_769 = arith.constant 3 : i32
        %add3A_770 = arith.addi %mul3A_768, %add3A_769 : i32
        %mul3A_771 = arith.constant 16 : i32
        %mul3A_772 = arith.muli %add3A_770, %mul3A_771 : i32
        %swap3A_773 = arith.index_cast %mul3A_772 : i32 to index
        %swap3A_774 = tpu.vector_load %arg6[%swap3A_773] {strides = array<i32>} : memref<4096xi32, #tpu.memory_space<vmem>>, vector<16xi32>,
        tpu.vector_store %arg6[%swap3A_773], %broadcast_in_dim3A_5 {strides = array<i32>} : memref<4096xi32, #tpu.memory_space<vmem>>, vector<16xi32>,
        %mul3A_775 = arith.constant 8 : i32
        %mul3A_776 = arith.muli %scan3A_741, %mul3A_775 : i32
        %add3A_777 = arith.constant 4 : i32
        %add3A_778 = arith.addi %mul3A_776, %add3A_777 : i32
        %mul3A_779 = arith.constant 16 : i32
        %mul3A_780 = arith.muli %add3A_778, %mul3A_779 : i32
        %swap3A_781 = arith.index_cast %mul3A_780 : i32 to index
        %swap3A_782 = tpu.vector_load %arg6[%swap3A_781] {strides = array<i32>} : memref<4096xi32, #tpu.memory_space<vmem>>, vector<16xi32>,
        tpu.vector_store %arg6[%swap3A_781], %broadcast_in_dim3A_5 {strides = array<i32>} : memref<4096xi32, #tpu.memory_space<vmem>>, vector<16xi32>,
        %mul3A_783 = arith.constant 8 : i32
        %mul3A_784 = arith.muli %scan3A_741, %mul3A_783 : i32
        %add3A_785 = arith.constant 5 : i32
        %add3A_786 = arith.addi %mul3A_784, %add3A_785 : i32
        %mul3A_787 = arith.constant 16 : i32
        %mul3A_788 = arith.muli %add3A_786, %mul3A_787 : i32
        %swap3A_789 = arith.index_cast %mul3A_788 : i32 to index
        %swap3A_790 = tpu.vector_load %arg6[%swap3A_789] {strides = array<i32>} : memref<4096xi32, #tpu.memory_space<vmem>>, vector<16xi32>,
        tpu.vector_store %arg6[%swap3A_789], %broadcast_in_dim3A_5 {strides = array<i32>} : memref<4096xi32, #tpu.memory_space<vmem>>, vector<16xi32>,
        %mul3A_791 = arith.constant 8 : i32
        %mul3A_792 = arith.muli %scan3A_741, %mul3A_791 : i32
        %add3A_793 = arith.constant 6 : i32
        %add3A_794 = arith.addi %mul3A_792, %add3A_793 : i32
        %mul3A_795 = arith.constant 16 : i32
        %mul3A_796 = arith.muli %add3A_794, %mul3A_795 : i32
        %swap3A_797 = arith.index_cast %mul3A_796 : i32 to index
        %swap3A_798 = tpu.vector_load %arg6[%swap3A_797] {strides = array<i32>} : memref<4096xi32, #tpu.memory_space<vmem>>, vector<16xi32>,
        tpu.vector_store %arg6[%swap3A_797], %broadcast_in_dim3A_5 {strides = array<i32>} : memref<4096xi32, #tpu.memory_space<vmem>>, vector<16xi32>,
        %mul3A_799 = arith.constant 8 : i32
        %mul3A_800 = arith.muli %scan3A_741, %mul3A_799 : i32
        %add3A_801 = arith.constant 7 : i32
        %add3A_802 = arith.addi %mul3A_800, %add3A_801 : i32
        %mul3A_803 = arith.constant 16 : i32
        %mul3A_804 = arith.muli %add3A_802, %mul3A_803 : i32
        %swap3A_805 = arith.index_cast %mul3A_804 : i32 to index
        %swap3A_806 = tpu.vector_load %arg6[%swap3A_805] {strides = array<i32>} : memref<4096xi32, #tpu.memory_space<vmem>>, vector<16xi32>,
        tpu.vector_store %arg6[%swap3A_805], %broadcast_in_dim3A_5 {strides = array<i32>} : memref<4096xi32, #tpu.memory_space<vmem>>, vector<16xi32>,
        %scan3A_807 = arith.constant 0 : i32
        scf.yield %scan3A_807 : i32
      }
      %scan3A_52 = arith.constant 32 : i32
      %scan3A_53 = arith.constant 0 : i32
      %scan3A_54 = arith.constant 0 : i32
      %scan3A_55 = arith.constant 392 : i32
      %scan3A_56 = arith.addi %scan3A_54, %scan3A_55 : i32
      %scan3A_57 = arith.constant 1 : i32
      %scan3A_58 = scf.for %scan3A_741 = %scan3A_54 to %scan3A_56 step %scan3A_57 iter_args(%scan3A_742 = %scan3A_53) -> (i32)  : i32 {
        %mul3A_743 = arith.constant 8 : i32
        %mul3A_744 = arith.muli %scan3A_741, %mul3A_743 : i32
        %add3A_745 = arith.constant 0 : i32
        %add3A_746 = arith.addi %mul3A_744, %add3A_745 : i32
        %mul3A_747 = arith.constant 16 : i32
        %mul3A_748 = arith.muli %add3A_746, %mul3A_747 : i32
        %get3A = arith.index_cast %mul3A_748 : i32 to index
        %get3A_749 = tpu.vector_load %arg4[%get3A] {strides = array<i32>} : memref<50176xf32, #tpu.memory_space<vmem>>, vector<16xf32>,
        %bitcast3A = vector.bitcast %get3A_749 : vector<16xf32> to vector<16xi32>
        %and3A_750 = vector.broadcast %scan3A : i32 to vector<16xi32>
        %and3A_751 = arith.andi %bitcast3A, %and3A_750 : vector<16xi32>
        %shift_right_logical3A = arith.constant 19 : i32
        %shift_right_logical3A_752 = vector.broadcast %shift_right_logical3A : i32 to vector<16xi32>
        %shift_right_logical3A_753 = arith.shrui %and3A_751, %shift_right_logical3A_752 : vector<16xi32>
        %and3A_754 = arith.constant 4080 : i32
        %and3A_755 = vector.broadcast %and3A_754 : i32 to vector<16xi32>
        %and3A_756 = arith.andi %shift_right_logical3A_753, %and3A_755 : vector<16xi32>
        %or3A_757 = arith.ori %and3A_756, %iota3A : vector<16xi32>
        tpu.vector_store_idx %arg6[%or3A_757], %broadcast_in_dim3A_3 {add = true} : memref<4096xi32, #tpu.memory_space<vmem>>[vector<16xi32>], vector<16xi32>,
        %mul3A_758 = arith.constant 8 : i32
        %mul3A_759 = arith.muli %scan3A_741, %mul3A_758 : i32
        %add3A_760 = arith.constant 1 : i32
        %add3A_761 = arith.addi %mul3A_759, %add3A_760 : i32
        %mul3A_762 = arith.constant 16 : i32
        %mul3A_763 = arith.muli %add3A_761, %mul3A_762 : i32
        %get3A_764 = arith.index_cast %mul3A_763 : i32 to index
        %get3A_765 = tpu.vector_load %arg4[%get3A_764] {strides = array<i32>} : memref<50176xf32, #tpu.memory_space<vmem>>, vector<16xf32>,
        %bitcast3A_766 = vector.bitcast %get3A_765 : vector<16xf32> to vector<16xi32>
        %and3A_767 = vector.broadcast %scan3A : i32 to vector<16xi32>
        %and3A_768 = arith.andi %bitcast3A_766, %and3A_767 : vector<16xi32>
        %shift_right_logical3A_769 = arith.constant 19 : i32
        %shift_right_logical3A_770 = vector.broadcast %shift_right_logical3A_769 : i32 to vector<16xi32>
        %shift_right_logical3A_771 = arith.shrui %and3A_768, %shift_right_logical3A_770 : vector<16xi32>
        %and3A_772 = arith.constant 4080 : i32
        %and3A_773 = vector.broadcast %and3A_772 : i32 to vector<16xi32>
        %and3A_774 = arith.andi %shift_right_logical3A_771, %and3A_773 : vector<16xi32>
        %or3A_775 = arith.ori %and3A_774, %iota3A : vector<16xi32>
        tpu.vector_store_idx %arg6[%or3A_775], %broadcast_in_dim3A_3 {add = true} : memref<4096xi32, #tpu.memory_space<vmem>>[vector<16xi32>], vector<16xi32>,
        %mul3A_776 = arith.constant 8 : i32
        %mul3A_777 = arith.muli %scan3A_741, %mul3A_776 : i32
        %add3A_778 = arith.constant 2 : i32
        %add3A_779 = arith.addi %mul3A_777, %add3A_778 : i32
        %mul3A_780 = arith.constant 16 : i32
        %mul3A_781 = arith.muli %add3A_779, %mul3A_780 : i32
        %get3A_782 = arith.index_cast %mul3A_781 : i32 to index
        %get3A_783 = tpu.vector_load %arg4[%get3A_782] {strides = array<i32>} : memref<50176xf32, #tpu.memory_space<vmem>>, vector<16xf32>,
        %bitcast3A_784 = vector.bitcast %get3A_783 : vector<16xf32> to vector<16xi32>
        %and3A_785 = vector.broadcast %scan3A : i32 to vector<16xi32>
        %and3A_786 = arith.andi %bitcast3A_784, %and3A_785 : vector<16xi32>
        %shift_right_logical3A_787 = arith.constant 19 : i32
        %shift_right_logical3A_788 = vector.broadcast %shift_right_logical3A_787 : i32 to vector<16xi32>
        %shift_right_logical3A_789 = arith.shrui %and3A_786, %shift_right_logical3A_788 : vector<16xi32>
        %and3A_790 = arith.constant 4080 : i32
        %and3A_791 = vector.broadcast %and3A_790 : i32 to vector<16xi32>
        %and3A_792 = arith.andi %shift_right_logical3A_789, %and3A_791 : vector<16xi32>
        %or3A_793 = arith.ori %and3A_792, %iota3A : vector<16xi32>
        tpu.vector_store_idx %arg6[%or3A_793], %broadcast_in_dim3A_3 {add = true} : memref<4096xi32, #tpu.memory_space<vmem>>[vector<16xi32>], vector<16xi32>,
        %mul3A_794 = arith.constant 8 : i32
        %mul3A_795 = arith.muli %scan3A_741, %mul3A_794 : i32
        %add3A_796 = arith.constant 3 : i32
        %add3A_797 = arith.addi %mul3A_795, %add3A_796 : i32
        %mul3A_798 = arith.constant 16 : i32
        %mul3A_799 = arith.muli %add3A_797, %mul3A_798 : i32
        %get3A_800 = arith.index_cast %mul3A_799 : i32 to index
        %get3A_801 = tpu.vector_load %arg4[%get3A_800] {strides = array<i32>} : memref<50176xf32, #tpu.memory_space<vmem>>, vector<16xf32>,
        %bitcast3A_802 = vector.bitcast %get3A_801 : vector<16xf32> to vector<16xi32>
        %and3A_803 = vector.broadcast %scan3A : i32 to vector<16xi32>
        %and3A_804 = arith.andi %bitcast3A_802, %and3A_803 : vector<16xi32>
        %shift_right_logical3A_805 = arith.constant 19 : i32
        %shift_right_logical3A_806 = vector.broadcast %shift_right_logical3A_805 : i32 to vector<16xi32>
        %shift_right_logical3A_807 = arith.shrui %and3A_804, %shift_right_logical3A_806 : vector<16xi32>
        %and3A_808 = arith.constant 4080 : i32
        %and3A_809 = vector.broadcast %and3A_808 : i32 to vector<16xi32>
        %and3A_810 = arith.andi %shift_right_logical3A_807, %and3A_809 : vector<16xi32>
        %or3A_811 = arith.ori %and3A_810, %iota3A : vector<16xi32>
        tpu.vector_store_idx %arg6[%or3A_811], %broadcast_in_dim3A_3 {add = true} : memref<4096xi32, #tpu.memory_space<vmem>>[vector<16xi32>], vector<16xi32>,
        %mul3A_812 = arith.constant 8 : i32
        %mul3A_813 = arith.muli %scan3A_741, %mul3A_812 : i32
        %add3A_814 = arith.constant 4 : i32
        %add3A_815 = arith.addi %mul3A_813, %add3A_814 : i32
        %mul3A_816 = arith.constant 16 : i32
        %mul3A_817 = arith.muli %add3A_815, %mul3A_816 : i32
        %get3A_818 = arith.index_cast %mul3A_817 : i32 to index
        %get3A_819 = tpu.vector_load %arg4[%get3A_818] {strides = array<i32>} : memref<50176xf32, #tpu.memory_space<vmem>>, vector<16xf32>,
        %bitcast3A_820 = vector.bitcast %get3A_819 : vector<16xf32> to vector<16xi32>
        %and3A_821 = vector.broadcast %scan3A : i32 to vector<16xi32>
        %and3A_822 = arith.andi %bitcast3A_820, %and3A_821 : vector<16xi32>
        %shift_right_logical3A_823 = arith.constant 19 : i32
        %shift_right_logical3A_824 = vector.broadcast %shift_right_logical3A_823 : i32 to vector<16xi32>
        %shift_right_logical3A_825 = arith.shrui %and3A_822, %shift_right_logical3A_824 : vector<16xi32>
        %and3A_826 = arith.constant 4080 : i32
        %and3A_827 = vector.broadcast %and3A_826 : i32 to vector<16xi32>
        %and3A_828 = arith.andi %shift_right_logical3A_825, %and3A_827 : vector<16xi32>
        %or3A_829 = arith.ori %and3A_828, %iota3A : vector<16xi32>
        tpu.vector_store_idx %arg6[%or3A_829], %broadcast_in_dim3A_3 {add = true} : memref<4096xi32, #tpu.memory_space<vmem>>[vector<16xi32>], vector<16xi32>,
        %mul3A_830 = arith.constant 8 : i32
        %mul3A_831 = arith.muli %scan3A_741, %mul3A_830 : i32
        %add3A_832 = arith.constant 5 : i32
        %add3A_833 = arith.addi %mul3A_831, %add3A_832 : i32
        %mul3A_834 = arith.constant 16 : i32
        %mul3A_835 = arith.muli %add3A_833, %mul3A_834 : i32
        %get3A_836 = arith.index_cast %mul3A_835 : i32 to index
        %get3A_837 = tpu.vector_load %arg4[%get3A_836] {strides = array<i32>} : memref<50176xf32, #tpu.memory_space<vmem>>, vector<16xf32>,
        %bitcast3A_838 = vector.bitcast %get3A_837 : vector<16xf32> to vector<16xi32>
        %and3A_839 = vector.broadcast %scan3A : i32 to vector<16xi32>
        %and3A_840 = arith.andi %bitcast3A_838, %and3A_839 : vector<16xi32>
        %shift_right_logical3A_841 = arith.constant 19 : i32
        %shift_right_logical3A_842 = vector.broadcast %shift_right_logical3A_841 : i32 to vector<16xi32>
        %shift_right_logical3A_843 = arith.shrui %and3A_840, %shift_right_logical3A_842 : vector<16xi32>
        %and3A_844 = arith.constant 4080 : i32
        %and3A_845 = vector.broadcast %and3A_844 : i32 to vector<16xi32>
        %and3A_846 = arith.andi %shift_right_logical3A_843, %and3A_845 : vector<16xi32>
        %or3A_847 = arith.ori %and3A_846, %iota3A : vector<16xi32>
        tpu.vector_store_idx %arg6[%or3A_847], %broadcast_in_dim3A_3 {add = true} : memref<4096xi32, #tpu.memory_space<vmem>>[vector<16xi32>], vector<16xi32>,
        %mul3A_848 = arith.constant 8 : i32
        %mul3A_849 = arith.muli %scan3A_741, %mul3A_848 : i32
        %add3A_850 = arith.constant 6 : i32
        %add3A_851 = arith.addi %mul3A_849, %add3A_850 : i32
        %mul3A_852 = arith.constant 16 : i32
        %mul3A_853 = arith.muli %add3A_851, %mul3A_852 : i32
        %get3A_854 = arith.index_cast %mul3A_853 : i32 to index
        %get3A_855 = tpu.vector_load %arg4[%get3A_854] {strides = array<i32>} : memref<50176xf32, #tpu.memory_space<vmem>>, vector<16xf32>,
        %bitcast3A_856 = vector.bitcast %get3A_855 : vector<16xf32> to vector<16xi32>
        %and3A_857 = vector.broadcast %scan3A : i32 to vector<16xi32>
        %and3A_858 = arith.andi %bitcast3A_856, %and3A_857 : vector<16xi32>
        %shift_right_logical3A_859 = arith.constant 19 : i32
        %shift_right_logical3A_860 = vector.broadcast %shift_right_logical3A_859 : i32 to vector<16xi32>
        %shift_right_logical3A_861 = arith.shrui %and3A_858, %shift_right_logical3A_860 : vector<16xi32>
        %and3A_862 = arith.constant 4080 : i32
        %and3A_863 = vector.broadcast %and3A_862 : i32 to vector<16xi32>
        %and3A_864 = arith.andi %shift_right_logical3A_861, %and3A_863 : vector<16xi32>
        %or3A_865 = arith.ori %and3A_864, %iota3A : vector<16xi32>
        tpu.vector_store_idx %arg6[%or3A_865], %broadcast_in_dim3A_3 {add = true} : memref<4096xi32, #tpu.memory_space<vmem>>[vector<16xi32>], vector<16xi32>,
        %mul3A_866 = arith.constant 8 : i32
        %mul3A_867 = arith.muli %scan3A_741, %mul3A_866 : i32
        %add3A_868 = arith.constant 7 : i32
        %add3A_869 = arith.addi %mul3A_867, %add3A_868 : i32
        %mul3A_870 = arith.constant 16 : i32
        %mul3A_871 = arith.muli %add3A_869, %mul3A_870 : i32
        %get3A_872 = arith.index_cast %mul3A_871 : i32 to index
        %get3A_873 = tpu.vector_load %arg4[%get3A_872] {strides = array<i32>} : memref<50176xf32, #tpu.memory_space<vmem>>, vector<16xf32>,
        %bitcast3A_874 = vector.bitcast %get3A_873 : vector<16xf32> to vector<16xi32>
        %and3A_875 = vector.broadcast %scan3A : i32 to vector<16xi32>
        %and3A_876 = arith.andi %bitcast3A_874, %and3A_875 : vector<16xi32>
        %shift_right_logical3A_877 = arith.constant 19 : i32
        %shift_right_logical3A_878 = vector.broadcast %shift_right_logical3A_877 : i32 to vector<16xi32>
        %shift_right_logical3A_879 = arith.shrui %and3A_876, %shift_right_logical3A_878 : vector<16xi32>
        %and3A_880 = arith.constant 4080 : i32
        %and3A_881 = vector.broadcast %and3A_880 : i32 to vector<16xi32>
        %and3A_882 = arith.andi %shift_right_logical3A_879, %and3A_881 : vector<16xi32>
        %or3A_883 = arith.ori %and3A_882, %iota3A : vector<16xi32>
        tpu.vector_store_idx %arg6[%or3A_883], %broadcast_in_dim3A_3 {add = true} : memref<4096xi32, #tpu.memory_space<vmem>>[vector<16xi32>], vector<16xi32>,
        %scan3A_884 = arith.constant 0 : i32
        scf.yield %scan3A_884 : i32
      }
      %scan3A_59 = arith.constant 392 : i32
      %scan3A_60 = arith.constant 5017 : i32
      %scan3A_61 = arith.constant 0 : i32
      %scan3A_62 = arith.constant 0 : i32
      %scan3A_63 = arith.constant 0 : i32
      %scan3A_64 = arith.constant 0 : i32
      %scan3A_65 = arith.constant 0 : i32
      %scan3A_66 = arith.constant 32 : i32
      %scan3A_67 = arith.addi %scan3A_65, %scan3A_66 : i32
      %scan3A_68 = arith.constant 1 : i32
      %scan3A_69:4 = scf.for %scan3A_741 = %scan3A_65 to %scan3A_67 step %scan3A_68 iter_args(%scan3A_742 = %scan3A_61, %scan3A_743 = %scan3A_62, %scan3A_744 = %scan3A_63, %scan3A_745 = %scan3A_64) -> (i32, i32, i32, i32)  : i32 {
        %sub3A_746 = arith.constant 31 : i32
        %sub3A_747 = arith.subi %sub3A_746, %scan3A_741 : i32
        %mul3A_748 = arith.constant 8 : i32
        %mul3A_749 = arith.muli %sub3A_747, %mul3A_748 : i32
        %mul3A_750 = arith.constant 16 : i32
        %mul3A_751 = arith.muli %mul3A_749, %mul3A_750 : i32
        %get3A = arith.index_cast %mul3A_751 : i32 to index
        %get3A_752 = tpu.vector_load %arg6[%get3A] {strides = array<i32>} : memref<4096xi32, #tpu.memory_space<vmem>>, vector<16xi32>,
        %mul3A_753 = arith.constant 8 : i32
        %mul3A_754 = arith.muli %sub3A_747, %mul3A_753 : i32
        %add3A_755 = arith.constant 1 : i32
        %add3A_756 = arith.addi %mul3A_754, %add3A_755 : i32
        %mul3A_757 = arith.constant 16 : i32
        %mul3A_758 = arith.muli %add3A_756, %mul3A_757 : i32
        %get3A_759 = arith.index_cast %mul3A_758 : i32 to index
        %get3A_760 = tpu.vector_load %arg6[%get3A_759] {strides = array<i32>} : memref<4096xi32, #tpu.memory_space<vmem>>, vector<16xi32>,
        %add3A_761 = arith.addi %get3A_752, %get3A_760 : vector<16xi32>
        %mul3A_762 = arith.constant 8 : i32
        %mul3A_763 = arith.muli %sub3A_747, %mul3A_762 : i32
        %add3A_764 = arith.constant 2 : i32
        %add3A_765 = arith.addi %mul3A_763, %add3A_764 : i32
        %mul3A_766 = arith.constant 16 : i32
        %mul3A_767 = arith.muli %add3A_765, %mul3A_766 : i32
        %get3A_768 = arith.index_cast %mul3A_767 : i32 to index
        %get3A_769 = tpu.vector_load %arg6[%get3A_768] {strides = array<i32>} : memref<4096xi32, #tpu.memory_space<vmem>>, vector<16xi32>,
        %add3A_770 = arith.addi %add3A_761, %get3A_769 : vector<16xi32>
        %mul3A_771 = arith.constant 8 : i32
        %mul3A_772 = arith.muli %sub3A_747, %mul3A_771 : i32
        %add3A_773 = arith.constant 3 : i32
        %add3A_774 = arith.addi %mul3A_772, %add3A_773 : i32
        %mul3A_775 = arith.constant 16 : i32
        %mul3A_776 = arith.muli %add3A_774, %mul3A_775 : i32
        %get3A_777 = arith.index_cast %mul3A_776 : i32 to index
        %get3A_778 = tpu.vector_load %arg6[%get3A_777] {strides = array<i32>} : memref<4096xi32, #tpu.memory_space<vmem>>, vector<16xi32>,
        %add3A_779 = arith.addi %add3A_770, %get3A_778 : vector<16xi32>
        %mul3A_780 = arith.constant 8 : i32
        %mul3A_781 = arith.muli %sub3A_747, %mul3A_780 : i32
        %add3A_782 = arith.constant 4 : i32
        %add3A_783 = arith.addi %mul3A_781, %add3A_782 : i32
        %mul3A_784 = arith.constant 16 : i32
        %mul3A_785 = arith.muli %add3A_783, %mul3A_784 : i32
        %get3A_786 = arith.index_cast %mul3A_785 : i32 to index
        %get3A_787 = tpu.vector_load %arg6[%get3A_786] {strides = array<i32>} : memref<4096xi32, #tpu.memory_space<vmem>>, vector<16xi32>,
        %add3A_788 = arith.addi %add3A_779, %get3A_787 : vector<16xi32>
        %mul3A_789 = arith.constant 8 : i32
        %mul3A_790 = arith.muli %sub3A_747, %mul3A_789 : i32
        %add3A_791 = arith.constant 5 : i32
        %add3A_792 = arith.addi %mul3A_790, %add3A_791 : i32
        %mul3A_793 = arith.constant 16 : i32
        %mul3A_794 = arith.muli %add3A_792, %mul3A_793 : i32
        %get3A_795 = arith.index_cast %mul3A_794 : i32 to index
        %get3A_796 = tpu.vector_load %arg6[%get3A_795] {strides = array<i32>} : memref<4096xi32, #tpu.memory_space<vmem>>, vector<16xi32>,
        %add3A_797 = arith.addi %add3A_788, %get3A_796 : vector<16xi32>
        %mul3A_798 = arith.constant 8 : i32
        %mul3A_799 = arith.muli %sub3A_747, %mul3A_798 : i32
        %add3A_800 = arith.constant 6 : i32
        %add3A_801 = arith.addi %mul3A_799, %add3A_800 : i32
        %mul3A_802 = arith.constant 16 : i32
        %mul3A_803 = arith.muli %add3A_801, %mul3A_802 : i32
        %get3A_804 = arith.index_cast %mul3A_803 : i32 to index
        %get3A_805 = tpu.vector_load %arg6[%get3A_804] {strides = array<i32>} : memref<4096xi32, #tpu.memory_space<vmem>>, vector<16xi32>,
        %add3A_806 = arith.addi %add3A_797, %get3A_805 : vector<16xi32>
        %mul3A_807 = arith.constant 8 : i32
        %mul3A_808 = arith.muli %sub3A_747, %mul3A_807 : i32
        %add3A_809 = arith.constant 7 : i32
        %add3A_810 = arith.addi %mul3A_808, %add3A_809 : i32
        %mul3A_811 = arith.constant 16 : i32
        %mul3A_812 = arith.muli %add3A_810, %mul3A_811 : i32
        %get3A_813 = arith.index_cast %mul3A_812 : i32 to index
        %get3A_814 = tpu.vector_load %arg6[%get3A_813] {strides = array<i32>} : memref<4096xi32, #tpu.memory_space<vmem>>, vector<16xi32>,
        %add3A_815 = arith.addi %add3A_806, %get3A_814 : vector<16xi32>
        %reduce_sum3A = arith.constant true
        %reduce_sum3A_816 = vector.broadcast %reduce_sum3A : i1 to vector<16xi1>
        %reduce_sum3A_817 = tpu.scan <sum>, %add3A_815 masked %reduce_sum3A_816 : vector<16xi32>, vector<16xi1> -> vector<16xi32>
        %reduce_sum3A_818 = vector.extract %reduce_sum3A_817[15] : i32 from vector<16xi32>
        %add3A_819 = arith.addi %scan3A_742, %reduce_sum3A_818 : i32
        %eq3A = arith.constant 0 : i32
        %eq3A_820 = arith.cmpi eq, %scan3A_745, %eq3A : i32
        %ge3A = arith.cmpi sge, %add3A_819, %scan3A_60 : i32
        %and3A_821 = arith.andi %eq3A_820, %ge3A : i1
        %select_n3A_822 = arith.select %and3A_821, %sub3A_747, %scan3A_743 : i32
        %select_n3A_823 = arith.select %and3A_821, %scan3A_742, %scan3A_744 : i32
        %convert_element_type3A_824 = arith.extui %and3A_821 : i1 to i32
        %or3A_825 = arith.ori %scan3A_745, %convert_element_type3A_824 : i32
        scf.yield %add3A_819, %select_n3A_822, %select_n3A_823, %or3A_825 : i32, i32, i32, i32
      }
      %scan3A_70 = arith.constant 32 : i32
      %scan3A_71 = arith.constant 5017 : i32
      %scan3A_72 = arith.constant 0 : i32
      %scan3A_73 = arith.constant 0 : i32
      %scan3A_74 = arith.constant 0 : i32
      %scan3A_75 = arith.constant 0 : i32
      %scan3A_76 = arith.constant 8 : i32
      %scan3A_77 = arith.addi %scan3A_75, %scan3A_76 : i32
      %scan3A_78 = arith.constant 1 : i32
      %scan3A_79:4 = scf.for %scan3A_741 = %scan3A_75 to %scan3A_77 step %scan3A_78 iter_args(%scan3A_742 = %scan3A_69#2, %scan3A_743 = %scan3A_72, %scan3A_744 = %scan3A_73, %scan3A_745 = %scan3A_74) -> (i32, i32, i32, i32)  : i32 {
        %mul3A_746 = arith.constant 8 : i32
        %mul3A_747 = arith.muli %scan3A_69#1, %mul3A_746 : i32
        %sub3A_748 = arith.constant 7 : i32
        %sub3A_749 = arith.subi %sub3A_748, %scan3A_741 : i32
        %add3A_750 = arith.addi %mul3A_747, %sub3A_749 : i32
        %mul3A_751 = arith.constant 16 : i32
        %mul3A_752 = arith.muli %add3A_750, %mul3A_751 : i32
        %get3A = arith.index_cast %mul3A_752 : i32 to index
        %get3A_753 = tpu.vector_load %arg6[%get3A] {strides = array<i32>} : memref<4096xi32, #tpu.memory_space<vmem>>, vector<16xi32>,
        %reduce_sum3A = arith.constant true
        %reduce_sum3A_754 = vector.broadcast %reduce_sum3A : i1 to vector<16xi1>
        %reduce_sum3A_755 = tpu.scan <sum>, %get3A_753 masked %reduce_sum3A_754 : vector<16xi32>, vector<16xi1> -> vector<16xi32>
        %reduce_sum3A_756 = vector.extract %reduce_sum3A_755[15] : i32 from vector<16xi32>
        %add3A_757 = arith.addi %scan3A_742, %reduce_sum3A_756 : i32
        %eq3A = arith.constant 0 : i32
        %eq3A_758 = arith.cmpi eq, %scan3A_745, %eq3A : i32
        %ge3A = arith.cmpi sge, %add3A_757, %scan3A_71 : i32
        %and3A_759 = arith.andi %eq3A_758, %ge3A : i1
        %select_n3A_760 = arith.select %and3A_759, %add3A_750, %scan3A_743 : i32
        %select_n3A_761 = arith.select %and3A_759, %scan3A_742, %scan3A_744 : i32
        %convert_element_type3A_762 = arith.extui %and3A_759 : i1 to i32
        %or3A_763 = arith.ori %scan3A_745, %convert_element_type3A_762 : i32
        scf.yield %add3A_757, %select_n3A_760, %select_n3A_761, %or3A_763 : i32, i32, i32, i32
      }
      %scan3A_80 = arith.constant 8 : i32
      %sub3A = arith.constant 5017 : i32
      %sub3A_81 = arith.subi %sub3A, %scan3A_79#2 : i32
      %broadcast_in_dim3A_82 = arith.constant 0 : i32
      %broadcast_in_dim3A_83 = vector.broadcast %broadcast_in_dim3A_82 : i32 to vector<16xi32>
      %scan3A_84 = arith.constant 0 : i32
      %scan3A_85 = arith.constant 784 : i32
      %scan3A_86 = arith.addi %scan3A_84, %scan3A_85 : i32
      %scan3A_87 = arith.constant 1 : i32
      %scan3A_88 = scf.for %scan3A_741 = %scan3A_84 to %scan3A_86 step %scan3A_87 iter_args(%scan3A_742 = %broadcast_in_dim3A_83) -> (vector<16xi32>)  : i32 {
        %mul3A_743 = arith.constant 4 : i32
        %mul3A_744 = arith.muli %scan3A_741, %mul3A_743 : i32
        %add3A_745 = arith.constant 0 : i32
        %add3A_746 = arith.addi %mul3A_744, %add3A_745 : i32
        %mul3A_747 = arith.constant 16 : i32
        %mul3A_748 = arith.muli %add3A_746, %mul3A_747 : i32
        %get3A = arith.index_cast %mul3A_748 : i32 to index
        %get3A_749 = tpu.vector_load %arg4[%get3A] {strides = array<i32>} : memref<50176xf32, #tpu.memory_space<vmem>>, vector<16xf32>,
        %bitcast3A = vector.bitcast %get3A_749 : vector<16xf32> to vector<16xi32>
        %and3A_750 = vector.broadcast %scan3A : i32 to vector<16xi32>
        %and3A_751 = arith.andi %bitcast3A, %and3A_750 : vector<16xi32>
        %shift_right_logical3A = arith.constant 23 : i32
        %shift_right_logical3A_752 = vector.broadcast %shift_right_logical3A : i32 to vector<16xi32>
        %shift_right_logical3A_753 = arith.shrui %and3A_751, %shift_right_logical3A_752 : vector<16xi32>
        %eq3A = vector.broadcast %scan3A_79#1 : i32 to vector<16xi32>
        %eq3A_754 = arith.cmpi eq, %shift_right_logical3A_753, %eq3A : vector<16xi32>
        %slice3A_755 = vector.extract_strided_slice %scan3A_742 {offsets = [0], sizes = [1], strides = [1]} : vector<16xi32> to vector<1xi32>
        %squeeze3A_756 = vector.extract %slice3A_755[0] : i32 from vector<1xi32>
        %swap3A_757 = arith.index_cast %squeeze3A_756 : i32 to index
        %swap3A_758 = tpu.vector_load %arg7[%swap3A_757] masked %eq3A_754 {strides = array<i32>} : memref<22528xi32, #tpu.memory_space<vmem>>, vector<16xi32>, vector<16xi1>
        tpu.vector_store %arg7[%swap3A_757], %and3A_751 masked %eq3A_754 {strides = array<i32>} : memref<22528xi32, #tpu.memory_space<vmem>>, vector<16xi32>, vector<16xi1>
        %all_reduce_population_count3A = tpu.all_reduce %eq3A_754 {dim = 0 : i64, kind = #tpu.reduction_kind<sum>} : vector<16xi1> -> vector<16xi32>
        %add3A_759 = arith.addi %scan3A_742, %all_reduce_population_count3A : vector<16xi32>
        %min3A = arith.constant 22464 : i32
        %min3A_760 = vector.broadcast %min3A : i32 to vector<16xi32>
        %min3A_761 = arith.minsi %add3A_759, %min3A_760 : vector<16xi32>
        %mul3A_762 = arith.constant 4 : i32
        %mul3A_763 = arith.muli %scan3A_741, %mul3A_762 : i32
        %add3A_764 = arith.constant 1 : i32
        %add3A_765 = arith.addi %mul3A_763, %add3A_764 : i32
        %mul3A_766 = arith.constant 16 : i32
        %mul3A_767 = arith.muli %add3A_765, %mul3A_766 : i32
        %get3A_768 = arith.index_cast %mul3A_767 : i32 to index
        %get3A_769 = tpu.vector_load %arg4[%get3A_768] {strides = array<i32>} : memref<50176xf32, #tpu.memory_space<vmem>>, vector<16xf32>,
        %bitcast3A_770 = vector.bitcast %get3A_769 : vector<16xf32> to vector<16xi32>
        %and3A_771 = vector.broadcast %scan3A : i32 to vector<16xi32>
        %and3A_772 = arith.andi %bitcast3A_770, %and3A_771 : vector<16xi32>
        %shift_right_logical3A_773 = arith.constant 23 : i32
        %shift_right_logical3A_774 = vector.broadcast %shift_right_logical3A_773 : i32 to vector<16xi32>
        %shift_right_logical3A_775 = arith.shrui %and3A_772, %shift_right_logical3A_774 : vector<16xi32>
        %eq3A_776 = vector.broadcast %scan3A_79#1 : i32 to vector<16xi32>
        %eq3A_777 = arith.cmpi eq, %shift_right_logical3A_775, %eq3A_776 : vector<16xi32>
        %slice3A_778 = vector.extract_strided_slice %min3A_761 {offsets = [0], sizes = [1], strides = [1]} : vector<16xi32> to vector<1xi32>
        %squeeze3A_779 = vector.extract %slice3A_778[0] : i32 from vector<1xi32>
        %swap3A_780 = arith.index_cast %squeeze3A_779 : i32 to index
        %swap3A_781 = tpu.vector_load %arg7[%swap3A_780] masked %eq3A_777 {strides = array<i32>} : memref<22528xi32, #tpu.memory_space<vmem>>, vector<16xi32>, vector<16xi1>
        tpu.vector_store %arg7[%swap3A_780], %and3A_772 masked %eq3A_777 {strides = array<i32>} : memref<22528xi32, #tpu.memory_space<vmem>>, vector<16xi32>, vector<16xi1>
        %all_reduce_population_count3A_782 = tpu.all_reduce %eq3A_777 {dim = 0 : i64, kind = #tpu.reduction_kind<sum>} : vector<16xi1> -> vector<16xi32>
        %add3A_783 = arith.addi %min3A_761, %all_reduce_population_count3A_782 : vector<16xi32>
        %min3A_784 = arith.constant 22464 : i32
        %min3A_785 = vector.broadcast %min3A_784 : i32 to vector<16xi32>
        %min3A_786 = arith.minsi %add3A_783, %min3A_785 : vector<16xi32>
        %mul3A_787 = arith.constant 4 : i32
        %mul3A_788 = arith.muli %scan3A_741, %mul3A_787 : i32
        %add3A_789 = arith.constant 2 : i32
        %add3A_790 = arith.addi %mul3A_788, %add3A_789 : i32
        %mul3A_791 = arith.constant 16 : i32
        %mul3A_792 = arith.muli %add3A_790, %mul3A_791 : i32
        %get3A_793 = arith.index_cast %mul3A_792 : i32 to index
        %get3A_794 = tpu.vector_load %arg4[%get3A_793] {strides = array<i32>} : memref<50176xf32, #tpu.memory_space<vmem>>, vector<16xf32>,
        %bitcast3A_795 = vector.bitcast %get3A_794 : vector<16xf32> to vector<16xi32>
        %and3A_796 = vector.broadcast %scan3A : i32 to vector<16xi32>
        %and3A_797 = arith.andi %bitcast3A_795, %and3A_796 : vector<16xi32>
        %shift_right_logical3A_798 = arith.constant 23 : i32
        %shift_right_logical3A_799 = vector.broadcast %shift_right_logical3A_798 : i32 to vector<16xi32>
        %shift_right_logical3A_800 = arith.shrui %and3A_797, %shift_right_logical3A_799 : vector<16xi32>
        %eq3A_801 = vector.broadcast %scan3A_79#1 : i32 to vector<16xi32>
        %eq3A_802 = arith.cmpi eq, %shift_right_logical3A_800, %eq3A_801 : vector<16xi32>
        %slice3A_803 = vector.extract_strided_slice %min3A_786 {offsets = [0], sizes = [1], strides = [1]} : vector<16xi32> to vector<1xi32>
        %squeeze3A_804 = vector.extract %slice3A_803[0] : i32 from vector<1xi32>
        %swap3A_805 = arith.index_cast %squeeze3A_804 : i32 to index
        %swap3A_806 = tpu.vector_load %arg7[%swap3A_805] masked %eq3A_802 {strides = array<i32>} : memref<22528xi32, #tpu.memory_space<vmem>>, vector<16xi32>, vector<16xi1>
        tpu.vector_store %arg7[%swap3A_805], %and3A_797 masked %eq3A_802 {strides = array<i32>} : memref<22528xi32, #tpu.memory_space<vmem>>, vector<16xi32>, vector<16xi1>
        %all_reduce_population_count3A_807 = tpu.all_reduce %eq3A_802 {dim = 0 : i64, kind = #tpu.reduction_kind<sum>} : vector<16xi1> -> vector<16xi32>
        %add3A_808 = arith.addi %min3A_786, %all_reduce_population_count3A_807 : vector<16xi32>
        %min3A_809 = arith.constant 22464 : i32
        %min3A_810 = vector.broadcast %min3A_809 : i32 to vector<16xi32>
        %min3A_811 = arith.minsi %add3A_808, %min3A_810 : vector<16xi32>
        %mul3A_812 = arith.constant 4 : i32
        %mul3A_813 = arith.muli %scan3A_741, %mul3A_812 : i32
        %add3A_814 = arith.constant 3 : i32
        %add3A_815 = arith.addi %mul3A_813, %add3A_814 : i32
        %mul3A_816 = arith.constant 16 : i32
        %mul3A_817 = arith.muli %add3A_815, %mul3A_816 : i32
        %get3A_818 = arith.index_cast %mul3A_817 : i32 to index
        %get3A_819 = tpu.vector_load %arg4[%get3A_818] {strides = array<i32>} : memref<50176xf32, #tpu.memory_space<vmem>>, vector<16xf32>,
        %bitcast3A_820 = vector.bitcast %get3A_819 : vector<16xf32> to vector<16xi32>
        %and3A_821 = vector.broadcast %scan3A : i32 to vector<16xi32>
        %and3A_822 = arith.andi %bitcast3A_820, %and3A_821 : vector<16xi32>
        %shift_right_logical3A_823 = arith.constant 23 : i32
        %shift_right_logical3A_824 = vector.broadcast %shift_right_logical3A_823 : i32 to vector<16xi32>
        %shift_right_logical3A_825 = arith.shrui %and3A_822, %shift_right_logical3A_824 : vector<16xi32>
        %eq3A_826 = vector.broadcast %scan3A_79#1 : i32 to vector<16xi32>
        %eq3A_827 = arith.cmpi eq, %shift_right_logical3A_825, %eq3A_826 : vector<16xi32>
        %slice3A_828 = vector.extract_strided_slice %min3A_811 {offsets = [0], sizes = [1], strides = [1]} : vector<16xi32> to vector<1xi32>
        %squeeze3A_829 = vector.extract %slice3A_828[0] : i32 from vector<1xi32>
        %swap3A_830 = arith.index_cast %squeeze3A_829 : i32 to index
        %swap3A_831 = tpu.vector_load %arg7[%swap3A_830] masked %eq3A_827 {strides = array<i32>} : memref<22528xi32, #tpu.memory_space<vmem>>, vector<16xi32>, vector<16xi1>
        tpu.vector_store %arg7[%swap3A_830], %and3A_822 masked %eq3A_827 {strides = array<i32>} : memref<22528xi32, #tpu.memory_space<vmem>>, vector<16xi32>, vector<16xi1>
        %all_reduce_population_count3A_832 = tpu.all_reduce %eq3A_827 {dim = 0 : i64, kind = #tpu.reduction_kind<sum>} : vector<16xi1> -> vector<16xi32>
        %add3A_833 = arith.addi %min3A_811, %all_reduce_population_count3A_832 : vector<16xi32>
        %min3A_834 = arith.constant 22464 : i32
        %min3A_835 = vector.broadcast %min3A_834 : i32 to vector<16xi32>
        %min3A_836 = arith.minsi %add3A_833, %min3A_835 : vector<16xi32>
        scf.yield %min3A_836 : vector<16xi32>
      }
      %scan3A_89 = arith.constant 784 : i32
      %slice3A = vector.extract_strided_slice %scan3A_88 {offsets = [0], sizes = [1], strides = [1]} : vector<16xi32> to vector<1xi32>
      %squeeze3A = vector.extract %slice3A[0] : i32 from vector<1xi32>
      %add3A_90 = arith.constant 0 : i32
      %add3A_91 = arith.addi %squeeze3A, %add3A_90 : i32
      %swap3A = arith.index_cast %add3A_91 : i32 to index
      %swap3A_92 = tpu.vector_load %arg7[%swap3A] masked %broadcast_in_dim3A_7 {strides = array<i32>} : memref<22528xi32, #tpu.memory_space<vmem>>, vector<16xi32>, vector<16xi1>
      tpu.vector_store %arg7[%swap3A], %broadcast_in_dim3A_5 masked %broadcast_in_dim3A_7 {strides = array<i32>} : memref<22528xi32, #tpu.memory_space<vmem>>, vector<16xi32>, vector<16xi1>
      %add3A_93 = arith.constant 16 : i32
      %add3A_94 = arith.addi %squeeze3A, %add3A_93 : i32
      %swap3A_95 = arith.index_cast %add3A_94 : i32 to index
      %swap3A_96 = tpu.vector_load %arg7[%swap3A_95] masked %broadcast_in_dim3A_7 {strides = array<i32>} : memref<22528xi32, #tpu.memory_space<vmem>>, vector<16xi32>, vector<16xi1>
      tpu.vector_store %arg7[%swap3A_95], %broadcast_in_dim3A_5 masked %broadcast_in_dim3A_7 {strides = array<i32>} : memref<22528xi32, #tpu.memory_space<vmem>>, vector<16xi32>, vector<16xi1>
      %add3A_97 = arith.constant 32 : i32
      %add3A_98 = arith.addi %squeeze3A, %add3A_97 : i32
      %swap3A_99 = arith.index_cast %add3A_98 : i32 to index
      %swap3A_100 = tpu.vector_load %arg7[%swap3A_99] masked %broadcast_in_dim3A_7 {strides = array<i32>} : memref<22528xi32, #tpu.memory_space<vmem>>, vector<16xi32>, vector<16xi1>
      tpu.vector_store %arg7[%swap3A_99], %broadcast_in_dim3A_5 masked %broadcast_in_dim3A_7 {strides = array<i32>} : memref<22528xi32, #tpu.memory_space<vmem>>, vector<16xi32>, vector<16xi1>
      %add3A_101 = arith.constant 48 : i32
      %add3A_102 = arith.addi %squeeze3A, %add3A_101 : i32
      %swap3A_103 = arith.index_cast %add3A_102 : i32 to index
      %swap3A_104 = tpu.vector_load %arg7[%swap3A_103] masked %broadcast_in_dim3A_7 {strides = array<i32>} : memref<22528xi32, #tpu.memory_space<vmem>>, vector<16xi32>, vector<16xi1>
      tpu.vector_store %arg7[%swap3A_103], %broadcast_in_dim3A_5 masked %broadcast_in_dim3A_7 {strides = array<i32>} : memref<22528xi32, #tpu.memory_space<vmem>>, vector<16xi32>, vector<16xi1>
      %add3A_105 = arith.constant 15 : i32
      %add3A_106 = arith.addi %squeeze3A, %add3A_105 : i32
      %jit3A = arith.constant 16 : i32
      %div3A = arith.divsi %add3A_106, %jit3A : i32
      %sign3A = arith.constant 0 : i32
      %sign3A_107 = arith.cmpi sgt, %add3A_106, %sign3A : i32
      %sign3A_108 = arith.extui %sign3A_107 : i1 to i32
      %sign3A_109 = arith.constant 0 : i32
      %sign3A_110 = arith.cmpi slt, %add3A_106, %sign3A_109 : i32
      %sign3A_111 = arith.extui %sign3A_110 : i1 to i32
      %sign3A_112 = arith.subi %sign3A_108, %sign3A_111 : i32
      %sign3A_113 = arith.constant 0 : i32
      %sign3A_114 = arith.cmpi sgt, %jit3A, %sign3A_113 : i32
      %sign3A_115 = arith.extui %sign3A_114 : i1 to i32
      %sign3A_116 = arith.constant 0 : i32
      %sign3A_117 = arith.cmpi slt, %jit3A, %sign3A_116 : i32
      %sign3A_118 = arith.extui %sign3A_117 : i1 to i32
      %sign3A_119 = arith.subi %sign3A_115, %sign3A_118 : i32
      %ne3A = arith.cmpi ne, %sign3A_112, %sign3A_119 : i32
      %rem3A = arith.remsi %add3A_106, %jit3A : i32
      %ne3A_120 = arith.constant 0 : i32
      %ne3A_121 = arith.cmpi ne, %rem3A, %ne3A_120 : i32
      %and3A = arith.andi %ne3A, %ne3A_121 : i1
      %sub3A_122 = arith.constant 1 : i32
      %sub3A_123 = arith.subi %div3A, %sub3A_122 : i32
      %select_n3A = arith.select %and3A, %sub3A_123, %div3A : i32
      %scan3A_124 = arith.constant 0 : i32
      %scan3A_125 = arith.constant 0 : i32
      %scan3A_126 = arith.constant 32 : i32
      %scan3A_127 = arith.addi %scan3A_125, %scan3A_126 : i32
      %scan3A_128 = arith.constant 1 : i32
      %scan3A_129 = scf.for %scan3A_741 = %scan3A_125 to %scan3A_127 step %scan3A_128 iter_args(%scan3A_742 = %scan3A_124) -> (i32)  : i32 {
        %mul3A_743 = arith.constant 8 : i32
        %mul3A_744 = arith.muli %scan3A_741, %mul3A_743 : i32
        %add3A_745 = arith.constant 0 : i32
        %add3A_746 = arith.addi %mul3A_744, %add3A_745 : i32
        %mul3A_747 = arith.constant 16 : i32
        %mul3A_748 = arith.muli %add3A_746, %mul3A_747 : i32
        %swap3A_749 = arith.index_cast %mul3A_748 : i32 to index
        %swap3A_750 = tpu.vector_load %arg6[%swap3A_749] {strides = array<i32>} : memref<4096xi32, #tpu.memory_space<vmem>>, vector<16xi32>,
        tpu.vector_store %arg6[%swap3A_749], %broadcast_in_dim3A_5 {strides = array<i32>} : memref<4096xi32, #tpu.memory_space<vmem>>, vector<16xi32>,
        %mul3A_751 = arith.constant 8 : i32
        %mul3A_752 = arith.muli %scan3A_741, %mul3A_751 : i32
        %add3A_753 = arith.constant 1 : i32
        %add3A_754 = arith.addi %mul3A_752, %add3A_753 : i32
        %mul3A_755 = arith.constant 16 : i32
        %mul3A_756 = arith.muli %add3A_754, %mul3A_755 : i32
        %swap3A_757 = arith.index_cast %mul3A_756 : i32 to index
        %swap3A_758 = tpu.vector_load %arg6[%swap3A_757] {strides = array<i32>} : memref<4096xi32, #tpu.memory_space<vmem>>, vector<16xi32>,
        tpu.vector_store %arg6[%swap3A_757], %broadcast_in_dim3A_5 {strides = array<i32>} : memref<4096xi32, #tpu.memory_space<vmem>>, vector<16xi32>,
        %mul3A_759 = arith.constant 8 : i32
        %mul3A_760 = arith.muli %scan3A_741, %mul3A_759 : i32
        %add3A_761 = arith.constant 2 : i32
        %add3A_762 = arith.addi %mul3A_760, %add3A_761 : i32
        %mul3A_763 = arith.constant 16 : i32
        %mul3A_764 = arith.muli %add3A_762, %mul3A_763 : i32
        %swap3A_765 = arith.index_cast %mul3A_764 : i32 to index
        %swap3A_766 = tpu.vector_load %arg6[%swap3A_765] {strides = array<i32>} : memref<4096xi32, #tpu.memory_space<vmem>>, vector<16xi32>,
        tpu.vector_store %arg6[%swap3A_765], %broadcast_in_dim3A_5 {strides = array<i32>} : memref<4096xi32, #tpu.memory_space<vmem>>, vector<16xi32>,
        %mul3A_767 = arith.constant 8 : i32
        %mul3A_768 = arith.muli %scan3A_741, %mul3A_767 : i32
        %add3A_769 = arith.constant 3 : i32
        %add3A_770 = arith.addi %mul3A_768, %add3A_769 : i32
        %mul3A_771 = arith.constant 16 : i32
        %mul3A_772 = arith.muli %add3A_770, %mul3A_771 : i32
        %swap3A_773 = arith.index_cast %mul3A_772 : i32 to index
        %swap3A_774 = tpu.vector_load %arg6[%swap3A_773] {strides = array<i32>} : memref<4096xi32, #tpu.memory_space<vmem>>, vector<16xi32>,
        tpu.vector_store %arg6[%swap3A_773], %broadcast_in_dim3A_5 {strides = array<i32>} : memref<4096xi32, #tpu.memory_space<vmem>>, vector<16xi32>,
        %mul3A_775 = arith.constant 8 : i32
        %mul3A_776 = arith.muli %scan3A_741, %mul3A_775 : i32
        %add3A_777 = arith.constant 4 : i32
        %add3A_778 = arith.addi %mul3A_776, %add3A_777 : i32
        %mul3A_779 = arith.constant 16 : i32
        %mul3A_780 = arith.muli %add3A_778, %mul3A_779 : i32
        %swap3A_781 = arith.index_cast %mul3A_780 : i32 to index
        %swap3A_782 = tpu.vector_load %arg6[%swap3A_781] {strides = array<i32>} : memref<4096xi32, #tpu.memory_space<vmem>>, vector<16xi32>,
        tpu.vector_store %arg6[%swap3A_781], %broadcast_in_dim3A_5 {strides = array<i32>} : memref<4096xi32, #tpu.memory_space<vmem>>, vector<16xi32>,
        %mul3A_783 = arith.constant 8 : i32
        %mul3A_784 = arith.muli %scan3A_741, %mul3A_783 : i32
        %add3A_785 = arith.constant 5 : i32
        %add3A_786 = arith.addi %mul3A_784, %add3A_785 : i32
        %mul3A_787 = arith.constant 16 : i32
        %mul3A_788 = arith.muli %add3A_786, %mul3A_787 : i32
        %swap3A_789 = arith.index_cast %mul3A_788 : i32 to index
        %swap3A_790 = tpu.vector_load %arg6[%swap3A_789] {strides = array<i32>} : memref<4096xi32, #tpu.memory_space<vmem>>, vector<16xi32>,
        tpu.vector_store %arg6[%swap3A_789], %broadcast_in_dim3A_5 {strides = array<i32>} : memref<4096xi32, #tpu.memory_space<vmem>>, vector<16xi32>,
        %mul3A_791 = arith.constant 8 : i32
        %mul3A_792 = arith.muli %scan3A_741, %mul3A_791 : i32
        %add3A_793 = arith.constant 6 : i32
        %add3A_794 = arith.addi %mul3A_792, %add3A_793 : i32
        %mul3A_795 = arith.constant 16 : i32
        %mul3A_796 = arith.muli %add3A_794, %mul3A_795 : i32
        %swap3A_797 = arith.index_cast %mul3A_796 : i32 to index
        %swap3A_798 = tpu.vector_load %arg6[%swap3A_797] {strides = array<i32>} : memref<4096xi32, #tpu.memory_space<vmem>>, vector<16xi32>,
        tpu.vector_store %arg6[%swap3A_797], %broadcast_in_dim3A_5 {strides = array<i32>} : memref<4096xi32, #tpu.memory_space<vmem>>, vector<16xi32>,
        %mul3A_799 = arith.constant 8 : i32
        %mul3A_800 = arith.muli %scan3A_741, %mul3A_799 : i32
        %add3A_801 = arith.constant 7 : i32
        %add3A_802 = arith.addi %mul3A_800, %add3A_801 : i32
        %mul3A_803 = arith.constant 16 : i32
        %mul3A_804 = arith.muli %add3A_802, %mul3A_803 : i32
        %swap3A_805 = arith.index_cast %mul3A_804 : i32 to index
        %swap3A_806 = tpu.vector_load %arg6[%swap3A_805] {strides = array<i32>} : memref<4096xi32, #tpu.memory_space<vmem>>, vector<16xi32>,
        tpu.vector_store %arg6[%swap3A_805], %broadcast_in_dim3A_5 {strides = array<i32>} : memref<4096xi32, #tpu.memory_space<vmem>>, vector<16xi32>,
        %scan3A_807 = arith.constant 0 : i32
        scf.yield %scan3A_807 : i32
      }
      %scan3A_130 = arith.constant 32 : i32
      %while3A = arith.constant 255 : i32
      %while3A_131 = arith.constant 0 : i32
      %while3A_132 = arith.constant 0 : i32
      %while3A_133 = arith.subi %select_n3A, %while3A_131 : i32
      %while3A_134 = arith.addi %while3A_131, %while3A_133 : i32
      %while3A_135 = arith.constant 1 : i32
      %while3A_136 = arith.divsi %while3A_133, %while3A_135 : i32
      %while3A_137 = arith.muli %while3A_136, %while3A_135 : i32
      %while3A_138 = arith.addi %while3A_131, %while3A_137 : i32
      %while3A_139 = arith.constant 1 : i32
      %while3A_140 = scf.for %while3A_741 = %while3A_131 to %while3A_138 step %while3A_139 iter_args(%while3A_742 = %while3A_132) -> (i32)  : i32 {
        %mul3A_743 = arith.constant 16 : i32
        %mul3A_744 = arith.muli %while3A_741, %mul3A_743 : i32
        %get3A = arith.index_cast %mul3A_744 : i32 to index
        %get3A_745 = tpu.vector_load %arg7[%get3A] {strides = array<i32>} : memref<22528xi32, #tpu.memory_space<vmem>>, vector<16xi32>,
        %shift_right_logical3A = arith.constant 23 : i32
        %shift_right_logical3A_746 = vector.broadcast %shift_right_logical3A : i32 to vector<16xi32>
        %shift_right_logical3A_747 = arith.shrui %get3A_745, %shift_right_logical3A_746 : vector<16xi32>
        %eq3A = vector.broadcast %scan3A_79#1 : i32 to vector<16xi32>
        %eq3A_748 = arith.cmpi eq, %shift_right_logical3A_747, %eq3A : vector<16xi32>
        %shift_right_logical3A_749 = arith.constant 15 : i32
        %shift_right_logical3A_750 = vector.broadcast %shift_right_logical3A_749 : i32 to vector<16xi32>
        %shift_right_logical3A_751 = arith.shrui %get3A_745, %shift_right_logical3A_750 : vector<16xi32>
        %and3A_752 = vector.broadcast %while3A : i32 to vector<16xi32>
        %and3A_753 = arith.andi %shift_right_logical3A_751, %and3A_752 : vector<16xi32>
        %shift_left3A_754 = arith.constant 4 : i32
        %shift_left3A_755 = vector.broadcast %shift_left3A_754 : i32 to vector<16xi32>
        %shift_left3A_756 = arith.shli %and3A_753, %shift_left3A_755 : vector<16xi32>
        %or3A_757 = arith.ori %shift_left3A_756, %iota3A : vector<16xi32>
        tpu.vector_store_idx %arg6[%or3A_757], %broadcast_in_dim3A_3 masked %eq3A_748 {add = true} : memref<4096xi32, #tpu.memory_space<vmem>>[vector<16xi32>], vector<16xi32>, vector<16xi1>
        %while3A_758 = arith.constant 0 : i32
        scf.yield %while3A_758 : i32
      }
      %while3A_141 = arith.constant 1 : i32
      %while3A_142 = scf.for %while3A_741 = %while3A_138 to %while3A_134 step %while3A_141 iter_args(%while3A_742 = %while3A_140) -> (i32)  : i32 {
        %mul3A_743 = arith.constant 16 : i32
        %mul3A_744 = arith.muli %while3A_741, %mul3A_743 : i32
        %get3A = arith.index_cast %mul3A_744 : i32 to index
        %get3A_745 = tpu.vector_load %arg7[%get3A] {strides = array<i32>} : memref<22528xi32, #tpu.memory_space<vmem>>, vector<16xi32>,
        %shift_right_logical3A = arith.constant 23 : i32
        %shift_right_logical3A_746 = vector.broadcast %shift_right_logical3A : i32 to vector<16xi32>
        %shift_right_logical3A_747 = arith.shrui %get3A_745, %shift_right_logical3A_746 : vector<16xi32>
        %eq3A = vector.broadcast %scan3A_79#1 : i32 to vector<16xi32>
        %eq3A_748 = arith.cmpi eq, %shift_right_logical3A_747, %eq3A : vector<16xi32>
        %shift_right_logical3A_749 = arith.constant 15 : i32
        %shift_right_logical3A_750 = vector.broadcast %shift_right_logical3A_749 : i32 to vector<16xi32>
        %shift_right_logical3A_751 = arith.shrui %get3A_745, %shift_right_logical3A_750 : vector<16xi32>
        %and3A_752 = vector.broadcast %while3A : i32 to vector<16xi32>
        %and3A_753 = arith.andi %shift_right_logical3A_751, %and3A_752 : vector<16xi32>
        %shift_left3A_754 = arith.constant 4 : i32
        %shift_left3A_755 = vector.broadcast %shift_left3A_754 : i32 to vector<16xi32>
        %shift_left3A_756 = arith.shli %and3A_753, %shift_left3A_755 : vector<16xi32>
        %or3A_757 = arith.ori %shift_left3A_756, %iota3A : vector<16xi32>
        tpu.vector_store_idx %arg6[%or3A_757], %broadcast_in_dim3A_3 masked %eq3A_748 {add = true} : memref<4096xi32, #tpu.memory_space<vmem>>[vector<16xi32>], vector<16xi32>, vector<16xi1>
        %while3A_758 = arith.constant 0 : i32
        scf.yield %while3A_758 : i32
      }
      %scan3A_143 = arith.constant 0 : i32
      %scan3A_144 = arith.constant 0 : i32
      %scan3A_145 = arith.constant 0 : i32
      %scan3A_146 = arith.constant 0 : i32
      %scan3A_147 = arith.constant 0 : i32
      %scan3A_148 = arith.constant 32 : i32
      %scan3A_149 = arith.addi %scan3A_147, %scan3A_148 : i32
      %scan3A_150 = arith.constant 1 : i32
      %scan3A_151:4 = scf.for %scan3A_741 = %scan3A_147 to %scan3A_149 step %scan3A_150 iter_args(%scan3A_742 = %scan3A_143, %scan3A_743 = %scan3A_144, %scan3A_744 = %scan3A_145, %scan3A_745 = %scan3A_146) -> (i32, i32, i32, i32)  : i32 {
        %sub3A_746 = arith.constant 31 : i32
        %sub3A_747 = arith.subi %sub3A_746, %scan3A_741 : i32
        %mul3A_748 = arith.constant 8 : i32
        %mul3A_749 = arith.muli %sub3A_747, %mul3A_748 : i32
        %mul3A_750 = arith.constant 16 : i32
        %mul3A_751 = arith.muli %mul3A_749, %mul3A_750 : i32
        %get3A = arith.index_cast %mul3A_751 : i32 to index
        %get3A_752 = tpu.vector_load %arg6[%get3A] {strides = array<i32>} : memref<4096xi32, #tpu.memory_space<vmem>>, vector<16xi32>,
        %mul3A_753 = arith.constant 8 : i32
        %mul3A_754 = arith.muli %sub3A_747, %mul3A_753 : i32
        %add3A_755 = arith.constant 1 : i32
        %add3A_756 = arith.addi %mul3A_754, %add3A_755 : i32
        %mul3A_757 = arith.constant 16 : i32
        %mul3A_758 = arith.muli %add3A_756, %mul3A_757 : i32
        %get3A_759 = arith.index_cast %mul3A_758 : i32 to index
        %get3A_760 = tpu.vector_load %arg6[%get3A_759] {strides = array<i32>} : memref<4096xi32, #tpu.memory_space<vmem>>, vector<16xi32>,
        %add3A_761 = arith.addi %get3A_752, %get3A_760 : vector<16xi32>
        %mul3A_762 = arith.constant 8 : i32
        %mul3A_763 = arith.muli %sub3A_747, %mul3A_762 : i32
        %add3A_764 = arith.constant 2 : i32
        %add3A_765 = arith.addi %mul3A_763, %add3A_764 : i32
        %mul3A_766 = arith.constant 16 : i32
        %mul3A_767 = arith.muli %add3A_765, %mul3A_766 : i32
        %get3A_768 = arith.index_cast %mul3A_767 : i32 to index
        %get3A_769 = tpu.vector_load %arg6[%get3A_768] {strides = array<i32>} : memref<4096xi32, #tpu.memory_space<vmem>>, vector<16xi32>,
        %add3A_770 = arith.addi %add3A_761, %get3A_769 : vector<16xi32>
        %mul3A_771 = arith.constant 8 : i32
        %mul3A_772 = arith.muli %sub3A_747, %mul3A_771 : i32
        %add3A_773 = arith.constant 3 : i32
        %add3A_774 = arith.addi %mul3A_772, %add3A_773 : i32
        %mul3A_775 = arith.constant 16 : i32
        %mul3A_776 = arith.muli %add3A_774, %mul3A_775 : i32
        %get3A_777 = arith.index_cast %mul3A_776 : i32 to index
        %get3A_778 = tpu.vector_load %arg6[%get3A_777] {strides = array<i32>} : memref<4096xi32, #tpu.memory_space<vmem>>, vector<16xi32>,
        %add3A_779 = arith.addi %add3A_770, %get3A_778 : vector<16xi32>
        %mul3A_780 = arith.constant 8 : i32
        %mul3A_781 = arith.muli %sub3A_747, %mul3A_780 : i32
        %add3A_782 = arith.constant 4 : i32
        %add3A_783 = arith.addi %mul3A_781, %add3A_782 : i32
        %mul3A_784 = arith.constant 16 : i32
        %mul3A_785 = arith.muli %add3A_783, %mul3A_784 : i32
        %get3A_786 = arith.index_cast %mul3A_785 : i32 to index
        %get3A_787 = tpu.vector_load %arg6[%get3A_786] {strides = array<i32>} : memref<4096xi32, #tpu.memory_space<vmem>>, vector<16xi32>,
        %add3A_788 = arith.addi %add3A_779, %get3A_787 : vector<16xi32>
        %mul3A_789 = arith.constant 8 : i32
        %mul3A_790 = arith.muli %sub3A_747, %mul3A_789 : i32
        %add3A_791 = arith.constant 5 : i32
        %add3A_792 = arith.addi %mul3A_790, %add3A_791 : i32
        %mul3A_793 = arith.constant 16 : i32
        %mul3A_794 = arith.muli %add3A_792, %mul3A_793 : i32
        %get3A_795 = arith.index_cast %mul3A_794 : i32 to index
        %get3A_796 = tpu.vector_load %arg6[%get3A_795] {strides = array<i32>} : memref<4096xi32, #tpu.memory_space<vmem>>, vector<16xi32>,
        %add3A_797 = arith.addi %add3A_788, %get3A_796 : vector<16xi32>
        %mul3A_798 = arith.constant 8 : i32
        %mul3A_799 = arith.muli %sub3A_747, %mul3A_798 : i32
        %add3A_800 = arith.constant 6 : i32
        %add3A_801 = arith.addi %mul3A_799, %add3A_800 : i32
        %mul3A_802 = arith.constant 16 : i32
        %mul3A_803 = arith.muli %add3A_801, %mul3A_802 : i32
        %get3A_804 = arith.index_cast %mul3A_803 : i32 to index
        %get3A_805 = tpu.vector_load %arg6[%get3A_804] {strides = array<i32>} : memref<4096xi32, #tpu.memory_space<vmem>>, vector<16xi32>,
        %add3A_806 = arith.addi %add3A_797, %get3A_805 : vector<16xi32>
        %mul3A_807 = arith.constant 8 : i32
        %mul3A_808 = arith.muli %sub3A_747, %mul3A_807 : i32
        %add3A_809 = arith.constant 7 : i32
        %add3A_810 = arith.addi %mul3A_808, %add3A_809 : i32
        %mul3A_811 = arith.constant 16 : i32
        %mul3A_812 = arith.muli %add3A_810, %mul3A_811 : i32
        %get3A_813 = arith.index_cast %mul3A_812 : i32 to index
        %get3A_814 = tpu.vector_load %arg6[%get3A_813] {strides = array<i32>} : memref<4096xi32, #tpu.memory_space<vmem>>, vector<16xi32>,
        %add3A_815 = arith.addi %add3A_806, %get3A_814 : vector<16xi32>
        %reduce_sum3A = arith.constant true
        %reduce_sum3A_816 = vector.broadcast %reduce_sum3A : i1 to vector<16xi1>
        %reduce_sum3A_817 = tpu.scan <sum>, %add3A_815 masked %reduce_sum3A_816 : vector<16xi32>, vector<16xi1> -> vector<16xi32>
        %reduce_sum3A_818 = vector.extract %reduce_sum3A_817[15] : i32 from vector<16xi32>
        %add3A_819 = arith.addi %scan3A_742, %reduce_sum3A_818 : i32
        %eq3A = arith.constant 0 : i32
        %eq3A_820 = arith.cmpi eq, %scan3A_745, %eq3A : i32
        %ge3A = arith.cmpi sge, %add3A_819, %sub3A_81 : i32
        %and3A_821 = arith.andi %eq3A_820, %ge3A : i1
        %select_n3A_822 = arith.select %and3A_821, %sub3A_747, %scan3A_743 : i32
        %select_n3A_823 = arith.select %and3A_821, %scan3A_742, %scan3A_744 : i32
        %convert_element_type3A_824 = arith.extui %and3A_821 : i1 to i32
        %or3A_825 = arith.ori %scan3A_745, %convert_element_type3A_824 : i32
        scf.yield %add3A_819, %select_n3A_822, %select_n3A_823, %or3A_825 : i32, i32, i32, i32
      }
      %scan3A_152 = arith.constant 32 : i32
      %scan3A_153 = arith.constant 0 : i32
      %scan3A_154 = arith.constant 0 : i32
      %scan3A_155 = arith.constant 0 : i32
      %scan3A_156 = arith.constant 0 : i32
      %scan3A_157 = arith.constant 8 : i32
      %scan3A_158 = arith.addi %scan3A_156, %scan3A_157 : i32
      %scan3A_159 = arith.constant 1 : i32
      %scan3A_160:4 = scf.for %scan3A_741 = %scan3A_156 to %scan3A_158 step %scan3A_159 iter_args(%scan3A_742 = %scan3A_151#2, %scan3A_743 = %scan3A_153, %scan3A_744 = %scan3A_154, %scan3A_745 = %scan3A_155) -> (i32, i32, i32, i32)  : i32 {
        %mul3A_746 = arith.constant 8 : i32
        %mul3A_747 = arith.muli %scan3A_151#1, %mul3A_746 : i32
        %sub3A_748 = arith.constant 7 : i32
        %sub3A_749 = arith.subi %sub3A_748, %scan3A_741 : i32
        %add3A_750 = arith.addi %mul3A_747, %sub3A_749 : i32
        %mul3A_751 = arith.constant 16 : i32
        %mul3A_752 = arith.muli %add3A_750, %mul3A_751 : i32
        %get3A = arith.index_cast %mul3A_752 : i32 to index
        %get3A_753 = tpu.vector_load %arg6[%get3A] {strides = array<i32>} : memref<4096xi32, #tpu.memory_space<vmem>>, vector<16xi32>,
        %reduce_sum3A = arith.constant true
        %reduce_sum3A_754 = vector.broadcast %reduce_sum3A : i1 to vector<16xi1>
        %reduce_sum3A_755 = tpu.scan <sum>, %get3A_753 masked %reduce_sum3A_754 : vector<16xi32>, vector<16xi1> -> vector<16xi32>
        %reduce_sum3A_756 = vector.extract %reduce_sum3A_755[15] : i32 from vector<16xi32>
        %add3A_757 = arith.addi %scan3A_742, %reduce_sum3A_756 : i32
        %eq3A = arith.constant 0 : i32
        %eq3A_758 = arith.cmpi eq, %scan3A_745, %eq3A : i32
        %ge3A = arith.cmpi sge, %add3A_757, %sub3A_81 : i32
        %and3A_759 = arith.andi %eq3A_758, %ge3A : i1
        %select_n3A_760 = arith.select %and3A_759, %add3A_750, %scan3A_743 : i32
        %select_n3A_761 = arith.select %and3A_759, %scan3A_742, %scan3A_744 : i32
        %convert_element_type3A_762 = arith.extui %and3A_759 : i1 to i32
        %or3A_763 = arith.ori %scan3A_745, %convert_element_type3A_762 : i32
        scf.yield %add3A_757, %select_n3A_760, %select_n3A_761, %or3A_763 : i32, i32, i32, i32
      }
      %scan3A_161 = arith.constant 8 : i32
      %shift_left3A = arith.constant 8 : i32
      %shift_left3A_162 = arith.shli %scan3A_79#1, %shift_left3A : i32
      %or3A = arith.ori %shift_left3A_162, %scan3A_160#1 : i32
      %sub3A_163 = arith.subi %sub3A_81, %scan3A_160#2 : i32
      %broadcast_in_dim3A_164 = arith.constant 0 : i32
      %broadcast_in_dim3A_165 = vector.broadcast %broadcast_in_dim3A_164 : i32 to vector<16xi32>
      %while3A_166 = arith.constant 0 : i32
      %while3A_167 = arith.subi %select_n3A, %while3A_166 : i32
      %while3A_168 = arith.addi %while3A_166, %while3A_167 : i32
      %while3A_169 = arith.constant 1 : i32
      %while3A_170 = arith.divsi %while3A_167, %while3A_169 : i32
      %while3A_171 = arith.muli %while3A_170, %while3A_169 : i32
      %while3A_172 = arith.addi %while3A_166, %while3A_171 : i32
      %while3A_173 = arith.constant 1 : i32
      %while3A_174 = scf.for %while3A_741 = %while3A_166 to %while3A_172 step %while3A_173 iter_args(%while3A_742 = %broadcast_in_dim3A_165) -> (vector<16xi32>)  : i32 {
        %mul3A_743 = arith.constant 16 : i32
        %mul3A_744 = arith.muli %while3A_741, %mul3A_743 : i32
        %get3A = arith.index_cast %mul3A_744 : i32 to index
        %get3A_745 = tpu.vector_load %arg7[%get3A] {strides = array<i32>} : memref<22528xi32, #tpu.memory_space<vmem>>, vector<16xi32>,
        %shift_right_logical3A = arith.constant 15 : i32
        %shift_right_logical3A_746 = vector.broadcast %shift_right_logical3A : i32 to vector<16xi32>
        %shift_right_logical3A_747 = arith.shrui %get3A_745, %shift_right_logical3A_746 : vector<16xi32>
        %eq3A = vector.broadcast %or3A : i32 to vector<16xi32>
        %eq3A_748 = arith.cmpi eq, %shift_right_logical3A_747, %eq3A : vector<16xi32>
        %slice3A_749 = vector.extract_strided_slice %while3A_742 {offsets = [0], sizes = [1], strides = [1]} : vector<16xi32> to vector<1xi32>
        %squeeze3A_750 = vector.extract %slice3A_749[0] : i32 from vector<1xi32>
        %swap3A_751 = arith.index_cast %squeeze3A_750 : i32 to index
        %swap3A_752 = tpu.vector_load %arg8[%swap3A_751] masked %eq3A_748 {strides = array<i32>} : memref<1024xi32, #tpu.memory_space<vmem>>, vector<16xi32>, vector<16xi1>
        tpu.vector_store %arg8[%swap3A_751], %get3A_745 masked %eq3A_748 {strides = array<i32>} : memref<1024xi32, #tpu.memory_space<vmem>>, vector<16xi32>, vector<16xi1>
        %all_reduce_population_count3A = tpu.all_reduce %eq3A_748 {dim = 0 : i64, kind = #tpu.reduction_kind<sum>} : vector<16xi1> -> vector<16xi32>
        %add3A_753 = arith.addi %while3A_742, %all_reduce_population_count3A : vector<16xi32>
        %min3A = arith.constant 960 : i32
        %min3A_754 = vector.broadcast %min3A : i32 to vector<16xi32>
        %min3A_755 = arith.minsi %add3A_753, %min3A_754 : vector<16xi32>
        scf.yield %min3A_755 : vector<16xi32>
      }
      %while3A_175 = arith.constant 1 : i32
      %while3A_176 = scf.for %while3A_741 = %while3A_172 to %while3A_168 step %while3A_175 iter_args(%while3A_742 = %while3A_174) -> (vector<16xi32>)  : i32 {
        %mul3A_743 = arith.constant 16 : i32
        %mul3A_744 = arith.muli %while3A_741, %mul3A_743 : i32
        %get3A = arith.index_cast %mul3A_744 : i32 to index
        %get3A_745 = tpu.vector_load %arg7[%get3A] {strides = array<i32>} : memref<22528xi32, #tpu.memory_space<vmem>>, vector<16xi32>,
        %shift_right_logical3A = arith.constant 15 : i32
        %shift_right_logical3A_746 = vector.broadcast %shift_right_logical3A : i32 to vector<16xi32>
        %shift_right_logical3A_747 = arith.shrui %get3A_745, %shift_right_logical3A_746 : vector<16xi32>
        %eq3A = vector.broadcast %or3A : i32 to vector<16xi32>
        %eq3A_748 = arith.cmpi eq, %shift_right_logical3A_747, %eq3A : vector<16xi32>
        %slice3A_749 = vector.extract_strided_slice %while3A_742 {offsets = [0], sizes = [1], strides = [1]} : vector<16xi32> to vector<1xi32>
        %squeeze3A_750 = vector.extract %slice3A_749[0] : i32 from vector<1xi32>
        %swap3A_751 = arith.index_cast %squeeze3A_750 : i32 to index
        %swap3A_752 = tpu.vector_load %arg8[%swap3A_751] masked %eq3A_748 {strides = array<i32>} : memref<1024xi32, #tpu.memory_space<vmem>>, vector<16xi32>, vector<16xi1>
        tpu.vector_store %arg8[%swap3A_751], %get3A_745 masked %eq3A_748 {strides = array<i32>} : memref<1024xi32, #tpu.memory_space<vmem>>, vector<16xi32>, vector<16xi1>
        %all_reduce_population_count3A = tpu.all_reduce %eq3A_748 {dim = 0 : i64, kind = #tpu.reduction_kind<sum>} : vector<16xi1> -> vector<16xi32>
        %add3A_753 = arith.addi %while3A_742, %all_reduce_population_count3A : vector<16xi32>
        %min3A = arith.constant 960 : i32
        %min3A_754 = vector.broadcast %min3A : i32 to vector<16xi32>
        %min3A_755 = arith.minsi %add3A_753, %min3A_754 : vector<16xi32>
        scf.yield %min3A_755 : vector<16xi32>
      }
      %slice3A_177 = vector.extract_strided_slice %while3A_176 {offsets = [0], sizes = [1], strides = [1]} : vector<16xi32> to vector<1xi32>
      %squeeze3A_178 = vector.extract %slice3A_177[0] : i32 from vector<1xi32>
      %add3A_179 = arith.constant 0 : i32
      %add3A_180 = arith.addi %squeeze3A_178, %add3A_179 : i32
      %swap3A_181 = arith.index_cast %add3A_180 : i32 to index
      %swap3A_182 = tpu.vector_load %arg8[%swap3A_181] masked %broadcast_in_dim3A_7 {strides = array<i32>} : memref<1024xi32, #tpu.memory_space<vmem>>, vector<16xi32>, vector<16xi1>
      tpu.vector_store %arg8[%swap3A_181], %broadcast_in_dim3A_5 masked %broadcast_in_dim3A_7 {strides = array<i32>} : memref<1024xi32, #tpu.memory_space<vmem>>, vector<16xi32>, vector<16xi1>
      %add3A_183 = arith.constant 16 : i32
      %add3A_184 = arith.addi %squeeze3A_178, %add3A_183 : i32
      %swap3A_185 = arith.index_cast %add3A_184 : i32 to index
      %swap3A_186 = tpu.vector_load %arg8[%swap3A_185] masked %broadcast_in_dim3A_7 {strides = array<i32>} : memref<1024xi32, #tpu.memory_space<vmem>>, vector<16xi32>, vector<16xi1>
      tpu.vector_store %arg8[%swap3A_185], %broadcast_in_dim3A_5 masked %broadcast_in_dim3A_7 {strides = array<i32>} : memref<1024xi32, #tpu.memory_space<vmem>>, vector<16xi32>, vector<16xi1>
      %add3A_187 = arith.constant 32 : i32
      %add3A_188 = arith.addi %squeeze3A_178, %add3A_187 : i32
      %swap3A_189 = arith.index_cast %add3A_188 : i32 to index
      %swap3A_190 = tpu.vector_load %arg8[%swap3A_189] masked %broadcast_in_dim3A_7 {strides = array<i32>} : memref<1024xi32, #tpu.memory_space<vmem>>, vector<16xi32>, vector<16xi1>
      tpu.vector_store %arg8[%swap3A_189], %broadcast_in_dim3A_5 masked %broadcast_in_dim3A_7 {strides = array<i32>} : memref<1024xi32, #tpu.memory_space<vmem>>, vector<16xi32>, vector<16xi1>
      %add3A_191 = arith.constant 48 : i32
      %add3A_192 = arith.addi %squeeze3A_178, %add3A_191 : i32
      %swap3A_193 = arith.index_cast %add3A_192 : i32 to index
      %swap3A_194 = tpu.vector_load %arg8[%swap3A_193] masked %broadcast_in_dim3A_7 {strides = array<i32>} : memref<1024xi32, #tpu.memory_space<vmem>>, vector<16xi32>, vector<16xi1>
      tpu.vector_store %arg8[%swap3A_193], %broadcast_in_dim3A_5 masked %broadcast_in_dim3A_7 {strides = array<i32>} : memref<1024xi32, #tpu.memory_space<vmem>>, vector<16xi32>, vector<16xi1>
      %add3A_195 = arith.constant 15 : i32
      %add3A_196 = arith.addi %squeeze3A_178, %add3A_195 : i32
      %jit3A_197 = arith.constant 16 : i32
      %div3A_198 = arith.divsi %add3A_196, %jit3A_197 : i32
      %sign3A_199 = arith.constant 0 : i32
      %sign3A_200 = arith.cmpi sgt, %add3A_196, %sign3A_199 : i32
      %sign3A_201 = arith.extui %sign3A_200 : i1 to i32
      %sign3A_202 = arith.constant 0 : i32
      %sign3A_203 = arith.cmpi slt, %add3A_196, %sign3A_202 : i32
      %sign3A_204 = arith.extui %sign3A_203 : i1 to i32
      %sign3A_205 = arith.subi %sign3A_201, %sign3A_204 : i32
      %sign3A_206 = arith.constant 0 : i32
      %sign3A_207 = arith.cmpi sgt, %jit3A_197, %sign3A_206 : i32
      %sign3A_208 = arith.extui %sign3A_207 : i1 to i32
      %sign3A_209 = arith.constant 0 : i32
      %sign3A_210 = arith.cmpi slt, %jit3A_197, %sign3A_209 : i32
      %sign3A_211 = arith.extui %sign3A_210 : i1 to i32
      %sign3A_212 = arith.subi %sign3A_208, %sign3A_211 : i32
      %ne3A_213 = arith.cmpi ne, %sign3A_205, %sign3A_212 : i32
      %rem3A_214 = arith.remsi %add3A_196, %jit3A_197 : i32
      %ne3A_215 = arith.constant 0 : i32
      %ne3A_216 = arith.cmpi ne, %rem3A_214, %ne3A_215 : i32
      %and3A_217 = arith.andi %ne3A_213, %ne3A_216 : i1
      %sub3A_218 = arith.constant 1 : i32
      %sub3A_219 = arith.subi %div3A_198, %sub3A_218 : i32
      %select_n3A_220 = arith.select %and3A_217, %sub3A_219, %div3A_198 : i32
      %scan3A_221 = arith.constant 0 : i32
      %scan3A_222 = arith.constant 0 : i32
      %scan3A_223 = arith.constant 32 : i32
      %scan3A_224 = arith.addi %scan3A_222, %scan3A_223 : i32
      %scan3A_225 = arith.constant 1 : i32
      %scan3A_226 = scf.for %scan3A_741 = %scan3A_222 to %scan3A_224 step %scan3A_225 iter_args(%scan3A_742 = %scan3A_221) -> (i32)  : i32 {
        %mul3A_743 = arith.constant 8 : i32
        %mul3A_744 = arith.muli %scan3A_741, %mul3A_743 : i32
        %add3A_745 = arith.constant 0 : i32
        %add3A_746 = arith.addi %mul3A_744, %add3A_745 : i32
        %mul3A_747 = arith.constant 16 : i32
        %mul3A_748 = arith.muli %add3A_746, %mul3A_747 : i32
        %swap3A_749 = arith.index_cast %mul3A_748 : i32 to index
        %swap3A_750 = tpu.vector_load %arg6[%swap3A_749] {strides = array<i32>} : memref<4096xi32, #tpu.memory_space<vmem>>, vector<16xi32>,
        tpu.vector_store %arg6[%swap3A_749], %broadcast_in_dim3A_5 {strides = array<i32>} : memref<4096xi32, #tpu.memory_space<vmem>>, vector<16xi32>,
        %mul3A_751 = arith.constant 8 : i32
        %mul3A_752 = arith.muli %scan3A_741, %mul3A_751 : i32
        %add3A_753 = arith.constant 1 : i32
        %add3A_754 = arith.addi %mul3A_752, %add3A_753 : i32
        %mul3A_755 = arith.constant 16 : i32
        %mul3A_756 = arith.muli %add3A_754, %mul3A_755 : i32
        %swap3A_757 = arith.index_cast %mul3A_756 : i32 to index
        %swap3A_758 = tpu.vector_load %arg6[%swap3A_757] {strides = array<i32>} : memref<4096xi32, #tpu.memory_space<vmem>>, vector<16xi32>,
        tpu.vector_store %arg6[%swap3A_757], %broadcast_in_dim3A_5 {strides = array<i32>} : memref<4096xi32, #tpu.memory_space<vmem>>, vector<16xi32>,
        %mul3A_759 = arith.constant 8 : i32
        %mul3A_760 = arith.muli %scan3A_741, %mul3A_759 : i32
        %add3A_761 = arith.constant 2 : i32
        %add3A_762 = arith.addi %mul3A_760, %add3A_761 : i32
        %mul3A_763 = arith.constant 16 : i32
        %mul3A_764 = arith.muli %add3A_762, %mul3A_763 : i32
        %swap3A_765 = arith.index_cast %mul3A_764 : i32 to index
        %swap3A_766 = tpu.vector_load %arg6[%swap3A_765] {strides = array<i32>} : memref<4096xi32, #tpu.memory_space<vmem>>, vector<16xi32>,
        tpu.vector_store %arg6[%swap3A_765], %broadcast_in_dim3A_5 {strides = array<i32>} : memref<4096xi32, #tpu.memory_space<vmem>>, vector<16xi32>,
        %mul3A_767 = arith.constant 8 : i32
        %mul3A_768 = arith.muli %scan3A_741, %mul3A_767 : i32
        %add3A_769 = arith.constant 3 : i32
        %add3A_770 = arith.addi %mul3A_768, %add3A_769 : i32
        %mul3A_771 = arith.constant 16 : i32
        %mul3A_772 = arith.muli %add3A_770, %mul3A_771 : i32
        %swap3A_773 = arith.index_cast %mul3A_772 : i32 to index
        %swap3A_774 = tpu.vector_load %arg6[%swap3A_773] {strides = array<i32>} : memref<4096xi32, #tpu.memory_space<vmem>>, vector<16xi32>,
        tpu.vector_store %arg6[%swap3A_773], %broadcast_in_dim3A_5 {strides = array<i32>} : memref<4096xi32, #tpu.memory_space<vmem>>, vector<16xi32>,
        %mul3A_775 = arith.constant 8 : i32
        %mul3A_776 = arith.muli %scan3A_741, %mul3A_775 : i32
        %add3A_777 = arith.constant 4 : i32
        %add3A_778 = arith.addi %mul3A_776, %add3A_777 : i32
        %mul3A_779 = arith.constant 16 : i32
        %mul3A_780 = arith.muli %add3A_778, %mul3A_779 : i32
        %swap3A_781 = arith.index_cast %mul3A_780 : i32 to index
        %swap3A_782 = tpu.vector_load %arg6[%swap3A_781] {strides = array<i32>} : memref<4096xi32, #tpu.memory_space<vmem>>, vector<16xi32>,
        tpu.vector_store %arg6[%swap3A_781], %broadcast_in_dim3A_5 {strides = array<i32>} : memref<4096xi32, #tpu.memory_space<vmem>>, vector<16xi32>,
        %mul3A_783 = arith.constant 8 : i32
        %mul3A_784 = arith.muli %scan3A_741, %mul3A_783 : i32
        %add3A_785 = arith.constant 5 : i32
        %add3A_786 = arith.addi %mul3A_784, %add3A_785 : i32
        %mul3A_787 = arith.constant 16 : i32
        %mul3A_788 = arith.muli %add3A_786, %mul3A_787 : i32
        %swap3A_789 = arith.index_cast %mul3A_788 : i32 to index
        %swap3A_790 = tpu.vector_load %arg6[%swap3A_789] {strides = array<i32>} : memref<4096xi32, #tpu.memory_space<vmem>>, vector<16xi32>,
        tpu.vector_store %arg6[%swap3A_789], %broadcast_in_dim3A_5 {strides = array<i32>} : memref<4096xi32, #tpu.memory_space<vmem>>, vector<16xi32>,
        %mul3A_791 = arith.constant 8 : i32
        %mul3A_792 = arith.muli %scan3A_741, %mul3A_791 : i32
        %add3A_793 = arith.constant 6 : i32
        %add3A_794 = arith.addi %mul3A_792, %add3A_793 : i32
        %mul3A_795 = arith.constant 16 : i32
        %mul3A_796 = arith.muli %add3A_794, %mul3A_795 : i32
        %swap3A_797 = arith.index_cast %mul3A_796 : i32 to index
        %swap3A_798 = tpu.vector_load %arg6[%swap3A_797] {strides = array<i32>} : memref<4096xi32, #tpu.memory_space<vmem>>, vector<16xi32>,
        tpu.vector_store %arg6[%swap3A_797], %broadcast_in_dim3A_5 {strides = array<i32>} : memref<4096xi32, #tpu.memory_space<vmem>>, vector<16xi32>,
        %mul3A_799 = arith.constant 8 : i32
        %mul3A_800 = arith.muli %scan3A_741, %mul3A_799 : i32
        %add3A_801 = arith.constant 7 : i32
        %add3A_802 = arith.addi %mul3A_800, %add3A_801 : i32
        %mul3A_803 = arith.constant 16 : i32
        %mul3A_804 = arith.muli %add3A_802, %mul3A_803 : i32
        %swap3A_805 = arith.index_cast %mul3A_804 : i32 to index
        %swap3A_806 = tpu.vector_load %arg6[%swap3A_805] {strides = array<i32>} : memref<4096xi32, #tpu.memory_space<vmem>>, vector<16xi32>,
        tpu.vector_store %arg6[%swap3A_805], %broadcast_in_dim3A_5 {strides = array<i32>} : memref<4096xi32, #tpu.memory_space<vmem>>, vector<16xi32>,
        %scan3A_807 = arith.constant 0 : i32
        scf.yield %scan3A_807 : i32
      }
      %scan3A_227 = arith.constant 32 : i32
      %while3A_228 = arith.constant 255 : i32
      %while3A_229 = arith.constant 0 : i32
      %while3A_230 = arith.constant 0 : i32
      %while3A_231 = arith.subi %select_n3A_220, %while3A_229 : i32
      %while3A_232 = arith.addi %while3A_229, %while3A_231 : i32
      %while3A_233 = arith.constant 1 : i32
      %while3A_234 = arith.divsi %while3A_231, %while3A_233 : i32
      %while3A_235 = arith.muli %while3A_234, %while3A_233 : i32
      %while3A_236 = arith.addi %while3A_229, %while3A_235 : i32
      %while3A_237 = arith.constant 1 : i32
      %while3A_238 = scf.for %while3A_741 = %while3A_229 to %while3A_236 step %while3A_237 iter_args(%while3A_742 = %while3A_230) -> (i32)  : i32 {
        %mul3A_743 = arith.constant 16 : i32
        %mul3A_744 = arith.muli %while3A_741, %mul3A_743 : i32
        %get3A = arith.index_cast %mul3A_744 : i32 to index
        %get3A_745 = tpu.vector_load %arg8[%get3A] {strides = array<i32>} : memref<1024xi32, #tpu.memory_space<vmem>>, vector<16xi32>,
        %shift_right_logical3A = arith.constant 15 : i32
        %shift_right_logical3A_746 = vector.broadcast %shift_right_logical3A : i32 to vector<16xi32>
        %shift_right_logical3A_747 = arith.shrui %get3A_745, %shift_right_logical3A_746 : vector<16xi32>
        %eq3A = vector.broadcast %or3A : i32 to vector<16xi32>
        %eq3A_748 = arith.cmpi eq, %shift_right_logical3A_747, %eq3A : vector<16xi32>
        %shift_right_logical3A_749 = arith.constant 7 : i32
        %shift_right_logical3A_750 = vector.broadcast %shift_right_logical3A_749 : i32 to vector<16xi32>
        %shift_right_logical3A_751 = arith.shrui %get3A_745, %shift_right_logical3A_750 : vector<16xi32>
        %and3A_752 = vector.broadcast %while3A_228 : i32 to vector<16xi32>
        %and3A_753 = arith.andi %shift_right_logical3A_751, %and3A_752 : vector<16xi32>
        %shift_left3A_754 = arith.constant 4 : i32
        %shift_left3A_755 = vector.broadcast %shift_left3A_754 : i32 to vector<16xi32>
        %shift_left3A_756 = arith.shli %and3A_753, %shift_left3A_755 : vector<16xi32>
        %or3A_757 = arith.ori %shift_left3A_756, %iota3A : vector<16xi32>
        tpu.vector_store_idx %arg6[%or3A_757], %broadcast_in_dim3A_3 masked %eq3A_748 {add = true} : memref<4096xi32, #tpu.memory_space<vmem>>[vector<16xi32>], vector<16xi32>, vector<16xi1>
        %while3A_758 = arith.constant 0 : i32
        scf.yield %while3A_758 : i32
      }
      %while3A_239 = arith.constant 1 : i32
      %while3A_240 = scf.for %while3A_741 = %while3A_236 to %while3A_232 step %while3A_239 iter_args(%while3A_742 = %while3A_238) -> (i32)  : i32 {
        %mul3A_743 = arith.constant 16 : i32
        %mul3A_744 = arith.muli %while3A_741, %mul3A_743 : i32
        %get3A = arith.index_cast %mul3A_744 : i32 to index
        %get3A_745 = tpu.vector_load %arg8[%get3A] {strides = array<i32>} : memref<1024xi32, #tpu.memory_space<vmem>>, vector<16xi32>,
        %shift_right_logical3A = arith.constant 15 : i32
        %shift_right_logical3A_746 = vector.broadcast %shift_right_logical3A : i32 to vector<16xi32>
        %shift_right_logical3A_747 = arith.shrui %get3A_745, %shift_right_logical3A_746 : vector<16xi32>
        %eq3A = vector.broadcast %or3A : i32 to vector<16xi32>
        %eq3A_748 = arith.cmpi eq, %shift_right_logical3A_747, %eq3A : vector<16xi32>
        %shift_right_logical3A_749 = arith.constant 7 : i32
        %shift_right_logical3A_750 = vector.broadcast %shift_right_logical3A_749 : i32 to vector<16xi32>
        %shift_right_logical3A_751 = arith.shrui %get3A_745, %shift_right_logical3A_750 : vector<16xi32>
        %and3A_752 = vector.broadcast %while3A_228 : i32 to vector<16xi32>
        %and3A_753 = arith.andi %shift_right_logical3A_751, %and3A_752 : vector<16xi32>
        %shift_left3A_754 = arith.constant 4 : i32
        %shift_left3A_755 = vector.broadcast %shift_left3A_754 : i32 to vector<16xi32>
        %shift_left3A_756 = arith.shli %and3A_753, %shift_left3A_755 : vector<16xi32>
        %or3A_757 = arith.ori %shift_left3A_756, %iota3A : vector<16xi32>
        tpu.vector_store_idx %arg6[%or3A_757], %broadcast_in_dim3A_3 masked %eq3A_748 {add = true} : memref<4096xi32, #tpu.memory_space<vmem>>[vector<16xi32>], vector<16xi32>, vector<16xi1>
        %while3A_758 = arith.constant 0 : i32
        scf.yield %while3A_758 : i32
      }
      %scan3A_241 = arith.constant 0 : i32
      %scan3A_242 = arith.constant 0 : i32
      %scan3A_243 = arith.constant 0 : i32
      %scan3A_244 = arith.constant 0 : i32
      %scan3A_245 = arith.constant 0 : i32
      %scan3A_246 = arith.constant 32 : i32
      %scan3A_247 = arith.addi %scan3A_245, %scan3A_246 : i32
      %scan3A_248 = arith.constant 1 : i32
      %scan3A_249:4 = scf.for %scan3A_741 = %scan3A_245 to %scan3A_247 step %scan3A_248 iter_args(%scan3A_742 = %scan3A_241, %scan3A_743 = %scan3A_242, %scan3A_744 = %scan3A_243, %scan3A_745 = %scan3A_244) -> (i32, i32, i32, i32)  : i32 {
        %sub3A_746 = arith.constant 31 : i32
        %sub3A_747 = arith.subi %sub3A_746, %scan3A_741 : i32
        %mul3A_748 = arith.constant 8 : i32
        %mul3A_749 = arith.muli %sub3A_747, %mul3A_748 : i32
        %mul3A_750 = arith.constant 16 : i32
        %mul3A_751 = arith.muli %mul3A_749, %mul3A_750 : i32
        %get3A = arith.index_cast %mul3A_751 : i32 to index
        %get3A_752 = tpu.vector_load %arg6[%get3A] {strides = array<i32>} : memref<4096xi32, #tpu.memory_space<vmem>>, vector<16xi32>,
        %mul3A_753 = arith.constant 8 : i32
        %mul3A_754 = arith.muli %sub3A_747, %mul3A_753 : i32
        %add3A_755 = arith.constant 1 : i32
        %add3A_756 = arith.addi %mul3A_754, %add3A_755 : i32
        %mul3A_757 = arith.constant 16 : i32
        %mul3A_758 = arith.muli %add3A_756, %mul3A_757 : i32
        %get3A_759 = arith.index_cast %mul3A_758 : i32 to index
        %get3A_760 = tpu.vector_load %arg6[%get3A_759] {strides = array<i32>} : memref<4096xi32, #tpu.memory_space<vmem>>, vector<16xi32>,
        %add3A_761 = arith.addi %get3A_752, %get3A_760 : vector<16xi32>
        %mul3A_762 = arith.constant 8 : i32
        %mul3A_763 = arith.muli %sub3A_747, %mul3A_762 : i32
        %add3A_764 = arith.constant 2 : i32
        %add3A_765 = arith.addi %mul3A_763, %add3A_764 : i32
        %mul3A_766 = arith.constant 16 : i32
        %mul3A_767 = arith.muli %add3A_765, %mul3A_766 : i32
        %get3A_768 = arith.index_cast %mul3A_767 : i32 to index
        %get3A_769 = tpu.vector_load %arg6[%get3A_768] {strides = array<i32>} : memref<4096xi32, #tpu.memory_space<vmem>>, vector<16xi32>,
        %add3A_770 = arith.addi %add3A_761, %get3A_769 : vector<16xi32>
        %mul3A_771 = arith.constant 8 : i32
        %mul3A_772 = arith.muli %sub3A_747, %mul3A_771 : i32
        %add3A_773 = arith.constant 3 : i32
        %add3A_774 = arith.addi %mul3A_772, %add3A_773 : i32
        %mul3A_775 = arith.constant 16 : i32
        %mul3A_776 = arith.muli %add3A_774, %mul3A_775 : i32
        %get3A_777 = arith.index_cast %mul3A_776 : i32 to index
        %get3A_778 = tpu.vector_load %arg6[%get3A_777] {strides = array<i32>} : memref<4096xi32, #tpu.memory_space<vmem>>, vector<16xi32>,
        %add3A_779 = arith.addi %add3A_770, %get3A_778 : vector<16xi32>
        %mul3A_780 = arith.constant 8 : i32
        %mul3A_781 = arith.muli %sub3A_747, %mul3A_780 : i32
        %add3A_782 = arith.constant 4 : i32
        %add3A_783 = arith.addi %mul3A_781, %add3A_782 : i32
        %mul3A_784 = arith.constant 16 : i32
        %mul3A_785 = arith.muli %add3A_783, %mul3A_784 : i32
        %get3A_786 = arith.index_cast %mul3A_785 : i32 to index
        %get3A_787 = tpu.vector_load %arg6[%get3A_786] {strides = array<i32>} : memref<4096xi32, #tpu.memory_space<vmem>>, vector<16xi32>,
        %add3A_788 = arith.addi %add3A_779, %get3A_787 : vector<16xi32>
        %mul3A_789 = arith.constant 8 : i32
        %mul3A_790 = arith.muli %sub3A_747, %mul3A_789 : i32
        %add3A_791 = arith.constant 5 : i32
        %add3A_792 = arith.addi %mul3A_790, %add3A_791 : i32
        %mul3A_793 = arith.constant 16 : i32
        %mul3A_794 = arith.muli %add3A_792, %mul3A_793 : i32
        %get3A_795 = arith.index_cast %mul3A_794 : i32 to index
        %get3A_796 = tpu.vector_load %arg6[%get3A_795] {strides = array<i32>} : memref<4096xi32, #tpu.memory_space<vmem>>, vector<16xi32>,
        %add3A_797 = arith.addi %add3A_788, %get3A_796 : vector<16xi32>
        %mul3A_798 = arith.constant 8 : i32
        %mul3A_799 = arith.muli %sub3A_747, %mul3A_798 : i32
        %add3A_800 = arith.constant 6 : i32
        %add3A_801 = arith.addi %mul3A_799, %add3A_800 : i32
        %mul3A_802 = arith.constant 16 : i32
        %mul3A_803 = arith.muli %add3A_801, %mul3A_802 : i32
        %get3A_804 = arith.index_cast %mul3A_803 : i32 to index
        %get3A_805 = tpu.vector_load %arg6[%get3A_804] {strides = array<i32>} : memref<4096xi32, #tpu.memory_space<vmem>>, vector<16xi32>,
        %add3A_806 = arith.addi %add3A_797, %get3A_805 : vector<16xi32>
        %mul3A_807 = arith.constant 8 : i32
        %mul3A_808 = arith.muli %sub3A_747, %mul3A_807 : i32
        %add3A_809 = arith.constant 7 : i32
        %add3A_810 = arith.addi %mul3A_808, %add3A_809 : i32
        %mul3A_811 = arith.constant 16 : i32
        %mul3A_812 = arith.muli %add3A_810, %mul3A_811 : i32
        %get3A_813 = arith.index_cast %mul3A_812 : i32 to index
        %get3A_814 = tpu.vector_load %arg6[%get3A_813] {strides = array<i32>} : memref<4096xi32, #tpu.memory_space<vmem>>, vector<16xi32>,
        %add3A_815 = arith.addi %add3A_806, %get3A_814 : vector<16xi32>
        %reduce_sum3A = arith.constant true
        %reduce_sum3A_816 = vector.broadcast %reduce_sum3A : i1 to vector<16xi1>
        %reduce_sum3A_817 = tpu.scan <sum>, %add3A_815 masked %reduce_sum3A_816 : vector<16xi32>, vector<16xi1> -> vector<16xi32>
        %reduce_sum3A_818 = vector.extract %reduce_sum3A_817[15] : i32 from vector<16xi32>
        %add3A_819 = arith.addi %scan3A_742, %reduce_sum3A_818 : i32
        %eq3A = arith.constant 0 : i32
        %eq3A_820 = arith.cmpi eq, %scan3A_745, %eq3A : i32
        %ge3A = arith.cmpi sge, %add3A_819, %sub3A_163 : i32
        %and3A_821 = arith.andi %eq3A_820, %ge3A : i1
        %select_n3A_822 = arith.select %and3A_821, %sub3A_747, %scan3A_743 : i32
        %select_n3A_823 = arith.select %and3A_821, %scan3A_742, %scan3A_744 : i32
        %convert_element_type3A_824 = arith.extui %and3A_821 : i1 to i32
        %or3A_825 = arith.ori %scan3A_745, %convert_element_type3A_824 : i32
        scf.yield %add3A_819, %select_n3A_822, %select_n3A_823, %or3A_825 : i32, i32, i32, i32
      }
      %scan3A_250 = arith.constant 32 : i32
      %scan3A_251 = arith.constant 0 : i32
      %scan3A_252 = arith.constant 0 : i32
      %scan3A_253 = arith.constant 0 : i32
      %scan3A_254 = arith.constant 0 : i32
      %scan3A_255 = arith.constant 8 : i32
      %scan3A_256 = arith.addi %scan3A_254, %scan3A_255 : i32
      %scan3A_257 = arith.constant 1 : i32
      %scan3A_258:4 = scf.for %scan3A_741 = %scan3A_254 to %scan3A_256 step %scan3A_257 iter_args(%scan3A_742 = %scan3A_249#2, %scan3A_743 = %scan3A_251, %scan3A_744 = %scan3A_252, %scan3A_745 = %scan3A_253) -> (i32, i32, i32, i32)  : i32 {
        %mul3A_746 = arith.constant 8 : i32
        %mul3A_747 = arith.muli %scan3A_249#1, %mul3A_746 : i32
        %sub3A_748 = arith.constant 7 : i32
        %sub3A_749 = arith.subi %sub3A_748, %scan3A_741 : i32
        %add3A_750 = arith.addi %mul3A_747, %sub3A_749 : i32
        %mul3A_751 = arith.constant 16 : i32
        %mul3A_752 = arith.muli %add3A_750, %mul3A_751 : i32
        %get3A = arith.index_cast %mul3A_752 : i32 to index
        %get3A_753 = tpu.vector_load %arg6[%get3A] {strides = array<i32>} : memref<4096xi32, #tpu.memory_space<vmem>>, vector<16xi32>,
        %reduce_sum3A = arith.constant true
        %reduce_sum3A_754 = vector.broadcast %reduce_sum3A : i1 to vector<16xi1>
        %reduce_sum3A_755 = tpu.scan <sum>, %get3A_753 masked %reduce_sum3A_754 : vector<16xi32>, vector<16xi1> -> vector<16xi32>
        %reduce_sum3A_756 = vector.extract %reduce_sum3A_755[15] : i32 from vector<16xi32>
        %add3A_757 = arith.addi %scan3A_742, %reduce_sum3A_756 : i32
        %eq3A = arith.constant 0 : i32
        %eq3A_758 = arith.cmpi eq, %scan3A_745, %eq3A : i32
        %ge3A = arith.cmpi sge, %add3A_757, %sub3A_163 : i32
        %and3A_759 = arith.andi %eq3A_758, %ge3A : i1
        %select_n3A_760 = arith.select %and3A_759, %add3A_750, %scan3A_743 : i32
        %select_n3A_761 = arith.select %and3A_759, %scan3A_742, %scan3A_744 : i32
        %convert_element_type3A_762 = arith.extui %and3A_759 : i1 to i32
        %or3A_763 = arith.ori %scan3A_745, %convert_element_type3A_762 : i32
        scf.yield %add3A_757, %select_n3A_760, %select_n3A_761, %or3A_763 : i32, i32, i32, i32
      }
      %scan3A_259 = arith.constant 8 : i32
      %shift_left3A_260 = arith.constant 8 : i32
      %shift_left3A_261 = arith.shli %or3A, %shift_left3A_260 : i32
      %or3A_262 = arith.ori %shift_left3A_261, %scan3A_258#1 : i32
      %sub3A_263 = arith.subi %sub3A_163, %scan3A_258#2 : i32
      %broadcast_in_dim3A_264 = arith.constant 0 : i32
      %broadcast_in_dim3A_265 = vector.broadcast %broadcast_in_dim3A_264 : i32 to vector<16xi32>
      %while3A_266 = arith.constant 0 : i32
      %while3A_267 = arith.subi %select_n3A_220, %while3A_266 : i32
      %while3A_268 = arith.addi %while3A_266, %while3A_267 : i32
      %while3A_269 = arith.constant 1 : i32
      %while3A_270 = arith.divsi %while3A_267, %while3A_269 : i32
      %while3A_271 = arith.muli %while3A_270, %while3A_269 : i32
      %while3A_272 = arith.addi %while3A_266, %while3A_271 : i32
      %while3A_273 = arith.constant 1 : i32
      %while3A_274 = scf.for %while3A_741 = %while3A_266 to %while3A_272 step %while3A_273 iter_args(%while3A_742 = %broadcast_in_dim3A_265) -> (vector<16xi32>)  : i32 {
        %mul3A_743 = arith.constant 16 : i32
        %mul3A_744 = arith.muli %while3A_741, %mul3A_743 : i32
        %get3A = arith.index_cast %mul3A_744 : i32 to index
        %get3A_745 = tpu.vector_load %arg8[%get3A] {strides = array<i32>} : memref<1024xi32, #tpu.memory_space<vmem>>, vector<16xi32>,
        %shift_right_logical3A = arith.constant 7 : i32
        %shift_right_logical3A_746 = vector.broadcast %shift_right_logical3A : i32 to vector<16xi32>
        %shift_right_logical3A_747 = arith.shrui %get3A_745, %shift_right_logical3A_746 : vector<16xi32>
        %eq3A = vector.broadcast %or3A_262 : i32 to vector<16xi32>
        %eq3A_748 = arith.cmpi eq, %shift_right_logical3A_747, %eq3A : vector<16xi32>
        %slice3A_749 = vector.extract_strided_slice %while3A_742 {offsets = [0], sizes = [1], strides = [1]} : vector<16xi32> to vector<1xi32>
        %squeeze3A_750 = vector.extract %slice3A_749[0] : i32 from vector<1xi32>
        %swap3A_751 = arith.index_cast %squeeze3A_750 : i32 to index
        %swap3A_752 = tpu.vector_load %arg7[%swap3A_751] masked %eq3A_748 {strides = array<i32>} : memref<22528xi32, #tpu.memory_space<vmem>>, vector<16xi32>, vector<16xi1>
        tpu.vector_store %arg7[%swap3A_751], %get3A_745 masked %eq3A_748 {strides = array<i32>} : memref<22528xi32, #tpu.memory_space<vmem>>, vector<16xi32>, vector<16xi1>
        %all_reduce_population_count3A = tpu.all_reduce %eq3A_748 {dim = 0 : i64, kind = #tpu.reduction_kind<sum>} : vector<16xi1> -> vector<16xi32>
        %add3A_753 = arith.addi %while3A_742, %all_reduce_population_count3A : vector<16xi32>
        %min3A = arith.constant 22464 : i32
        %min3A_754 = vector.broadcast %min3A : i32 to vector<16xi32>
        %min3A_755 = arith.minsi %add3A_753, %min3A_754 : vector<16xi32>
        scf.yield %min3A_755 : vector<16xi32>
      }
      %while3A_275 = arith.constant 1 : i32
      %while3A_276 = scf.for %while3A_741 = %while3A_272 to %while3A_268 step %while3A_275 iter_args(%while3A_742 = %while3A_274) -> (vector<16xi32>)  : i32 {
        %mul3A_743 = arith.constant 16 : i32
        %mul3A_744 = arith.muli %while3A_741, %mul3A_743 : i32
        %get3A = arith.index_cast %mul3A_744 : i32 to index
        %get3A_745 = tpu.vector_load %arg8[%get3A] {strides = array<i32>} : memref<1024xi32, #tpu.memory_space<vmem>>, vector<16xi32>,
        %shift_right_logical3A = arith.constant 7 : i32
        %shift_right_logical3A_746 = vector.broadcast %shift_right_logical3A : i32 to vector<16xi32>
        %shift_right_logical3A_747 = arith.shrui %get3A_745, %shift_right_logical3A_746 : vector<16xi32>
        %eq3A = vector.broadcast %or3A_262 : i32 to vector<16xi32>
        %eq3A_748 = arith.cmpi eq, %shift_right_logical3A_747, %eq3A : vector<16xi32>
        %slice3A_749 = vector.extract_strided_slice %while3A_742 {offsets = [0], sizes = [1], strides = [1]} : vector<16xi32> to vector<1xi32>
        %squeeze3A_750 = vector.extract %slice3A_749[0] : i32 from vector<1xi32>
        %swap3A_751 = arith.index_cast %squeeze3A_750 : i32 to index
        %swap3A_752 = tpu.vector_load %arg7[%swap3A_751] masked %eq3A_748 {strides = array<i32>} : memref<22528xi32, #tpu.memory_space<vmem>>, vector<16xi32>, vector<16xi1>
        tpu.vector_store %arg7[%swap3A_751], %get3A_745 masked %eq3A_748 {strides = array<i32>} : memref<22528xi32, #tpu.memory_space<vmem>>, vector<16xi32>, vector<16xi1>
        %all_reduce_population_count3A = tpu.all_reduce %eq3A_748 {dim = 0 : i64, kind = #tpu.reduction_kind<sum>} : vector<16xi1> -> vector<16xi32>
        %add3A_753 = arith.addi %while3A_742, %all_reduce_population_count3A : vector<16xi32>
        %min3A = arith.constant 22464 : i32
        %min3A_754 = vector.broadcast %min3A : i32 to vector<16xi32>
        %min3A_755 = arith.minsi %add3A_753, %min3A_754 : vector<16xi32>
        scf.yield %min3A_755 : vector<16xi32>
      }
      %slice3A_277 = vector.extract_strided_slice %while3A_276 {offsets = [0], sizes = [1], strides = [1]} : vector<16xi32> to vector<1xi32>
      %squeeze3A_278 = vector.extract %slice3A_277[0] : i32 from vector<1xi32>
      %add3A_279 = arith.constant 0 : i32
      %add3A_280 = arith.addi %squeeze3A_278, %add3A_279 : i32
      %swap3A_281 = arith.index_cast %add3A_280 : i32 to index
      %swap3A_282 = tpu.vector_load %arg7[%swap3A_281] masked %broadcast_in_dim3A_7 {strides = array<i32>} : memref<22528xi32, #tpu.memory_space<vmem>>, vector<16xi32>, vector<16xi1>
      tpu.vector_store %arg7[%swap3A_281], %broadcast_in_dim3A_5 masked %broadcast_in_dim3A_7 {strides = array<i32>} : memref<22528xi32, #tpu.memory_space<vmem>>, vector<16xi32>, vector<16xi1>
      %add3A_283 = arith.constant 16 : i32
      %add3A_284 = arith.addi %squeeze3A_278, %add3A_283 : i32
      %swap3A_285 = arith.index_cast %add3A_284 : i32 to index
      %swap3A_286 = tpu.vector_load %arg7[%swap3A_285] masked %broadcast_in_dim3A_7 {strides = array<i32>} : memref<22528xi32, #tpu.memory_space<vmem>>, vector<16xi32>, vector<16xi1>
      tpu.vector_store %arg7[%swap3A_285], %broadcast_in_dim3A_5 masked %broadcast_in_dim3A_7 {strides = array<i32>} : memref<22528xi32, #tpu.memory_space<vmem>>, vector<16xi32>, vector<16xi1>
      %add3A_287 = arith.constant 32 : i32
      %add3A_288 = arith.addi %squeeze3A_278, %add3A_287 : i32
      %swap3A_289 = arith.index_cast %add3A_288 : i32 to index
      %swap3A_290 = tpu.vector_load %arg7[%swap3A_289] masked %broadcast_in_dim3A_7 {strides = array<i32>} : memref<22528xi32, #tpu.memory_space<vmem>>, vector<16xi32>, vector<16xi1>
      tpu.vector_store %arg7[%swap3A_289], %broadcast_in_dim3A_5 masked %broadcast_in_dim3A_7 {strides = array<i32>} : memref<22528xi32, #tpu.memory_space<vmem>>, vector<16xi32>, vector<16xi1>
      %add3A_291 = arith.constant 48 : i32
      %add3A_292 = arith.addi %squeeze3A_278, %add3A_291 : i32
      %swap3A_293 = arith.index_cast %add3A_292 : i32 to index
      %swap3A_294 = tpu.vector_load %arg7[%swap3A_293] masked %broadcast_in_dim3A_7 {strides = array<i32>} : memref<22528xi32, #tpu.memory_space<vmem>>, vector<16xi32>, vector<16xi1>
      tpu.vector_store %arg7[%swap3A_293], %broadcast_in_dim3A_5 masked %broadcast_in_dim3A_7 {strides = array<i32>} : memref<22528xi32, #tpu.memory_space<vmem>>, vector<16xi32>, vector<16xi1>
      %add3A_295 = arith.constant 15 : i32
      %add3A_296 = arith.addi %squeeze3A_278, %add3A_295 : i32
      %jit3A_297 = arith.constant 16 : i32
      %div3A_298 = arith.divsi %add3A_296, %jit3A_297 : i32
      %sign3A_299 = arith.constant 0 : i32
      %sign3A_300 = arith.cmpi sgt, %add3A_296, %sign3A_299 : i32
      %sign3A_301 = arith.extui %sign3A_300 : i1 to i32
      %sign3A_302 = arith.constant 0 : i32
      %sign3A_303 = arith.cmpi slt, %add3A_296, %sign3A_302 : i32
      %sign3A_304 = arith.extui %sign3A_303 : i1 to i32
      %sign3A_305 = arith.subi %sign3A_301, %sign3A_304 : i32
      %sign3A_306 = arith.constant 0 : i32
      %sign3A_307 = arith.cmpi sgt, %jit3A_297, %sign3A_306 : i32
      %sign3A_308 = arith.extui %sign3A_307 : i1 to i32
      %sign3A_309 = arith.constant 0 : i32
      %sign3A_310 = arith.cmpi slt, %jit3A_297, %sign3A_309 : i32
      %sign3A_311 = arith.extui %sign3A_310 : i1 to i32
      %sign3A_312 = arith.subi %sign3A_308, %sign3A_311 : i32
      %ne3A_313 = arith.cmpi ne, %sign3A_305, %sign3A_312 : i32
      %rem3A_314 = arith.remsi %add3A_296, %jit3A_297 : i32
      %ne3A_315 = arith.constant 0 : i32
      %ne3A_316 = arith.cmpi ne, %rem3A_314, %ne3A_315 : i32
      %and3A_317 = arith.andi %ne3A_313, %ne3A_316 : i1
      %sub3A_318 = arith.constant 1 : i32
      %sub3A_319 = arith.subi %div3A_298, %sub3A_318 : i32
      %select_n3A_320 = arith.select %and3A_317, %sub3A_319, %div3A_298 : i32
      %scan3A_321 = arith.constant 0 : i32
      %scan3A_322 = arith.constant 0 : i32
      %scan3A_323 = arith.constant 16 : i32
      %scan3A_324 = arith.addi %scan3A_322, %scan3A_323 : i32
      %scan3A_325 = arith.constant 1 : i32
      %scan3A_326 = scf.for %scan3A_741 = %scan3A_322 to %scan3A_324 step %scan3A_325 iter_args(%scan3A_742 = %scan3A_321) -> (i32)  : i32 {
        %mul3A_743 = arith.constant 8 : i32
        %mul3A_744 = arith.muli %scan3A_741, %mul3A_743 : i32
        %add3A_745 = arith.constant 0 : i32
        %add3A_746 = arith.addi %mul3A_744, %add3A_745 : i32
        %mul3A_747 = arith.constant 16 : i32
        %mul3A_748 = arith.muli %add3A_746, %mul3A_747 : i32
        %swap3A_749 = arith.index_cast %mul3A_748 : i32 to index
        %swap3A_750 = tpu.vector_load %arg6[%swap3A_749] {strides = array<i32>} : memref<4096xi32, #tpu.memory_space<vmem>>, vector<16xi32>,
        tpu.vector_store %arg6[%swap3A_749], %broadcast_in_dim3A_5 {strides = array<i32>} : memref<4096xi32, #tpu.memory_space<vmem>>, vector<16xi32>,
        %mul3A_751 = arith.constant 8 : i32
        %mul3A_752 = arith.muli %scan3A_741, %mul3A_751 : i32
        %add3A_753 = arith.constant 1 : i32
        %add3A_754 = arith.addi %mul3A_752, %add3A_753 : i32
        %mul3A_755 = arith.constant 16 : i32
        %mul3A_756 = arith.muli %add3A_754, %mul3A_755 : i32
        %swap3A_757 = arith.index_cast %mul3A_756 : i32 to index
        %swap3A_758 = tpu.vector_load %arg6[%swap3A_757] {strides = array<i32>} : memref<4096xi32, #tpu.memory_space<vmem>>, vector<16xi32>,
        tpu.vector_store %arg6[%swap3A_757], %broadcast_in_dim3A_5 {strides = array<i32>} : memref<4096xi32, #tpu.memory_space<vmem>>, vector<16xi32>,
        %mul3A_759 = arith.constant 8 : i32
        %mul3A_760 = arith.muli %scan3A_741, %mul3A_759 : i32
        %add3A_761 = arith.constant 2 : i32
        %add3A_762 = arith.addi %mul3A_760, %add3A_761 : i32
        %mul3A_763 = arith.constant 16 : i32
        %mul3A_764 = arith.muli %add3A_762, %mul3A_763 : i32
        %swap3A_765 = arith.index_cast %mul3A_764 : i32 to index
        %swap3A_766 = tpu.vector_load %arg6[%swap3A_765] {strides = array<i32>} : memref<4096xi32, #tpu.memory_space<vmem>>, vector<16xi32>,
        tpu.vector_store %arg6[%swap3A_765], %broadcast_in_dim3A_5 {strides = array<i32>} : memref<4096xi32, #tpu.memory_space<vmem>>, vector<16xi32>,
        %mul3A_767 = arith.constant 8 : i32
        %mul3A_768 = arith.muli %scan3A_741, %mul3A_767 : i32
        %add3A_769 = arith.constant 3 : i32
        %add3A_770 = arith.addi %mul3A_768, %add3A_769 : i32
        %mul3A_771 = arith.constant 16 : i32
        %mul3A_772 = arith.muli %add3A_770, %mul3A_771 : i32
        %swap3A_773 = arith.index_cast %mul3A_772 : i32 to index
        %swap3A_774 = tpu.vector_load %arg6[%swap3A_773] {strides = array<i32>} : memref<4096xi32, #tpu.memory_space<vmem>>, vector<16xi32>,
        tpu.vector_store %arg6[%swap3A_773], %broadcast_in_dim3A_5 {strides = array<i32>} : memref<4096xi32, #tpu.memory_space<vmem>>, vector<16xi32>,
        %mul3A_775 = arith.constant 8 : i32
        %mul3A_776 = arith.muli %scan3A_741, %mul3A_775 : i32
        %add3A_777 = arith.constant 4 : i32
        %add3A_778 = arith.addi %mul3A_776, %add3A_777 : i32
        %mul3A_779 = arith.constant 16 : i32
        %mul3A_780 = arith.muli %add3A_778, %mul3A_779 : i32
        %swap3A_781 = arith.index_cast %mul3A_780 : i32 to index
        %swap3A_782 = tpu.vector_load %arg6[%swap3A_781] {strides = array<i32>} : memref<4096xi32, #tpu.memory_space<vmem>>, vector<16xi32>,
        tpu.vector_store %arg6[%swap3A_781], %broadcast_in_dim3A_5 {strides = array<i32>} : memref<4096xi32, #tpu.memory_space<vmem>>, vector<16xi32>,
        %mul3A_783 = arith.constant 8 : i32
        %mul3A_784 = arith.muli %scan3A_741, %mul3A_783 : i32
        %add3A_785 = arith.constant 5 : i32
        %add3A_786 = arith.addi %mul3A_784, %add3A_785 : i32
        %mul3A_787 = arith.constant 16 : i32
        %mul3A_788 = arith.muli %add3A_786, %mul3A_787 : i32
        %swap3A_789 = arith.index_cast %mul3A_788 : i32 to index
        %swap3A_790 = tpu.vector_load %arg6[%swap3A_789] {strides = array<i32>} : memref<4096xi32, #tpu.memory_space<vmem>>, vector<16xi32>,
        tpu.vector_store %arg6[%swap3A_789], %broadcast_in_dim3A_5 {strides = array<i32>} : memref<4096xi32, #tpu.memory_space<vmem>>, vector<16xi32>,
        %mul3A_791 = arith.constant 8 : i32
        %mul3A_792 = arith.muli %scan3A_741, %mul3A_791 : i32
        %add3A_793 = arith.constant 6 : i32
        %add3A_794 = arith.addi %mul3A_792, %add3A_793 : i32
        %mul3A_795 = arith.constant 16 : i32
        %mul3A_796 = arith.muli %add3A_794, %mul3A_795 : i32
        %swap3A_797 = arith.index_cast %mul3A_796 : i32 to index
        %swap3A_798 = tpu.vector_load %arg6[%swap3A_797] {strides = array<i32>} : memref<4096xi32, #tpu.memory_space<vmem>>, vector<16xi32>,
        tpu.vector_store %arg6[%swap3A_797], %broadcast_in_dim3A_5 {strides = array<i32>} : memref<4096xi32, #tpu.memory_space<vmem>>, vector<16xi32>,
        %mul3A_799 = arith.constant 8 : i32
        %mul3A_800 = arith.muli %scan3A_741, %mul3A_799 : i32
        %add3A_801 = arith.constant 7 : i32
        %add3A_802 = arith.addi %mul3A_800, %add3A_801 : i32
        %mul3A_803 = arith.constant 16 : i32
        %mul3A_804 = arith.muli %add3A_802, %mul3A_803 : i32
        %swap3A_805 = arith.index_cast %mul3A_804 : i32 to index
        %swap3A_806 = tpu.vector_load %arg6[%swap3A_805] {strides = array<i32>} : memref<4096xi32, #tpu.memory_space<vmem>>, vector<16xi32>,
        tpu.vector_store %arg6[%swap3A_805], %broadcast_in_dim3A_5 {strides = array<i32>} : memref<4096xi32, #tpu.memory_space<vmem>>, vector<16xi32>,
        %scan3A_807 = arith.constant 0 : i32
        scf.yield %scan3A_807 : i32
      }
      %scan3A_327 = arith.constant 16 : i32
      %while3A_328 = arith.constant 127 : i32
      %while3A_329 = arith.constant 0 : i32
      %while3A_330 = arith.constant 0 : i32
      %while3A_331 = arith.subi %select_n3A_320, %while3A_329 : i32
      %while3A_332 = arith.addi %while3A_329, %while3A_331 : i32
      %while3A_333 = arith.constant 1 : i32
      %while3A_334 = arith.divsi %while3A_331, %while3A_333 : i32
      %while3A_335 = arith.muli %while3A_334, %while3A_333 : i32
      %while3A_336 = arith.addi %while3A_329, %while3A_335 : i32
      %while3A_337 = arith.constant 1 : i32
      %while3A_338 = scf.for %while3A_741 = %while3A_329 to %while3A_336 step %while3A_337 iter_args(%while3A_742 = %while3A_330) -> (i32)  : i32 {
        %mul3A_743 = arith.constant 16 : i32
        %mul3A_744 = arith.muli %while3A_741, %mul3A_743 : i32
        %get3A = arith.index_cast %mul3A_744 : i32 to index
        %get3A_745 = tpu.vector_load %arg7[%get3A] {strides = array<i32>} : memref<22528xi32, #tpu.memory_space<vmem>>, vector<16xi32>,
        %shift_right_logical3A = arith.constant 7 : i32
        %shift_right_logical3A_746 = vector.broadcast %shift_right_logical3A : i32 to vector<16xi32>
        %shift_right_logical3A_747 = arith.shrui %get3A_745, %shift_right_logical3A_746 : vector<16xi32>
        %eq3A = vector.broadcast %or3A_262 : i32 to vector<16xi32>
        %eq3A_748 = arith.cmpi eq, %shift_right_logical3A_747, %eq3A : vector<16xi32>
        %shift_right_logical3A_749 = arith.constant 0 : i32
        %shift_right_logical3A_750 = vector.broadcast %shift_right_logical3A_749 : i32 to vector<16xi32>
        %shift_right_logical3A_751 = arith.shrui %get3A_745, %shift_right_logical3A_750 : vector<16xi32>
        %and3A_752 = vector.broadcast %while3A_328 : i32 to vector<16xi32>
        %and3A_753 = arith.andi %shift_right_logical3A_751, %and3A_752 : vector<16xi32>
        %shift_left3A_754 = arith.constant 4 : i32
        %shift_left3A_755 = vector.broadcast %shift_left3A_754 : i32 to vector<16xi32>
        %shift_left3A_756 = arith.shli %and3A_753, %shift_left3A_755 : vector<16xi32>
        %or3A_757 = arith.ori %shift_left3A_756, %iota3A : vector<16xi32>
        tpu.vector_store_idx %arg6[%or3A_757], %broadcast_in_dim3A_3 masked %eq3A_748 {add = true} : memref<4096xi32, #tpu.memory_space<vmem>>[vector<16xi32>], vector<16xi32>, vector<16xi1>
        %while3A_758 = arith.constant 0 : i32
        scf.yield %while3A_758 : i32
      }
      %while3A_339 = arith.constant 1 : i32
      %while3A_340 = scf.for %while3A_741 = %while3A_336 to %while3A_332 step %while3A_339 iter_args(%while3A_742 = %while3A_338) -> (i32)  : i32 {
        %mul3A_743 = arith.constant 16 : i32
        %mul3A_744 = arith.muli %while3A_741, %mul3A_743 : i32
        %get3A = arith.index_cast %mul3A_744 : i32 to index
        %get3A_745 = tpu.vector_load %arg7[%get3A] {strides = array<i32>} : memref<22528xi32, #tpu.memory_space<vmem>>, vector<16xi32>,
        %shift_right_logical3A = arith.constant 7 : i32
        %shift_right_logical3A_746 = vector.broadcast %shift_right_logical3A : i32 to vector<16xi32>
        %shift_right_logical3A_747 = arith.shrui %get3A_745, %shift_right_logical3A_746 : vector<16xi32>
        %eq3A = vector.broadcast %or3A_262 : i32 to vector<16xi32>
        %eq3A_748 = arith.cmpi eq, %shift_right_logical3A_747, %eq3A : vector<16xi32>
        %shift_right_logical3A_749 = arith.constant 0 : i32
        %shift_right_logical3A_750 = vector.broadcast %shift_right_logical3A_749 : i32 to vector<16xi32>
        %shift_right_logical3A_751 = arith.shrui %get3A_745, %shift_right_logical3A_750 : vector<16xi32>
        %and3A_752 = vector.broadcast %while3A_328 : i32 to vector<16xi32>
        %and3A_753 = arith.andi %shift_right_logical3A_751, %and3A_752 : vector<16xi32>
        %shift_left3A_754 = arith.constant 4 : i32
        %shift_left3A_755 = vector.broadcast %shift_left3A_754 : i32 to vector<16xi32>
        %shift_left3A_756 = arith.shli %and3A_753, %shift_left3A_755 : vector<16xi32>
        %or3A_757 = arith.ori %shift_left3A_756, %iota3A : vector<16xi32>
        tpu.vector_store_idx %arg6[%or3A_757], %broadcast_in_dim3A_3 masked %eq3A_748 {add = true} : memref<4096xi32, #tpu.memory_space<vmem>>[vector<16xi32>], vector<16xi32>, vector<16xi1>
        %while3A_758 = arith.constant 0 : i32
        scf.yield %while3A_758 : i32
      }
      %scan3A_341 = arith.constant 0 : i32
      %scan3A_342 = arith.constant 0 : i32
      %scan3A_343 = arith.constant 0 : i32
      %scan3A_344 = arith.constant 0 : i32
      %scan3A_345 = arith.constant 0 : i32
      %scan3A_346 = arith.constant 16 : i32
      %scan3A_347 = arith.addi %scan3A_345, %scan3A_346 : i32
      %scan3A_348 = arith.constant 1 : i32
      %scan3A_349:4 = scf.for %scan3A_741 = %scan3A_345 to %scan3A_347 step %scan3A_348 iter_args(%scan3A_742 = %scan3A_341, %scan3A_743 = %scan3A_342, %scan3A_744 = %scan3A_343, %scan3A_745 = %scan3A_344) -> (i32, i32, i32, i32)  : i32 {
        %sub3A_746 = arith.constant 15 : i32
        %sub3A_747 = arith.subi %sub3A_746, %scan3A_741 : i32
        %mul3A_748 = arith.constant 8 : i32
        %mul3A_749 = arith.muli %sub3A_747, %mul3A_748 : i32
        %mul3A_750 = arith.constant 16 : i32
        %mul3A_751 = arith.muli %mul3A_749, %mul3A_750 : i32
        %get3A = arith.index_cast %mul3A_751 : i32 to index
        %get3A_752 = tpu.vector_load %arg6[%get3A] {strides = array<i32>} : memref<4096xi32, #tpu.memory_space<vmem>>, vector<16xi32>,
        %mul3A_753 = arith.constant 8 : i32
        %mul3A_754 = arith.muli %sub3A_747, %mul3A_753 : i32
        %add3A_755 = arith.constant 1 : i32
        %add3A_756 = arith.addi %mul3A_754, %add3A_755 : i32
        %mul3A_757 = arith.constant 16 : i32
        %mul3A_758 = arith.muli %add3A_756, %mul3A_757 : i32
        %get3A_759 = arith.index_cast %mul3A_758 : i32 to index
        %get3A_760 = tpu.vector_load %arg6[%get3A_759] {strides = array<i32>} : memref<4096xi32, #tpu.memory_space<vmem>>, vector<16xi32>,
        %add3A_761 = arith.addi %get3A_752, %get3A_760 : vector<16xi32>
        %mul3A_762 = arith.constant 8 : i32
        %mul3A_763 = arith.muli %sub3A_747, %mul3A_762 : i32
        %add3A_764 = arith.constant 2 : i32
        %add3A_765 = arith.addi %mul3A_763, %add3A_764 : i32
        %mul3A_766 = arith.constant 16 : i32
        %mul3A_767 = arith.muli %add3A_765, %mul3A_766 : i32
        %get3A_768 = arith.index_cast %mul3A_767 : i32 to index
        %get3A_769 = tpu.vector_load %arg6[%get3A_768] {strides = array<i32>} : memref<4096xi32, #tpu.memory_space<vmem>>, vector<16xi32>,
        %add3A_770 = arith.addi %add3A_761, %get3A_769 : vector<16xi32>
        %mul3A_771 = arith.constant 8 : i32
        %mul3A_772 = arith.muli %sub3A_747, %mul3A_771 : i32
        %add3A_773 = arith.constant 3 : i32
        %add3A_774 = arith.addi %mul3A_772, %add3A_773 : i32
        %mul3A_775 = arith.constant 16 : i32
        %mul3A_776 = arith.muli %add3A_774, %mul3A_775 : i32
        %get3A_777 = arith.index_cast %mul3A_776 : i32 to index
        %get3A_778 = tpu.vector_load %arg6[%get3A_777] {strides = array<i32>} : memref<4096xi32, #tpu.memory_space<vmem>>, vector<16xi32>,
        %add3A_779 = arith.addi %add3A_770, %get3A_778 : vector<16xi32>
        %mul3A_780 = arith.constant 8 : i32
        %mul3A_781 = arith.muli %sub3A_747, %mul3A_780 : i32
        %add3A_782 = arith.constant 4 : i32
        %add3A_783 = arith.addi %mul3A_781, %add3A_782 : i32
        %mul3A_784 = arith.constant 16 : i32
        %mul3A_785 = arith.muli %add3A_783, %mul3A_784 : i32
        %get3A_786 = arith.index_cast %mul3A_785 : i32 to index
        %get3A_787 = tpu.vector_load %arg6[%get3A_786] {strides = array<i32>} : memref<4096xi32, #tpu.memory_space<vmem>>, vector<16xi32>,
        %add3A_788 = arith.addi %add3A_779, %get3A_787 : vector<16xi32>
        %mul3A_789 = arith.constant 8 : i32
        %mul3A_790 = arith.muli %sub3A_747, %mul3A_789 : i32
        %add3A_791 = arith.constant 5 : i32
        %add3A_792 = arith.addi %mul3A_790, %add3A_791 : i32
        %mul3A_793 = arith.constant 16 : i32
        %mul3A_794 = arith.muli %add3A_792, %mul3A_793 : i32
        %get3A_795 = arith.index_cast %mul3A_794 : i32 to index
        %get3A_796 = tpu.vector_load %arg6[%get3A_795] {strides = array<i32>} : memref<4096xi32, #tpu.memory_space<vmem>>, vector<16xi32>,
        %add3A_797 = arith.addi %add3A_788, %get3A_796 : vector<16xi32>
        %mul3A_798 = arith.constant 8 : i32
        %mul3A_799 = arith.muli %sub3A_747, %mul3A_798 : i32
        %add3A_800 = arith.constant 6 : i32
        %add3A_801 = arith.addi %mul3A_799, %add3A_800 : i32
        %mul3A_802 = arith.constant 16 : i32
        %mul3A_803 = arith.muli %add3A_801, %mul3A_802 : i32
        %get3A_804 = arith.index_cast %mul3A_803 : i32 to index
        %get3A_805 = tpu.vector_load %arg6[%get3A_804] {strides = array<i32>} : memref<4096xi32, #tpu.memory_space<vmem>>, vector<16xi32>,
        %add3A_806 = arith.addi %add3A_797, %get3A_805 : vector<16xi32>
        %mul3A_807 = arith.constant 8 : i32
        %mul3A_808 = arith.muli %sub3A_747, %mul3A_807 : i32
        %add3A_809 = arith.constant 7 : i32
        %add3A_810 = arith.addi %mul3A_808, %add3A_809 : i32
        %mul3A_811 = arith.constant 16 : i32
        %mul3A_812 = arith.muli %add3A_810, %mul3A_811 : i32
        %get3A_813 = arith.index_cast %mul3A_812 : i32 to index
        %get3A_814 = tpu.vector_load %arg6[%get3A_813] {strides = array<i32>} : memref<4096xi32, #tpu.memory_space<vmem>>, vector<16xi32>,
        %add3A_815 = arith.addi %add3A_806, %get3A_814 : vector<16xi32>
        %reduce_sum3A = arith.constant true
        %reduce_sum3A_816 = vector.broadcast %reduce_sum3A : i1 to vector<16xi1>
        %reduce_sum3A_817 = tpu.scan <sum>, %add3A_815 masked %reduce_sum3A_816 : vector<16xi32>, vector<16xi1> -> vector<16xi32>
        %reduce_sum3A_818 = vector.extract %reduce_sum3A_817[15] : i32 from vector<16xi32>
        %add3A_819 = arith.addi %scan3A_742, %reduce_sum3A_818 : i32
        %eq3A = arith.constant 0 : i32
        %eq3A_820 = arith.cmpi eq, %scan3A_745, %eq3A : i32
        %ge3A = arith.cmpi sge, %add3A_819, %sub3A_263 : i32
        %and3A_821 = arith.andi %eq3A_820, %ge3A : i1
        %select_n3A_822 = arith.select %and3A_821, %sub3A_747, %scan3A_743 : i32
        %select_n3A_823 = arith.select %and3A_821, %scan3A_742, %scan3A_744 : i32
        %convert_element_type3A_824 = arith.extui %and3A_821 : i1 to i32
        %or3A_825 = arith.ori %scan3A_745, %convert_element_type3A_824 : i32
        scf.yield %add3A_819, %select_n3A_822, %select_n3A_823, %or3A_825 : i32, i32, i32, i32
      }
      %scan3A_350 = arith.constant 16 : i32
      %scan3A_351 = arith.constant 0 : i32
      %scan3A_352 = arith.constant 0 : i32
      %scan3A_353 = arith.constant 0 : i32
      %scan3A_354 = arith.constant 0 : i32
      %scan3A_355 = arith.constant 8 : i32
      %scan3A_356 = arith.addi %scan3A_354, %scan3A_355 : i32
      %scan3A_357 = arith.constant 1 : i32
      %scan3A_358:4 = scf.for %scan3A_741 = %scan3A_354 to %scan3A_356 step %scan3A_357 iter_args(%scan3A_742 = %scan3A_349#2, %scan3A_743 = %scan3A_351, %scan3A_744 = %scan3A_352, %scan3A_745 = %scan3A_353) -> (i32, i32, i32, i32)  : i32 {
        %mul3A_746 = arith.constant 8 : i32
        %mul3A_747 = arith.muli %scan3A_349#1, %mul3A_746 : i32
        %sub3A_748 = arith.constant 7 : i32
        %sub3A_749 = arith.subi %sub3A_748, %scan3A_741 : i32
        %add3A_750 = arith.addi %mul3A_747, %sub3A_749 : i32
        %mul3A_751 = arith.constant 16 : i32
        %mul3A_752 = arith.muli %add3A_750, %mul3A_751 : i32
        %get3A = arith.index_cast %mul3A_752 : i32 to index
        %get3A_753 = tpu.vector_load %arg6[%get3A] {strides = array<i32>} : memref<4096xi32, #tpu.memory_space<vmem>>, vector<16xi32>,
        %reduce_sum3A = arith.constant true
        %reduce_sum3A_754 = vector.broadcast %reduce_sum3A : i1 to vector<16xi1>
        %reduce_sum3A_755 = tpu.scan <sum>, %get3A_753 masked %reduce_sum3A_754 : vector<16xi32>, vector<16xi1> -> vector<16xi32>
        %reduce_sum3A_756 = vector.extract %reduce_sum3A_755[15] : i32 from vector<16xi32>
        %add3A_757 = arith.addi %scan3A_742, %reduce_sum3A_756 : i32
        %eq3A = arith.constant 0 : i32
        %eq3A_758 = arith.cmpi eq, %scan3A_745, %eq3A : i32
        %ge3A = arith.cmpi sge, %add3A_757, %sub3A_263 : i32
        %and3A_759 = arith.andi %eq3A_758, %ge3A : i1
        %select_n3A_760 = arith.select %and3A_759, %add3A_750, %scan3A_743 : i32
        %select_n3A_761 = arith.select %and3A_759, %scan3A_742, %scan3A_744 : i32
        %convert_element_type3A_762 = arith.extui %and3A_759 : i1 to i32
        %or3A_763 = arith.ori %scan3A_745, %convert_element_type3A_762 : i32
        scf.yield %add3A_757, %select_n3A_760, %select_n3A_761, %or3A_763 : i32, i32, i32, i32
      }
      %scan3A_359 = arith.constant 8 : i32
      %shift_left3A_360 = arith.constant 7 : i32
      %shift_left3A_361 = arith.shli %or3A_262, %shift_left3A_360 : i32
      %or3A_362 = arith.ori %shift_left3A_361, %scan3A_358#1 : i32
      %sub3A_363 = arith.subi %sub3A_263, %scan3A_358#2 : i32
      %scan3A_364 = arith.constant 0 : i32
      %scan3A_365 = arith.constant 0 : i32
      %scan3A_366 = arith.constant 392 : i32
      %scan3A_367 = arith.addi %scan3A_365, %scan3A_366 : i32
      %scan3A_368 = arith.constant 1 : i32
      %scan3A_369 = scf.for %scan3A_741 = %scan3A_365 to %scan3A_367 step %scan3A_368 iter_args(%scan3A_742 = %scan3A_364) -> (i32)  : i32 {
        %mul3A_743 = arith.constant 8 : i32
        %mul3A_744 = arith.muli %scan3A_741, %mul3A_743 : i32
        %add3A_745 = arith.constant 0 : i32
        %add3A_746 = arith.addi %mul3A_744, %add3A_745 : i32
        %mul3A_747 = arith.constant 16 : i32
        %mul3A_748 = arith.muli %add3A_746, %mul3A_747 : i32
        %get3A = arith.index_cast %mul3A_748 : i32 to index
        %get3A_749 = tpu.vector_load %arg4[%get3A] {strides = array<i32>} : memref<50176xf32, #tpu.memory_space<vmem>>, vector<16xf32>,
        %bitcast3A = vector.bitcast %get3A_749 : vector<16xf32> to vector<16xi32>
        %and3A_750 = vector.broadcast %scan3A : i32 to vector<16xi32>
        %and3A_751 = arith.andi %bitcast3A, %and3A_750 : vector<16xi32>
        %ge3A = vector.broadcast %or3A_362 : i32 to vector<16xi32>
        %ge3A_752 = arith.cmpi sge, %and3A_751, %ge3A : vector<16xi32>
        %jit3A_753 = arith.constant 0.000000e+00 : f32
        %broadcast_in_dim3A_754 = vector.broadcast %jit3A_753 : f32 to vector<16xf32>
        %select_n3A_755 = arith.select %ge3A_752, %get3A_749, %broadcast_in_dim3A_754 : vector<16xi1>, vector<16xf32>
        %swap3A_756 = arith.index_cast %mul3A_748 : i32 to index
        %swap3A_757 = tpu.vector_load %arg4[%swap3A_756] {strides = array<i32>} : memref<50176xf32, #tpu.memory_space<vmem>>, vector<16xf32>,
        tpu.vector_store %arg4[%swap3A_756], %select_n3A_755 {strides = array<i32>} : memref<50176xf32, #tpu.memory_space<vmem>>, vector<16xf32>,
        %mul3A_758 = arith.constant 8 : i32
        %mul3A_759 = arith.muli %scan3A_741, %mul3A_758 : i32
        %add3A_760 = arith.constant 1 : i32
        %add3A_761 = arith.addi %mul3A_759, %add3A_760 : i32
        %mul3A_762 = arith.constant 16 : i32
        %mul3A_763 = arith.muli %add3A_761, %mul3A_762 : i32
        %get3A_764 = arith.index_cast %mul3A_763 : i32 to index
        %get3A_765 = tpu.vector_load %arg4[%get3A_764] {strides = array<i32>} : memref<50176xf32, #tpu.memory_space<vmem>>, vector<16xf32>,
        %bitcast3A_766 = vector.bitcast %get3A_765 : vector<16xf32> to vector<16xi32>
        %and3A_767 = vector.broadcast %scan3A : i32 to vector<16xi32>
        %and3A_768 = arith.andi %bitcast3A_766, %and3A_767 : vector<16xi32>
        %ge3A_769 = vector.broadcast %or3A_362 : i32 to vector<16xi32>
        %ge3A_770 = arith.cmpi sge, %and3A_768, %ge3A_769 : vector<16xi32>
        %jit3A_771 = arith.constant 0.000000e+00 : f32
        %broadcast_in_dim3A_772 = vector.broadcast %jit3A_771 : f32 to vector<16xf32>
        %select_n3A_773 = arith.select %ge3A_770, %get3A_765, %broadcast_in_dim3A_772 : vector<16xi1>, vector<16xf32>
        %swap3A_774 = arith.index_cast %mul3A_763 : i32 to index
        %swap3A_775 = tpu.vector_load %arg4[%swap3A_774] {strides = array<i32>} : memref<50176xf32, #tpu.memory_space<vmem>>, vector<16xf32>,
        tpu.vector_store %arg4[%swap3A_774], %select_n3A_773 {strides = array<i32>} : memref<50176xf32, #tpu.memory_space<vmem>>, vector<16xf32>,
        %mul3A_776 = arith.constant 8 : i32
        %mul3A_777 = arith.muli %scan3A_741, %mul3A_776 : i32
        %add3A_778 = arith.constant 2 : i32
        %add3A_779 = arith.addi %mul3A_777, %add3A_778 : i32
        %mul3A_780 = arith.constant 16 : i32
        %mul3A_781 = arith.muli %add3A_779, %mul3A_780 : i32
        %get3A_782 = arith.index_cast %mul3A_781 : i32 to index
        %get3A_783 = tpu.vector_load %arg4[%get3A_782] {strides = array<i32>} : memref<50176xf32, #tpu.memory_space<vmem>>, vector<16xf32>,
        %bitcast3A_784 = vector.bitcast %get3A_783 : vector<16xf32> to vector<16xi32>
        %and3A_785 = vector.broadcast %scan3A : i32 to vector<16xi32>
        %and3A_786 = arith.andi %bitcast3A_784, %and3A_785 : vector<16xi32>
        %ge3A_787 = vector.broadcast %or3A_362 : i32 to vector<16xi32>
        %ge3A_788 = arith.cmpi sge, %and3A_786, %ge3A_787 : vector<16xi32>
        %jit3A_789 = arith.constant 0.000000e+00 : f32
        %broadcast_in_dim3A_790 = vector.broadcast %jit3A_789 : f32 to vector<16xf32>
        %select_n3A_791 = arith.select %ge3A_788, %get3A_783, %broadcast_in_dim3A_790 : vector<16xi1>, vector<16xf32>
        %swap3A_792 = arith.index_cast %mul3A_781 : i32 to index
        %swap3A_793 = tpu.vector_load %arg4[%swap3A_792] {strides = array<i32>} : memref<50176xf32, #tpu.memory_space<vmem>>, vector<16xf32>,
        tpu.vector_store %arg4[%swap3A_792], %select_n3A_791 {strides = array<i32>} : memref<50176xf32, #tpu.memory_space<vmem>>, vector<16xf32>,
        %mul3A_794 = arith.constant 8 : i32
        %mul3A_795 = arith.muli %scan3A_741, %mul3A_794 : i32
        %add3A_796 = arith.constant 3 : i32
        %add3A_797 = arith.addi %mul3A_795, %add3A_796 : i32
        %mul3A_798 = arith.constant 16 : i32
        %mul3A_799 = arith.muli %add3A_797, %mul3A_798 : i32
        %get3A_800 = arith.index_cast %mul3A_799 : i32 to index
        %get3A_801 = tpu.vector_load %arg4[%get3A_800] {strides = array<i32>} : memref<50176xf32, #tpu.memory_space<vmem>>, vector<16xf32>,
        %bitcast3A_802 = vector.bitcast %get3A_801 : vector<16xf32> to vector<16xi32>
        %and3A_803 = vector.broadcast %scan3A : i32 to vector<16xi32>
        %and3A_804 = arith.andi %bitcast3A_802, %and3A_803 : vector<16xi32>
        %ge3A_805 = vector.broadcast %or3A_362 : i32 to vector<16xi32>
        %ge3A_806 = arith.cmpi sge, %and3A_804, %ge3A_805 : vector<16xi32>
        %jit3A_807 = arith.constant 0.000000e+00 : f32
        %broadcast_in_dim3A_808 = vector.broadcast %jit3A_807 : f32 to vector<16xf32>
        %select_n3A_809 = arith.select %ge3A_806, %get3A_801, %broadcast_in_dim3A_808 : vector<16xi1>, vector<16xf32>
        %swap3A_810 = arith.index_cast %mul3A_799 : i32 to index
        %swap3A_811 = tpu.vector_load %arg4[%swap3A_810] {strides = array<i32>} : memref<50176xf32, #tpu.memory_space<vmem>>, vector<16xf32>,
        tpu.vector_store %arg4[%swap3A_810], %select_n3A_809 {strides = array<i32>} : memref<50176xf32, #tpu.memory_space<vmem>>, vector<16xf32>,
        %mul3A_812 = arith.constant 8 : i32
        %mul3A_813 = arith.muli %scan3A_741, %mul3A_812 : i32
        %add3A_814 = arith.constant 4 : i32
        %add3A_815 = arith.addi %mul3A_813, %add3A_814 : i32
        %mul3A_816 = arith.constant 16 : i32
        %mul3A_817 = arith.muli %add3A_815, %mul3A_816 : i32
        %get3A_818 = arith.index_cast %mul3A_817 : i32 to index
        %get3A_819 = tpu.vector_load %arg4[%get3A_818] {strides = array<i32>} : memref<50176xf32, #tpu.memory_space<vmem>>, vector<16xf32>,
        %bitcast3A_820 = vector.bitcast %get3A_819 : vector<16xf32> to vector<16xi32>
        %and3A_821 = vector.broadcast %scan3A : i32 to vector<16xi32>
        %and3A_822 = arith.andi %bitcast3A_820, %and3A_821 : vector<16xi32>
        %ge3A_823 = vector.broadcast %or3A_362 : i32 to vector<16xi32>
        %ge3A_824 = arith.cmpi sge, %and3A_822, %ge3A_823 : vector<16xi32>
        %jit3A_825 = arith.constant 0.000000e+00 : f32
        %broadcast_in_dim3A_826 = vector.broadcast %jit3A_825 : f32 to vector<16xf32>
        %select_n3A_827 = arith.select %ge3A_824, %get3A_819, %broadcast_in_dim3A_826 : vector<16xi1>, vector<16xf32>
        %swap3A_828 = arith.index_cast %mul3A_817 : i32 to index
        %swap3A_829 = tpu.vector_load %arg4[%swap3A_828] {strides = array<i32>} : memref<50176xf32, #tpu.memory_space<vmem>>, vector<16xf32>,
        tpu.vector_store %arg4[%swap3A_828], %select_n3A_827 {strides = array<i32>} : memref<50176xf32, #tpu.memory_space<vmem>>, vector<16xf32>,
        %mul3A_830 = arith.constant 8 : i32
        %mul3A_831 = arith.muli %scan3A_741, %mul3A_830 : i32
        %add3A_832 = arith.constant 5 : i32
        %add3A_833 = arith.addi %mul3A_831, %add3A_832 : i32
        %mul3A_834 = arith.constant 16 : i32
        %mul3A_835 = arith.muli %add3A_833, %mul3A_834 : i32
        %get3A_836 = arith.index_cast %mul3A_835 : i32 to index
        %get3A_837 = tpu.vector_load %arg4[%get3A_836] {strides = array<i32>} : memref<50176xf32, #tpu.memory_space<vmem>>, vector<16xf32>,
        %bitcast3A_838 = vector.bitcast %get3A_837 : vector<16xf32> to vector<16xi32>
        %and3A_839 = vector.broadcast %scan3A : i32 to vector<16xi32>
        %and3A_840 = arith.andi %bitcast3A_838, %and3A_839 : vector<16xi32>
        %ge3A_841 = vector.broadcast %or3A_362 : i32 to vector<16xi32>
        %ge3A_842 = arith.cmpi sge, %and3A_840, %ge3A_841 : vector<16xi32>
        %jit3A_843 = arith.constant 0.000000e+00 : f32
        %broadcast_in_dim3A_844 = vector.broadcast %jit3A_843 : f32 to vector<16xf32>
        %select_n3A_845 = arith.select %ge3A_842, %get3A_837, %broadcast_in_dim3A_844 : vector<16xi1>, vector<16xf32>
        %swap3A_846 = arith.index_cast %mul3A_835 : i32 to index
        %swap3A_847 = tpu.vector_load %arg4[%swap3A_846] {strides = array<i32>} : memref<50176xf32, #tpu.memory_space<vmem>>, vector<16xf32>,
        tpu.vector_store %arg4[%swap3A_846], %select_n3A_845 {strides = array<i32>} : memref<50176xf32, #tpu.memory_space<vmem>>, vector<16xf32>,
        %mul3A_848 = arith.constant 8 : i32
        %mul3A_849 = arith.muli %scan3A_741, %mul3A_848 : i32
        %add3A_850 = arith.constant 6 : i32
        %add3A_851 = arith.addi %mul3A_849, %add3A_850 : i32
        %mul3A_852 = arith.constant 16 : i32
        %mul3A_853 = arith.muli %add3A_851, %mul3A_852 : i32
        %get3A_854 = arith.index_cast %mul3A_853 : i32 to index
        %get3A_855 = tpu.vector_load %arg4[%get3A_854] {strides = array<i32>} : memref<50176xf32, #tpu.memory_space<vmem>>, vector<16xf32>,
        %bitcast3A_856 = vector.bitcast %get3A_855 : vector<16xf32> to vector<16xi32>
        %and3A_857 = vector.broadcast %scan3A : i32 to vector<16xi32>
        %and3A_858 = arith.andi %bitcast3A_856, %and3A_857 : vector<16xi32>
        %ge3A_859 = vector.broadcast %or3A_362 : i32 to vector<16xi32>
        %ge3A_860 = arith.cmpi sge, %and3A_858, %ge3A_859 : vector<16xi32>
        %jit3A_861 = arith.constant 0.000000e+00 : f32
        %broadcast_in_dim3A_862 = vector.broadcast %jit3A_861 : f32 to vector<16xf32>
        %select_n3A_863 = arith.select %ge3A_860, %get3A_855, %broadcast_in_dim3A_862 : vector<16xi1>, vector<16xf32>
        %swap3A_864 = arith.index_cast %mul3A_853 : i32 to index
        %swap3A_865 = tpu.vector_load %arg4[%swap3A_864] {strides = array<i32>} : memref<50176xf32, #tpu.memory_space<vmem>>, vector<16xf32>,
        tpu.vector_store %arg4[%swap3A_864], %select_n3A_863 {strides = array<i32>} : memref<50176xf32, #tpu.memory_space<vmem>>, vector<16xf32>,
        %mul3A_866 = arith.constant 8 : i32
        %mul3A_867 = arith.muli %scan3A_741, %mul3A_866 : i32
        %add3A_868 = arith.constant 7 : i32
        %add3A_869 = arith.addi %mul3A_867, %add3A_868 : i32
        %mul3A_870 = arith.constant 16 : i32
        %mul3A_871 = arith.muli %add3A_869, %mul3A_870 : i32
        %get3A_872 = arith.index_cast %mul3A_871 : i32 to index
        %get3A_873 = tpu.vector_load %arg4[%get3A_872] {strides = array<i32>} : memref<50176xf32, #tpu.memory_space<vmem>>, vector<16xf32>,
        %bitcast3A_874 = vector.bitcast %get3A_873 : vector<16xf32> to vector<16xi32>
        %and3A_875 = vector.broadcast %scan3A : i32 to vector<16xi32>
        %and3A_876 = arith.andi %bitcast3A_874, %and3A_875 : vector<16xi32>
        %ge3A_877 = vector.broadcast %or3A_362 : i32 to vector<16xi32>
        %ge3A_878 = arith.cmpi sge, %and3A_876, %ge3A_877 : vector<16xi32>
        %jit3A_879 = arith.constant 0.000000e+00 : f32
        %broadcast_in_dim3A_880 = vector.broadcast %jit3A_879 : f32 to vector<16xf32>
        %select_n3A_881 = arith.select %ge3A_878, %get3A_873, %broadcast_in_dim3A_880 : vector<16xi1>, vector<16xf32>
        %swap3A_882 = arith.index_cast %mul3A_871 : i32 to index
        %swap3A_883 = tpu.vector_load %arg4[%swap3A_882] {strides = array<i32>} : memref<50176xf32, #tpu.memory_space<vmem>>, vector<16xf32>,
        tpu.vector_store %arg4[%swap3A_882], %select_n3A_881 {strides = array<i32>} : memref<50176xf32, #tpu.memory_space<vmem>>, vector<16xf32>,
        %scan3A_884 = arith.constant 0 : i32
        scf.yield %scan3A_884 : i32
      }
      %scan3A_370 = arith.constant 392 : i32
      %dma_start3A_371 = arith.constant 0 : i32
      %dma_start3A_372 = tpu.memref_slice %arg3[%add3A_29, %dma_start3A_371] : memref<384x50176xf32, #tpu.memory_space<hbm>> -> memref<1x50176xf32, #tpu.memory_space<hbm>>
      %dma_start3A_373 = tpu.memref_squeeze %dma_start3A_372 : memref<1x50176xf32, #tpu.memory_space<hbm>> -> memref<50176xf32, #tpu.memory_space<hbm>>
      %dma_start3A_374 = arith.constant 0 : i32
      %dma_start3A_375 = tpu.memref_slice %arg3[%add3A_29, %dma_start3A_374] : memref<384x50176xf32, #tpu.memory_space<hbm>> -> memref<1x50176xf32, #tpu.memory_space<hbm>>
      %dma_start3A_376 = tpu.memref_squeeze %dma_start3A_375 : memref<1x50176xf32, #tpu.memory_space<hbm>> -> memref<50176xf32, #tpu.memory_space<hbm>>
      tpu.enqueue_dma source(%arg4 : memref<50176xf32, #tpu.memory_space<vmem>>) target(%dma_start3A_376 : memref<50176xf32, #tpu.memory_space<hbm>>) target_semaphore(%arg11 : memref<!tpu.dma_semaphore, #tpu.memory_space<semaphore_mem>>)
      %dma_wait3A_377 = arith.constant 0 : i32
      %dma_wait3A_378 = tpu.memref_slice %arg2[%mul3A_2, %dma_wait3A_377] : memref<384x50176xf32, #tpu.memory_space<hbm>> -> memref<1x50176xf32, #tpu.memory_space<hbm>>
      %dma_wait3A_379 = tpu.memref_squeeze %dma_wait3A_378 : memref<1x50176xf32, #tpu.memory_space<hbm>> -> memref<50176xf32, #tpu.memory_space<hbm>>
      %dma_wait3A_380 = arith.constant 0 : i32
      %dma_wait3A_381 = tpu.memref_slice %arg2[%mul3A_2, %dma_wait3A_380] : memref<384x50176xf32, #tpu.memory_space<hbm>> -> memref<1x50176xf32, #tpu.memory_space<hbm>>
      %dma_wait3A_382 = tpu.memref_squeeze %dma_wait3A_381 : memref<1x50176xf32, #tpu.memory_space<hbm>> -> memref<50176xf32, #tpu.memory_space<hbm>>
      tpu.wait_dma2 semaphore(%arg10 : memref<!tpu.dma_semaphore, #tpu.memory_space<semaphore_mem>>) src(%dma_wait3A_382 : memref<50176xf32, #tpu.memory_space<hbm>>) dst(%arg5 : memref<50176xf32, #tpu.memory_space<vmem>>)
      %scan3A_383 = arith.constant 0 : i32
      %scan3A_384 = arith.constant 0 : i32
      %scan3A_385 = arith.constant 32 : i32
      %scan3A_386 = arith.addi %scan3A_384, %scan3A_385 : i32
      %scan3A_387 = arith.constant 1 : i32
      %scan3A_388 = scf.for %scan3A_741 = %scan3A_384 to %scan3A_386 step %scan3A_387 iter_args(%scan3A_742 = %scan3A_383) -> (i32)  : i32 {
        %mul3A_743 = arith.constant 8 : i32
        %mul3A_744 = arith.muli %scan3A_741, %mul3A_743 : i32
        %add3A_745 = arith.constant 0 : i32
        %add3A_746 = arith.addi %mul3A_744, %add3A_745 : i32
        %mul3A_747 = arith.constant 16 : i32
        %mul3A_748 = arith.muli %add3A_746, %mul3A_747 : i32
        %swap3A_749 = arith.index_cast %mul3A_748 : i32 to index
        %swap3A_750 = tpu.vector_load %arg6[%swap3A_749] {strides = array<i32>} : memref<4096xi32, #tpu.memory_space<vmem>>, vector<16xi32>,
        tpu.vector_store %arg6[%swap3A_749], %broadcast_in_dim3A_5 {strides = array<i32>} : memref<4096xi32, #tpu.memory_space<vmem>>, vector<16xi32>,
        %mul3A_751 = arith.constant 8 : i32
        %mul3A_752 = arith.muli %scan3A_741, %mul3A_751 : i32
        %add3A_753 = arith.constant 1 : i32
        %add3A_754 = arith.addi %mul3A_752, %add3A_753 : i32
        %mul3A_755 = arith.constant 16 : i32
        %mul3A_756 = arith.muli %add3A_754, %mul3A_755 : i32
        %swap3A_757 = arith.index_cast %mul3A_756 : i32 to index
        %swap3A_758 = tpu.vector_load %arg6[%swap3A_757] {strides = array<i32>} : memref<4096xi32, #tpu.memory_space<vmem>>, vector<16xi32>,
        tpu.vector_store %arg6[%swap3A_757], %broadcast_in_dim3A_5 {strides = array<i32>} : memref<4096xi32, #tpu.memory_space<vmem>>, vector<16xi32>,
        %mul3A_759 = arith.constant 8 : i32
        %mul3A_760 = arith.muli %scan3A_741, %mul3A_759 : i32
        %add3A_761 = arith.constant 2 : i32
        %add3A_762 = arith.addi %mul3A_760, %add3A_761 : i32
        %mul3A_763 = arith.constant 16 : i32
        %mul3A_764 = arith.muli %add3A_762, %mul3A_763 : i32
        %swap3A_765 = arith.index_cast %mul3A_764 : i32 to index
        %swap3A_766 = tpu.vector_load %arg6[%swap3A_765] {strides = array<i32>} : memref<4096xi32, #tpu.memory_space<vmem>>, vector<16xi32>,
        tpu.vector_store %arg6[%swap3A_765], %broadcast_in_dim3A_5 {strides = array<i32>} : memref<4096xi32, #tpu.memory_space<vmem>>, vector<16xi32>,
        %mul3A_767 = arith.constant 8 : i32
        %mul3A_768 = arith.muli %scan3A_741, %mul3A_767 : i32
        %add3A_769 = arith.constant 3 : i32
        %add3A_770 = arith.addi %mul3A_768, %add3A_769 : i32
        %mul3A_771 = arith.constant 16 : i32
        %mul3A_772 = arith.muli %add3A_770, %mul3A_771 : i32
        %swap3A_773 = arith.index_cast %mul3A_772 : i32 to index
        %swap3A_774 = tpu.vector_load %arg6[%swap3A_773] {strides = array<i32>} : memref<4096xi32, #tpu.memory_space<vmem>>, vector<16xi32>,
        tpu.vector_store %arg6[%swap3A_773], %broadcast_in_dim3A_5 {strides = array<i32>} : memref<4096xi32, #tpu.memory_space<vmem>>, vector<16xi32>,
        %mul3A_775 = arith.constant 8 : i32
        %mul3A_776 = arith.muli %scan3A_741, %mul3A_775 : i32
        %add3A_777 = arith.constant 4 : i32
        %add3A_778 = arith.addi %mul3A_776, %add3A_777 : i32
        %mul3A_779 = arith.constant 16 : i32
        %mul3A_780 = arith.muli %add3A_778, %mul3A_779 : i32
        %swap3A_781 = arith.index_cast %mul3A_780 : i32 to index
        %swap3A_782 = tpu.vector_load %arg6[%swap3A_781] {strides = array<i32>} : memref<4096xi32, #tpu.memory_space<vmem>>, vector<16xi32>,
        tpu.vector_store %arg6[%swap3A_781], %broadcast_in_dim3A_5 {strides = array<i32>} : memref<4096xi32, #tpu.memory_space<vmem>>, vector<16xi32>,
        %mul3A_783 = arith.constant 8 : i32
        %mul3A_784 = arith.muli %scan3A_741, %mul3A_783 : i32
        %add3A_785 = arith.constant 5 : i32
        %add3A_786 = arith.addi %mul3A_784, %add3A_785 : i32
        %mul3A_787 = arith.constant 16 : i32
        %mul3A_788 = arith.muli %add3A_786, %mul3A_787 : i32
        %swap3A_789 = arith.index_cast %mul3A_788 : i32 to index
        %swap3A_790 = tpu.vector_load %arg6[%swap3A_789] {strides = array<i32>} : memref<4096xi32, #tpu.memory_space<vmem>>, vector<16xi32>,
        tpu.vector_store %arg6[%swap3A_789], %broadcast_in_dim3A_5 {strides = array<i32>} : memref<4096xi32, #tpu.memory_space<vmem>>, vector<16xi32>,
        %mul3A_791 = arith.constant 8 : i32
        %mul3A_792 = arith.muli %scan3A_741, %mul3A_791 : i32
        %add3A_793 = arith.constant 6 : i32
        %add3A_794 = arith.addi %mul3A_792, %add3A_793 : i32
        %mul3A_795 = arith.constant 16 : i32
        %mul3A_796 = arith.muli %add3A_794, %mul3A_795 : i32
        %swap3A_797 = arith.index_cast %mul3A_796 : i32 to index
        %swap3A_798 = tpu.vector_load %arg6[%swap3A_797] {strides = array<i32>} : memref<4096xi32, #tpu.memory_space<vmem>>, vector<16xi32>,
        tpu.vector_store %arg6[%swap3A_797], %broadcast_in_dim3A_5 {strides = array<i32>} : memref<4096xi32, #tpu.memory_space<vmem>>, vector<16xi32>,
        %mul3A_799 = arith.constant 8 : i32
        %mul3A_800 = arith.muli %scan3A_741, %mul3A_799 : i32
        %add3A_801 = arith.constant 7 : i32
        %add3A_802 = arith.addi %mul3A_800, %add3A_801 : i32
        %mul3A_803 = arith.constant 16 : i32
        %mul3A_804 = arith.muli %add3A_802, %mul3A_803 : i32
        %swap3A_805 = arith.index_cast %mul3A_804 : i32 to index
        %swap3A_806 = tpu.vector_load %arg6[%swap3A_805] {strides = array<i32>} : memref<4096xi32, #tpu.memory_space<vmem>>, vector<16xi32>,
        tpu.vector_store %arg6[%swap3A_805], %broadcast_in_dim3A_5 {strides = array<i32>} : memref<4096xi32, #tpu.memory_space<vmem>>, vector<16xi32>,
        %scan3A_807 = arith.constant 0 : i32
        scf.yield %scan3A_807 : i32
      }
      %scan3A_389 = arith.constant 32 : i32
      %scan3A_390 = arith.constant 0 : i32
      %scan3A_391 = arith.constant 0 : i32
      %scan3A_392 = arith.constant 392 : i32
      %scan3A_393 = arith.addi %scan3A_391, %scan3A_392 : i32
      %scan3A_394 = arith.constant 1 : i32
      %scan3A_395 = scf.for %scan3A_741 = %scan3A_391 to %scan3A_393 step %scan3A_394 iter_args(%scan3A_742 = %scan3A_390) -> (i32)  : i32 {
        %mul3A_743 = arith.constant 8 : i32
        %mul3A_744 = arith.muli %scan3A_741, %mul3A_743 : i32
        %add3A_745 = arith.constant 0 : i32
        %add3A_746 = arith.addi %mul3A_744, %add3A_745 : i32
        %mul3A_747 = arith.constant 16 : i32
        %mul3A_748 = arith.muli %add3A_746, %mul3A_747 : i32
        %get3A = arith.index_cast %mul3A_748 : i32 to index
        %get3A_749 = tpu.vector_load %arg5[%get3A] {strides = array<i32>} : memref<50176xf32, #tpu.memory_space<vmem>>, vector<16xf32>,
        %bitcast3A = vector.bitcast %get3A_749 : vector<16xf32> to vector<16xi32>
        %and3A_750 = vector.broadcast %scan3A : i32 to vector<16xi32>
        %and3A_751 = arith.andi %bitcast3A, %and3A_750 : vector<16xi32>
        %shift_right_logical3A = arith.constant 19 : i32
        %shift_right_logical3A_752 = vector.broadcast %shift_right_logical3A : i32 to vector<16xi32>
        %shift_right_logical3A_753 = arith.shrui %and3A_751, %shift_right_logical3A_752 : vector<16xi32>
        %and3A_754 = arith.constant 4080 : i32
        %and3A_755 = vector.broadcast %and3A_754 : i32 to vector<16xi32>
        %and3A_756 = arith.andi %shift_right_logical3A_753, %and3A_755 : vector<16xi32>
        %or3A_757 = arith.ori %and3A_756, %iota3A : vector<16xi32>
        tpu.vector_store_idx %arg6[%or3A_757], %broadcast_in_dim3A_3 {add = true} : memref<4096xi32, #tpu.memory_space<vmem>>[vector<16xi32>], vector<16xi32>,
        %mul3A_758 = arith.constant 8 : i32
        %mul3A_759 = arith.muli %scan3A_741, %mul3A_758 : i32
        %add3A_760 = arith.constant 1 : i32
        %add3A_761 = arith.addi %mul3A_759, %add3A_760 : i32
        %mul3A_762 = arith.constant 16 : i32
        %mul3A_763 = arith.muli %add3A_761, %mul3A_762 : i32
        %get3A_764 = arith.index_cast %mul3A_763 : i32 to index
        %get3A_765 = tpu.vector_load %arg5[%get3A_764] {strides = array<i32>} : memref<50176xf32, #tpu.memory_space<vmem>>, vector<16xf32>,
        %bitcast3A_766 = vector.bitcast %get3A_765 : vector<16xf32> to vector<16xi32>
        %and3A_767 = vector.broadcast %scan3A : i32 to vector<16xi32>
        %and3A_768 = arith.andi %bitcast3A_766, %and3A_767 : vector<16xi32>
        %shift_right_logical3A_769 = arith.constant 19 : i32
        %shift_right_logical3A_770 = vector.broadcast %shift_right_logical3A_769 : i32 to vector<16xi32>
        %shift_right_logical3A_771 = arith.shrui %and3A_768, %shift_right_logical3A_770 : vector<16xi32>
        %and3A_772 = arith.constant 4080 : i32
        %and3A_773 = vector.broadcast %and3A_772 : i32 to vector<16xi32>
        %and3A_774 = arith.andi %shift_right_logical3A_771, %and3A_773 : vector<16xi32>
        %or3A_775 = arith.ori %and3A_774, %iota3A : vector<16xi32>
        tpu.vector_store_idx %arg6[%or3A_775], %broadcast_in_dim3A_3 {add = true} : memref<4096xi32, #tpu.memory_space<vmem>>[vector<16xi32>], vector<16xi32>,
        %mul3A_776 = arith.constant 8 : i32
        %mul3A_777 = arith.muli %scan3A_741, %mul3A_776 : i32
        %add3A_778 = arith.constant 2 : i32
        %add3A_779 = arith.addi %mul3A_777, %add3A_778 : i32
        %mul3A_780 = arith.constant 16 : i32
        %mul3A_781 = arith.muli %add3A_779, %mul3A_780 : i32
        %get3A_782 = arith.index_cast %mul3A_781 : i32 to index
        %get3A_783 = tpu.vector_load %arg5[%get3A_782] {strides = array<i32>} : memref<50176xf32, #tpu.memory_space<vmem>>, vector<16xf32>,
        %bitcast3A_784 = vector.bitcast %get3A_783 : vector<16xf32> to vector<16xi32>
        %and3A_785 = vector.broadcast %scan3A : i32 to vector<16xi32>
        %and3A_786 = arith.andi %bitcast3A_784, %and3A_785 : vector<16xi32>
        %shift_right_logical3A_787 = arith.constant 19 : i32
        %shift_right_logical3A_788 = vector.broadcast %shift_right_logical3A_787 : i32 to vector<16xi32>
        %shift_right_logical3A_789 = arith.shrui %and3A_786, %shift_right_logical3A_788 : vector<16xi32>
        %and3A_790 = arith.constant 4080 : i32
        %and3A_791 = vector.broadcast %and3A_790 : i32 to vector<16xi32>
        %and3A_792 = arith.andi %shift_right_logical3A_789, %and3A_791 : vector<16xi32>
        %or3A_793 = arith.ori %and3A_792, %iota3A : vector<16xi32>
        tpu.vector_store_idx %arg6[%or3A_793], %broadcast_in_dim3A_3 {add = true} : memref<4096xi32, #tpu.memory_space<vmem>>[vector<16xi32>], vector<16xi32>,
        %mul3A_794 = arith.constant 8 : i32
        %mul3A_795 = arith.muli %scan3A_741, %mul3A_794 : i32
        %add3A_796 = arith.constant 3 : i32
        %add3A_797 = arith.addi %mul3A_795, %add3A_796 : i32
        %mul3A_798 = arith.constant 16 : i32
        %mul3A_799 = arith.muli %add3A_797, %mul3A_798 : i32
        %get3A_800 = arith.index_cast %mul3A_799 : i32 to index
        %get3A_801 = tpu.vector_load %arg5[%get3A_800] {strides = array<i32>} : memref<50176xf32, #tpu.memory_space<vmem>>, vector<16xf32>,
        %bitcast3A_802 = vector.bitcast %get3A_801 : vector<16xf32> to vector<16xi32>
        %and3A_803 = vector.broadcast %scan3A : i32 to vector<16xi32>
        %and3A_804 = arith.andi %bitcast3A_802, %and3A_803 : vector<16xi32>
        %shift_right_logical3A_805 = arith.constant 19 : i32
        %shift_right_logical3A_806 = vector.broadcast %shift_right_logical3A_805 : i32 to vector<16xi32>
        %shift_right_logical3A_807 = arith.shrui %and3A_804, %shift_right_logical3A_806 : vector<16xi32>
        %and3A_808 = arith.constant 4080 : i32
        %and3A_809 = vector.broadcast %and3A_808 : i32 to vector<16xi32>
        %and3A_810 = arith.andi %shift_right_logical3A_807, %and3A_809 : vector<16xi32>
        %or3A_811 = arith.ori %and3A_810, %iota3A : vector<16xi32>
        tpu.vector_store_idx %arg6[%or3A_811], %broadcast_in_dim3A_3 {add = true} : memref<4096xi32, #tpu.memory_space<vmem>>[vector<16xi32>], vector<16xi32>,
        %mul3A_812 = arith.constant 8 : i32
        %mul3A_813 = arith.muli %scan3A_741, %mul3A_812 : i32
        %add3A_814 = arith.constant 4 : i32
        %add3A_815 = arith.addi %mul3A_813, %add3A_814 : i32
        %mul3A_816 = arith.constant 16 : i32
        %mul3A_817 = arith.muli %add3A_815, %mul3A_816 : i32
        %get3A_818 = arith.index_cast %mul3A_817 : i32 to index
        %get3A_819 = tpu.vector_load %arg5[%get3A_818] {strides = array<i32>} : memref<50176xf32, #tpu.memory_space<vmem>>, vector<16xf32>,
        %bitcast3A_820 = vector.bitcast %get3A_819 : vector<16xf32> to vector<16xi32>
        %and3A_821 = vector.broadcast %scan3A : i32 to vector<16xi32>
        %and3A_822 = arith.andi %bitcast3A_820, %and3A_821 : vector<16xi32>
        %shift_right_logical3A_823 = arith.constant 19 : i32
        %shift_right_logical3A_824 = vector.broadcast %shift_right_logical3A_823 : i32 to vector<16xi32>
        %shift_right_logical3A_825 = arith.shrui %and3A_822, %shift_right_logical3A_824 : vector<16xi32>
        %and3A_826 = arith.constant 4080 : i32
        %and3A_827 = vector.broadcast %and3A_826 : i32 to vector<16xi32>
        %and3A_828 = arith.andi %shift_right_logical3A_825, %and3A_827 : vector<16xi32>
        %or3A_829 = arith.ori %and3A_828, %iota3A : vector<16xi32>
        tpu.vector_store_idx %arg6[%or3A_829], %broadcast_in_dim3A_3 {add = true} : memref<4096xi32, #tpu.memory_space<vmem>>[vector<16xi32>], vector<16xi32>,
        %mul3A_830 = arith.constant 8 : i32
        %mul3A_831 = arith.muli %scan3A_741, %mul3A_830 : i32
        %add3A_832 = arith.constant 5 : i32
        %add3A_833 = arith.addi %mul3A_831, %add3A_832 : i32
        %mul3A_834 = arith.constant 16 : i32
        %mul3A_835 = arith.muli %add3A_833, %mul3A_834 : i32
        %get3A_836 = arith.index_cast %mul3A_835 : i32 to index
        %get3A_837 = tpu.vector_load %arg5[%get3A_836] {strides = array<i32>} : memref<50176xf32, #tpu.memory_space<vmem>>, vector<16xf32>,
        %bitcast3A_838 = vector.bitcast %get3A_837 : vector<16xf32> to vector<16xi32>
        %and3A_839 = vector.broadcast %scan3A : i32 to vector<16xi32>
        %and3A_840 = arith.andi %bitcast3A_838, %and3A_839 : vector<16xi32>
        %shift_right_logical3A_841 = arith.constant 19 : i32
        %shift_right_logical3A_842 = vector.broadcast %shift_right_logical3A_841 : i32 to vector<16xi32>
        %shift_right_logical3A_843 = arith.shrui %and3A_840, %shift_right_logical3A_842 : vector<16xi32>
        %and3A_844 = arith.constant 4080 : i32
        %and3A_845 = vector.broadcast %and3A_844 : i32 to vector<16xi32>
        %and3A_846 = arith.andi %shift_right_logical3A_843, %and3A_845 : vector<16xi32>
        %or3A_847 = arith.ori %and3A_846, %iota3A : vector<16xi32>
        tpu.vector_store_idx %arg6[%or3A_847], %broadcast_in_dim3A_3 {add = true} : memref<4096xi32, #tpu.memory_space<vmem>>[vector<16xi32>], vector<16xi32>,
        %mul3A_848 = arith.constant 8 : i32
        %mul3A_849 = arith.muli %scan3A_741, %mul3A_848 : i32
        %add3A_850 = arith.constant 6 : i32
        %add3A_851 = arith.addi %mul3A_849, %add3A_850 : i32
        %mul3A_852 = arith.constant 16 : i32
        %mul3A_853 = arith.muli %add3A_851, %mul3A_852 : i32
        %get3A_854 = arith.index_cast %mul3A_853 : i32 to index
        %get3A_855 = tpu.vector_load %arg5[%get3A_854] {strides = array<i32>} : memref<50176xf32, #tpu.memory_space<vmem>>, vector<16xf32>,
        %bitcast3A_856 = vector.bitcast %get3A_855 : vector<16xf32> to vector<16xi32>
        %and3A_857 = vector.broadcast %scan3A : i32 to vector<16xi32>
        %and3A_858 = arith.andi %bitcast3A_856, %and3A_857 : vector<16xi32>
        %shift_right_logical3A_859 = arith.constant 19 : i32
        %shift_right_logical3A_860 = vector.broadcast %shift_right_logical3A_859 : i32 to vector<16xi32>
        %shift_right_logical3A_861 = arith.shrui %and3A_858, %shift_right_logical3A_860 : vector<16xi32>
        %and3A_862 = arith.constant 4080 : i32
        %and3A_863 = vector.broadcast %and3A_862 : i32 to vector<16xi32>
        %and3A_864 = arith.andi %shift_right_logical3A_861, %and3A_863 : vector<16xi32>
        %or3A_865 = arith.ori %and3A_864, %iota3A : vector<16xi32>
        tpu.vector_store_idx %arg6[%or3A_865], %broadcast_in_dim3A_3 {add = true} : memref<4096xi32, #tpu.memory_space<vmem>>[vector<16xi32>], vector<16xi32>,
        %mul3A_866 = arith.constant 8 : i32
        %mul3A_867 = arith.muli %scan3A_741, %mul3A_866 : i32
        %add3A_868 = arith.constant 7 : i32
        %add3A_869 = arith.addi %mul3A_867, %add3A_868 : i32
        %mul3A_870 = arith.constant 16 : i32
        %mul3A_871 = arith.muli %add3A_869, %mul3A_870 : i32
        %get3A_872 = arith.index_cast %mul3A_871 : i32 to index
        %get3A_873 = tpu.vector_load %arg5[%get3A_872] {strides = array<i32>} : memref<50176xf32, #tpu.memory_space<vmem>>, vector<16xf32>,
        %bitcast3A_874 = vector.bitcast %get3A_873 : vector<16xf32> to vector<16xi32>
        %and3A_875 = vector.broadcast %scan3A : i32 to vector<16xi32>
        %and3A_876 = arith.andi %bitcast3A_874, %and3A_875 : vector<16xi32>
        %shift_right_logical3A_877 = arith.constant 19 : i32
        %shift_right_logical3A_878 = vector.broadcast %shift_right_logical3A_877 : i32 to vector<16xi32>
        %shift_right_logical3A_879 = arith.shrui %and3A_876, %shift_right_logical3A_878 : vector<16xi32>
        %and3A_880 = arith.constant 4080 : i32
        %and3A_881 = vector.broadcast %and3A_880 : i32 to vector<16xi32>
        %and3A_882 = arith.andi %shift_right_logical3A_879, %and3A_881 : vector<16xi32>
        %or3A_883 = arith.ori %and3A_882, %iota3A : vector<16xi32>
        tpu.vector_store_idx %arg6[%or3A_883], %broadcast_in_dim3A_3 {add = true} : memref<4096xi32, #tpu.memory_space<vmem>>[vector<16xi32>], vector<16xi32>,
        %scan3A_884 = arith.constant 0 : i32
        scf.yield %scan3A_884 : i32
      }
      %scan3A_396 = arith.constant 392 : i32
      %scan3A_397 = arith.constant 5017 : i32
      %scan3A_398 = arith.constant 0 : i32
      %scan3A_399 = arith.constant 0 : i32
      %scan3A_400 = arith.constant 0 : i32
      %scan3A_401 = arith.constant 0 : i32
      %scan3A_402 = arith.constant 0 : i32
      %scan3A_403 = arith.constant 32 : i32
      %scan3A_404 = arith.addi %scan3A_402, %scan3A_403 : i32
      %scan3A_405 = arith.constant 1 : i32
      %scan3A_406:4 = scf.for %scan3A_741 = %scan3A_402 to %scan3A_404 step %scan3A_405 iter_args(%scan3A_742 = %scan3A_398, %scan3A_743 = %scan3A_399, %scan3A_744 = %scan3A_400, %scan3A_745 = %scan3A_401) -> (i32, i32, i32, i32)  : i32 {
        %sub3A_746 = arith.constant 31 : i32
        %sub3A_747 = arith.subi %sub3A_746, %scan3A_741 : i32
        %mul3A_748 = arith.constant 8 : i32
        %mul3A_749 = arith.muli %sub3A_747, %mul3A_748 : i32
        %mul3A_750 = arith.constant 16 : i32
        %mul3A_751 = arith.muli %mul3A_749, %mul3A_750 : i32
        %get3A = arith.index_cast %mul3A_751 : i32 to index
        %get3A_752 = tpu.vector_load %arg6[%get3A] {strides = array<i32>} : memref<4096xi32, #tpu.memory_space<vmem>>, vector<16xi32>,
        %mul3A_753 = arith.constant 8 : i32
        %mul3A_754 = arith.muli %sub3A_747, %mul3A_753 : i32
        %add3A_755 = arith.constant 1 : i32
        %add3A_756 = arith.addi %mul3A_754, %add3A_755 : i32
        %mul3A_757 = arith.constant 16 : i32
        %mul3A_758 = arith.muli %add3A_756, %mul3A_757 : i32
        %get3A_759 = arith.index_cast %mul3A_758 : i32 to index
        %get3A_760 = tpu.vector_load %arg6[%get3A_759] {strides = array<i32>} : memref<4096xi32, #tpu.memory_space<vmem>>, vector<16xi32>,
        %add3A_761 = arith.addi %get3A_752, %get3A_760 : vector<16xi32>
        %mul3A_762 = arith.constant 8 : i32
        %mul3A_763 = arith.muli %sub3A_747, %mul3A_762 : i32
        %add3A_764 = arith.constant 2 : i32
        %add3A_765 = arith.addi %mul3A_763, %add3A_764 : i32
        %mul3A_766 = arith.constant 16 : i32
        %mul3A_767 = arith.muli %add3A_765, %mul3A_766 : i32
        %get3A_768 = arith.index_cast %mul3A_767 : i32 to index
        %get3A_769 = tpu.vector_load %arg6[%get3A_768] {strides = array<i32>} : memref<4096xi32, #tpu.memory_space<vmem>>, vector<16xi32>,
        %add3A_770 = arith.addi %add3A_761, %get3A_769 : vector<16xi32>
        %mul3A_771 = arith.constant 8 : i32
        %mul3A_772 = arith.muli %sub3A_747, %mul3A_771 : i32
        %add3A_773 = arith.constant 3 : i32
        %add3A_774 = arith.addi %mul3A_772, %add3A_773 : i32
        %mul3A_775 = arith.constant 16 : i32
        %mul3A_776 = arith.muli %add3A_774, %mul3A_775 : i32
        %get3A_777 = arith.index_cast %mul3A_776 : i32 to index
        %get3A_778 = tpu.vector_load %arg6[%get3A_777] {strides = array<i32>} : memref<4096xi32, #tpu.memory_space<vmem>>, vector<16xi32>,
        %add3A_779 = arith.addi %add3A_770, %get3A_778 : vector<16xi32>
        %mul3A_780 = arith.constant 8 : i32
        %mul3A_781 = arith.muli %sub3A_747, %mul3A_780 : i32
        %add3A_782 = arith.constant 4 : i32
        %add3A_783 = arith.addi %mul3A_781, %add3A_782 : i32
        %mul3A_784 = arith.constant 16 : i32
        %mul3A_785 = arith.muli %add3A_783, %mul3A_784 : i32
        %get3A_786 = arith.index_cast %mul3A_785 : i32 to index
        %get3A_787 = tpu.vector_load %arg6[%get3A_786] {strides = array<i32>} : memref<4096xi32, #tpu.memory_space<vmem>>, vector<16xi32>,
        %add3A_788 = arith.addi %add3A_779, %get3A_787 : vector<16xi32>
        %mul3A_789 = arith.constant 8 : i32
        %mul3A_790 = arith.muli %sub3A_747, %mul3A_789 : i32
        %add3A_791 = arith.constant 5 : i32
        %add3A_792 = arith.addi %mul3A_790, %add3A_791 : i32
        %mul3A_793 = arith.constant 16 : i32
        %mul3A_794 = arith.muli %add3A_792, %mul3A_793 : i32
        %get3A_795 = arith.index_cast %mul3A_794 : i32 to index
        %get3A_796 = tpu.vector_load %arg6[%get3A_795] {strides = array<i32>} : memref<4096xi32, #tpu.memory_space<vmem>>, vector<16xi32>,
        %add3A_797 = arith.addi %add3A_788, %get3A_796 : vector<16xi32>
        %mul3A_798 = arith.constant 8 : i32
        %mul3A_799 = arith.muli %sub3A_747, %mul3A_798 : i32
        %add3A_800 = arith.constant 6 : i32
        %add3A_801 = arith.addi %mul3A_799, %add3A_800 : i32
        %mul3A_802 = arith.constant 16 : i32
        %mul3A_803 = arith.muli %add3A_801, %mul3A_802 : i32
        %get3A_804 = arith.index_cast %mul3A_803 : i32 to index
        %get3A_805 = tpu.vector_load %arg6[%get3A_804] {strides = array<i32>} : memref<4096xi32, #tpu.memory_space<vmem>>, vector<16xi32>,
        %add3A_806 = arith.addi %add3A_797, %get3A_805 : vector<16xi32>
        %mul3A_807 = arith.constant 8 : i32
        %mul3A_808 = arith.muli %sub3A_747, %mul3A_807 : i32
        %add3A_809 = arith.constant 7 : i32
        %add3A_810 = arith.addi %mul3A_808, %add3A_809 : i32
        %mul3A_811 = arith.constant 16 : i32
        %mul3A_812 = arith.muli %add3A_810, %mul3A_811 : i32
        %get3A_813 = arith.index_cast %mul3A_812 : i32 to index
        %get3A_814 = tpu.vector_load %arg6[%get3A_813] {strides = array<i32>} : memref<4096xi32, #tpu.memory_space<vmem>>, vector<16xi32>,
        %add3A_815 = arith.addi %add3A_806, %get3A_814 : vector<16xi32>
        %reduce_sum3A = arith.constant true
        %reduce_sum3A_816 = vector.broadcast %reduce_sum3A : i1 to vector<16xi1>
        %reduce_sum3A_817 = tpu.scan <sum>, %add3A_815 masked %reduce_sum3A_816 : vector<16xi32>, vector<16xi1> -> vector<16xi32>
        %reduce_sum3A_818 = vector.extract %reduce_sum3A_817[15] : i32 from vector<16xi32>
        %add3A_819 = arith.addi %scan3A_742, %reduce_sum3A_818 : i32
        %eq3A = arith.constant 0 : i32
        %eq3A_820 = arith.cmpi eq, %scan3A_745, %eq3A : i32
        %ge3A = arith.cmpi sge, %add3A_819, %scan3A_397 : i32
        %and3A_821 = arith.andi %eq3A_820, %ge3A : i1
        %select_n3A_822 = arith.select %and3A_821, %sub3A_747, %scan3A_743 : i32
        %select_n3A_823 = arith.select %and3A_821, %scan3A_742, %scan3A_744 : i32
        %convert_element_type3A_824 = arith.extui %and3A_821 : i1 to i32
        %or3A_825 = arith.ori %scan3A_745, %convert_element_type3A_824 : i32
        scf.yield %add3A_819, %select_n3A_822, %select_n3A_823, %or3A_825 : i32, i32, i32, i32
      }
      %scan3A_407 = arith.constant 32 : i32
      %scan3A_408 = arith.constant 5017 : i32
      %scan3A_409 = arith.constant 0 : i32
      %scan3A_410 = arith.constant 0 : i32
      %scan3A_411 = arith.constant 0 : i32
      %scan3A_412 = arith.constant 0 : i32
      %scan3A_413 = arith.constant 8 : i32
      %scan3A_414 = arith.addi %scan3A_412, %scan3A_413 : i32
      %scan3A_415 = arith.constant 1 : i32
      %scan3A_416:4 = scf.for %scan3A_741 = %scan3A_412 to %scan3A_414 step %scan3A_415 iter_args(%scan3A_742 = %scan3A_406#2, %scan3A_743 = %scan3A_409, %scan3A_744 = %scan3A_410, %scan3A_745 = %scan3A_411) -> (i32, i32, i32, i32)  : i32 {
        %mul3A_746 = arith.constant 8 : i32
        %mul3A_747 = arith.muli %scan3A_406#1, %mul3A_746 : i32
        %sub3A_748 = arith.constant 7 : i32
        %sub3A_749 = arith.subi %sub3A_748, %scan3A_741 : i32
        %add3A_750 = arith.addi %mul3A_747, %sub3A_749 : i32
        %mul3A_751 = arith.constant 16 : i32
        %mul3A_752 = arith.muli %add3A_750, %mul3A_751 : i32
        %get3A = arith.index_cast %mul3A_752 : i32 to index
        %get3A_753 = tpu.vector_load %arg6[%get3A] {strides = array<i32>} : memref<4096xi32, #tpu.memory_space<vmem>>, vector<16xi32>,
        %reduce_sum3A = arith.constant true
        %reduce_sum3A_754 = vector.broadcast %reduce_sum3A : i1 to vector<16xi1>
        %reduce_sum3A_755 = tpu.scan <sum>, %get3A_753 masked %reduce_sum3A_754 : vector<16xi32>, vector<16xi1> -> vector<16xi32>
        %reduce_sum3A_756 = vector.extract %reduce_sum3A_755[15] : i32 from vector<16xi32>
        %add3A_757 = arith.addi %scan3A_742, %reduce_sum3A_756 : i32
        %eq3A = arith.constant 0 : i32
        %eq3A_758 = arith.cmpi eq, %scan3A_745, %eq3A : i32
        %ge3A = arith.cmpi sge, %add3A_757, %scan3A_408 : i32
        %and3A_759 = arith.andi %eq3A_758, %ge3A : i1
        %select_n3A_760 = arith.select %and3A_759, %add3A_750, %scan3A_743 : i32
        %select_n3A_761 = arith.select %and3A_759, %scan3A_742, %scan3A_744 : i32
        %convert_element_type3A_762 = arith.extui %and3A_759 : i1 to i32
        %or3A_763 = arith.ori %scan3A_745, %convert_element_type3A_762 : i32
        scf.yield %add3A_757, %select_n3A_760, %select_n3A_761, %or3A_763 : i32, i32, i32, i32
      }
      %scan3A_417 = arith.constant 8 : i32
      %sub3A_418 = arith.constant 5017 : i32
      %sub3A_419 = arith.subi %sub3A_418, %scan3A_416#2 : i32
      %broadcast_in_dim3A_420 = arith.constant 0 : i32
      %broadcast_in_dim3A_421 = vector.broadcast %broadcast_in_dim3A_420 : i32 to vector<16xi32>
      %scan3A_422 = arith.constant 0 : i32
      %scan3A_423 = arith.constant 784 : i32
      %scan3A_424 = arith.addi %scan3A_422, %scan3A_423 : i32
      %scan3A_425 = arith.constant 1 : i32
      %scan3A_426 = scf.for %scan3A_741 = %scan3A_422 to %scan3A_424 step %scan3A_425 iter_args(%scan3A_742 = %broadcast_in_dim3A_421) -> (vector<16xi32>)  : i32 {
        %mul3A_743 = arith.constant 4 : i32
        %mul3A_744 = arith.muli %scan3A_741, %mul3A_743 : i32
        %add3A_745 = arith.constant 0 : i32
        %add3A_746 = arith.addi %mul3A_744, %add3A_745 : i32
        %mul3A_747 = arith.constant 16 : i32
        %mul3A_748 = arith.muli %add3A_746, %mul3A_747 : i32
        %get3A = arith.index_cast %mul3A_748 : i32 to index
        %get3A_749 = tpu.vector_load %arg5[%get3A] {strides = array<i32>} : memref<50176xf32, #tpu.memory_space<vmem>>, vector<16xf32>,
        %bitcast3A = vector.bitcast %get3A_749 : vector<16xf32> to vector<16xi32>
        %and3A_750 = vector.broadcast %scan3A : i32 to vector<16xi32>
        %and3A_751 = arith.andi %bitcast3A, %and3A_750 : vector<16xi32>
        %shift_right_logical3A = arith.constant 23 : i32
        %shift_right_logical3A_752 = vector.broadcast %shift_right_logical3A : i32 to vector<16xi32>
        %shift_right_logical3A_753 = arith.shrui %and3A_751, %shift_right_logical3A_752 : vector<16xi32>
        %eq3A = vector.broadcast %scan3A_416#1 : i32 to vector<16xi32>
        %eq3A_754 = arith.cmpi eq, %shift_right_logical3A_753, %eq3A : vector<16xi32>
        %slice3A_755 = vector.extract_strided_slice %scan3A_742 {offsets = [0], sizes = [1], strides = [1]} : vector<16xi32> to vector<1xi32>
        %squeeze3A_756 = vector.extract %slice3A_755[0] : i32 from vector<1xi32>
        %swap3A_757 = arith.index_cast %squeeze3A_756 : i32 to index
        %swap3A_758 = tpu.vector_load %arg7[%swap3A_757] masked %eq3A_754 {strides = array<i32>} : memref<22528xi32, #tpu.memory_space<vmem>>, vector<16xi32>, vector<16xi1>
        tpu.vector_store %arg7[%swap3A_757], %and3A_751 masked %eq3A_754 {strides = array<i32>} : memref<22528xi32, #tpu.memory_space<vmem>>, vector<16xi32>, vector<16xi1>
        %all_reduce_population_count3A = tpu.all_reduce %eq3A_754 {dim = 0 : i64, kind = #tpu.reduction_kind<sum>} : vector<16xi1> -> vector<16xi32>
        %add3A_759 = arith.addi %scan3A_742, %all_reduce_population_count3A : vector<16xi32>
        %min3A = arith.constant 22464 : i32
        %min3A_760 = vector.broadcast %min3A : i32 to vector<16xi32>
        %min3A_761 = arith.minsi %add3A_759, %min3A_760 : vector<16xi32>
        %mul3A_762 = arith.constant 4 : i32
        %mul3A_763 = arith.muli %scan3A_741, %mul3A_762 : i32
        %add3A_764 = arith.constant 1 : i32
        %add3A_765 = arith.addi %mul3A_763, %add3A_764 : i32
        %mul3A_766 = arith.constant 16 : i32
        %mul3A_767 = arith.muli %add3A_765, %mul3A_766 : i32
        %get3A_768 = arith.index_cast %mul3A_767 : i32 to index
        %get3A_769 = tpu.vector_load %arg5[%get3A_768] {strides = array<i32>} : memref<50176xf32, #tpu.memory_space<vmem>>, vector<16xf32>,
        %bitcast3A_770 = vector.bitcast %get3A_769 : vector<16xf32> to vector<16xi32>
        %and3A_771 = vector.broadcast %scan3A : i32 to vector<16xi32>
        %and3A_772 = arith.andi %bitcast3A_770, %and3A_771 : vector<16xi32>
        %shift_right_logical3A_773 = arith.constant 23 : i32
        %shift_right_logical3A_774 = vector.broadcast %shift_right_logical3A_773 : i32 to vector<16xi32>
        %shift_right_logical3A_775 = arith.shrui %and3A_772, %shift_right_logical3A_774 : vector<16xi32>
        %eq3A_776 = vector.broadcast %scan3A_416#1 : i32 to vector<16xi32>
        %eq3A_777 = arith.cmpi eq, %shift_right_logical3A_775, %eq3A_776 : vector<16xi32>
        %slice3A_778 = vector.extract_strided_slice %min3A_761 {offsets = [0], sizes = [1], strides = [1]} : vector<16xi32> to vector<1xi32>
        %squeeze3A_779 = vector.extract %slice3A_778[0] : i32 from vector<1xi32>
        %swap3A_780 = arith.index_cast %squeeze3A_779 : i32 to index
        %swap3A_781 = tpu.vector_load %arg7[%swap3A_780] masked %eq3A_777 {strides = array<i32>} : memref<22528xi32, #tpu.memory_space<vmem>>, vector<16xi32>, vector<16xi1>
        tpu.vector_store %arg7[%swap3A_780], %and3A_772 masked %eq3A_777 {strides = array<i32>} : memref<22528xi32, #tpu.memory_space<vmem>>, vector<16xi32>, vector<16xi1>
        %all_reduce_population_count3A_782 = tpu.all_reduce %eq3A_777 {dim = 0 : i64, kind = #tpu.reduction_kind<sum>} : vector<16xi1> -> vector<16xi32>
        %add3A_783 = arith.addi %min3A_761, %all_reduce_population_count3A_782 : vector<16xi32>
        %min3A_784 = arith.constant 22464 : i32
        %min3A_785 = vector.broadcast %min3A_784 : i32 to vector<16xi32>
        %min3A_786 = arith.minsi %add3A_783, %min3A_785 : vector<16xi32>
        %mul3A_787 = arith.constant 4 : i32
        %mul3A_788 = arith.muli %scan3A_741, %mul3A_787 : i32
        %add3A_789 = arith.constant 2 : i32
        %add3A_790 = arith.addi %mul3A_788, %add3A_789 : i32
        %mul3A_791 = arith.constant 16 : i32
        %mul3A_792 = arith.muli %add3A_790, %mul3A_791 : i32
        %get3A_793 = arith.index_cast %mul3A_792 : i32 to index
        %get3A_794 = tpu.vector_load %arg5[%get3A_793] {strides = array<i32>} : memref<50176xf32, #tpu.memory_space<vmem>>, vector<16xf32>,
        %bitcast3A_795 = vector.bitcast %get3A_794 : vector<16xf32> to vector<16xi32>
        %and3A_796 = vector.broadcast %scan3A : i32 to vector<16xi32>
        %and3A_797 = arith.andi %bitcast3A_795, %and3A_796 : vector<16xi32>
        %shift_right_logical3A_798 = arith.constant 23 : i32
        %shift_right_logical3A_799 = vector.broadcast %shift_right_logical3A_798 : i32 to vector<16xi32>
        %shift_right_logical3A_800 = arith.shrui %and3A_797, %shift_right_logical3A_799 : vector<16xi32>
        %eq3A_801 = vector.broadcast %scan3A_416#1 : i32 to vector<16xi32>
        %eq3A_802 = arith.cmpi eq, %shift_right_logical3A_800, %eq3A_801 : vector<16xi32>
        %slice3A_803 = vector.extract_strided_slice %min3A_786 {offsets = [0], sizes = [1], strides = [1]} : vector<16xi32> to vector<1xi32>
        %squeeze3A_804 = vector.extract %slice3A_803[0] : i32 from vector<1xi32>
        %swap3A_805 = arith.index_cast %squeeze3A_804 : i32 to index
        %swap3A_806 = tpu.vector_load %arg7[%swap3A_805] masked %eq3A_802 {strides = array<i32>} : memref<22528xi32, #tpu.memory_space<vmem>>, vector<16xi32>, vector<16xi1>
        tpu.vector_store %arg7[%swap3A_805], %and3A_797 masked %eq3A_802 {strides = array<i32>} : memref<22528xi32, #tpu.memory_space<vmem>>, vector<16xi32>, vector<16xi1>
        %all_reduce_population_count3A_807 = tpu.all_reduce %eq3A_802 {dim = 0 : i64, kind = #tpu.reduction_kind<sum>} : vector<16xi1> -> vector<16xi32>
        %add3A_808 = arith.addi %min3A_786, %all_reduce_population_count3A_807 : vector<16xi32>
        %min3A_809 = arith.constant 22464 : i32
        %min3A_810 = vector.broadcast %min3A_809 : i32 to vector<16xi32>
        %min3A_811 = arith.minsi %add3A_808, %min3A_810 : vector<16xi32>
        %mul3A_812 = arith.constant 4 : i32
        %mul3A_813 = arith.muli %scan3A_741, %mul3A_812 : i32
        %add3A_814 = arith.constant 3 : i32
        %add3A_815 = arith.addi %mul3A_813, %add3A_814 : i32
        %mul3A_816 = arith.constant 16 : i32
        %mul3A_817 = arith.muli %add3A_815, %mul3A_816 : i32
        %get3A_818 = arith.index_cast %mul3A_817 : i32 to index
        %get3A_819 = tpu.vector_load %arg5[%get3A_818] {strides = array<i32>} : memref<50176xf32, #tpu.memory_space<vmem>>, vector<16xf32>,
        %bitcast3A_820 = vector.bitcast %get3A_819 : vector<16xf32> to vector<16xi32>
        %and3A_821 = vector.broadcast %scan3A : i32 to vector<16xi32>
        %and3A_822 = arith.andi %bitcast3A_820, %and3A_821 : vector<16xi32>
        %shift_right_logical3A_823 = arith.constant 23 : i32
        %shift_right_logical3A_824 = vector.broadcast %shift_right_logical3A_823 : i32 to vector<16xi32>
        %shift_right_logical3A_825 = arith.shrui %and3A_822, %shift_right_logical3A_824 : vector<16xi32>
        %eq3A_826 = vector.broadcast %scan3A_416#1 : i32 to vector<16xi32>
        %eq3A_827 = arith.cmpi eq, %shift_right_logical3A_825, %eq3A_826 : vector<16xi32>
        %slice3A_828 = vector.extract_strided_slice %min3A_811 {offsets = [0], sizes = [1], strides = [1]} : vector<16xi32> to vector<1xi32>
        %squeeze3A_829 = vector.extract %slice3A_828[0] : i32 from vector<1xi32>
        %swap3A_830 = arith.index_cast %squeeze3A_829 : i32 to index
        %swap3A_831 = tpu.vector_load %arg7[%swap3A_830] masked %eq3A_827 {strides = array<i32>} : memref<22528xi32, #tpu.memory_space<vmem>>, vector<16xi32>, vector<16xi1>
        tpu.vector_store %arg7[%swap3A_830], %and3A_822 masked %eq3A_827 {strides = array<i32>} : memref<22528xi32, #tpu.memory_space<vmem>>, vector<16xi32>, vector<16xi1>
        %all_reduce_population_count3A_832 = tpu.all_reduce %eq3A_827 {dim = 0 : i64, kind = #tpu.reduction_kind<sum>} : vector<16xi1> -> vector<16xi32>
        %add3A_833 = arith.addi %min3A_811, %all_reduce_population_count3A_832 : vector<16xi32>
        %min3A_834 = arith.constant 22464 : i32
        %min3A_835 = vector.broadcast %min3A_834 : i32 to vector<16xi32>
        %min3A_836 = arith.minsi %add3A_833, %min3A_835 : vector<16xi32>
        scf.yield %min3A_836 : vector<16xi32>
      }
      %scan3A_427 = arith.constant 784 : i32
      %slice3A_428 = vector.extract_strided_slice %scan3A_426 {offsets = [0], sizes = [1], strides = [1]} : vector<16xi32> to vector<1xi32>
      %squeeze3A_429 = vector.extract %slice3A_428[0] : i32 from vector<1xi32>
      %add3A_430 = arith.constant 0 : i32
      %add3A_431 = arith.addi %squeeze3A_429, %add3A_430 : i32
      %swap3A_432 = arith.index_cast %add3A_431 : i32 to index
      %swap3A_433 = tpu.vector_load %arg7[%swap3A_432] masked %broadcast_in_dim3A_7 {strides = array<i32>} : memref<22528xi32, #tpu.memory_space<vmem>>, vector<16xi32>, vector<16xi1>
      tpu.vector_store %arg7[%swap3A_432], %broadcast_in_dim3A_5 masked %broadcast_in_dim3A_7 {strides = array<i32>} : memref<22528xi32, #tpu.memory_space<vmem>>, vector<16xi32>, vector<16xi1>
      %add3A_434 = arith.constant 16 : i32
      %add3A_435 = arith.addi %squeeze3A_429, %add3A_434 : i32
      %swap3A_436 = arith.index_cast %add3A_435 : i32 to index
      %swap3A_437 = tpu.vector_load %arg7[%swap3A_436] masked %broadcast_in_dim3A_7 {strides = array<i32>} : memref<22528xi32, #tpu.memory_space<vmem>>, vector<16xi32>, vector<16xi1>
      tpu.vector_store %arg7[%swap3A_436], %broadcast_in_dim3A_5 masked %broadcast_in_dim3A_7 {strides = array<i32>} : memref<22528xi32, #tpu.memory_space<vmem>>, vector<16xi32>, vector<16xi1>
      %add3A_438 = arith.constant 32 : i32
      %add3A_439 = arith.addi %squeeze3A_429, %add3A_438 : i32
      %swap3A_440 = arith.index_cast %add3A_439 : i32 to index
      %swap3A_441 = tpu.vector_load %arg7[%swap3A_440] masked %broadcast_in_dim3A_7 {strides = array<i32>} : memref<22528xi32, #tpu.memory_space<vmem>>, vector<16xi32>, vector<16xi1>
      tpu.vector_store %arg7[%swap3A_440], %broadcast_in_dim3A_5 masked %broadcast_in_dim3A_7 {strides = array<i32>} : memref<22528xi32, #tpu.memory_space<vmem>>, vector<16xi32>, vector<16xi1>
      %add3A_442 = arith.constant 48 : i32
      %add3A_443 = arith.addi %squeeze3A_429, %add3A_442 : i32
      %swap3A_444 = arith.index_cast %add3A_443 : i32 to index
      %swap3A_445 = tpu.vector_load %arg7[%swap3A_444] masked %broadcast_in_dim3A_7 {strides = array<i32>} : memref<22528xi32, #tpu.memory_space<vmem>>, vector<16xi32>, vector<16xi1>
      tpu.vector_store %arg7[%swap3A_444], %broadcast_in_dim3A_5 masked %broadcast_in_dim3A_7 {strides = array<i32>} : memref<22528xi32, #tpu.memory_space<vmem>>, vector<16xi32>, vector<16xi1>
      %add3A_446 = arith.constant 15 : i32
      %add3A_447 = arith.addi %squeeze3A_429, %add3A_446 : i32
      %jit3A_448 = arith.constant 16 : i32
      %div3A_449 = arith.divsi %add3A_447, %jit3A_448 : i32
      %sign3A_450 = arith.constant 0 : i32
      %sign3A_451 = arith.cmpi sgt, %add3A_447, %sign3A_450 : i32
      %sign3A_452 = arith.extui %sign3A_451 : i1 to i32
      %sign3A_453 = arith.constant 0 : i32
      %sign3A_454 = arith.cmpi slt, %add3A_447, %sign3A_453 : i32
      %sign3A_455 = arith.extui %sign3A_454 : i1 to i32
      %sign3A_456 = arith.subi %sign3A_452, %sign3A_455 : i32
      %sign3A_457 = arith.constant 0 : i32
      %sign3A_458 = arith.cmpi sgt, %jit3A_448, %sign3A_457 : i32
      %sign3A_459 = arith.extui %sign3A_458 : i1 to i32
      %sign3A_460 = arith.constant 0 : i32
      %sign3A_461 = arith.cmpi slt, %jit3A_448, %sign3A_460 : i32
      %sign3A_462 = arith.extui %sign3A_461 : i1 to i32
      %sign3A_463 = arith.subi %sign3A_459, %sign3A_462 : i32
      %ne3A_464 = arith.cmpi ne, %sign3A_456, %sign3A_463 : i32
      %rem3A_465 = arith.remsi %add3A_447, %jit3A_448 : i32
      %ne3A_466 = arith.constant 0 : i32
      %ne3A_467 = arith.cmpi ne, %rem3A_465, %ne3A_466 : i32
      %and3A_468 = arith.andi %ne3A_464, %ne3A_467 : i1
      %sub3A_469 = arith.constant 1 : i32
      %sub3A_470 = arith.subi %div3A_449, %sub3A_469 : i32
      %select_n3A_471 = arith.select %and3A_468, %sub3A_470, %div3A_449 : i32
      %scan3A_472 = arith.constant 0 : i32
      %scan3A_473 = arith.constant 0 : i32
      %scan3A_474 = arith.constant 32 : i32
      %scan3A_475 = arith.addi %scan3A_473, %scan3A_474 : i32
      %scan3A_476 = arith.constant 1 : i32
      %scan3A_477 = scf.for %scan3A_741 = %scan3A_473 to %scan3A_475 step %scan3A_476 iter_args(%scan3A_742 = %scan3A_472) -> (i32)  : i32 {
        %mul3A_743 = arith.constant 8 : i32
        %mul3A_744 = arith.muli %scan3A_741, %mul3A_743 : i32
        %add3A_745 = arith.constant 0 : i32
        %add3A_746 = arith.addi %mul3A_744, %add3A_745 : i32
        %mul3A_747 = arith.constant 16 : i32
        %mul3A_748 = arith.muli %add3A_746, %mul3A_747 : i32
        %swap3A_749 = arith.index_cast %mul3A_748 : i32 to index
        %swap3A_750 = tpu.vector_load %arg6[%swap3A_749] {strides = array<i32>} : memref<4096xi32, #tpu.memory_space<vmem>>, vector<16xi32>,
        tpu.vector_store %arg6[%swap3A_749], %broadcast_in_dim3A_5 {strides = array<i32>} : memref<4096xi32, #tpu.memory_space<vmem>>, vector<16xi32>,
        %mul3A_751 = arith.constant 8 : i32
        %mul3A_752 = arith.muli %scan3A_741, %mul3A_751 : i32
        %add3A_753 = arith.constant 1 : i32
        %add3A_754 = arith.addi %mul3A_752, %add3A_753 : i32
        %mul3A_755 = arith.constant 16 : i32
        %mul3A_756 = arith.muli %add3A_754, %mul3A_755 : i32
        %swap3A_757 = arith.index_cast %mul3A_756 : i32 to index
        %swap3A_758 = tpu.vector_load %arg6[%swap3A_757] {strides = array<i32>} : memref<4096xi32, #tpu.memory_space<vmem>>, vector<16xi32>,
        tpu.vector_store %arg6[%swap3A_757], %broadcast_in_dim3A_5 {strides = array<i32>} : memref<4096xi32, #tpu.memory_space<vmem>>, vector<16xi32>,
        %mul3A_759 = arith.constant 8 : i32
        %mul3A_760 = arith.muli %scan3A_741, %mul3A_759 : i32
        %add3A_761 = arith.constant 2 : i32
        %add3A_762 = arith.addi %mul3A_760, %add3A_761 : i32
        %mul3A_763 = arith.constant 16 : i32
        %mul3A_764 = arith.muli %add3A_762, %mul3A_763 : i32
        %swap3A_765 = arith.index_cast %mul3A_764 : i32 to index
        %swap3A_766 = tpu.vector_load %arg6[%swap3A_765] {strides = array<i32>} : memref<4096xi32, #tpu.memory_space<vmem>>, vector<16xi32>,
        tpu.vector_store %arg6[%swap3A_765], %broadcast_in_dim3A_5 {strides = array<i32>} : memref<4096xi32, #tpu.memory_space<vmem>>, vector<16xi32>,
        %mul3A_767 = arith.constant 8 : i32
        %mul3A_768 = arith.muli %scan3A_741, %mul3A_767 : i32
        %add3A_769 = arith.constant 3 : i32
        %add3A_770 = arith.addi %mul3A_768, %add3A_769 : i32
        %mul3A_771 = arith.constant 16 : i32
        %mul3A_772 = arith.muli %add3A_770, %mul3A_771 : i32
        %swap3A_773 = arith.index_cast %mul3A_772 : i32 to index
        %swap3A_774 = tpu.vector_load %arg6[%swap3A_773] {strides = array<i32>} : memref<4096xi32, #tpu.memory_space<vmem>>, vector<16xi32>,
        tpu.vector_store %arg6[%swap3A_773], %broadcast_in_dim3A_5 {strides = array<i32>} : memref<4096xi32, #tpu.memory_space<vmem>>, vector<16xi32>,
        %mul3A_775 = arith.constant 8 : i32
        %mul3A_776 = arith.muli %scan3A_741, %mul3A_775 : i32
        %add3A_777 = arith.constant 4 : i32
        %add3A_778 = arith.addi %mul3A_776, %add3A_777 : i32
        %mul3A_779 = arith.constant 16 : i32
        %mul3A_780 = arith.muli %add3A_778, %mul3A_779 : i32
        %swap3A_781 = arith.index_cast %mul3A_780 : i32 to index
        %swap3A_782 = tpu.vector_load %arg6[%swap3A_781] {strides = array<i32>} : memref<4096xi32, #tpu.memory_space<vmem>>, vector<16xi32>,
        tpu.vector_store %arg6[%swap3A_781], %broadcast_in_dim3A_5 {strides = array<i32>} : memref<4096xi32, #tpu.memory_space<vmem>>, vector<16xi32>,
        %mul3A_783 = arith.constant 8 : i32
        %mul3A_784 = arith.muli %scan3A_741, %mul3A_783 : i32
        %add3A_785 = arith.constant 5 : i32
        %add3A_786 = arith.addi %mul3A_784, %add3A_785 : i32
        %mul3A_787 = arith.constant 16 : i32
        %mul3A_788 = arith.muli %add3A_786, %mul3A_787 : i32
        %swap3A_789 = arith.index_cast %mul3A_788 : i32 to index
        %swap3A_790 = tpu.vector_load %arg6[%swap3A_789] {strides = array<i32>} : memref<4096xi32, #tpu.memory_space<vmem>>, vector<16xi32>,
        tpu.vector_store %arg6[%swap3A_789], %broadcast_in_dim3A_5 {strides = array<i32>} : memref<4096xi32, #tpu.memory_space<vmem>>, vector<16xi32>,
        %mul3A_791 = arith.constant 8 : i32
        %mul3A_792 = arith.muli %scan3A_741, %mul3A_791 : i32
        %add3A_793 = arith.constant 6 : i32
        %add3A_794 = arith.addi %mul3A_792, %add3A_793 : i32
        %mul3A_795 = arith.constant 16 : i32
        %mul3A_796 = arith.muli %add3A_794, %mul3A_795 : i32
        %swap3A_797 = arith.index_cast %mul3A_796 : i32 to index
        %swap3A_798 = tpu.vector_load %arg6[%swap3A_797] {strides = array<i32>} : memref<4096xi32, #tpu.memory_space<vmem>>, vector<16xi32>,
        tpu.vector_store %arg6[%swap3A_797], %broadcast_in_dim3A_5 {strides = array<i32>} : memref<4096xi32, #tpu.memory_space<vmem>>, vector<16xi32>,
        %mul3A_799 = arith.constant 8 : i32
        %mul3A_800 = arith.muli %scan3A_741, %mul3A_799 : i32
        %add3A_801 = arith.constant 7 : i32
        %add3A_802 = arith.addi %mul3A_800, %add3A_801 : i32
        %mul3A_803 = arith.constant 16 : i32
        %mul3A_804 = arith.muli %add3A_802, %mul3A_803 : i32
        %swap3A_805 = arith.index_cast %mul3A_804 : i32 to index
        %swap3A_806 = tpu.vector_load %arg6[%swap3A_805] {strides = array<i32>} : memref<4096xi32, #tpu.memory_space<vmem>>, vector<16xi32>,
        tpu.vector_store %arg6[%swap3A_805], %broadcast_in_dim3A_5 {strides = array<i32>} : memref<4096xi32, #tpu.memory_space<vmem>>, vector<16xi32>,
        %scan3A_807 = arith.constant 0 : i32
        scf.yield %scan3A_807 : i32
      }
      %scan3A_478 = arith.constant 32 : i32
      %while3A_479 = arith.constant 255 : i32
      %while3A_480 = arith.constant 0 : i32
      %while3A_481 = arith.constant 0 : i32
      %while3A_482 = arith.subi %select_n3A_471, %while3A_480 : i32
      %while3A_483 = arith.addi %while3A_480, %while3A_482 : i32
      %while3A_484 = arith.constant 1 : i32
      %while3A_485 = arith.divsi %while3A_482, %while3A_484 : i32
      %while3A_486 = arith.muli %while3A_485, %while3A_484 : i32
      %while3A_487 = arith.addi %while3A_480, %while3A_486 : i32
      %while3A_488 = arith.constant 1 : i32
      %while3A_489 = scf.for %while3A_741 = %while3A_480 to %while3A_487 step %while3A_488 iter_args(%while3A_742 = %while3A_481) -> (i32)  : i32 {
        %mul3A_743 = arith.constant 16 : i32
        %mul3A_744 = arith.muli %while3A_741, %mul3A_743 : i32
        %get3A = arith.index_cast %mul3A_744 : i32 to index
        %get3A_745 = tpu.vector_load %arg7[%get3A] {strides = array<i32>} : memref<22528xi32, #tpu.memory_space<vmem>>, vector<16xi32>,
        %shift_right_logical3A = arith.constant 23 : i32
        %shift_right_logical3A_746 = vector.broadcast %shift_right_logical3A : i32 to vector<16xi32>
        %shift_right_logical3A_747 = arith.shrui %get3A_745, %shift_right_logical3A_746 : vector<16xi32>
        %eq3A = vector.broadcast %scan3A_416#1 : i32 to vector<16xi32>
        %eq3A_748 = arith.cmpi eq, %shift_right_logical3A_747, %eq3A : vector<16xi32>
        %shift_right_logical3A_749 = arith.constant 15 : i32
        %shift_right_logical3A_750 = vector.broadcast %shift_right_logical3A_749 : i32 to vector<16xi32>
        %shift_right_logical3A_751 = arith.shrui %get3A_745, %shift_right_logical3A_750 : vector<16xi32>
        %and3A_752 = vector.broadcast %while3A_479 : i32 to vector<16xi32>
        %and3A_753 = arith.andi %shift_right_logical3A_751, %and3A_752 : vector<16xi32>
        %shift_left3A_754 = arith.constant 4 : i32
        %shift_left3A_755 = vector.broadcast %shift_left3A_754 : i32 to vector<16xi32>
        %shift_left3A_756 = arith.shli %and3A_753, %shift_left3A_755 : vector<16xi32>
        %or3A_757 = arith.ori %shift_left3A_756, %iota3A : vector<16xi32>
        tpu.vector_store_idx %arg6[%or3A_757], %broadcast_in_dim3A_3 masked %eq3A_748 {add = true} : memref<4096xi32, #tpu.memory_space<vmem>>[vector<16xi32>], vector<16xi32>, vector<16xi1>
        %while3A_758 = arith.constant 0 : i32
        scf.yield %while3A_758 : i32
      }
      %while3A_490 = arith.constant 1 : i32
      %while3A_491 = scf.for %while3A_741 = %while3A_487 to %while3A_483 step %while3A_490 iter_args(%while3A_742 = %while3A_489) -> (i32)  : i32 {
        %mul3A_743 = arith.constant 16 : i32
        %mul3A_744 = arith.muli %while3A_741, %mul3A_743 : i32
        %get3A = arith.index_cast %mul3A_744 : i32 to index
        %get3A_745 = tpu.vector_load %arg7[%get3A] {strides = array<i32>} : memref<22528xi32, #tpu.memory_space<vmem>>, vector<16xi32>,
        %shift_right_logical3A = arith.constant 23 : i32
        %shift_right_logical3A_746 = vector.broadcast %shift_right_logical3A : i32 to vector<16xi32>
        %shift_right_logical3A_747 = arith.shrui %get3A_745, %shift_right_logical3A_746 : vector<16xi32>
        %eq3A = vector.broadcast %scan3A_416#1 : i32 to vector<16xi32>
        %eq3A_748 = arith.cmpi eq, %shift_right_logical3A_747, %eq3A : vector<16xi32>
        %shift_right_logical3A_749 = arith.constant 15 : i32
        %shift_right_logical3A_750 = vector.broadcast %shift_right_logical3A_749 : i32 to vector<16xi32>
        %shift_right_logical3A_751 = arith.shrui %get3A_745, %shift_right_logical3A_750 : vector<16xi32>
        %and3A_752 = vector.broadcast %while3A_479 : i32 to vector<16xi32>
        %and3A_753 = arith.andi %shift_right_logical3A_751, %and3A_752 : vector<16xi32>
        %shift_left3A_754 = arith.constant 4 : i32
        %shift_left3A_755 = vector.broadcast %shift_left3A_754 : i32 to vector<16xi32>
        %shift_left3A_756 = arith.shli %and3A_753, %shift_left3A_755 : vector<16xi32>
        %or3A_757 = arith.ori %shift_left3A_756, %iota3A : vector<16xi32>
        tpu.vector_store_idx %arg6[%or3A_757], %broadcast_in_dim3A_3 masked %eq3A_748 {add = true} : memref<4096xi32, #tpu.memory_space<vmem>>[vector<16xi32>], vector<16xi32>, vector<16xi1>
        %while3A_758 = arith.constant 0 : i32
        scf.yield %while3A_758 : i32
      }
      %scan3A_492 = arith.constant 0 : i32
      %scan3A_493 = arith.constant 0 : i32
      %scan3A_494 = arith.constant 0 : i32
      %scan3A_495 = arith.constant 0 : i32
      %scan3A_496 = arith.constant 0 : i32
      %scan3A_497 = arith.constant 32 : i32
      %scan3A_498 = arith.addi %scan3A_496, %scan3A_497 : i32
      %scan3A_499 = arith.constant 1 : i32
      %scan3A_500:4 = scf.for %scan3A_741 = %scan3A_496 to %scan3A_498 step %scan3A_499 iter_args(%scan3A_742 = %scan3A_492, %scan3A_743 = %scan3A_493, %scan3A_744 = %scan3A_494, %scan3A_745 = %scan3A_495) -> (i32, i32, i32, i32)  : i32 {
        %sub3A_746 = arith.constant 31 : i32
        %sub3A_747 = arith.subi %sub3A_746, %scan3A_741 : i32
        %mul3A_748 = arith.constant 8 : i32
        %mul3A_749 = arith.muli %sub3A_747, %mul3A_748 : i32
        %mul3A_750 = arith.constant 16 : i32
        %mul3A_751 = arith.muli %mul3A_749, %mul3A_750 : i32
        %get3A = arith.index_cast %mul3A_751 : i32 to index
        %get3A_752 = tpu.vector_load %arg6[%get3A] {strides = array<i32>} : memref<4096xi32, #tpu.memory_space<vmem>>, vector<16xi32>,
        %mul3A_753 = arith.constant 8 : i32
        %mul3A_754 = arith.muli %sub3A_747, %mul3A_753 : i32
        %add3A_755 = arith.constant 1 : i32
        %add3A_756 = arith.addi %mul3A_754, %add3A_755 : i32
        %mul3A_757 = arith.constant 16 : i32
        %mul3A_758 = arith.muli %add3A_756, %mul3A_757 : i32
        %get3A_759 = arith.index_cast %mul3A_758 : i32 to index
        %get3A_760 = tpu.vector_load %arg6[%get3A_759] {strides = array<i32>} : memref<4096xi32, #tpu.memory_space<vmem>>, vector<16xi32>,
        %add3A_761 = arith.addi %get3A_752, %get3A_760 : vector<16xi32>
        %mul3A_762 = arith.constant 8 : i32
        %mul3A_763 = arith.muli %sub3A_747, %mul3A_762 : i32
        %add3A_764 = arith.constant 2 : i32
        %add3A_765 = arith.addi %mul3A_763, %add3A_764 : i32
        %mul3A_766 = arith.constant 16 : i32
        %mul3A_767 = arith.muli %add3A_765, %mul3A_766 : i32
        %get3A_768 = arith.index_cast %mul3A_767 : i32 to index
        %get3A_769 = tpu.vector_load %arg6[%get3A_768] {strides = array<i32>} : memref<4096xi32, #tpu.memory_space<vmem>>, vector<16xi32>,
        %add3A_770 = arith.addi %add3A_761, %get3A_769 : vector<16xi32>
        %mul3A_771 = arith.constant 8 : i32
        %mul3A_772 = arith.muli %sub3A_747, %mul3A_771 : i32
        %add3A_773 = arith.constant 3 : i32
        %add3A_774 = arith.addi %mul3A_772, %add3A_773 : i32
        %mul3A_775 = arith.constant 16 : i32
        %mul3A_776 = arith.muli %add3A_774, %mul3A_775 : i32
        %get3A_777 = arith.index_cast %mul3A_776 : i32 to index
        %get3A_778 = tpu.vector_load %arg6[%get3A_777] {strides = array<i32>} : memref<4096xi32, #tpu.memory_space<vmem>>, vector<16xi32>,
        %add3A_779 = arith.addi %add3A_770, %get3A_778 : vector<16xi32>
        %mul3A_780 = arith.constant 8 : i32
        %mul3A_781 = arith.muli %sub3A_747, %mul3A_780 : i32
        %add3A_782 = arith.constant 4 : i32
        %add3A_783 = arith.addi %mul3A_781, %add3A_782 : i32
        %mul3A_784 = arith.constant 16 : i32
        %mul3A_785 = arith.muli %add3A_783, %mul3A_784 : i32
        %get3A_786 = arith.index_cast %mul3A_785 : i32 to index
        %get3A_787 = tpu.vector_load %arg6[%get3A_786] {strides = array<i32>} : memref<4096xi32, #tpu.memory_space<vmem>>, vector<16xi32>,
        %add3A_788 = arith.addi %add3A_779, %get3A_787 : vector<16xi32>
        %mul3A_789 = arith.constant 8 : i32
        %mul3A_790 = arith.muli %sub3A_747, %mul3A_789 : i32
        %add3A_791 = arith.constant 5 : i32
        %add3A_792 = arith.addi %mul3A_790, %add3A_791 : i32
        %mul3A_793 = arith.constant 16 : i32
        %mul3A_794 = arith.muli %add3A_792, %mul3A_793 : i32
        %get3A_795 = arith.index_cast %mul3A_794 : i32 to index
        %get3A_796 = tpu.vector_load %arg6[%get3A_795] {strides = array<i32>} : memref<4096xi32, #tpu.memory_space<vmem>>, vector<16xi32>,
        %add3A_797 = arith.addi %add3A_788, %get3A_796 : vector<16xi32>
        %mul3A_798 = arith.constant 8 : i32
        %mul3A_799 = arith.muli %sub3A_747, %mul3A_798 : i32
        %add3A_800 = arith.constant 6 : i32
        %add3A_801 = arith.addi %mul3A_799, %add3A_800 : i32
        %mul3A_802 = arith.constant 16 : i32
        %mul3A_803 = arith.muli %add3A_801, %mul3A_802 : i32
        %get3A_804 = arith.index_cast %mul3A_803 : i32 to index
        %get3A_805 = tpu.vector_load %arg6[%get3A_804] {strides = array<i32>} : memref<4096xi32, #tpu.memory_space<vmem>>, vector<16xi32>,
        %add3A_806 = arith.addi %add3A_797, %get3A_805 : vector<16xi32>
        %mul3A_807 = arith.constant 8 : i32
        %mul3A_808 = arith.muli %sub3A_747, %mul3A_807 : i32
        %add3A_809 = arith.constant 7 : i32
        %add3A_810 = arith.addi %mul3A_808, %add3A_809 : i32
        %mul3A_811 = arith.constant 16 : i32
        %mul3A_812 = arith.muli %add3A_810, %mul3A_811 : i32
        %get3A_813 = arith.index_cast %mul3A_812 : i32 to index
        %get3A_814 = tpu.vector_load %arg6[%get3A_813] {strides = array<i32>} : memref<4096xi32, #tpu.memory_space<vmem>>, vector<16xi32>,
        %add3A_815 = arith.addi %add3A_806, %get3A_814 : vector<16xi32>
        %reduce_sum3A = arith.constant true
        %reduce_sum3A_816 = vector.broadcast %reduce_sum3A : i1 to vector<16xi1>
        %reduce_sum3A_817 = tpu.scan <sum>, %add3A_815 masked %reduce_sum3A_816 : vector<16xi32>, vector<16xi1> -> vector<16xi32>
        %reduce_sum3A_818 = vector.extract %reduce_sum3A_817[15] : i32 from vector<16xi32>
        %add3A_819 = arith.addi %scan3A_742, %reduce_sum3A_818 : i32
        %eq3A = arith.constant 0 : i32
        %eq3A_820 = arith.cmpi eq, %scan3A_745, %eq3A : i32
        %ge3A = arith.cmpi sge, %add3A_819, %sub3A_419 : i32
        %and3A_821 = arith.andi %eq3A_820, %ge3A : i1
        %select_n3A_822 = arith.select %and3A_821, %sub3A_747, %scan3A_743 : i32
        %select_n3A_823 = arith.select %and3A_821, %scan3A_742, %scan3A_744 : i32
        %convert_element_type3A_824 = arith.extui %and3A_821 : i1 to i32
        %or3A_825 = arith.ori %scan3A_745, %convert_element_type3A_824 : i32
        scf.yield %add3A_819, %select_n3A_822, %select_n3A_823, %or3A_825 : i32, i32, i32, i32
      }
      %scan3A_501 = arith.constant 32 : i32
      %scan3A_502 = arith.constant 0 : i32
      %scan3A_503 = arith.constant 0 : i32
      %scan3A_504 = arith.constant 0 : i32
      %scan3A_505 = arith.constant 0 : i32
      %scan3A_506 = arith.constant 8 : i32
      %scan3A_507 = arith.addi %scan3A_505, %scan3A_506 : i32
      %scan3A_508 = arith.constant 1 : i32
      %scan3A_509:4 = scf.for %scan3A_741 = %scan3A_505 to %scan3A_507 step %scan3A_508 iter_args(%scan3A_742 = %scan3A_500#2, %scan3A_743 = %scan3A_502, %scan3A_744 = %scan3A_503, %scan3A_745 = %scan3A_504) -> (i32, i32, i32, i32)  : i32 {
        %mul3A_746 = arith.constant 8 : i32
        %mul3A_747 = arith.muli %scan3A_500#1, %mul3A_746 : i32
        %sub3A_748 = arith.constant 7 : i32
        %sub3A_749 = arith.subi %sub3A_748, %scan3A_741 : i32
        %add3A_750 = arith.addi %mul3A_747, %sub3A_749 : i32
        %mul3A_751 = arith.constant 16 : i32
        %mul3A_752 = arith.muli %add3A_750, %mul3A_751 : i32
        %get3A = arith.index_cast %mul3A_752 : i32 to index
        %get3A_753 = tpu.vector_load %arg6[%get3A] {strides = array<i32>} : memref<4096xi32, #tpu.memory_space<vmem>>, vector<16xi32>,
        %reduce_sum3A = arith.constant true
        %reduce_sum3A_754 = vector.broadcast %reduce_sum3A : i1 to vector<16xi1>
        %reduce_sum3A_755 = tpu.scan <sum>, %get3A_753 masked %reduce_sum3A_754 : vector<16xi32>, vector<16xi1> -> vector<16xi32>
        %reduce_sum3A_756 = vector.extract %reduce_sum3A_755[15] : i32 from vector<16xi32>
        %add3A_757 = arith.addi %scan3A_742, %reduce_sum3A_756 : i32
        %eq3A = arith.constant 0 : i32
        %eq3A_758 = arith.cmpi eq, %scan3A_745, %eq3A : i32
        %ge3A = arith.cmpi sge, %add3A_757, %sub3A_419 : i32
        %and3A_759 = arith.andi %eq3A_758, %ge3A : i1
        %select_n3A_760 = arith.select %and3A_759, %add3A_750, %scan3A_743 : i32
        %select_n3A_761 = arith.select %and3A_759, %scan3A_742, %scan3A_744 : i32
        %convert_element_type3A_762 = arith.extui %and3A_759 : i1 to i32
        %or3A_763 = arith.ori %scan3A_745, %convert_element_type3A_762 : i32
        scf.yield %add3A_757, %select_n3A_760, %select_n3A_761, %or3A_763 : i32, i32, i32, i32
      }
      %scan3A_510 = arith.constant 8 : i32
      %shift_left3A_511 = arith.constant 8 : i32
      %shift_left3A_512 = arith.shli %scan3A_416#1, %shift_left3A_511 : i32
      %or3A_513 = arith.ori %shift_left3A_512, %scan3A_509#1 : i32
      %sub3A_514 = arith.subi %sub3A_419, %scan3A_509#2 : i32
      %broadcast_in_dim3A_515 = arith.constant 0 : i32
      %broadcast_in_dim3A_516 = vector.broadcast %broadcast_in_dim3A_515 : i32 to vector<16xi32>
      %while3A_517 = arith.constant 0 : i32
      %while3A_518 = arith.subi %select_n3A_471, %while3A_517 : i32
      %while3A_519 = arith.addi %while3A_517, %while3A_518 : i32
      %while3A_520 = arith.constant 1 : i32
      %while3A_521 = arith.divsi %while3A_518, %while3A_520 : i32
      %while3A_522 = arith.muli %while3A_521, %while3A_520 : i32
      %while3A_523 = arith.addi %while3A_517, %while3A_522 : i32
      %while3A_524 = arith.constant 1 : i32
      %while3A_525 = scf.for %while3A_741 = %while3A_517 to %while3A_523 step %while3A_524 iter_args(%while3A_742 = %broadcast_in_dim3A_516) -> (vector<16xi32>)  : i32 {
        %mul3A_743 = arith.constant 16 : i32
        %mul3A_744 = arith.muli %while3A_741, %mul3A_743 : i32
        %get3A = arith.index_cast %mul3A_744 : i32 to index
        %get3A_745 = tpu.vector_load %arg7[%get3A] {strides = array<i32>} : memref<22528xi32, #tpu.memory_space<vmem>>, vector<16xi32>,
        %shift_right_logical3A = arith.constant 15 : i32
        %shift_right_logical3A_746 = vector.broadcast %shift_right_logical3A : i32 to vector<16xi32>
        %shift_right_logical3A_747 = arith.shrui %get3A_745, %shift_right_logical3A_746 : vector<16xi32>
        %eq3A = vector.broadcast %or3A_513 : i32 to vector<16xi32>
        %eq3A_748 = arith.cmpi eq, %shift_right_logical3A_747, %eq3A : vector<16xi32>
        %slice3A_749 = vector.extract_strided_slice %while3A_742 {offsets = [0], sizes = [1], strides = [1]} : vector<16xi32> to vector<1xi32>
        %squeeze3A_750 = vector.extract %slice3A_749[0] : i32 from vector<1xi32>
        %swap3A_751 = arith.index_cast %squeeze3A_750 : i32 to index
        %swap3A_752 = tpu.vector_load %arg8[%swap3A_751] masked %eq3A_748 {strides = array<i32>} : memref<1024xi32, #tpu.memory_space<vmem>>, vector<16xi32>, vector<16xi1>
        tpu.vector_store %arg8[%swap3A_751], %get3A_745 masked %eq3A_748 {strides = array<i32>} : memref<1024xi32, #tpu.memory_space<vmem>>, vector<16xi32>, vector<16xi1>
        %all_reduce_population_count3A = tpu.all_reduce %eq3A_748 {dim = 0 : i64, kind = #tpu.reduction_kind<sum>} : vector<16xi1> -> vector<16xi32>
        %add3A_753 = arith.addi %while3A_742, %all_reduce_population_count3A : vector<16xi32>
        %min3A = arith.constant 960 : i32
        %min3A_754 = vector.broadcast %min3A : i32 to vector<16xi32>
        %min3A_755 = arith.minsi %add3A_753, %min3A_754 : vector<16xi32>
        scf.yield %min3A_755 : vector<16xi32>
      }
      %while3A_526 = arith.constant 1 : i32
      %while3A_527 = scf.for %while3A_741 = %while3A_523 to %while3A_519 step %while3A_526 iter_args(%while3A_742 = %while3A_525) -> (vector<16xi32>)  : i32 {
        %mul3A_743 = arith.constant 16 : i32
        %mul3A_744 = arith.muli %while3A_741, %mul3A_743 : i32
        %get3A = arith.index_cast %mul3A_744 : i32 to index
        %get3A_745 = tpu.vector_load %arg7[%get3A] {strides = array<i32>} : memref<22528xi32, #tpu.memory_space<vmem>>, vector<16xi32>,
        %shift_right_logical3A = arith.constant 15 : i32
        %shift_right_logical3A_746 = vector.broadcast %shift_right_logical3A : i32 to vector<16xi32>
        %shift_right_logical3A_747 = arith.shrui %get3A_745, %shift_right_logical3A_746 : vector<16xi32>
        %eq3A = vector.broadcast %or3A_513 : i32 to vector<16xi32>
        %eq3A_748 = arith.cmpi eq, %shift_right_logical3A_747, %eq3A : vector<16xi32>
        %slice3A_749 = vector.extract_strided_slice %while3A_742 {offsets = [0], sizes = [1], strides = [1]} : vector<16xi32> to vector<1xi32>
        %squeeze3A_750 = vector.extract %slice3A_749[0] : i32 from vector<1xi32>
        %swap3A_751 = arith.index_cast %squeeze3A_750 : i32 to index
        %swap3A_752 = tpu.vector_load %arg8[%swap3A_751] masked %eq3A_748 {strides = array<i32>} : memref<1024xi32, #tpu.memory_space<vmem>>, vector<16xi32>, vector<16xi1>
        tpu.vector_store %arg8[%swap3A_751], %get3A_745 masked %eq3A_748 {strides = array<i32>} : memref<1024xi32, #tpu.memory_space<vmem>>, vector<16xi32>, vector<16xi1>
        %all_reduce_population_count3A = tpu.all_reduce %eq3A_748 {dim = 0 : i64, kind = #tpu.reduction_kind<sum>} : vector<16xi1> -> vector<16xi32>
        %add3A_753 = arith.addi %while3A_742, %all_reduce_population_count3A : vector<16xi32>
        %min3A = arith.constant 960 : i32
        %min3A_754 = vector.broadcast %min3A : i32 to vector<16xi32>
        %min3A_755 = arith.minsi %add3A_753, %min3A_754 : vector<16xi32>
        scf.yield %min3A_755 : vector<16xi32>
      }
      %slice3A_528 = vector.extract_strided_slice %while3A_527 {offsets = [0], sizes = [1], strides = [1]} : vector<16xi32> to vector<1xi32>
      %squeeze3A_529 = vector.extract %slice3A_528[0] : i32 from vector<1xi32>
      %add3A_530 = arith.constant 0 : i32
      %add3A_531 = arith.addi %squeeze3A_529, %add3A_530 : i32
      %swap3A_532 = arith.index_cast %add3A_531 : i32 to index
      %swap3A_533 = tpu.vector_load %arg8[%swap3A_532] masked %broadcast_in_dim3A_7 {strides = array<i32>} : memref<1024xi32, #tpu.memory_space<vmem>>, vector<16xi32>, vector<16xi1>
      tpu.vector_store %arg8[%swap3A_532], %broadcast_in_dim3A_5 masked %broadcast_in_dim3A_7 {strides = array<i32>} : memref<1024xi32, #tpu.memory_space<vmem>>, vector<16xi32>, vector<16xi1>
      %add3A_534 = arith.constant 16 : i32
      %add3A_535 = arith.addi %squeeze3A_529, %add3A_534 : i32
      %swap3A_536 = arith.index_cast %add3A_535 : i32 to index
      %swap3A_537 = tpu.vector_load %arg8[%swap3A_536] masked %broadcast_in_dim3A_7 {strides = array<i32>} : memref<1024xi32, #tpu.memory_space<vmem>>, vector<16xi32>, vector<16xi1>
      tpu.vector_store %arg8[%swap3A_536], %broadcast_in_dim3A_5 masked %broadcast_in_dim3A_7 {strides = array<i32>} : memref<1024xi32, #tpu.memory_space<vmem>>, vector<16xi32>, vector<16xi1>
      %add3A_538 = arith.constant 32 : i32
      %add3A_539 = arith.addi %squeeze3A_529, %add3A_538 : i32
      %swap3A_540 = arith.index_cast %add3A_539 : i32 to index
      %swap3A_541 = tpu.vector_load %arg8[%swap3A_540] masked %broadcast_in_dim3A_7 {strides = array<i32>} : memref<1024xi32, #tpu.memory_space<vmem>>, vector<16xi32>, vector<16xi1>
      tpu.vector_store %arg8[%swap3A_540], %broadcast_in_dim3A_5 masked %broadcast_in_dim3A_7 {strides = array<i32>} : memref<1024xi32, #tpu.memory_space<vmem>>, vector<16xi32>, vector<16xi1>
      %add3A_542 = arith.constant 48 : i32
      %add3A_543 = arith.addi %squeeze3A_529, %add3A_542 : i32
      %swap3A_544 = arith.index_cast %add3A_543 : i32 to index
      %swap3A_545 = tpu.vector_load %arg8[%swap3A_544] masked %broadcast_in_dim3A_7 {strides = array<i32>} : memref<1024xi32, #tpu.memory_space<vmem>>, vector<16xi32>, vector<16xi1>
      tpu.vector_store %arg8[%swap3A_544], %broadcast_in_dim3A_5 masked %broadcast_in_dim3A_7 {strides = array<i32>} : memref<1024xi32, #tpu.memory_space<vmem>>, vector<16xi32>, vector<16xi1>
      %add3A_546 = arith.constant 15 : i32
      %add3A_547 = arith.addi %squeeze3A_529, %add3A_546 : i32
      %jit3A_548 = arith.constant 16 : i32
      %div3A_549 = arith.divsi %add3A_547, %jit3A_548 : i32
      %sign3A_550 = arith.constant 0 : i32
      %sign3A_551 = arith.cmpi sgt, %add3A_547, %sign3A_550 : i32
      %sign3A_552 = arith.extui %sign3A_551 : i1 to i32
      %sign3A_553 = arith.constant 0 : i32
      %sign3A_554 = arith.cmpi slt, %add3A_547, %sign3A_553 : i32
      %sign3A_555 = arith.extui %sign3A_554 : i1 to i32
      %sign3A_556 = arith.subi %sign3A_552, %sign3A_555 : i32
      %sign3A_557 = arith.constant 0 : i32
      %sign3A_558 = arith.cmpi sgt, %jit3A_548, %sign3A_557 : i32
      %sign3A_559 = arith.extui %sign3A_558 : i1 to i32
      %sign3A_560 = arith.constant 0 : i32
      %sign3A_561 = arith.cmpi slt, %jit3A_548, %sign3A_560 : i32
      %sign3A_562 = arith.extui %sign3A_561 : i1 to i32
      %sign3A_563 = arith.subi %sign3A_559, %sign3A_562 : i32
      %ne3A_564 = arith.cmpi ne, %sign3A_556, %sign3A_563 : i32
      %rem3A_565 = arith.remsi %add3A_547, %jit3A_548 : i32
      %ne3A_566 = arith.constant 0 : i32
      %ne3A_567 = arith.cmpi ne, %rem3A_565, %ne3A_566 : i32
      %and3A_568 = arith.andi %ne3A_564, %ne3A_567 : i1
      %sub3A_569 = arith.constant 1 : i32
      %sub3A_570 = arith.subi %div3A_549, %sub3A_569 : i32
      %select_n3A_571 = arith.select %and3A_568, %sub3A_570, %div3A_549 : i32
      %scan3A_572 = arith.constant 0 : i32
      %scan3A_573 = arith.constant 0 : i32
      %scan3A_574 = arith.constant 32 : i32
      %scan3A_575 = arith.addi %scan3A_573, %scan3A_574 : i32
      %scan3A_576 = arith.constant 1 : i32
      %scan3A_577 = scf.for %scan3A_741 = %scan3A_573 to %scan3A_575 step %scan3A_576 iter_args(%scan3A_742 = %scan3A_572) -> (i32)  : i32 {
        %mul3A_743 = arith.constant 8 : i32
        %mul3A_744 = arith.muli %scan3A_741, %mul3A_743 : i32
        %add3A_745 = arith.constant 0 : i32
        %add3A_746 = arith.addi %mul3A_744, %add3A_745 : i32
        %mul3A_747 = arith.constant 16 : i32
        %mul3A_748 = arith.muli %add3A_746, %mul3A_747 : i32
        %swap3A_749 = arith.index_cast %mul3A_748 : i32 to index
        %swap3A_750 = tpu.vector_load %arg6[%swap3A_749] {strides = array<i32>} : memref<4096xi32, #tpu.memory_space<vmem>>, vector<16xi32>,
        tpu.vector_store %arg6[%swap3A_749], %broadcast_in_dim3A_5 {strides = array<i32>} : memref<4096xi32, #tpu.memory_space<vmem>>, vector<16xi32>,
        %mul3A_751 = arith.constant 8 : i32
        %mul3A_752 = arith.muli %scan3A_741, %mul3A_751 : i32
        %add3A_753 = arith.constant 1 : i32
        %add3A_754 = arith.addi %mul3A_752, %add3A_753 : i32
        %mul3A_755 = arith.constant 16 : i32
        %mul3A_756 = arith.muli %add3A_754, %mul3A_755 : i32
        %swap3A_757 = arith.index_cast %mul3A_756 : i32 to index
        %swap3A_758 = tpu.vector_load %arg6[%swap3A_757] {strides = array<i32>} : memref<4096xi32, #tpu.memory_space<vmem>>, vector<16xi32>,
        tpu.vector_store %arg6[%swap3A_757], %broadcast_in_dim3A_5 {strides = array<i32>} : memref<4096xi32, #tpu.memory_space<vmem>>, vector<16xi32>,
        %mul3A_759 = arith.constant 8 : i32
        %mul3A_760 = arith.muli %scan3A_741, %mul3A_759 : i32
        %add3A_761 = arith.constant 2 : i32
        %add3A_762 = arith.addi %mul3A_760, %add3A_761 : i32
        %mul3A_763 = arith.constant 16 : i32
        %mul3A_764 = arith.muli %add3A_762, %mul3A_763 : i32
        %swap3A_765 = arith.index_cast %mul3A_764 : i32 to index
        %swap3A_766 = tpu.vector_load %arg6[%swap3A_765] {strides = array<i32>} : memref<4096xi32, #tpu.memory_space<vmem>>, vector<16xi32>,
        tpu.vector_store %arg6[%swap3A_765], %broadcast_in_dim3A_5 {strides = array<i32>} : memref<4096xi32, #tpu.memory_space<vmem>>, vector<16xi32>,
        %mul3A_767 = arith.constant 8 : i32
        %mul3A_768 = arith.muli %scan3A_741, %mul3A_767 : i32
        %add3A_769 = arith.constant 3 : i32
        %add3A_770 = arith.addi %mul3A_768, %add3A_769 : i32
        %mul3A_771 = arith.constant 16 : i32
        %mul3A_772 = arith.muli %add3A_770, %mul3A_771 : i32
        %swap3A_773 = arith.index_cast %mul3A_772 : i32 to index
        %swap3A_774 = tpu.vector_load %arg6[%swap3A_773] {strides = array<i32>} : memref<4096xi32, #tpu.memory_space<vmem>>, vector<16xi32>,
        tpu.vector_store %arg6[%swap3A_773], %broadcast_in_dim3A_5 {strides = array<i32>} : memref<4096xi32, #tpu.memory_space<vmem>>, vector<16xi32>,
        %mul3A_775 = arith.constant 8 : i32
        %mul3A_776 = arith.muli %scan3A_741, %mul3A_775 : i32
        %add3A_777 = arith.constant 4 : i32
        %add3A_778 = arith.addi %mul3A_776, %add3A_777 : i32
        %mul3A_779 = arith.constant 16 : i32
        %mul3A_780 = arith.muli %add3A_778, %mul3A_779 : i32
        %swap3A_781 = arith.index_cast %mul3A_780 : i32 to index
        %swap3A_782 = tpu.vector_load %arg6[%swap3A_781] {strides = array<i32>} : memref<4096xi32, #tpu.memory_space<vmem>>, vector<16xi32>,
        tpu.vector_store %arg6[%swap3A_781], %broadcast_in_dim3A_5 {strides = array<i32>} : memref<4096xi32, #tpu.memory_space<vmem>>, vector<16xi32>,
        %mul3A_783 = arith.constant 8 : i32
        %mul3A_784 = arith.muli %scan3A_741, %mul3A_783 : i32
        %add3A_785 = arith.constant 5 : i32
        %add3A_786 = arith.addi %mul3A_784, %add3A_785 : i32
        %mul3A_787 = arith.constant 16 : i32
        %mul3A_788 = arith.muli %add3A_786, %mul3A_787 : i32
        %swap3A_789 = arith.index_cast %mul3A_788 : i32 to index
        %swap3A_790 = tpu.vector_load %arg6[%swap3A_789] {strides = array<i32>} : memref<4096xi32, #tpu.memory_space<vmem>>, vector<16xi32>,
        tpu.vector_store %arg6[%swap3A_789], %broadcast_in_dim3A_5 {strides = array<i32>} : memref<4096xi32, #tpu.memory_space<vmem>>, vector<16xi32>,
        %mul3A_791 = arith.constant 8 : i32
        %mul3A_792 = arith.muli %scan3A_741, %mul3A_791 : i32
        %add3A_793 = arith.constant 6 : i32
        %add3A_794 = arith.addi %mul3A_792, %add3A_793 : i32
        %mul3A_795 = arith.constant 16 : i32
        %mul3A_796 = arith.muli %add3A_794, %mul3A_795 : i32
        %swap3A_797 = arith.index_cast %mul3A_796 : i32 to index
        %swap3A_798 = tpu.vector_load %arg6[%swap3A_797] {strides = array<i32>} : memref<4096xi32, #tpu.memory_space<vmem>>, vector<16xi32>,
        tpu.vector_store %arg6[%swap3A_797], %broadcast_in_dim3A_5 {strides = array<i32>} : memref<4096xi32, #tpu.memory_space<vmem>>, vector<16xi32>,
        %mul3A_799 = arith.constant 8 : i32
        %mul3A_800 = arith.muli %scan3A_741, %mul3A_799 : i32
        %add3A_801 = arith.constant 7 : i32
        %add3A_802 = arith.addi %mul3A_800, %add3A_801 : i32
        %mul3A_803 = arith.constant 16 : i32
        %mul3A_804 = arith.muli %add3A_802, %mul3A_803 : i32
        %swap3A_805 = arith.index_cast %mul3A_804 : i32 to index
        %swap3A_806 = tpu.vector_load %arg6[%swap3A_805] {strides = array<i32>} : memref<4096xi32, #tpu.memory_space<vmem>>, vector<16xi32>,
        tpu.vector_store %arg6[%swap3A_805], %broadcast_in_dim3A_5 {strides = array<i32>} : memref<4096xi32, #tpu.memory_space<vmem>>, vector<16xi32>,
        %scan3A_807 = arith.constant 0 : i32
        scf.yield %scan3A_807 : i32
      }
      %scan3A_578 = arith.constant 32 : i32
      %while3A_579 = arith.constant 255 : i32
      %while3A_580 = arith.constant 0 : i32
      %while3A_581 = arith.constant 0 : i32
      %while3A_582 = arith.subi %select_n3A_571, %while3A_580 : i32
      %while3A_583 = arith.addi %while3A_580, %while3A_582 : i32
      %while3A_584 = arith.constant 1 : i32
      %while3A_585 = arith.divsi %while3A_582, %while3A_584 : i32
      %while3A_586 = arith.muli %while3A_585, %while3A_584 : i32
      %while3A_587 = arith.addi %while3A_580, %while3A_586 : i32
      %while3A_588 = arith.constant 1 : i32
      %while3A_589 = scf.for %while3A_741 = %while3A_580 to %while3A_587 step %while3A_588 iter_args(%while3A_742 = %while3A_581) -> (i32)  : i32 {
        %mul3A_743 = arith.constant 16 : i32
        %mul3A_744 = arith.muli %while3A_741, %mul3A_743 : i32
        %get3A = arith.index_cast %mul3A_744 : i32 to index
        %get3A_745 = tpu.vector_load %arg8[%get3A] {strides = array<i32>} : memref<1024xi32, #tpu.memory_space<vmem>>, vector<16xi32>,
        %shift_right_logical3A = arith.constant 15 : i32
        %shift_right_logical3A_746 = vector.broadcast %shift_right_logical3A : i32 to vector<16xi32>
        %shift_right_logical3A_747 = arith.shrui %get3A_745, %shift_right_logical3A_746 : vector<16xi32>
        %eq3A = vector.broadcast %or3A_513 : i32 to vector<16xi32>
        %eq3A_748 = arith.cmpi eq, %shift_right_logical3A_747, %eq3A : vector<16xi32>
        %shift_right_logical3A_749 = arith.constant 7 : i32
        %shift_right_logical3A_750 = vector.broadcast %shift_right_logical3A_749 : i32 to vector<16xi32>
        %shift_right_logical3A_751 = arith.shrui %get3A_745, %shift_right_logical3A_750 : vector<16xi32>
        %and3A_752 = vector.broadcast %while3A_579 : i32 to vector<16xi32>
        %and3A_753 = arith.andi %shift_right_logical3A_751, %and3A_752 : vector<16xi32>
        %shift_left3A_754 = arith.constant 4 : i32
        %shift_left3A_755 = vector.broadcast %shift_left3A_754 : i32 to vector<16xi32>
        %shift_left3A_756 = arith.shli %and3A_753, %shift_left3A_755 : vector<16xi32>
        %or3A_757 = arith.ori %shift_left3A_756, %iota3A : vector<16xi32>
        tpu.vector_store_idx %arg6[%or3A_757], %broadcast_in_dim3A_3 masked %eq3A_748 {add = true} : memref<4096xi32, #tpu.memory_space<vmem>>[vector<16xi32>], vector<16xi32>, vector<16xi1>
        %while3A_758 = arith.constant 0 : i32
        scf.yield %while3A_758 : i32
      }
      %while3A_590 = arith.constant 1 : i32
      %while3A_591 = scf.for %while3A_741 = %while3A_587 to %while3A_583 step %while3A_590 iter_args(%while3A_742 = %while3A_589) -> (i32)  : i32 {
        %mul3A_743 = arith.constant 16 : i32
        %mul3A_744 = arith.muli %while3A_741, %mul3A_743 : i32
        %get3A = arith.index_cast %mul3A_744 : i32 to index
        %get3A_745 = tpu.vector_load %arg8[%get3A] {strides = array<i32>} : memref<1024xi32, #tpu.memory_space<vmem>>, vector<16xi32>,
        %shift_right_logical3A = arith.constant 15 : i32
        %shift_right_logical3A_746 = vector.broadcast %shift_right_logical3A : i32 to vector<16xi32>
        %shift_right_logical3A_747 = arith.shrui %get3A_745, %shift_right_logical3A_746 : vector<16xi32>
        %eq3A = vector.broadcast %or3A_513 : i32 to vector<16xi32>
        %eq3A_748 = arith.cmpi eq, %shift_right_logical3A_747, %eq3A : vector<16xi32>
        %shift_right_logical3A_749 = arith.constant 7 : i32
        %shift_right_logical3A_750 = vector.broadcast %shift_right_logical3A_749 : i32 to vector<16xi32>
        %shift_right_logical3A_751 = arith.shrui %get3A_745, %shift_right_logical3A_750 : vector<16xi32>
        %and3A_752 = vector.broadcast %while3A_579 : i32 to vector<16xi32>
        %and3A_753 = arith.andi %shift_right_logical3A_751, %and3A_752 : vector<16xi32>
        %shift_left3A_754 = arith.constant 4 : i32
        %shift_left3A_755 = vector.broadcast %shift_left3A_754 : i32 to vector<16xi32>
        %shift_left3A_756 = arith.shli %and3A_753, %shift_left3A_755 : vector<16xi32>
        %or3A_757 = arith.ori %shift_left3A_756, %iota3A : vector<16xi32>
        tpu.vector_store_idx %arg6[%or3A_757], %broadcast_in_dim3A_3 masked %eq3A_748 {add = true} : memref<4096xi32, #tpu.memory_space<vmem>>[vector<16xi32>], vector<16xi32>, vector<16xi1>
        %while3A_758 = arith.constant 0 : i32
        scf.yield %while3A_758 : i32
      }
      %scan3A_592 = arith.constant 0 : i32
      %scan3A_593 = arith.constant 0 : i32
      %scan3A_594 = arith.constant 0 : i32
      %scan3A_595 = arith.constant 0 : i32
      %scan3A_596 = arith.constant 0 : i32
      %scan3A_597 = arith.constant 32 : i32
      %scan3A_598 = arith.addi %scan3A_596, %scan3A_597 : i32
      %scan3A_599 = arith.constant 1 : i32
      %scan3A_600:4 = scf.for %scan3A_741 = %scan3A_596 to %scan3A_598 step %scan3A_599 iter_args(%scan3A_742 = %scan3A_592, %scan3A_743 = %scan3A_593, %scan3A_744 = %scan3A_594, %scan3A_745 = %scan3A_595) -> (i32, i32, i32, i32)  : i32 {
        %sub3A_746 = arith.constant 31 : i32
        %sub3A_747 = arith.subi %sub3A_746, %scan3A_741 : i32
        %mul3A_748 = arith.constant 8 : i32
        %mul3A_749 = arith.muli %sub3A_747, %mul3A_748 : i32
        %mul3A_750 = arith.constant 16 : i32
        %mul3A_751 = arith.muli %mul3A_749, %mul3A_750 : i32
        %get3A = arith.index_cast %mul3A_751 : i32 to index
        %get3A_752 = tpu.vector_load %arg6[%get3A] {strides = array<i32>} : memref<4096xi32, #tpu.memory_space<vmem>>, vector<16xi32>,
        %mul3A_753 = arith.constant 8 : i32
        %mul3A_754 = arith.muli %sub3A_747, %mul3A_753 : i32
        %add3A_755 = arith.constant 1 : i32
        %add3A_756 = arith.addi %mul3A_754, %add3A_755 : i32
        %mul3A_757 = arith.constant 16 : i32
        %mul3A_758 = arith.muli %add3A_756, %mul3A_757 : i32
        %get3A_759 = arith.index_cast %mul3A_758 : i32 to index
        %get3A_760 = tpu.vector_load %arg6[%get3A_759] {strides = array<i32>} : memref<4096xi32, #tpu.memory_space<vmem>>, vector<16xi32>,
        %add3A_761 = arith.addi %get3A_752, %get3A_760 : vector<16xi32>
        %mul3A_762 = arith.constant 8 : i32
        %mul3A_763 = arith.muli %sub3A_747, %mul3A_762 : i32
        %add3A_764 = arith.constant 2 : i32
        %add3A_765 = arith.addi %mul3A_763, %add3A_764 : i32
        %mul3A_766 = arith.constant 16 : i32
        %mul3A_767 = arith.muli %add3A_765, %mul3A_766 : i32
        %get3A_768 = arith.index_cast %mul3A_767 : i32 to index
        %get3A_769 = tpu.vector_load %arg6[%get3A_768] {strides = array<i32>} : memref<4096xi32, #tpu.memory_space<vmem>>, vector<16xi32>,
        %add3A_770 = arith.addi %add3A_761, %get3A_769 : vector<16xi32>
        %mul3A_771 = arith.constant 8 : i32
        %mul3A_772 = arith.muli %sub3A_747, %mul3A_771 : i32
        %add3A_773 = arith.constant 3 : i32
        %add3A_774 = arith.addi %mul3A_772, %add3A_773 : i32
        %mul3A_775 = arith.constant 16 : i32
        %mul3A_776 = arith.muli %add3A_774, %mul3A_775 : i32
        %get3A_777 = arith.index_cast %mul3A_776 : i32 to index
        %get3A_778 = tpu.vector_load %arg6[%get3A_777] {strides = array<i32>} : memref<4096xi32, #tpu.memory_space<vmem>>, vector<16xi32>,
        %add3A_779 = arith.addi %add3A_770, %get3A_778 : vector<16xi32>
        %mul3A_780 = arith.constant 8 : i32
        %mul3A_781 = arith.muli %sub3A_747, %mul3A_780 : i32
        %add3A_782 = arith.constant 4 : i32
        %add3A_783 = arith.addi %mul3A_781, %add3A_782 : i32
        %mul3A_784 = arith.constant 16 : i32
        %mul3A_785 = arith.muli %add3A_783, %mul3A_784 : i32
        %get3A_786 = arith.index_cast %mul3A_785 : i32 to index
        %get3A_787 = tpu.vector_load %arg6[%get3A_786] {strides = array<i32>} : memref<4096xi32, #tpu.memory_space<vmem>>, vector<16xi32>,
        %add3A_788 = arith.addi %add3A_779, %get3A_787 : vector<16xi32>
        %mul3A_789 = arith.constant 8 : i32
        %mul3A_790 = arith.muli %sub3A_747, %mul3A_789 : i32
        %add3A_791 = arith.constant 5 : i32
        %add3A_792 = arith.addi %mul3A_790, %add3A_791 : i32
        %mul3A_793 = arith.constant 16 : i32
        %mul3A_794 = arith.muli %add3A_792, %mul3A_793 : i32
        %get3A_795 = arith.index_cast %mul3A_794 : i32 to index
        %get3A_796 = tpu.vector_load %arg6[%get3A_795] {strides = array<i32>} : memref<4096xi32, #tpu.memory_space<vmem>>, vector<16xi32>,
        %add3A_797 = arith.addi %add3A_788, %get3A_796 : vector<16xi32>
        %mul3A_798 = arith.constant 8 : i32
        %mul3A_799 = arith.muli %sub3A_747, %mul3A_798 : i32
        %add3A_800 = arith.constant 6 : i32
        %add3A_801 = arith.addi %mul3A_799, %add3A_800 : i32
        %mul3A_802 = arith.constant 16 : i32
        %mul3A_803 = arith.muli %add3A_801, %mul3A_802 : i32
        %get3A_804 = arith.index_cast %mul3A_803 : i32 to index
        %get3A_805 = tpu.vector_load %arg6[%get3A_804] {strides = array<i32>} : memref<4096xi32, #tpu.memory_space<vmem>>, vector<16xi32>,
        %add3A_806 = arith.addi %add3A_797, %get3A_805 : vector<16xi32>
        %mul3A_807 = arith.constant 8 : i32
        %mul3A_808 = arith.muli %sub3A_747, %mul3A_807 : i32
        %add3A_809 = arith.constant 7 : i32
        %add3A_810 = arith.addi %mul3A_808, %add3A_809 : i32
        %mul3A_811 = arith.constant 16 : i32
        %mul3A_812 = arith.muli %add3A_810, %mul3A_811 : i32
        %get3A_813 = arith.index_cast %mul3A_812 : i32 to index
        %get3A_814 = tpu.vector_load %arg6[%get3A_813] {strides = array<i32>} : memref<4096xi32, #tpu.memory_space<vmem>>, vector<16xi32>,
        %add3A_815 = arith.addi %add3A_806, %get3A_814 : vector<16xi32>
        %reduce_sum3A = arith.constant true
        %reduce_sum3A_816 = vector.broadcast %reduce_sum3A : i1 to vector<16xi1>
        %reduce_sum3A_817 = tpu.scan <sum>, %add3A_815 masked %reduce_sum3A_816 : vector<16xi32>, vector<16xi1> -> vector<16xi32>
        %reduce_sum3A_818 = vector.extract %reduce_sum3A_817[15] : i32 from vector<16xi32>
        %add3A_819 = arith.addi %scan3A_742, %reduce_sum3A_818 : i32
        %eq3A = arith.constant 0 : i32
        %eq3A_820 = arith.cmpi eq, %scan3A_745, %eq3A : i32
        %ge3A = arith.cmpi sge, %add3A_819, %sub3A_514 : i32
        %and3A_821 = arith.andi %eq3A_820, %ge3A : i1
        %select_n3A_822 = arith.select %and3A_821, %sub3A_747, %scan3A_743 : i32
        %select_n3A_823 = arith.select %and3A_821, %scan3A_742, %scan3A_744 : i32
        %convert_element_type3A_824 = arith.extui %and3A_821 : i1 to i32
        %or3A_825 = arith.ori %scan3A_745, %convert_element_type3A_824 : i32
        scf.yield %add3A_819, %select_n3A_822, %select_n3A_823, %or3A_825 : i32, i32, i32, i32
      }
      %scan3A_601 = arith.constant 32 : i32
      %scan3A_602 = arith.constant 0 : i32
      %scan3A_603 = arith.constant 0 : i32
      %scan3A_604 = arith.constant 0 : i32
      %scan3A_605 = arith.constant 0 : i32
      %scan3A_606 = arith.constant 8 : i32
      %scan3A_607 = arith.addi %scan3A_605, %scan3A_606 : i32
      %scan3A_608 = arith.constant 1 : i32
      %scan3A_609:4 = scf.for %scan3A_741 = %scan3A_605 to %scan3A_607 step %scan3A_608 iter_args(%scan3A_742 = %scan3A_600#2, %scan3A_743 = %scan3A_602, %scan3A_744 = %scan3A_603, %scan3A_745 = %scan3A_604) -> (i32, i32, i32, i32)  : i32 {
        %mul3A_746 = arith.constant 8 : i32
        %mul3A_747 = arith.muli %scan3A_600#1, %mul3A_746 : i32
        %sub3A_748 = arith.constant 7 : i32
        %sub3A_749 = arith.subi %sub3A_748, %scan3A_741 : i32
        %add3A_750 = arith.addi %mul3A_747, %sub3A_749 : i32
        %mul3A_751 = arith.constant 16 : i32
        %mul3A_752 = arith.muli %add3A_750, %mul3A_751 : i32
        %get3A = arith.index_cast %mul3A_752 : i32 to index
        %get3A_753 = tpu.vector_load %arg6[%get3A] {strides = array<i32>} : memref<4096xi32, #tpu.memory_space<vmem>>, vector<16xi32>,
        %reduce_sum3A = arith.constant true
        %reduce_sum3A_754 = vector.broadcast %reduce_sum3A : i1 to vector<16xi1>
        %reduce_sum3A_755 = tpu.scan <sum>, %get3A_753 masked %reduce_sum3A_754 : vector<16xi32>, vector<16xi1> -> vector<16xi32>
        %reduce_sum3A_756 = vector.extract %reduce_sum3A_755[15] : i32 from vector<16xi32>
        %add3A_757 = arith.addi %scan3A_742, %reduce_sum3A_756 : i32
        %eq3A = arith.constant 0 : i32
        %eq3A_758 = arith.cmpi eq, %scan3A_745, %eq3A : i32
        %ge3A = arith.cmpi sge, %add3A_757, %sub3A_514 : i32
        %and3A_759 = arith.andi %eq3A_758, %ge3A : i1
        %select_n3A_760 = arith.select %and3A_759, %add3A_750, %scan3A_743 : i32
        %select_n3A_761 = arith.select %and3A_759, %scan3A_742, %scan3A_744 : i32
        %convert_element_type3A_762 = arith.extui %and3A_759 : i1 to i32
        %or3A_763 = arith.ori %scan3A_745, %convert_element_type3A_762 : i32
        scf.yield %add3A_757, %select_n3A_760, %select_n3A_761, %or3A_763 : i32, i32, i32, i32
      }
      %scan3A_610 = arith.constant 8 : i32
      %shift_left3A_611 = arith.constant 8 : i32
      %shift_left3A_612 = arith.shli %or3A_513, %shift_left3A_611 : i32
      %or3A_613 = arith.ori %shift_left3A_612, %scan3A_609#1 : i32
      %sub3A_614 = arith.subi %sub3A_514, %scan3A_609#2 : i32
      %broadcast_in_dim3A_615 = arith.constant 0 : i32
      %broadcast_in_dim3A_616 = vector.broadcast %broadcast_in_dim3A_615 : i32 to vector<16xi32>
      %while3A_617 = arith.constant 0 : i32
      %while3A_618 = arith.subi %select_n3A_571, %while3A_617 : i32
      %while3A_619 = arith.addi %while3A_617, %while3A_618 : i32
      %while3A_620 = arith.constant 1 : i32
      %while3A_621 = arith.divsi %while3A_618, %while3A_620 : i32
      %while3A_622 = arith.muli %while3A_621, %while3A_620 : i32
      %while3A_623 = arith.addi %while3A_617, %while3A_622 : i32
      %while3A_624 = arith.constant 1 : i32
      %while3A_625 = scf.for %while3A_741 = %while3A_617 to %while3A_623 step %while3A_624 iter_args(%while3A_742 = %broadcast_in_dim3A_616) -> (vector<16xi32>)  : i32 {
        %mul3A_743 = arith.constant 16 : i32
        %mul3A_744 = arith.muli %while3A_741, %mul3A_743 : i32
        %get3A = arith.index_cast %mul3A_744 : i32 to index
        %get3A_745 = tpu.vector_load %arg8[%get3A] {strides = array<i32>} : memref<1024xi32, #tpu.memory_space<vmem>>, vector<16xi32>,
        %shift_right_logical3A = arith.constant 7 : i32
        %shift_right_logical3A_746 = vector.broadcast %shift_right_logical3A : i32 to vector<16xi32>
        %shift_right_logical3A_747 = arith.shrui %get3A_745, %shift_right_logical3A_746 : vector<16xi32>
        %eq3A = vector.broadcast %or3A_613 : i32 to vector<16xi32>
        %eq3A_748 = arith.cmpi eq, %shift_right_logical3A_747, %eq3A : vector<16xi32>
        %slice3A_749 = vector.extract_strided_slice %while3A_742 {offsets = [0], sizes = [1], strides = [1]} : vector<16xi32> to vector<1xi32>
        %squeeze3A_750 = vector.extract %slice3A_749[0] : i32 from vector<1xi32>
        %swap3A_751 = arith.index_cast %squeeze3A_750 : i32 to index
        %swap3A_752 = tpu.vector_load %arg7[%swap3A_751] masked %eq3A_748 {strides = array<i32>} : memref<22528xi32, #tpu.memory_space<vmem>>, vector<16xi32>, vector<16xi1>
        tpu.vector_store %arg7[%swap3A_751], %get3A_745 masked %eq3A_748 {strides = array<i32>} : memref<22528xi32, #tpu.memory_space<vmem>>, vector<16xi32>, vector<16xi1>
        %all_reduce_population_count3A = tpu.all_reduce %eq3A_748 {dim = 0 : i64, kind = #tpu.reduction_kind<sum>} : vector<16xi1> -> vector<16xi32>
        %add3A_753 = arith.addi %while3A_742, %all_reduce_population_count3A : vector<16xi32>
        %min3A = arith.constant 22464 : i32
        %min3A_754 = vector.broadcast %min3A : i32 to vector<16xi32>
        %min3A_755 = arith.minsi %add3A_753, %min3A_754 : vector<16xi32>
        scf.yield %min3A_755 : vector<16xi32>
      }
      %while3A_626 = arith.constant 1 : i32
      %while3A_627 = scf.for %while3A_741 = %while3A_623 to %while3A_619 step %while3A_626 iter_args(%while3A_742 = %while3A_625) -> (vector<16xi32>)  : i32 {
        %mul3A_743 = arith.constant 16 : i32
        %mul3A_744 = arith.muli %while3A_741, %mul3A_743 : i32
        %get3A = arith.index_cast %mul3A_744 : i32 to index
        %get3A_745 = tpu.vector_load %arg8[%get3A] {strides = array<i32>} : memref<1024xi32, #tpu.memory_space<vmem>>, vector<16xi32>,
        %shift_right_logical3A = arith.constant 7 : i32
        %shift_right_logical3A_746 = vector.broadcast %shift_right_logical3A : i32 to vector<16xi32>
        %shift_right_logical3A_747 = arith.shrui %get3A_745, %shift_right_logical3A_746 : vector<16xi32>
        %eq3A = vector.broadcast %or3A_613 : i32 to vector<16xi32>
        %eq3A_748 = arith.cmpi eq, %shift_right_logical3A_747, %eq3A : vector<16xi32>
        %slice3A_749 = vector.extract_strided_slice %while3A_742 {offsets = [0], sizes = [1], strides = [1]} : vector<16xi32> to vector<1xi32>
        %squeeze3A_750 = vector.extract %slice3A_749[0] : i32 from vector<1xi32>
        %swap3A_751 = arith.index_cast %squeeze3A_750 : i32 to index
        %swap3A_752 = tpu.vector_load %arg7[%swap3A_751] masked %eq3A_748 {strides = array<i32>} : memref<22528xi32, #tpu.memory_space<vmem>>, vector<16xi32>, vector<16xi1>
        tpu.vector_store %arg7[%swap3A_751], %get3A_745 masked %eq3A_748 {strides = array<i32>} : memref<22528xi32, #tpu.memory_space<vmem>>, vector<16xi32>, vector<16xi1>
        %all_reduce_population_count3A = tpu.all_reduce %eq3A_748 {dim = 0 : i64, kind = #tpu.reduction_kind<sum>} : vector<16xi1> -> vector<16xi32>
        %add3A_753 = arith.addi %while3A_742, %all_reduce_population_count3A : vector<16xi32>
        %min3A = arith.constant 22464 : i32
        %min3A_754 = vector.broadcast %min3A : i32 to vector<16xi32>
        %min3A_755 = arith.minsi %add3A_753, %min3A_754 : vector<16xi32>
        scf.yield %min3A_755 : vector<16xi32>
      }
      %slice3A_628 = vector.extract_strided_slice %while3A_627 {offsets = [0], sizes = [1], strides = [1]} : vector<16xi32> to vector<1xi32>
      %squeeze3A_629 = vector.extract %slice3A_628[0] : i32 from vector<1xi32>
      %add3A_630 = arith.constant 0 : i32
      %add3A_631 = arith.addi %squeeze3A_629, %add3A_630 : i32
      %swap3A_632 = arith.index_cast %add3A_631 : i32 to index
      %swap3A_633 = tpu.vector_load %arg7[%swap3A_632] masked %broadcast_in_dim3A_7 {strides = array<i32>} : memref<22528xi32, #tpu.memory_space<vmem>>, vector<16xi32>, vector<16xi1>
      tpu.vector_store %arg7[%swap3A_632], %broadcast_in_dim3A_5 masked %broadcast_in_dim3A_7 {strides = array<i32>} : memref<22528xi32, #tpu.memory_space<vmem>>, vector<16xi32>, vector<16xi1>
      %add3A_634 = arith.constant 16 : i32
      %add3A_635 = arith.addi %squeeze3A_629, %add3A_634 : i32
      %swap3A_636 = arith.index_cast %add3A_635 : i32 to index
      %swap3A_637 = tpu.vector_load %arg7[%swap3A_636] masked %broadcast_in_dim3A_7 {strides = array<i32>} : memref<22528xi32, #tpu.memory_space<vmem>>, vector<16xi32>, vector<16xi1>
      tpu.vector_store %arg7[%swap3A_636], %broadcast_in_dim3A_5 masked %broadcast_in_dim3A_7 {strides = array<i32>} : memref<22528xi32, #tpu.memory_space<vmem>>, vector<16xi32>, vector<16xi1>
      %add3A_638 = arith.constant 32 : i32
      %add3A_639 = arith.addi %squeeze3A_629, %add3A_638 : i32
      %swap3A_640 = arith.index_cast %add3A_639 : i32 to index
      %swap3A_641 = tpu.vector_load %arg7[%swap3A_640] masked %broadcast_in_dim3A_7 {strides = array<i32>} : memref<22528xi32, #tpu.memory_space<vmem>>, vector<16xi32>, vector<16xi1>
      tpu.vector_store %arg7[%swap3A_640], %broadcast_in_dim3A_5 masked %broadcast_in_dim3A_7 {strides = array<i32>} : memref<22528xi32, #tpu.memory_space<vmem>>, vector<16xi32>, vector<16xi1>
      %add3A_642 = arith.constant 48 : i32
      %add3A_643 = arith.addi %squeeze3A_629, %add3A_642 : i32
      %swap3A_644 = arith.index_cast %add3A_643 : i32 to index
      %swap3A_645 = tpu.vector_load %arg7[%swap3A_644] masked %broadcast_in_dim3A_7 {strides = array<i32>} : memref<22528xi32, #tpu.memory_space<vmem>>, vector<16xi32>, vector<16xi1>
      tpu.vector_store %arg7[%swap3A_644], %broadcast_in_dim3A_5 masked %broadcast_in_dim3A_7 {strides = array<i32>} : memref<22528xi32, #tpu.memory_space<vmem>>, vector<16xi32>, vector<16xi1>
      %add3A_646 = arith.constant 15 : i32
      %add3A_647 = arith.addi %squeeze3A_629, %add3A_646 : i32
      %jit3A_648 = arith.constant 16 : i32
      %div3A_649 = arith.divsi %add3A_647, %jit3A_648 : i32
      %sign3A_650 = arith.constant 0 : i32
      %sign3A_651 = arith.cmpi sgt, %add3A_647, %sign3A_650 : i32
      %sign3A_652 = arith.extui %sign3A_651 : i1 to i32
      %sign3A_653 = arith.constant 0 : i32
      %sign3A_654 = arith.cmpi slt, %add3A_647, %sign3A_653 : i32
      %sign3A_655 = arith.extui %sign3A_654 : i1 to i32
      %sign3A_656 = arith.subi %sign3A_652, %sign3A_655 : i32
      %sign3A_657 = arith.constant 0 : i32
      %sign3A_658 = arith.cmpi sgt, %jit3A_648, %sign3A_657 : i32
      %sign3A_659 = arith.extui %sign3A_658 : i1 to i32
      %sign3A_660 = arith.constant 0 : i32
      %sign3A_661 = arith.cmpi slt, %jit3A_648, %sign3A_660 : i32
      %sign3A_662 = arith.extui %sign3A_661 : i1 to i32
      %sign3A_663 = arith.subi %sign3A_659, %sign3A_662 : i32
      %ne3A_664 = arith.cmpi ne, %sign3A_656, %sign3A_663 : i32
      %rem3A_665 = arith.remsi %add3A_647, %jit3A_648 : i32
      %ne3A_666 = arith.constant 0 : i32
      %ne3A_667 = arith.cmpi ne, %rem3A_665, %ne3A_666 : i32
      %and3A_668 = arith.andi %ne3A_664, %ne3A_667 : i1
      %sub3A_669 = arith.constant 1 : i32
      %sub3A_670 = arith.subi %div3A_649, %sub3A_669 : i32
      %select_n3A_671 = arith.select %and3A_668, %sub3A_670, %div3A_649 : i32
      %scan3A_672 = arith.constant 0 : i32
      %scan3A_673 = arith.constant 0 : i32
      %scan3A_674 = arith.constant 16 : i32
      %scan3A_675 = arith.addi %scan3A_673, %scan3A_674 : i32
      %scan3A_676 = arith.constant 1 : i32
      %scan3A_677 = scf.for %scan3A_741 = %scan3A_673 to %scan3A_675 step %scan3A_676 iter_args(%scan3A_742 = %scan3A_672) -> (i32)  : i32 {
        %mul3A_743 = arith.constant 8 : i32
        %mul3A_744 = arith.muli %scan3A_741, %mul3A_743 : i32
        %add3A_745 = arith.constant 0 : i32
        %add3A_746 = arith.addi %mul3A_744, %add3A_745 : i32
        %mul3A_747 = arith.constant 16 : i32
        %mul3A_748 = arith.muli %add3A_746, %mul3A_747 : i32
        %swap3A_749 = arith.index_cast %mul3A_748 : i32 to index
        %swap3A_750 = tpu.vector_load %arg6[%swap3A_749] {strides = array<i32>} : memref<4096xi32, #tpu.memory_space<vmem>>, vector<16xi32>,
        tpu.vector_store %arg6[%swap3A_749], %broadcast_in_dim3A_5 {strides = array<i32>} : memref<4096xi32, #tpu.memory_space<vmem>>, vector<16xi32>,
        %mul3A_751 = arith.constant 8 : i32
        %mul3A_752 = arith.muli %scan3A_741, %mul3A_751 : i32
        %add3A_753 = arith.constant 1 : i32
        %add3A_754 = arith.addi %mul3A_752, %add3A_753 : i32
        %mul3A_755 = arith.constant 16 : i32
        %mul3A_756 = arith.muli %add3A_754, %mul3A_755 : i32
        %swap3A_757 = arith.index_cast %mul3A_756 : i32 to index
        %swap3A_758 = tpu.vector_load %arg6[%swap3A_757] {strides = array<i32>} : memref<4096xi32, #tpu.memory_space<vmem>>, vector<16xi32>,
        tpu.vector_store %arg6[%swap3A_757], %broadcast_in_dim3A_5 {strides = array<i32>} : memref<4096xi32, #tpu.memory_space<vmem>>, vector<16xi32>,
        %mul3A_759 = arith.constant 8 : i32
        %mul3A_760 = arith.muli %scan3A_741, %mul3A_759 : i32
        %add3A_761 = arith.constant 2 : i32
        %add3A_762 = arith.addi %mul3A_760, %add3A_761 : i32
        %mul3A_763 = arith.constant 16 : i32
        %mul3A_764 = arith.muli %add3A_762, %mul3A_763 : i32
        %swap3A_765 = arith.index_cast %mul3A_764 : i32 to index
        %swap3A_766 = tpu.vector_load %arg6[%swap3A_765] {strides = array<i32>} : memref<4096xi32, #tpu.memory_space<vmem>>, vector<16xi32>,
        tpu.vector_store %arg6[%swap3A_765], %broadcast_in_dim3A_5 {strides = array<i32>} : memref<4096xi32, #tpu.memory_space<vmem>>, vector<16xi32>,
        %mul3A_767 = arith.constant 8 : i32
        %mul3A_768 = arith.muli %scan3A_741, %mul3A_767 : i32
        %add3A_769 = arith.constant 3 : i32
        %add3A_770 = arith.addi %mul3A_768, %add3A_769 : i32
        %mul3A_771 = arith.constant 16 : i32
        %mul3A_772 = arith.muli %add3A_770, %mul3A_771 : i32
        %swap3A_773 = arith.index_cast %mul3A_772 : i32 to index
        %swap3A_774 = tpu.vector_load %arg6[%swap3A_773] {strides = array<i32>} : memref<4096xi32, #tpu.memory_space<vmem>>, vector<16xi32>,
        tpu.vector_store %arg6[%swap3A_773], %broadcast_in_dim3A_5 {strides = array<i32>} : memref<4096xi32, #tpu.memory_space<vmem>>, vector<16xi32>,
        %mul3A_775 = arith.constant 8 : i32
        %mul3A_776 = arith.muli %scan3A_741, %mul3A_775 : i32
        %add3A_777 = arith.constant 4 : i32
        %add3A_778 = arith.addi %mul3A_776, %add3A_777 : i32
        %mul3A_779 = arith.constant 16 : i32
        %mul3A_780 = arith.muli %add3A_778, %mul3A_779 : i32
        %swap3A_781 = arith.index_cast %mul3A_780 : i32 to index
        %swap3A_782 = tpu.vector_load %arg6[%swap3A_781] {strides = array<i32>} : memref<4096xi32, #tpu.memory_space<vmem>>, vector<16xi32>,
        tpu.vector_store %arg6[%swap3A_781], %broadcast_in_dim3A_5 {strides = array<i32>} : memref<4096xi32, #tpu.memory_space<vmem>>, vector<16xi32>,
        %mul3A_783 = arith.constant 8 : i32
        %mul3A_784 = arith.muli %scan3A_741, %mul3A_783 : i32
        %add3A_785 = arith.constant 5 : i32
        %add3A_786 = arith.addi %mul3A_784, %add3A_785 : i32
        %mul3A_787 = arith.constant 16 : i32
        %mul3A_788 = arith.muli %add3A_786, %mul3A_787 : i32
        %swap3A_789 = arith.index_cast %mul3A_788 : i32 to index
        %swap3A_790 = tpu.vector_load %arg6[%swap3A_789] {strides = array<i32>} : memref<4096xi32, #tpu.memory_space<vmem>>, vector<16xi32>,
        tpu.vector_store %arg6[%swap3A_789], %broadcast_in_dim3A_5 {strides = array<i32>} : memref<4096xi32, #tpu.memory_space<vmem>>, vector<16xi32>,
        %mul3A_791 = arith.constant 8 : i32
        %mul3A_792 = arith.muli %scan3A_741, %mul3A_791 : i32
        %add3A_793 = arith.constant 6 : i32
        %add3A_794 = arith.addi %mul3A_792, %add3A_793 : i32
        %mul3A_795 = arith.constant 16 : i32
        %mul3A_796 = arith.muli %add3A_794, %mul3A_795 : i32
        %swap3A_797 = arith.index_cast %mul3A_796 : i32 to index
        %swap3A_798 = tpu.vector_load %arg6[%swap3A_797] {strides = array<i32>} : memref<4096xi32, #tpu.memory_space<vmem>>, vector<16xi32>,
        tpu.vector_store %arg6[%swap3A_797], %broadcast_in_dim3A_5 {strides = array<i32>} : memref<4096xi32, #tpu.memory_space<vmem>>, vector<16xi32>,
        %mul3A_799 = arith.constant 8 : i32
        %mul3A_800 = arith.muli %scan3A_741, %mul3A_799 : i32
        %add3A_801 = arith.constant 7 : i32
        %add3A_802 = arith.addi %mul3A_800, %add3A_801 : i32
        %mul3A_803 = arith.constant 16 : i32
        %mul3A_804 = arith.muli %add3A_802, %mul3A_803 : i32
        %swap3A_805 = arith.index_cast %mul3A_804 : i32 to index
        %swap3A_806 = tpu.vector_load %arg6[%swap3A_805] {strides = array<i32>} : memref<4096xi32, #tpu.memory_space<vmem>>, vector<16xi32>,
        tpu.vector_store %arg6[%swap3A_805], %broadcast_in_dim3A_5 {strides = array<i32>} : memref<4096xi32, #tpu.memory_space<vmem>>, vector<16xi32>,
        %scan3A_807 = arith.constant 0 : i32
        scf.yield %scan3A_807 : i32
      }
      %scan3A_678 = arith.constant 16 : i32
      %while3A_679 = arith.constant 127 : i32
      %while3A_680 = arith.constant 0 : i32
      %while3A_681 = arith.constant 0 : i32
      %while3A_682 = arith.subi %select_n3A_671, %while3A_680 : i32
      %while3A_683 = arith.addi %while3A_680, %while3A_682 : i32
      %while3A_684 = arith.constant 1 : i32
      %while3A_685 = arith.divsi %while3A_682, %while3A_684 : i32
      %while3A_686 = arith.muli %while3A_685, %while3A_684 : i32
      %while3A_687 = arith.addi %while3A_680, %while3A_686 : i32
      %while3A_688 = arith.constant 1 : i32
      %while3A_689 = scf.for %while3A_741 = %while3A_680 to %while3A_687 step %while3A_688 iter_args(%while3A_742 = %while3A_681) -> (i32)  : i32 {
        %mul3A_743 = arith.constant 16 : i32
        %mul3A_744 = arith.muli %while3A_741, %mul3A_743 : i32
        %get3A = arith.index_cast %mul3A_744 : i32 to index
        %get3A_745 = tpu.vector_load %arg7[%get3A] {strides = array<i32>} : memref<22528xi32, #tpu.memory_space<vmem>>, vector<16xi32>,
        %shift_right_logical3A = arith.constant 7 : i32
        %shift_right_logical3A_746 = vector.broadcast %shift_right_logical3A : i32 to vector<16xi32>
        %shift_right_logical3A_747 = arith.shrui %get3A_745, %shift_right_logical3A_746 : vector<16xi32>
        %eq3A = vector.broadcast %or3A_613 : i32 to vector<16xi32>
        %eq3A_748 = arith.cmpi eq, %shift_right_logical3A_747, %eq3A : vector<16xi32>
        %shift_right_logical3A_749 = arith.constant 0 : i32
        %shift_right_logical3A_750 = vector.broadcast %shift_right_logical3A_749 : i32 to vector<16xi32>
        %shift_right_logical3A_751 = arith.shrui %get3A_745, %shift_right_logical3A_750 : vector<16xi32>
        %and3A_752 = vector.broadcast %while3A_679 : i32 to vector<16xi32>
        %and3A_753 = arith.andi %shift_right_logical3A_751, %and3A_752 : vector<16xi32>
        %shift_left3A_754 = arith.constant 4 : i32
        %shift_left3A_755 = vector.broadcast %shift_left3A_754 : i32 to vector<16xi32>
        %shift_left3A_756 = arith.shli %and3A_753, %shift_left3A_755 : vector<16xi32>
        %or3A_757 = arith.ori %shift_left3A_756, %iota3A : vector<16xi32>
        tpu.vector_store_idx %arg6[%or3A_757], %broadcast_in_dim3A_3 masked %eq3A_748 {add = true} : memref<4096xi32, #tpu.memory_space<vmem>>[vector<16xi32>], vector<16xi32>, vector<16xi1>
        %while3A_758 = arith.constant 0 : i32
        scf.yield %while3A_758 : i32
      }
      %while3A_690 = arith.constant 1 : i32
      %while3A_691 = scf.for %while3A_741 = %while3A_687 to %while3A_683 step %while3A_690 iter_args(%while3A_742 = %while3A_689) -> (i32)  : i32 {
        %mul3A_743 = arith.constant 16 : i32
        %mul3A_744 = arith.muli %while3A_741, %mul3A_743 : i32
        %get3A = arith.index_cast %mul3A_744 : i32 to index
        %get3A_745 = tpu.vector_load %arg7[%get3A] {strides = array<i32>} : memref<22528xi32, #tpu.memory_space<vmem>>, vector<16xi32>,
        %shift_right_logical3A = arith.constant 7 : i32
        %shift_right_logical3A_746 = vector.broadcast %shift_right_logical3A : i32 to vector<16xi32>
        %shift_right_logical3A_747 = arith.shrui %get3A_745, %shift_right_logical3A_746 : vector<16xi32>
        %eq3A = vector.broadcast %or3A_613 : i32 to vector<16xi32>
        %eq3A_748 = arith.cmpi eq, %shift_right_logical3A_747, %eq3A : vector<16xi32>
        %shift_right_logical3A_749 = arith.constant 0 : i32
        %shift_right_logical3A_750 = vector.broadcast %shift_right_logical3A_749 : i32 to vector<16xi32>
        %shift_right_logical3A_751 = arith.shrui %get3A_745, %shift_right_logical3A_750 : vector<16xi32>
        %and3A_752 = vector.broadcast %while3A_679 : i32 to vector<16xi32>
        %and3A_753 = arith.andi %shift_right_logical3A_751, %and3A_752 : vector<16xi32>
        %shift_left3A_754 = arith.constant 4 : i32
        %shift_left3A_755 = vector.broadcast %shift_left3A_754 : i32 to vector<16xi32>
        %shift_left3A_756 = arith.shli %and3A_753, %shift_left3A_755 : vector<16xi32>
        %or3A_757 = arith.ori %shift_left3A_756, %iota3A : vector<16xi32>
        tpu.vector_store_idx %arg6[%or3A_757], %broadcast_in_dim3A_3 masked %eq3A_748 {add = true} : memref<4096xi32, #tpu.memory_space<vmem>>[vector<16xi32>], vector<16xi32>, vector<16xi1>
        %while3A_758 = arith.constant 0 : i32
        scf.yield %while3A_758 : i32
      }
      %scan3A_692 = arith.constant 0 : i32
      %scan3A_693 = arith.constant 0 : i32
      %scan3A_694 = arith.constant 0 : i32
      %scan3A_695 = arith.constant 0 : i32
      %scan3A_696 = arith.constant 0 : i32
      %scan3A_697 = arith.constant 16 : i32
      %scan3A_698 = arith.addi %scan3A_696, %scan3A_697 : i32
      %scan3A_699 = arith.constant 1 : i32
      %scan3A_700:4 = scf.for %scan3A_741 = %scan3A_696 to %scan3A_698 step %scan3A_699 iter_args(%scan3A_742 = %scan3A_692, %scan3A_743 = %scan3A_693, %scan3A_744 = %scan3A_694, %scan3A_745 = %scan3A_695) -> (i32, i32, i32, i32)  : i32 {
        %sub3A_746 = arith.constant 15 : i32
        %sub3A_747 = arith.subi %sub3A_746, %scan3A_741 : i32
        %mul3A_748 = arith.constant 8 : i32
        %mul3A_749 = arith.muli %sub3A_747, %mul3A_748 : i32
        %mul3A_750 = arith.constant 16 : i32
        %mul3A_751 = arith.muli %mul3A_749, %mul3A_750 : i32
        %get3A = arith.index_cast %mul3A_751 : i32 to index
        %get3A_752 = tpu.vector_load %arg6[%get3A] {strides = array<i32>} : memref<4096xi32, #tpu.memory_space<vmem>>, vector<16xi32>,
        %mul3A_753 = arith.constant 8 : i32
        %mul3A_754 = arith.muli %sub3A_747, %mul3A_753 : i32
        %add3A_755 = arith.constant 1 : i32
        %add3A_756 = arith.addi %mul3A_754, %add3A_755 : i32
        %mul3A_757 = arith.constant 16 : i32
        %mul3A_758 = arith.muli %add3A_756, %mul3A_757 : i32
        %get3A_759 = arith.index_cast %mul3A_758 : i32 to index
        %get3A_760 = tpu.vector_load %arg6[%get3A_759] {strides = array<i32>} : memref<4096xi32, #tpu.memory_space<vmem>>, vector<16xi32>,
        %add3A_761 = arith.addi %get3A_752, %get3A_760 : vector<16xi32>
        %mul3A_762 = arith.constant 8 : i32
        %mul3A_763 = arith.muli %sub3A_747, %mul3A_762 : i32
        %add3A_764 = arith.constant 2 : i32
        %add3A_765 = arith.addi %mul3A_763, %add3A_764 : i32
        %mul3A_766 = arith.constant 16 : i32
        %mul3A_767 = arith.muli %add3A_765, %mul3A_766 : i32
        %get3A_768 = arith.index_cast %mul3A_767 : i32 to index
        %get3A_769 = tpu.vector_load %arg6[%get3A_768] {strides = array<i32>} : memref<4096xi32, #tpu.memory_space<vmem>>, vector<16xi32>,
        %add3A_770 = arith.addi %add3A_761, %get3A_769 : vector<16xi32>
        %mul3A_771 = arith.constant 8 : i32
        %mul3A_772 = arith.muli %sub3A_747, %mul3A_771 : i32
        %add3A_773 = arith.constant 3 : i32
        %add3A_774 = arith.addi %mul3A_772, %add3A_773 : i32
        %mul3A_775 = arith.constant 16 : i32
        %mul3A_776 = arith.muli %add3A_774, %mul3A_775 : i32
        %get3A_777 = arith.index_cast %mul3A_776 : i32 to index
        %get3A_778 = tpu.vector_load %arg6[%get3A_777] {strides = array<i32>} : memref<4096xi32, #tpu.memory_space<vmem>>, vector<16xi32>,
        %add3A_779 = arith.addi %add3A_770, %get3A_778 : vector<16xi32>
        %mul3A_780 = arith.constant 8 : i32
        %mul3A_781 = arith.muli %sub3A_747, %mul3A_780 : i32
        %add3A_782 = arith.constant 4 : i32
        %add3A_783 = arith.addi %mul3A_781, %add3A_782 : i32
        %mul3A_784 = arith.constant 16 : i32
        %mul3A_785 = arith.muli %add3A_783, %mul3A_784 : i32
        %get3A_786 = arith.index_cast %mul3A_785 : i32 to index
        %get3A_787 = tpu.vector_load %arg6[%get3A_786] {strides = array<i32>} : memref<4096xi32, #tpu.memory_space<vmem>>, vector<16xi32>,
        %add3A_788 = arith.addi %add3A_779, %get3A_787 : vector<16xi32>
        %mul3A_789 = arith.constant 8 : i32
        %mul3A_790 = arith.muli %sub3A_747, %mul3A_789 : i32
        %add3A_791 = arith.constant 5 : i32
        %add3A_792 = arith.addi %mul3A_790, %add3A_791 : i32
        %mul3A_793 = arith.constant 16 : i32
        %mul3A_794 = arith.muli %add3A_792, %mul3A_793 : i32
        %get3A_795 = arith.index_cast %mul3A_794 : i32 to index
        %get3A_796 = tpu.vector_load %arg6[%get3A_795] {strides = array<i32>} : memref<4096xi32, #tpu.memory_space<vmem>>, vector<16xi32>,
        %add3A_797 = arith.addi %add3A_788, %get3A_796 : vector<16xi32>
        %mul3A_798 = arith.constant 8 : i32
        %mul3A_799 = arith.muli %sub3A_747, %mul3A_798 : i32
        %add3A_800 = arith.constant 6 : i32
        %add3A_801 = arith.addi %mul3A_799, %add3A_800 : i32
        %mul3A_802 = arith.constant 16 : i32
        %mul3A_803 = arith.muli %add3A_801, %mul3A_802 : i32
        %get3A_804 = arith.index_cast %mul3A_803 : i32 to index
        %get3A_805 = tpu.vector_load %arg6[%get3A_804] {strides = array<i32>} : memref<4096xi32, #tpu.memory_space<vmem>>, vector<16xi32>,
        %add3A_806 = arith.addi %add3A_797, %get3A_805 : vector<16xi32>
        %mul3A_807 = arith.constant 8 : i32
        %mul3A_808 = arith.muli %sub3A_747, %mul3A_807 : i32
        %add3A_809 = arith.constant 7 : i32
        %add3A_810 = arith.addi %mul3A_808, %add3A_809 : i32
        %mul3A_811 = arith.constant 16 : i32
        %mul3A_812 = arith.muli %add3A_810, %mul3A_811 : i32
        %get3A_813 = arith.index_cast %mul3A_812 : i32 to index
        %get3A_814 = tpu.vector_load %arg6[%get3A_813] {strides = array<i32>} : memref<4096xi32, #tpu.memory_space<vmem>>, vector<16xi32>,
        %add3A_815 = arith.addi %add3A_806, %get3A_814 : vector<16xi32>
        %reduce_sum3A = arith.constant true
        %reduce_sum3A_816 = vector.broadcast %reduce_sum3A : i1 to vector<16xi1>
        %reduce_sum3A_817 = tpu.scan <sum>, %add3A_815 masked %reduce_sum3A_816 : vector<16xi32>, vector<16xi1> -> vector<16xi32>
        %reduce_sum3A_818 = vector.extract %reduce_sum3A_817[15] : i32 from vector<16xi32>
        %add3A_819 = arith.addi %scan3A_742, %reduce_sum3A_818 : i32
        %eq3A = arith.constant 0 : i32
        %eq3A_820 = arith.cmpi eq, %scan3A_745, %eq3A : i32
        %ge3A = arith.cmpi sge, %add3A_819, %sub3A_614 : i32
        %and3A_821 = arith.andi %eq3A_820, %ge3A : i1
        %select_n3A_822 = arith.select %and3A_821, %sub3A_747, %scan3A_743 : i32
        %select_n3A_823 = arith.select %and3A_821, %scan3A_742, %scan3A_744 : i32
        %convert_element_type3A_824 = arith.extui %and3A_821 : i1 to i32
        %or3A_825 = arith.ori %scan3A_745, %convert_element_type3A_824 : i32
        scf.yield %add3A_819, %select_n3A_822, %select_n3A_823, %or3A_825 : i32, i32, i32, i32
      }
      %scan3A_701 = arith.constant 16 : i32
      %scan3A_702 = arith.constant 0 : i32
      %scan3A_703 = arith.constant 0 : i32
      %scan3A_704 = arith.constant 0 : i32
      %scan3A_705 = arith.constant 0 : i32
      %scan3A_706 = arith.constant 8 : i32
      %scan3A_707 = arith.addi %scan3A_705, %scan3A_706 : i32
      %scan3A_708 = arith.constant 1 : i32
      %scan3A_709:4 = scf.for %scan3A_741 = %scan3A_705 to %scan3A_707 step %scan3A_708 iter_args(%scan3A_742 = %scan3A_700#2, %scan3A_743 = %scan3A_702, %scan3A_744 = %scan3A_703, %scan3A_745 = %scan3A_704) -> (i32, i32, i32, i32)  : i32 {
        %mul3A_746 = arith.constant 8 : i32
        %mul3A_747 = arith.muli %scan3A_700#1, %mul3A_746 : i32
        %sub3A_748 = arith.constant 7 : i32
        %sub3A_749 = arith.subi %sub3A_748, %scan3A_741 : i32
        %add3A_750 = arith.addi %mul3A_747, %sub3A_749 : i32
        %mul3A_751 = arith.constant 16 : i32
        %mul3A_752 = arith.muli %add3A_750, %mul3A_751 : i32
        %get3A = arith.index_cast %mul3A_752 : i32 to index
        %get3A_753 = tpu.vector_load %arg6[%get3A] {strides = array<i32>} : memref<4096xi32, #tpu.memory_space<vmem>>, vector<16xi32>,
        %reduce_sum3A = arith.constant true
        %reduce_sum3A_754 = vector.broadcast %reduce_sum3A : i1 to vector<16xi1>
        %reduce_sum3A_755 = tpu.scan <sum>, %get3A_753 masked %reduce_sum3A_754 : vector<16xi32>, vector<16xi1> -> vector<16xi32>
        %reduce_sum3A_756 = vector.extract %reduce_sum3A_755[15] : i32 from vector<16xi32>
        %add3A_757 = arith.addi %scan3A_742, %reduce_sum3A_756 : i32
        %eq3A = arith.constant 0 : i32
        %eq3A_758 = arith.cmpi eq, %scan3A_745, %eq3A : i32
        %ge3A = arith.cmpi sge, %add3A_757, %sub3A_614 : i32
        %and3A_759 = arith.andi %eq3A_758, %ge3A : i1
        %select_n3A_760 = arith.select %and3A_759, %add3A_750, %scan3A_743 : i32
        %select_n3A_761 = arith.select %and3A_759, %scan3A_742, %scan3A_744 : i32
        %convert_element_type3A_762 = arith.extui %and3A_759 : i1 to i32
        %or3A_763 = arith.ori %scan3A_745, %convert_element_type3A_762 : i32
        scf.yield %add3A_757, %select_n3A_760, %select_n3A_761, %or3A_763 : i32, i32, i32, i32
      }
      %scan3A_710 = arith.constant 8 : i32
      %shift_left3A_711 = arith.constant 7 : i32
      %shift_left3A_712 = arith.shli %or3A_613, %shift_left3A_711 : i32
      %or3A_713 = arith.ori %shift_left3A_712, %scan3A_709#1 : i32
      %sub3A_714 = arith.subi %sub3A_614, %scan3A_709#2 : i32
      %scan3A_715 = arith.constant 0 : i32
      %scan3A_716 = arith.constant 0 : i32
      %scan3A_717 = arith.constant 392 : i32
      %scan3A_718 = arith.addi %scan3A_716, %scan3A_717 : i32
      %scan3A_719 = arith.constant 1 : i32
      %scan3A_720 = scf.for %scan3A_741 = %scan3A_716 to %scan3A_718 step %scan3A_719 iter_args(%scan3A_742 = %scan3A_715) -> (i32)  : i32 {
        %mul3A_743 = arith.constant 8 : i32
        %mul3A_744 = arith.muli %scan3A_741, %mul3A_743 : i32
        %add3A_745 = arith.constant 0 : i32
        %add3A_746 = arith.addi %mul3A_744, %add3A_745 : i32
        %mul3A_747 = arith.constant 16 : i32
        %mul3A_748 = arith.muli %add3A_746, %mul3A_747 : i32
        %get3A = arith.index_cast %mul3A_748 : i32 to index
        %get3A_749 = tpu.vector_load %arg5[%get3A] {strides = array<i32>} : memref<50176xf32, #tpu.memory_space<vmem>>, vector<16xf32>,
        %bitcast3A = vector.bitcast %get3A_749 : vector<16xf32> to vector<16xi32>
        %and3A_750 = vector.broadcast %scan3A : i32 to vector<16xi32>
        %and3A_751 = arith.andi %bitcast3A, %and3A_750 : vector<16xi32>
        %ge3A = vector.broadcast %or3A_713 : i32 to vector<16xi32>
        %ge3A_752 = arith.cmpi sge, %and3A_751, %ge3A : vector<16xi32>
        %jit3A_753 = arith.constant 0.000000e+00 : f32
        %broadcast_in_dim3A_754 = vector.broadcast %jit3A_753 : f32 to vector<16xf32>
        %select_n3A_755 = arith.select %ge3A_752, %get3A_749, %broadcast_in_dim3A_754 : vector<16xi1>, vector<16xf32>
        %swap3A_756 = arith.index_cast %mul3A_748 : i32 to index
        %swap3A_757 = tpu.vector_load %arg5[%swap3A_756] {strides = array<i32>} : memref<50176xf32, #tpu.memory_space<vmem>>, vector<16xf32>,
        tpu.vector_store %arg5[%swap3A_756], %select_n3A_755 {strides = array<i32>} : memref<50176xf32, #tpu.memory_space<vmem>>, vector<16xf32>,
        %mul3A_758 = arith.constant 8 : i32
        %mul3A_759 = arith.muli %scan3A_741, %mul3A_758 : i32
        %add3A_760 = arith.constant 1 : i32
        %add3A_761 = arith.addi %mul3A_759, %add3A_760 : i32
        %mul3A_762 = arith.constant 16 : i32
        %mul3A_763 = arith.muli %add3A_761, %mul3A_762 : i32
        %get3A_764 = arith.index_cast %mul3A_763 : i32 to index
        %get3A_765 = tpu.vector_load %arg5[%get3A_764] {strides = array<i32>} : memref<50176xf32, #tpu.memory_space<vmem>>, vector<16xf32>,
        %bitcast3A_766 = vector.bitcast %get3A_765 : vector<16xf32> to vector<16xi32>
        %and3A_767 = vector.broadcast %scan3A : i32 to vector<16xi32>
        %and3A_768 = arith.andi %bitcast3A_766, %and3A_767 : vector<16xi32>
        %ge3A_769 = vector.broadcast %or3A_713 : i32 to vector<16xi32>
        %ge3A_770 = arith.cmpi sge, %and3A_768, %ge3A_769 : vector<16xi32>
        %jit3A_771 = arith.constant 0.000000e+00 : f32
        %broadcast_in_dim3A_772 = vector.broadcast %jit3A_771 : f32 to vector<16xf32>
        %select_n3A_773 = arith.select %ge3A_770, %get3A_765, %broadcast_in_dim3A_772 : vector<16xi1>, vector<16xf32>
        %swap3A_774 = arith.index_cast %mul3A_763 : i32 to index
        %swap3A_775 = tpu.vector_load %arg5[%swap3A_774] {strides = array<i32>} : memref<50176xf32, #tpu.memory_space<vmem>>, vector<16xf32>,
        tpu.vector_store %arg5[%swap3A_774], %select_n3A_773 {strides = array<i32>} : memref<50176xf32, #tpu.memory_space<vmem>>, vector<16xf32>,
        %mul3A_776 = arith.constant 8 : i32
        %mul3A_777 = arith.muli %scan3A_741, %mul3A_776 : i32
        %add3A_778 = arith.constant 2 : i32
        %add3A_779 = arith.addi %mul3A_777, %add3A_778 : i32
        %mul3A_780 = arith.constant 16 : i32
        %mul3A_781 = arith.muli %add3A_779, %mul3A_780 : i32
        %get3A_782 = arith.index_cast %mul3A_781 : i32 to index
        %get3A_783 = tpu.vector_load %arg5[%get3A_782] {strides = array<i32>} : memref<50176xf32, #tpu.memory_space<vmem>>, vector<16xf32>,
        %bitcast3A_784 = vector.bitcast %get3A_783 : vector<16xf32> to vector<16xi32>
        %and3A_785 = vector.broadcast %scan3A : i32 to vector<16xi32>
        %and3A_786 = arith.andi %bitcast3A_784, %and3A_785 : vector<16xi32>
        %ge3A_787 = vector.broadcast %or3A_713 : i32 to vector<16xi32>
        %ge3A_788 = arith.cmpi sge, %and3A_786, %ge3A_787 : vector<16xi32>
        %jit3A_789 = arith.constant 0.000000e+00 : f32
        %broadcast_in_dim3A_790 = vector.broadcast %jit3A_789 : f32 to vector<16xf32>
        %select_n3A_791 = arith.select %ge3A_788, %get3A_783, %broadcast_in_dim3A_790 : vector<16xi1>, vector<16xf32>
        %swap3A_792 = arith.index_cast %mul3A_781 : i32 to index
        %swap3A_793 = tpu.vector_load %arg5[%swap3A_792] {strides = array<i32>} : memref<50176xf32, #tpu.memory_space<vmem>>, vector<16xf32>,
        tpu.vector_store %arg5[%swap3A_792], %select_n3A_791 {strides = array<i32>} : memref<50176xf32, #tpu.memory_space<vmem>>, vector<16xf32>,
        %mul3A_794 = arith.constant 8 : i32
        %mul3A_795 = arith.muli %scan3A_741, %mul3A_794 : i32
        %add3A_796 = arith.constant 3 : i32
        %add3A_797 = arith.addi %mul3A_795, %add3A_796 : i32
        %mul3A_798 = arith.constant 16 : i32
        %mul3A_799 = arith.muli %add3A_797, %mul3A_798 : i32
        %get3A_800 = arith.index_cast %mul3A_799 : i32 to index
        %get3A_801 = tpu.vector_load %arg5[%get3A_800] {strides = array<i32>} : memref<50176xf32, #tpu.memory_space<vmem>>, vector<16xf32>,
        %bitcast3A_802 = vector.bitcast %get3A_801 : vector<16xf32> to vector<16xi32>
        %and3A_803 = vector.broadcast %scan3A : i32 to vector<16xi32>
        %and3A_804 = arith.andi %bitcast3A_802, %and3A_803 : vector<16xi32>
        %ge3A_805 = vector.broadcast %or3A_713 : i32 to vector<16xi32>
        %ge3A_806 = arith.cmpi sge, %and3A_804, %ge3A_805 : vector<16xi32>
        %jit3A_807 = arith.constant 0.000000e+00 : f32
        %broadcast_in_dim3A_808 = vector.broadcast %jit3A_807 : f32 to vector<16xf32>
        %select_n3A_809 = arith.select %ge3A_806, %get3A_801, %broadcast_in_dim3A_808 : vector<16xi1>, vector<16xf32>
        %swap3A_810 = arith.index_cast %mul3A_799 : i32 to index
        %swap3A_811 = tpu.vector_load %arg5[%swap3A_810] {strides = array<i32>} : memref<50176xf32, #tpu.memory_space<vmem>>, vector<16xf32>,
        tpu.vector_store %arg5[%swap3A_810], %select_n3A_809 {strides = array<i32>} : memref<50176xf32, #tpu.memory_space<vmem>>, vector<16xf32>,
        %mul3A_812 = arith.constant 8 : i32
        %mul3A_813 = arith.muli %scan3A_741, %mul3A_812 : i32
        %add3A_814 = arith.constant 4 : i32
        %add3A_815 = arith.addi %mul3A_813, %add3A_814 : i32
        %mul3A_816 = arith.constant 16 : i32
        %mul3A_817 = arith.muli %add3A_815, %mul3A_816 : i32
        %get3A_818 = arith.index_cast %mul3A_817 : i32 to index
        %get3A_819 = tpu.vector_load %arg5[%get3A_818] {strides = array<i32>} : memref<50176xf32, #tpu.memory_space<vmem>>, vector<16xf32>,
        %bitcast3A_820 = vector.bitcast %get3A_819 : vector<16xf32> to vector<16xi32>
        %and3A_821 = vector.broadcast %scan3A : i32 to vector<16xi32>
        %and3A_822 = arith.andi %bitcast3A_820, %and3A_821 : vector<16xi32>
        %ge3A_823 = vector.broadcast %or3A_713 : i32 to vector<16xi32>
        %ge3A_824 = arith.cmpi sge, %and3A_822, %ge3A_823 : vector<16xi32>
        %jit3A_825 = arith.constant 0.000000e+00 : f32
        %broadcast_in_dim3A_826 = vector.broadcast %jit3A_825 : f32 to vector<16xf32>
        %select_n3A_827 = arith.select %ge3A_824, %get3A_819, %broadcast_in_dim3A_826 : vector<16xi1>, vector<16xf32>
        %swap3A_828 = arith.index_cast %mul3A_817 : i32 to index
        %swap3A_829 = tpu.vector_load %arg5[%swap3A_828] {strides = array<i32>} : memref<50176xf32, #tpu.memory_space<vmem>>, vector<16xf32>,
        tpu.vector_store %arg5[%swap3A_828], %select_n3A_827 {strides = array<i32>} : memref<50176xf32, #tpu.memory_space<vmem>>, vector<16xf32>,
        %mul3A_830 = arith.constant 8 : i32
        %mul3A_831 = arith.muli %scan3A_741, %mul3A_830 : i32
        %add3A_832 = arith.constant 5 : i32
        %add3A_833 = arith.addi %mul3A_831, %add3A_832 : i32
        %mul3A_834 = arith.constant 16 : i32
        %mul3A_835 = arith.muli %add3A_833, %mul3A_834 : i32
        %get3A_836 = arith.index_cast %mul3A_835 : i32 to index
        %get3A_837 = tpu.vector_load %arg5[%get3A_836] {strides = array<i32>} : memref<50176xf32, #tpu.memory_space<vmem>>, vector<16xf32>,
        %bitcast3A_838 = vector.bitcast %get3A_837 : vector<16xf32> to vector<16xi32>
        %and3A_839 = vector.broadcast %scan3A : i32 to vector<16xi32>
        %and3A_840 = arith.andi %bitcast3A_838, %and3A_839 : vector<16xi32>
        %ge3A_841 = vector.broadcast %or3A_713 : i32 to vector<16xi32>
        %ge3A_842 = arith.cmpi sge, %and3A_840, %ge3A_841 : vector<16xi32>
        %jit3A_843 = arith.constant 0.000000e+00 : f32
        %broadcast_in_dim3A_844 = vector.broadcast %jit3A_843 : f32 to vector<16xf32>
        %select_n3A_845 = arith.select %ge3A_842, %get3A_837, %broadcast_in_dim3A_844 : vector<16xi1>, vector<16xf32>
        %swap3A_846 = arith.index_cast %mul3A_835 : i32 to index
        %swap3A_847 = tpu.vector_load %arg5[%swap3A_846] {strides = array<i32>} : memref<50176xf32, #tpu.memory_space<vmem>>, vector<16xf32>,
        tpu.vector_store %arg5[%swap3A_846], %select_n3A_845 {strides = array<i32>} : memref<50176xf32, #tpu.memory_space<vmem>>, vector<16xf32>,
        %mul3A_848 = arith.constant 8 : i32
        %mul3A_849 = arith.muli %scan3A_741, %mul3A_848 : i32
        %add3A_850 = arith.constant 6 : i32
        %add3A_851 = arith.addi %mul3A_849, %add3A_850 : i32
        %mul3A_852 = arith.constant 16 : i32
        %mul3A_853 = arith.muli %add3A_851, %mul3A_852 : i32
        %get3A_854 = arith.index_cast %mul3A_853 : i32 to index
        %get3A_855 = tpu.vector_load %arg5[%get3A_854] {strides = array<i32>} : memref<50176xf32, #tpu.memory_space<vmem>>, vector<16xf32>,
        %bitcast3A_856 = vector.bitcast %get3A_855 : vector<16xf32> to vector<16xi32>
        %and3A_857 = vector.broadcast %scan3A : i32 to vector<16xi32>
        %and3A_858 = arith.andi %bitcast3A_856, %and3A_857 : vector<16xi32>
        %ge3A_859 = vector.broadcast %or3A_713 : i32 to vector<16xi32>
        %ge3A_860 = arith.cmpi sge, %and3A_858, %ge3A_859 : vector<16xi32>
        %jit3A_861 = arith.constant 0.000000e+00 : f32
        %broadcast_in_dim3A_862 = vector.broadcast %jit3A_861 : f32 to vector<16xf32>
        %select_n3A_863 = arith.select %ge3A_860, %get3A_855, %broadcast_in_dim3A_862 : vector<16xi1>, vector<16xf32>
        %swap3A_864 = arith.index_cast %mul3A_853 : i32 to index
        %swap3A_865 = tpu.vector_load %arg5[%swap3A_864] {strides = array<i32>} : memref<50176xf32, #tpu.memory_space<vmem>>, vector<16xf32>,
        tpu.vector_store %arg5[%swap3A_864], %select_n3A_863 {strides = array<i32>} : memref<50176xf32, #tpu.memory_space<vmem>>, vector<16xf32>,
        %mul3A_866 = arith.constant 8 : i32
        %mul3A_867 = arith.muli %scan3A_741, %mul3A_866 : i32
        %add3A_868 = arith.constant 7 : i32
        %add3A_869 = arith.addi %mul3A_867, %add3A_868 : i32
        %mul3A_870 = arith.constant 16 : i32
        %mul3A_871 = arith.muli %add3A_869, %mul3A_870 : i32
        %get3A_872 = arith.index_cast %mul3A_871 : i32 to index
        %get3A_873 = tpu.vector_load %arg5[%get3A_872] {strides = array<i32>} : memref<50176xf32, #tpu.memory_space<vmem>>, vector<16xf32>,
        %bitcast3A_874 = vector.bitcast %get3A_873 : vector<16xf32> to vector<16xi32>
        %and3A_875 = vector.broadcast %scan3A : i32 to vector<16xi32>
        %and3A_876 = arith.andi %bitcast3A_874, %and3A_875 : vector<16xi32>
        %ge3A_877 = vector.broadcast %or3A_713 : i32 to vector<16xi32>
        %ge3A_878 = arith.cmpi sge, %and3A_876, %ge3A_877 : vector<16xi32>
        %jit3A_879 = arith.constant 0.000000e+00 : f32
        %broadcast_in_dim3A_880 = vector.broadcast %jit3A_879 : f32 to vector<16xf32>
        %select_n3A_881 = arith.select %ge3A_878, %get3A_873, %broadcast_in_dim3A_880 : vector<16xi1>, vector<16xf32>
        %swap3A_882 = arith.index_cast %mul3A_871 : i32 to index
        %swap3A_883 = tpu.vector_load %arg5[%swap3A_882] {strides = array<i32>} : memref<50176xf32, #tpu.memory_space<vmem>>, vector<16xf32>,
        tpu.vector_store %arg5[%swap3A_882], %select_n3A_881 {strides = array<i32>} : memref<50176xf32, #tpu.memory_space<vmem>>, vector<16xf32>,
        %scan3A_884 = arith.constant 0 : i32
        scf.yield %scan3A_884 : i32
      }
      %scan3A_721 = arith.constant 392 : i32
      %add3A_722 = arith.constant 1 : i32
      %add3A_723 = arith.addi %add3A_29, %add3A_722 : i32
      %dma_start3A_724 = arith.constant 0 : i32
      %dma_start3A_725 = tpu.memref_slice %arg3[%add3A_723, %dma_start3A_724] : memref<384x50176xf32, #tpu.memory_space<hbm>> -> memref<1x50176xf32, #tpu.memory_space<hbm>>
      %dma_start3A_726 = tpu.memref_squeeze %dma_start3A_725 : memref<1x50176xf32, #tpu.memory_space<hbm>> -> memref<50176xf32, #tpu.memory_space<hbm>>
      %dma_start3A_727 = arith.constant 0 : i32
      %dma_start3A_728 = tpu.memref_slice %arg3[%add3A_723, %dma_start3A_727] : memref<384x50176xf32, #tpu.memory_space<hbm>> -> memref<1x50176xf32, #tpu.memory_space<hbm>>
      %dma_start3A_729 = tpu.memref_squeeze %dma_start3A_728 : memref<1x50176xf32, #tpu.memory_space<hbm>> -> memref<50176xf32, #tpu.memory_space<hbm>>
      tpu.enqueue_dma source(%arg5 : memref<50176xf32, #tpu.memory_space<vmem>>) target(%dma_start3A_729 : memref<50176xf32, #tpu.memory_space<hbm>>) target_semaphore(%arg12 : memref<!tpu.dma_semaphore, #tpu.memory_space<semaphore_mem>>)
      %dma_wait3A_730 = arith.constant 0 : i32
      %dma_wait3A_731 = tpu.memref_slice %arg3[%mul3A_2, %dma_wait3A_730] : memref<384x50176xf32, #tpu.memory_space<hbm>> -> memref<1x50176xf32, #tpu.memory_space<hbm>>
      %dma_wait3A_732 = tpu.memref_squeeze %dma_wait3A_731 : memref<1x50176xf32, #tpu.memory_space<hbm>> -> memref<50176xf32, #tpu.memory_space<hbm>>
      %dma_wait3A_733 = arith.constant 0 : i32
      %dma_wait3A_734 = tpu.memref_slice %arg3[%mul3A_2, %dma_wait3A_733] : memref<384x50176xf32, #tpu.memory_space<hbm>> -> memref<1x50176xf32, #tpu.memory_space<hbm>>
      %dma_wait3A_735 = tpu.memref_squeeze %dma_wait3A_734 : memref<1x50176xf32, #tpu.memory_space<hbm>> -> memref<50176xf32, #tpu.memory_space<hbm>>
      tpu.wait_dma2 semaphore(%arg11 : memref<!tpu.dma_semaphore, #tpu.memory_space<semaphore_mem>>) src(%arg4 : memref<50176xf32, #tpu.memory_space<vmem>>) dst(%dma_wait3A_735 : memref<50176xf32, #tpu.memory_space<hbm>>)
      %lt3A = arith.constant 5 : i32
      %lt3A_736 = arith.cmpi slt, %scan3A_25, %lt3A : i32
      %convert_element_type3A_737 = arith.extui %lt3A_736 : i1 to i32
      %cond3A_738 = arith.constant 0 : i32
      %cond3A_739 = arith.cmpi ne, %convert_element_type3A_737, %cond3A_738 : i32
      scf.if %cond3A_739 {
        %add3A_741 = arith.constant 2 : i32
        %add3A_742 = arith.addi %add3A_29, %add3A_741 : i32
        %dma_start3A_743 = arith.constant 0 : i32
        %dma_start3A_744 = tpu.memref_slice %arg2[%add3A_742, %dma_start3A_743] : memref<384x50176xf32, #tpu.memory_space<hbm>> -> memref<1x50176xf32, #tpu.memory_space<hbm>>
        %dma_start3A_745 = tpu.memref_squeeze %dma_start3A_744 : memref<1x50176xf32, #tpu.memory_space<hbm>> -> memref<50176xf32, #tpu.memory_space<hbm>>
        %dma_start3A_746 = arith.constant 0 : i32
        %dma_start3A_747 = tpu.memref_slice %arg2[%add3A_742, %dma_start3A_746] : memref<384x50176xf32, #tpu.memory_space<hbm>> -> memref<1x50176xf32, #tpu.memory_space<hbm>>
        %dma_start3A_748 = tpu.memref_squeeze %dma_start3A_747 : memref<1x50176xf32, #tpu.memory_space<hbm>> -> memref<50176xf32, #tpu.memory_space<hbm>>
        tpu.enqueue_dma source(%dma_start3A_748 : memref<50176xf32, #tpu.memory_space<hbm>>) target(%arg4 : memref<50176xf32, #tpu.memory_space<vmem>>) target_semaphore(%arg9 : memref<!tpu.dma_semaphore, #tpu.memory_space<semaphore_mem>>)
      } else {
      }
      %scan3A_740 = arith.constant 0 : i32
      scf.yield %scan3A_740 : i32
    }
    %scan3A_19 = arith.constant 6 : i32
    %dma_wait3A = arith.constant 0 : i32
    %dma_wait3A_20 = tpu.memref_slice %arg3[%mul3A_2, %dma_wait3A] : memref<384x50176xf32, #tpu.memory_space<hbm>> -> memref<1x50176xf32, #tpu.memory_space<hbm>>
    %dma_wait3A_21 = tpu.memref_squeeze %dma_wait3A_20 : memref<1x50176xf32, #tpu.memory_space<hbm>> -> memref<50176xf32, #tpu.memory_space<hbm>>
    %dma_wait3A_22 = arith.constant 0 : i32
    %dma_wait3A_23 = tpu.memref_slice %arg3[%mul3A_2, %dma_wait3A_22] : memref<384x50176xf32, #tpu.memory_space<hbm>> -> memref<1x50176xf32, #tpu.memory_space<hbm>>
    %dma_wait3A_24 = tpu.memref_squeeze %dma_wait3A_23 : memref<1x50176xf32, #tpu.memory_space<hbm>> -> memref<50176xf32, #tpu.memory_space<hbm>>
    tpu.wait_dma2 semaphore(%arg12 : memref<!tpu.dma_semaphore, #tpu.memory_space<semaphore_mem>>) src(%arg5 : memref<50176xf32, #tpu.memory_space<vmem>>) dst(%dma_wait3A_24 : memref<50176xf32, #tpu.memory_space<hbm>>)
    return
  }
}

module attributes {stable_mosaic.version = 14 : i64} {
  func.func @_tc_select_mask(%arg0: i32, %arg1: memref<8x50176xf32, #tpu.memory_space<vmem>>, %arg2: memref<8x50176xf32, #tpu.memory_space<vmem>>) attributes {dimension_semantics = [#tpu.dimension_semantics<arbitrary>], iteration_bounds = array<i64: 48>, scalar_prefetch = 0 : i64, scratch_operands = 0 : i64, tpu.core_type = #tpu.core_type<tc>, window_params = [{transform_indices = @transform_0, window_bounds = array<i64: 8, 50176>}, {transform_indices = @transform_1, window_bounds = array<i64: 8, 50176>}]} {
    %get3A = arith.constant 0 : index
    %get3A_0 = arith.constant 0 : index
    %get3A_1 = vector.load %arg1[%get3A, %get3A_0] : memref<8x50176xf32, #tpu.memory_space<vmem>>, vector<8x50176xf32>
    %bitcast_convert_type3A = tpu.bitcast %get3A_1 : vector<8x50176xf32> -> vector<8x50176xi32>
    %and3A = arith.constant 2147483647 : i32
    %and3A_2 = vector.broadcast %and3A : i32 to vector<8x50176xi32>
    %and3A_3 = arith.andi %bitcast_convert_type3A, %and3A_2 : vector<8x50176xi32>
    %broadcast_in_dim3A = arith.constant 0 : i32
    %broadcast_in_dim3A_4 = vector.broadcast %broadcast_in_dim3A : i32 to vector<8x1xi32>
    %broadcast_in_dim3A_5 = arith.constant 2147483647 : i32
    %broadcast_in_dim3A_6 = vector.broadcast %broadcast_in_dim3A_5 : i32 to vector<8x1xi32>
    %scan3A = arith.constant 0 : i32
    %scan3A_7 = arith.constant 31 : i32
    %scan3A_8 = arith.addi %scan3A, %scan3A_7 : i32
    %scan3A_9 = arith.constant 1 : i32
    %scan3A_10:2 = scf.for %scan3A_15 = %scan3A to %scan3A_8 step %scan3A_9 iter_args(%scan3A_16 = %broadcast_in_dim3A_4, %scan3A_17 = %broadcast_in_dim3A_6) -> (vector<8x1xi32>, vector<8x1xi32>)  : i32 {
      %sub3A = arith.subi %scan3A_17, %scan3A_16 : vector<8x1xi32>
      %shift_right_arithmetic3A = arith.constant 1 : i32
      %shift_right_arithmetic3A_18 = vector.broadcast %shift_right_arithmetic3A : i32 to vector<8x1xi32>
      %shift_right_arithmetic3A_19 = arith.shrsi %sub3A, %shift_right_arithmetic3A_18 : vector<8x1xi32>
      %add3A = arith.addi %scan3A_16, %shift_right_arithmetic3A_19 : vector<8x1xi32>
      %ge3A_20 = vector.broadcast %add3A : vector<8x1xi32> to vector<8x50176xi32>
      %ge3A_21 = arith.cmpi sge, %and3A_3, %ge3A_20 : vector<8x50176xi32>
      %convert_element_type3A = arith.extui %ge3A_21 : vector<8x50176xi1> to vector<8x50176xi32>
      %reduce_sum3A = arith.constant dense<0> : vector<8xi32>
      %reduce_sum3A_22 = vector.multi_reduction <add>, %convert_element_type3A, %reduce_sum3A [1] : vector<8x50176xi32> to vector<8xi32>
      %broadcast_in_dim3A_23 = vector.shape_cast %reduce_sum3A_22 : vector<8xi32> to vector<8x1xi32>
      %ge3A_24 = arith.constant 5017 : i32
      %ge3A_25 = vector.broadcast %ge3A_24 : i32 to vector<8x1xi32>
      %ge3A_26 = arith.cmpi sge, %broadcast_in_dim3A_23, %ge3A_25 : vector<8x1xi32>
      %select_n3A_27 = arith.select %ge3A_26, %add3A, %scan3A_16 : vector<8x1xi1>, vector<8x1xi32>
      %select_n3A_28 = arith.select %ge3A_26, %scan3A_17, %add3A : vector<8x1xi1>, vector<8x1xi32>
      scf.yield %select_n3A_27, %select_n3A_28 : vector<8x1xi32>, vector<8x1xi32>
    }
    %ge3A = vector.broadcast %scan3A_10#0 : vector<8x1xi32> to vector<8x50176xi32>
    %ge3A_11 = arith.cmpi sge, %and3A_3, %ge3A : vector<8x50176xi32>
    %jit3A = arith.constant 0.000000e+00 : f32
    %broadcast_in_dim3A_12 = vector.broadcast %jit3A : f32 to vector<8x50176xf32>
    %select_n3A = arith.select %ge3A_11, %get3A_1, %broadcast_in_dim3A_12 : vector<8x50176xi1>, vector<8x50176xf32>
    %swap3A = arith.constant 0 : index
    %swap3A_13 = arith.constant 0 : index
    %swap3A_14 = vector.load %arg2[%swap3A, %swap3A_13] : memref<8x50176xf32, #tpu.memory_space<vmem>>, vector<8x50176xf32>
    tpu.vector_store %arg2[%swap3A, %swap3A_13], %select_n3A {strides = array<i32>} : memref<8x50176xf32, #tpu.memory_space<vmem>>, vector<8x50176xf32>,
    return
  }
  func.func @transform_0(%arg0: i32) -> (i32, i32) {
    %c0_i32 = arith.constant 0 : i32
    %c0_i32_0 = arith.constant 0 : i32
    return %arg0, %c0_i32 : i32, i32
  }
  func.func @transform_1(%arg0: i32) -> (i32, i32) {
    %c0_i32 = arith.constant 0 : i32
    %c0_i32_0 = arith.constant 0 : i32
    return %arg0, %c0_i32 : i32, i32
  }
}

</mosaic_0001>

<sc_bundles>
// kernel: kernel.4.cloned.1.call-start
scs
__scs_entry_jumppad:
0x0: {  	(pc) =	sbr.rel $0x88, $3  }
0x1: {  	(tag) =	ssettag $0x0;
	lr =	simm.s32 $0x1  }
0x2: {  	[smem:$0x3FA0] =	sst lr;
	_ =	strace $0xD0000000  }
0x3: {  	_ = 	snop  }
0x4: {  	_ = 	snop  }
0x5: {  	_ = 	snop  }
0x6: {  	_ = 	snop  }
0x7: {  	_ = 	snop  }
__scs_overlays_trampoline_lowered:
0x8: {  	[smem:$0x3FAF] =	sst s0  }
0x9: {  	[smem:$0x3FB0] =	sst s1  }
0xa: {  	[smem:$0x3FB1] =	sst s2  }
0xb: {  	[smem:$0x3FB2] =	sst s3  }
0xc: {  	[smem:$0x3FB3] =	sst s4  }
0xd: {  	[smem:$0x3FB4] =	sst s5  }
0xe: {  	[smem:$0x3FB5] =	sst s6  }
0xf: {  	[smem:$0x3FB6] =	sst s7  }
0x10: {  	[smem:$0x3FB7] =	sst s8  }
0x11: {  	[smem:$0x3FB8] =	sst s9;
	s0 =	simm.s32 @!p0 $0x0  }
0x12: {  	s1 =	sld [smem:$0x3F9E];
	s0 =	simm.s32 @p0 $0x1  }
0x13: {  	[smem:$0x3FB9] =	sst s0;
	s0 =	simm.s32 @!p1 $0x0  }
0x14: {  	s2 =	sld [smem:$0x3F9D];
	s0 =	simm.s32 @p1 $0x1  }
0x15: {  	[smem:$0x3FBA] =	sst s0;
	s0 =	simm.s32 @!p2 $0x0  }
0x16: {  	s3 =	sld [smem:$0x3FDB];
	s0 =	simm.s32 @p2 $0x1  }
0x17: {  	s4 =	simm.s32 $0x1BF5;
	[smem:$0x3FBC] =	sst s0  }
0x18: {  	s0 =	sld [smem:$0x3F9F];
	_ =	swait.ge [sflag:s4], $0x0  }
0x19: {  	s7 =	sld [smem:$0x3FA0]  }
0x1a: {  	s8 =	sadd.s32 $0xFFFFE003, lr  }
0x1b: {  	s9 =	sadd.s32 $0xFFFFFEF7, lr;
	s5 =	simm.s32 $0xFFFFFFFF;
	p2 =	slt.u32 s8, $0xFFFFF086  }
0x1c: {  	p1 =	slt.u32 s9, $0xF7A;
	s5 =	simm.s32 @!p2 $0x0  }
0x1d: {  	s5 =	simm.s32 @p1 $0x1;
	p0 =	seq.s32 s7, s2  }
0x1e: {  	s7 =	smul.u32 @!p0 $0xF7A, s2;
	p2 =	seq.s32 @!p0 s5, $0x0  }
0x1f: {  	s9 =	smul.u32 $0xF7A, s1;
	s8 =	simm.s32 @!p0 $0x1BF5;
	p2 =	por !p2, p0  }
0x20: {  	[sflag:s8] =	ssyncset.s32 @!p0 $0xFFFFF086;
	s6 =	sadd.s32 @!p0 s3, s7;
	s7 =	simm.s32 @!p0 $0x108  }
0x21: {  	s3 =	sadd.s32 s3, s9;
	s6 =	sadd.s32 @!p0 $0x88, s6;
	s7 =	simm.s32 @p2 $0x1082  }
0x22: {  	[simem:s7], [sflag:s8] =	dma.local @!p0 [hbm:s6], $0xF7A  }
0x23: {  	s9 =	sor.u32 $0xD0000000, s2;
	s6 =	simm.s32 $0x108;
	_ =	swait.ge @!p0 [sflag:s8], $0x0  }
0x24: {  	s3 =	sadd.s32 $0x88, s3;
	s6 =	simm.s32 @!p1 $0x1082;
	[sflag:s4] =	ssyncset.s32 $0xFFFFF086  }
0x25: {  	[simem:s6], [sflag:s4] =	dma.local [hbm:s3], $0xF7A  }
0x26: {  	[smem:$0x3FA0] =	sst s1;
	(tag) =	ssettag s2;
	_ =	strace s9  }
0x27: {  	s1 =	sld [smem:$0x3FB0]  }
0x28: {  	s2 =	sld [smem:$0x3FB1]  }
0x29: {  	s4 =	sld [smem:$0x3FB3]  }
0x2a: {  	p0 =	seq.s32 s5, $0x0;
	s5 =	sld [smem:$0x3FB4]  }
0x2b: {  	s6 =	sld [smem:$0x3FB5]  }
0x2c: {  	s7 =	sld [smem:$0x3FB6]  }
0x2d: {  	s3 =	simm.s32 $0x108;
	s8 =	sld [smem:$0x3FB7]  }
0x2e: {  	s3 =	simm.s32 @!p0 $0x1082;
	s9 =	sld [smem:$0x3FB8]  }
0x2f: {  	lr =	sadd.s32 s0, s3;
	s0 =	sld [smem:$0x3FAF]  }
0x30: {  	s3 =	sld [smem:$0x3FB2]  }
0x31: {  	[smem:$0x3FBB] =	sst s10  }
0x32: {  	s10 =	sld [smem:$0x3FB9];
	_ =	sdelay $0x3  }
0x33: {  	p0 =	seq.s32 s10, $0x1;
	s10 =	sld [smem:$0x3FBB];
	_ =	sdelay $0x3  }
0x34: {  	[smem:$0x3FBB] =	sst s10  }
0x35: {  	s10 =	sld [smem:$0x3FBA];
	_ =	sdelay $0x3  }
0x36: {  	p1 =	seq.s32 s10, $0x1;
	s10 =	sld [smem:$0x3FBB];
	_ =	sdelay $0x3  }
0x37: {  	[smem:$0x3FBB] =	sst s10  }
0x38: {  	s10 =	sld [smem:$0x3FBC]  }
0x39: {  	_ = 	snop;
	(pc) =	sbr.ind lr, $3  }
0x3a: {  	_ = 	snop  }
0x3b: {  	_ = 	snop  }
0x3c: {  	p2 =	seq.s32 s10, $0x1;
	s10 =	sld [smem:$0x3FBB]  }
0x3d: {  	_ =	shalt  }
0x3e: {  	_ =	shalt  }
0x3f: {  	_ =	shalt  }
0x40: {  	_ =	shalt  }
0x41: {  	_ =	shalt  }
0x42: {  	_ =	shalt  }
0x43: {  	_ =	shalt  }
0x44: {  	_ =	shalt  }
0x45: {  	_ =	shalt  }
0x46: {  	_ =	shalt  }
0x47: {  	_ =	shalt  }
0x48: {  	_ =	shalt  }
0x49: {  	_ =	shalt  }
0x4a: {  	_ =	shalt  }
0x4b: {  	_ =	shalt  }
0x4c: {  	_ =	shalt  }
0x4d: {  	_ =	shalt  }
0x4e: {  	_ =	shalt  }
0x4f: {  	_ =	shalt  }
0x50: {  	_ =	shalt  }
0x51: {  	_ =	shalt  }
0x52: {  	_ =	shalt  }
0x53: {  	_ =	shalt  }
0x54: {  	_ =	shalt  }
0x55: {  	_ =	shalt  }
0x56: {  	_ =	shalt  }
0x57: {  	_ =	shalt  }
0x58: {  	_ =	shalt  }
0x59: {  	_ =	shalt  }
0x5a: {  	_ =	shalt  }
0x5b: {  	_ =	shalt  }
0x5c: {  	_ =	shalt  }
0x5d: {  	_ =	shalt  }
0x5e: {  	_ =	shalt  }
0x5f: {  	_ =	shalt  }
0x60: {  	_ =	shalt  }
0x61: {  	_ =	shalt  }
0x62: {  	_ =	shalt  }
0x63: {  	_ =	shalt  }
0x64: {  	_ =	shalt  }
0x65: {  	_ =	shalt  }
0x66: {  	_ =	shalt  }
0x67: {  	_ =	shalt  }
0x68: {  	_ =	shalt  }
0x69: {  	_ =	shalt  }
0x6a: {  	_ =	shalt  }
0x6b: {  	_ =	shalt  }
0x6c: {  	_ =	shalt  }
0x6d: {  	_ =	shalt  }
0x6e: {  	_ =	shalt  }
0x6f: {  	_ =	shalt  }
0x70: {  	_ =	shalt  }
0x71: {  	_ =	shalt  }
0x72: {  	_ =	shalt  }
0x73: {  	_ =	shalt  }
0x74: {  	_ =	shalt  }
0x75: {  	_ =	shalt  }
0x76: {  	_ =	shalt  }
0x77: {  	_ =	shalt  }
0x78: {  	_ =	shalt  }
0x79: {  	_ =	shalt  }
0x7a: {  	_ =	shalt  }
0x7b: {  	_ =	shalt  }
0x7c: {  	_ =	shalt  }
0x7d: {  	_ =	shalt  }
0x7e: {  	_ =	shalt  }
0x7f: {  	_ =	shalt  }
0x80: {  	_ =	shalt  }
0x81: {  	_ =	shalt  }
0x82: {  	_ =	shalt  }
0x83: {  	_ =	shalt  }
0x84: {  	_ =	shalt  }
0x85: {  	_ =	shalt  }
0x86: {  	_ =	shalt  }
0x87: {  	_ =	shalt  }
.Lfunc_end0:
.L_simem_size_0:
called_computation_lowered:
.L_overlay_start_0:
0x88: {  	s2 =	sld [smem:$0x3FD9]  }
0x89: {  	s3 =	sld [smem:$0x3FFE];
	_ =	sdelay $0x1  }
0x8a: {  	s1 =	srdreg.scid  }
0x8b: {  	s0 =	sand.u32 $0x1, s1  }
0x8c: {  	s16 =	sshll.u32 s0, $0xA;
	s2 =	sadd.s32 s3, s2  }
0x8d: {  	s2 =	sadd.s32 s2, s16  }
0x8e: {  	[smem:$0x3FC7] =	sst s2  }
0x8f: {  	_ = 	snop  }
0x90: {  	(tm) =	ssettm $0x1  }
0x91: {  	s17 =	sld [smem:$0x3FFB];
	_ =	sdelay $0x3  }
0x92: {  	_ =	strace s17  }
0x93: {  	s2 =	sld [smem:$0x3FFC];
	_ =	sdelay $0x3  }
0x94: {  	_ =	strace s2  }
0x95: {  	s2 =	sld [smem:$0x3FFD];
	_ =	sdelay $0x3  }
0x96: {  	_ =	strace s2  }
0x97: {  	_ =	strace $0x8FFFFFFF  }
0x98: {  	s18 =	sld [smem:$0x3FDB];
	_ =	sdelay $0x1  }
0x99: {  	s19 =	simm.s32 $_scs_section_size  }
0x9a: {  	s4 =	simm.s32 $_size__tile_overlayer_lowered;
	s5 =	simm.s32 $_tile_overlayer_lowered  }
0x9b: {  	s22 =	simm.s32 $0x1BFF;
	s21 =	sshll.u32 s5, $0x1;
	s2 =	sadd.s32 s19, s18  }
0x9c: {  	s6 =	simm.s32 $0x0;
	s20 =	sshll.u32 s4, $0x1;
	s4 =	sadd.s32 s21, s2  }
0x9d: {  	[timem:s6], [sflag:s22] =	dma.local [hbm:s4], s20  }
0x9e: {  	_ =	swait.ge [sflag:s22], s20  }
0x9f: {  	s3 =	ssub.s32 $0x0, s20;
	[sflag:s22] =	ssyncset.done $0x0  }
0xa0: {  	[sflag:s22] =	ssyncadd.s32 s3;
	_ =	sdelay $0x1  }
0xa1: {  	s23 =	simm.s32 $0x1B8B  }
0xa2: {  	_ =	swait.ge [sflag:s23], $0x1  }
0xa3: {  	[sflag:s23] =	ssyncset.done $0x0  }
0xa4: {  	s25 =	simm.s32 $0x1B8E;
	s24 =	sld [smem:$0x3FFE];
	[sflag:s23] =	ssyncadd.s32 $0xFFFFFFFF  }
0xa5: {  	s26 =	simm.s32 $execute0_lowered;
	[smem:$0x3FD2] =	sst s25  }
0xa6: {  	s4 =	sshll.u32 s26, $0x1;
	_ =	strace $0x80000046;
	[dreg:$0x1] =	wrdreg $0xFFFFFFFF  }
0xa7: {  	s28 =	simm.s32 $_size_execute0_lowered;
	s2 =	sadd.s32 s2, s4;
	[dreg:$0x0] =	wrdreg $0x0  }
0xa8: {  	s4 =	sshll.u32 s28, $0x1;
	[dreg:$0x2] =	wrdreg s2  }
0xa9: {  	[dreg:$0x3] =	wrdreg s4  }
0xaa: {  	[dreg:$0x4] =	wrdreg $0xC0  }
0xab: {  	_ =	task [dreg:s6], $0x5FFFF  }
0xac: {  	[dreg:$0x1] =	wrdreg $0xFFFFFFFF  }
0xad: {  	[dreg:$0x0] =	wrdreg $0x60  }
0xae: {  	[dreg:$0x2] =	wrdreg s24  }
0xaf: {  	[dreg:$0x3] =	wrdreg $0x9  }
0xb0: {  	_ =	task.clear_ibuf [dreg:s6], $0x4FFFF;
	_ =	strace $0x90000046  }
0xb1: {  	s29 =	simm.s32 $0x9;
	_ =	strace $0x80000048  }
0xb2: {  	_ =	swait.ge [sflag:s29], $0x1  }
0xb3: {  	[sflag:s29] =	ssyncadd.s32 $0xFFFFFFFF  }
0xb4: {  	_ =	strace $0x90000048  }
0xb5: {  	_ =	sfence  }
0xb6: {  	s30 =	sld [smem:$0x0];
	_ =	sdelay $0x2  }
0xb7: {  	s31 =	sshll.u32 s1, $0xD;
	s1 =	sshrl.u32 s1, $0x2  }
0xb8: {  	s3 =	sand.u32 $0x4000, s31;
	s1 =	sadd.s32 s1, s30  }
0xb9: {  	s0 =	sor.u32 s3, s0;
	s1 =	sshll.u32 s1, $0x11  }
0xba: {  	s0 =	sor.u32 s1, s0  }
0xbb: {  	s0 =	sadd.s32 $0x8F2B, s0  }
0xbc: {  	[sflag:s0] =	ssyncadd.remote.s32 $0x1  }
0xbd: {  	_ =	sfence.sel $0xFFFF  }
0xbe: {  	[dreg:$0x0] =	wrdreg $0xFFFFFFFF;
	(pc) =	sbr.abs _section_cstart, $3  }
0xbf: {  	[dreg:$0x1] =	wrdreg $0xFFFFFFFF  }
0xc0: {  	_ =	task.clear_ibuf [dreg:s6], $0x2FFFF;
	_ =	strace $0x9FFFFFFF  }
0xc1: {  	(tm) =	ssettm $0x7FFFFFFF  }
tec
execute0_lowered:
.L_overlay_start_1:
0x0: {  	(tag) =	ssettag $0x1  }
0x1: {  	s0 =	srdreg.scid;
	s1 =	stileid.u32  }
0x2: {  	s0 =	sand.u32 $0x1, s0;
	s1 =	sshll.u32 s1, $0x1  }
0x3: {  	s28 =	rddreg [dreg:$0x0];
	s1 =	sor.u32 s0, s1  }
0x4: {  	s3 =	simm.s32 $0x0;
	s8 =	simm.s32 $0x80;
	s2 =	smul.u32 $0xC, s1  }
0x5: {  	s9 =	simm.s32 $0x400;
	s12 =	simm.s32 $0x18800;
	s13 =	simm.s32 $0x2  }
0x6: {  	s14 =	simm.s32 $0x3;
	[dreg:$0x2] =	wrdreg s2;
	s2 =	sshrl.u32 s2, $0x3  }
0x7: {  	[smem:$0x7FF] =	sst s3;
	s29 =	ssub.s32 $0x2, s0;
	s2 =	smul.u32 $0x62000, s2  }
.Ltmp0:
0x8: {  	s0 =	sshll.u32 s0, $0x9;
	s5 =	sshrl.u32 s29, $0x1;
	(pc) =	sbr.rel .LBB2_1-.Ltmp0, $4  }
0x9: {  	s4 =	sadd.s32 $0x400, s28;
	s30 =	ssub.s32 s29, s5;
	s0 =	sor.u32 s0, s2  }
0xa: {  	s3 =	simm.s32 $0xC400;
	s31 =	smax.u32 s30, $0x1;
	s0 =	sshrl.u32 s0, $0x3  }
0xb: {  	_ =	strace $0x80000047;
	[dreg:$0x4] =	wrdreg s31;
	s0 =	sadd.s32 s4, s0  }
0xc: {  	v0 =	vimm.s32 $0x0;
	v1 =	vlaneseq.u32;
	v2 =	vimm.s32 $0x1;
	s5 =	sadd.s32 $0x24C400, s28;
	s2 =	simm.s32 $0x0;
	[dreg:$0x3] =	wrdreg s0  }
.LBB2_104:
0xd: {  	s1 =	simm.s32 $0x4  }
0xe: {  	_ =	swait.ge [sflag:s1], $0xC400  }
0xf: {  	s2 =	rddreg [dreg:$0x5]  }
0x10: {  	s0 =	rddreg [dreg:$0x4];
	s2 =	sadd.s32 $0x1, s2  }
0x11: {  	p0 =	sne.s32 s2, s0  }
.Ltmp1:
0x12: {  	_ = 	snop;
	(pc) =	sbr.rel @!p0 .LBB2_105-.Ltmp1, $3  }
0x13: {  	_ =	sdelay $0x1  }
0x14: {  	[sflag:s1] =	ssyncset.done $0x0  }
0x15: {  	[sflag:s1] =	ssyncadd.s32 $0xFFFF3C00  }
.LBB2_1:
0x16: {  	[dreg:$0x5] =	wrdreg s2  }
0x17: {  	s0 =	simm.s32 $0x0;
	s1 =	rddreg [dreg:$0x3];
	s17 =	simm.s32 $0x0  }
0x18: {  	[tilespmem:s0], [sflag:$0x1] =	stream.strided.gather [hbm4b:s1+s8], $0xC400, s9, s8, $0x38;
	[tilespmem:$0x1F400] =	vst v63  }
.LBB2_2:
0x19: {  	s0 =	sshll.u32 s17, $0x1;
	s1 =	rddreg [dreg:$0x2]  }
0x1a: {  	s2 =	simm.s32 $0x1;
	s18 =	sadd.s32 s1, s0  }
0x1b: {  	p0 =	seq.s32 s17, $0x0;
	_ =	swait.ge [sflag:s2], $0xC400;
	s0 =	sshrl.u32 s18, $0x3  }
0x1c: {  	s1 =	sshll.u32 s18, $0x7;
	[sflag:s2] =	ssyncset.done $0x0;
	s0 =	smul.u32 $0x62000, s0  }
0x1d: {  	s1 =	sand.u32 $0x300, s1;
	[sflag:s2] =	ssyncadd.s32 $0xFFFF3C00;
	s2 =	simm.s32 @!p0 $0x4  }
0x1e: {  	_ =	swait.ge @!p0 [sflag:s2], $0xC400;
	s0 =	sor.u32 s1, s0  }
0x1f: {  	[sflag:s2] =	ssyncset.done @!p0 $0x0;
	s20 =	sshrl.u32 s0, $0x3  }
0x20: {  	s1 =	simm.s32 $0x0;
	[sflag:s2] =	ssyncadd.s32 @!p0 $0xFFFF3C00;
	s19 =	sor.u32 $0x10, s20  }
0x21: {  	s0 =	simm.s32 $0x0;
	s2 =	simm.s32 $0x200;
	s31 =	sadd.s32 s4, s19  }
0x22: {  	[tilespmem:s3], [sflag:$0x2] =	stream.strided.gather [hbm4b:s31+s8], $0xC400, s9, s8, $0x38;
	[tilespmem:$0x1F400] =	vst v63  }
.LBB2_3:
0x23: {  	p0 =	sne.s32 s2, $0x3E00;
	[tilespmem:s1+$0x18870] =	vst v0  }
0x24: {  	[tilespmem:s1+$0x18800] =	vst v0  }
0x25: {  	[tilespmem:s1+$0x18810] =	vst v0  }
.Ltmp2:
0x26: {  	[tilespmem:s1+$0x18820] =	vst v0;
	(pc) =	sbr.rel @p0 .LBB2_3-.Ltmp2, $4  }
0x27: {  	[tilespmem:s1+$0x18830] =	vst v0  }
0x28: {  	[tilespmem:s1+$0x18840] =	vst v0  }
0x29: {  	[tilespmem:s1+$0x18850] =	vst v0  }
0x2a: {  	[tilespmem:s1+$0x18860] =	vst v0;
	s1 =	sshra.s32 s2, $0x2;
	s2 =	sadd.s32 $0x200, s2  }
0x2b: {  	[tilespmem:s1+$0x18870] =	vst v0  }
0x2c: {  	[tilespmem:s1+$0x18800] =	vst v0  }
0x2d: {  	[tilespmem:s1+$0x18810] =	vst v0  }
0x2e: {  	[tilespmem:s1+$0x18820] =	vst v0  }
0x2f: {  	[tilespmem:s1+$0x18830] =	vst v0  }
0x30: {  	[tilespmem:s1+$0x18840] =	vst v0  }
0x31: {  	[tilespmem:s1+$0x18850] =	vst v0  }
0x32: {  	[tilespmem:s1+$0x18860] =	vst v0  }
.LBB2_5:
0x33: {  	s1 =	sshra.s32 s0, $0x2  }
0x34: {  	v3 =	vld [tilespmem:s1+$0x0];
	_ =	sdelay $0x4  }
0x35: {  	v3 =	vshrl.u32 v3, $0x13  }
0x36: {  	v3 =	vand.u32 $0xFF0, v3  }
0x37: {  	v3 =	vor.u32 v1, v3;
	_ =	sdelay $0x4  }
0x38: {  	[tilespmem:v3+s12+$0x0] =	vst.idx.add.s32.msk $0xffff, v2  }
0x39: {  	v3 =	vld [tilespmem:s1+$0x10];
	_ =	sdelay $0x4  }
0x3a: {  	v3 =	vshrl.u32 v3, $0x13  }
0x3b: {  	v3 =	vand.u32 $0xFF0, v3  }
0x3c: {  	v3 =	vor.u32 v1, v3;
	_ =	sdelay $0x4  }
0x3d: {  	[tilespmem:v3+s12+$0x0] =	vst.idx.add.s32.msk $0xffff, v2  }
0x3e: {  	v3 =	vld [tilespmem:s1+$0x20];
	_ =	sdelay $0x4  }
0x3f: {  	v3 =	vshrl.u32 v3, $0x13  }
0x40: {  	v3 =	vand.u32 $0xFF0, v3  }
0x41: {  	v3 =	vor.u32 v1, v3;
	_ =	sdelay $0x4  }
0x42: {  	[tilespmem:v3+s12+$0x0] =	vst.idx.add.s32.msk $0xffff, v2  }
0x43: {  	v3 =	vld [tilespmem:s1+$0x30];
	_ =	sdelay $0x4  }
0x44: {  	v3 =	vshrl.u32 v3, $0x13  }
0x45: {  	v3 =	vand.u32 $0xFF0, v3  }
0x46: {  	v3 =	vor.u32 v1, v3;
	_ =	sdelay $0x4  }
0x47: {  	[tilespmem:v3+s12+$0x0] =	vst.idx.add.s32.msk $0xffff, v2  }
0x48: {  	v3 =	vld [tilespmem:s1+$0x40];
	_ =	sdelay $0x4  }
0x49: {  	v3 =	vshrl.u32 v3, $0x13  }
0x4a: {  	v3 =	vand.u32 $0xFF0, v3  }
0x4b: {  	v3 =	vor.u32 v1, v3;
	_ =	sdelay $0x4  }
0x4c: {  	[tilespmem:v3+s12+$0x0] =	vst.idx.add.s32.msk $0xffff, v2  }
0x4d: {  	v3 =	vld [tilespmem:s1+$0x50];
	_ =	sdelay $0x4  }
0x4e: {  	v3 =	vshrl.u32 v3, $0x13  }
0x4f: {  	v3 =	vand.u32 $0xFF0, v3  }
0x50: {  	v3 =	vor.u32 v1, v3;
	_ =	sdelay $0x4  }
0x51: {  	[tilespmem:v3+s12+$0x0] =	vst.idx.add.s32.msk $0xffff, v2  }
0x52: {  	v3 =	vld [tilespmem:s1+$0x60];
	_ =	sdelay $0x4  }
0x53: {  	v3 =	vshrl.u32 v3, $0x13  }
0x54: {  	v3 =	vand.u32 $0xFF0, v3  }
0x55: {  	v3 =	vor.u32 v1, v3;
	_ =	sdelay $0x4  }
0x56: {  	[tilespmem:v3+s12+$0x0] =	vst.idx.add.s32.msk $0xffff, v2  }
0x57: {  	v3 =	vld [tilespmem:s1+$0x70];
	_ =	sdelay $0x4  }
0x58: {  	v3 =	vshrl.u32 v3, $0x13  }
0x59: {  	v3 =	vand.u32 $0xFF0, v3  }
0x5a: {  	p0 =	seq.s32 s0, $0x30E00;
	v3 =	vor.u32 v1, v3  }
.Ltmp3:
0x5b: {  	_ = 	snop;
	(pc) =	sbr.rel @!p0 .LBB2_5-.Ltmp3, $2  }
0x5c: {  	_ =	sdelay $0x2  }
0x5d: {  	s0 =	sadd.s32 $0x200, s0;
	[tilespmem:v3+s12+$0x0] =	vst.idx.add.s32.msk $0xffff, v2  }
0x5e: {  	s0 =	simm.s32 $0x197F0  }
0x5f: {  	v3 =	vld [tilespmem:s0+$0xFFFFFF90]  }
0x60: {  	v4 =	vld [tilespmem:s0+$0xFFFFFFA0]  }
0x61: {  	v5 =	vld [tilespmem:s0+$0xFFFFFFB0]  }
0x62: {  	v6 =	vld [tilespmem:s0+$0xFFFFFFC0]  }
0x63: {  	v7 =	vld [tilespmem:s0+$0xFFFFFFD0]  }
0x64: {  	v8 =	vld [tilespmem:s0+$0xFFFFFFE0]  }
0x65: {  	v9 =	vld [tilespmem:s0+$0xFFFFFFF0]  }
0x66: {  	s29 =	simm.s32 $0x19770;
	v10 =	vld [tilespmem:s0+$0x0]  }
0x67: {  	v11 =	vld [tilespmem:s29+$0xFFFFFF90]  }
0x68: {  	v12 =	vld [tilespmem:s29+$0xFFFFFFA0]  }
0x69: {  	v13 =	vld [tilespmem:s29+$0xFFFFFFB0]  }
0x6a: {  	v14 =	vld [tilespmem:s29+$0xFFFFFFC0]  }
0x6b: {  	v15 =	vld [tilespmem:s29+$0xFFFFFFD0]  }
0x6c: {  	v16 =	vld [tilespmem:s29+$0xFFFFFFE0];
	v3 =	vadd.s32 v3, v4  }
0x6d: {  	v17 =	vld [tilespmem:s29+$0xFFFFFFF0];
	v3 =	vadd.s32 v5, v3  }
0x6e: {  	s30 =	simm.s32 $0x196F0;
	v18 =	vld [tilespmem:s29+$0x0];
	v5 =	vadd.s32 v11, v12;
	v3 =	vadd.s32 v6, v3  }
0x6f: {  	v19 =	vld [tilespmem:s30+$0xFFFFFF90];
	v5 =	vadd.s32 v13, v5;
	v3 =	vadd.s32 v7, v3  }
0x70: {  	v20 =	vld [tilespmem:s30+$0xFFFFFFA0];
	v5 =	vadd.s32 v14, v5;
	v3 =	vadd.s32 v8, v3  }
0x71: {  	v4 =	vld [tilespmem:s30+$0xFFFFFFB0];
	v5 =	vadd.s32 v15, v5;
	v3 =	vadd.s32 v9, v3  }
0x72: {  	v11 =	vld [tilespmem:s30+$0xFFFFFFC0];
	v5 =	vadd.s32 v16, v5;
	v3 =	vadd.s32 v10, v3  }
0x73: {  	v6 =	vld [tilespmem:s30+$0xFFFFFFD0];
	v5 =	vadd.s32 v17, v5;
	(xrf0) =	vadd.scan.msk.s32 $0xffff, v3  }
0x74: {  	v7 =	vld [tilespmem:s30+$0xFFFFFFE0];
	v3 =	vadd.s32 v18, v5  }
0x75: {  	(xrf0) =	vadd.scan.msk.s32 $0xffff, v3;
	v3 =	vadd.s32 v19, v20  }
0x76: {  	v3 =	vadd.s32 v4, v3  }
0x77: {  	v3 =	vadd.s32 v11, v3  }
0x78: {  	v4 =	vadd.s32 v6, v3  }
0x79: {  	v8 =	vld [tilespmem:s30+$0xFFFFFFF0];
	v6 =	vadd.s32 v7, v4;
	v7, _, _ =	vpop (xrf0)  }
0x7a: {  	v9 =	vld [tilespmem:s30+$0x0];
	(v2sf) =	vpush v7, $0xF;
	_ =	sdelay $0x2  }
0x7b: {  	s31 =	simm.s32 $0x19670  }
0x7c: {  	v10 =	vld [tilespmem:s31+$0xFFFFFF90];
	v6 =	vadd.s32 v8, v6  }
0x7d: {  	v5 =	vld [tilespmem:s31+$0xFFFFFFA0];
	v7 =	vadd.s32 v9, v6;
	v9, _, _ =	vpop (xrf0)  }
0x7e: {  	v62 =	vld [tilespmem:s31+$0xFFFFFFB0];
	(v2sf) =	vpush v9, $0xF  }
0x7f: {  	v63 =	vld [tilespmem:s31+$0xFFFFFFC0]  }
0x80: {  	v11 =	vld [tilespmem:s31+$0xFFFFFFD0]  }
0x81: {  	v3 =	vld [tilespmem:s31+$0xFFFFFFE0];
	(xrf0) =	vadd.scan.msk.s32 $0xffff, v7  }
0x82: {  	s23 =	simm.s32 $0x0;
	s21 =	simm.s32 $0x1F;
	v5 =	vadd.s32 v10, v5;
	v4 =	vld [tilespmem:s31+$0xFFFFFFF0]  }
0x83: {  	s28 =	simm.s32 $0x1E;
	s24 =	simm.s32 $0x1D;
	s2 =	simm.s32 $0x195F0;
	v8 =	vadd.s32 v62, v5;
	v5 =	vld [tilespmem:s31+$0x0]  }
0x84: {  	s26 =	simm.s32 $0x1C;
	s25 =	simm.s32 $0x1B;
	s3 =	simm.s32 $0x1A;
	v8 =	vadd.s32 v63, v8;
	v6 =	vld [tilespmem:s2+$0xFFFFFF90]  }
0x85: {  	s1 =	simm.s32 $0x0;
	s22 =	simm.s32 $0x0;
	s0 =	simm.s32 $0x0;
	v7 =	vld [tilespmem:s2+$0xFFFFFFA0];
	v8 =	vadd.s32 v11, v8  }
.LBB2_7:
0x86: {  	p0 =	seq.s32 s3, $0x0;
	v9 =	vld [tilespmem:s2+$0xFFFFFFB0];
	v3 =	vadd.s32 v3, v8;
	s6 =	smov.u32 s0;
	s7 =	smov.u32 s28  }
0x87: {  	s28 =	smov.u32 s24;
	s24 =	smov.u32 s26;
	v8 =	vld [tilespmem:s2+$0xFFFFFFC0];
	v3 =	vadd.s32 v4, v3;
	v4, _, _ =	vpop (xrf0);
	s11 =	spop (v2sf)  }
0x88: {  	s26 =	smov.u32 s25;
	s25 =	smov.u32 s3;
	v10 =	vld [tilespmem:s2+$0xFFFFFFD0];
	v5 =	vadd.s32 v5, v3;
	(v2sf) =	vpush v4, $0xF;
	s0 =	sadd.s32 s0, s11  }
.Ltmp4:
0x89: {  	p1 =	seq.s32 s1, $0x0;
	v3 =	vld [tilespmem:s2+$0xFFFFFFE0];
	(xrf0) =	vadd.scan.msk.s32 $0xffff, v5;
	p2 =	sgt.s32 s0, $0x1398;
	(pc) =	sbr.rel @!p0 .LBB2_7-.Ltmp4, $4  }
0x8a: {  	v5 =	vadd.s32 v6, v7;
	v4 =	vld [tilespmem:s2+$0xFFFFFFF0];
	p1 =	por !p1, !p2  }
0x8b: {  	s11 =	simm.s32 $0x1;
	v7 =	vadd.s32 v9, v5;
	v5 =	vld [tilespmem:s2+$0x0];
	s2 =	sadd.s32 $0xFFFFFF80, s2;
	p1 =	por !p1, !p1  }
0x8c: {  	v6 =	vld [tilespmem:s2+$0xFFFFFF90];
	v8 =	vadd.s32 v8, v7;
	s23 =	smov.u32 @p1 s21;
	s11 =	simm.s32 @!p1 $0x0;
	s21 =	smov.u32 s7  }
0x8d: {  	s3 =	sadd.s32 $0xFFFFFFFF, s3;
	s22 =	smov.u32 @p1 s6;
	v7 =	vld [tilespmem:s2+$0xFFFFFFA0];
	v8 =	vadd.s32 v10, v8;
	s1 =	sor.u32 s11, s1  }
0x8e: {  	v9 =	vld [tilespmem:s2+$0xFFFFFFB0]  }
0x8f: {  	v10 =	vld [tilespmem:s2+$0xFFFFFFC0]  }
0x90: {  	v11 =	vld [tilespmem:s2+$0xFFFFFFD0]  }
0x91: {  	v3 =	vadd.s32 v3, v8;
	v63 =	vld [tilespmem:s2+$0xFFFFFFE0]  }
0x92: {  	v3 =	vadd.s32 v4, v3;
	v4 =	vadd.s32 v6, v7;
	v6 =	vld [tilespmem:s2+$0xFFFFFFF0]  }
0x93: {  	v3 =	vadd.s32 v5, v3;
	v5 =	vld [tilespmem:s2+$0x0];
	v4 =	vadd.s32 v9, v4  }
0x94: {  	(xrf0) =	vadd.scan.msk.s32 $0xffff, v3;
	v3 =	vadd.s32 v10, v4  }
0x95: {  	v3 =	vadd.s32 v11, v3  }
0x96: {  	v4, _, _ =	vpop (xrf0);
	v3 =	vadd.s32 v63, v3  }
0x97: {  	(v2sf) =	vpush v4, $0xF;
	v3 =	vadd.s32 v6, v3  }
0x98: {  	v3 =	vadd.s32 v5, v3;
	_ =	sdelay $0x1  }
0x99: {  	(xrf0) =	vadd.scan.msk.s32 $0xffff, v3  }
0x9a: {  	v3, _, _ =	vpop (xrf0)  }
0x9b: {  	s11 =	spop (v2sf);
	(v2sf) =	vpush v3, $0xF  }
0x9c: {  	s2 =	sadd.s32 s0, s11  }
0x9d: {  	p0 =	seq.s32 s1, $0x0;
	p1 =	sgt.s32 s2, $0x1398  }
0x9e: {  	p0 =	por !p0, !p1  }
0x9f: {  	s3 =	simm.s32 $0x1;
	p0 =	por !p0, !p0;
	v3, _, _ =	vpop (xrf0)  }
0xa0: {  	s3 =	simm.s32 @!p0 $0x0;
	s6 =	spop (v2sf);
	(v2sf) =	vpush v3, $0xF  }
0xa1: {  	s15 =	sor.u32 s3, s1;
	s3 =	sadd.s32 s2, s6  }
0xa2: {  	p4 =	seq.s32 s15, $0x0;
	p2 =	sgt.s32 s3, $0x1398  }
0xa3: {  	p1 =	por !p4, !p2  }
0xa4: {  	s6 =	simm.s32 $0x1;
	p1 =	por !p1, !p1  }
0xa5: {  	s6 =	simm.s32 @!p1 $0x0;
	s7 =	spop (v2sf)  }
0xa6: {  	s1 =	sor.u32 s6, s15;
	s6 =	sadd.s32 s3, s7  }
0xa7: {  	p5 =	seq.s32 s1, $0x0;
	p3 =	sgt.s32 s6, $0x1398  }
0xa8: {  	p2 =	por !p5, !p3  }
0xa9: {  	s7 =	simm.s32 $0x1;
	p2 =	por !p2, !p2  }
0xaa: {  	s7 =	simm.s32 @!p2 $0x0;
	s11 =	spop (v2sf)  }
0xab: {  	s1 =	sor.u32 s7, s1;
	s7 =	sadd.s32 s6, s11  }
0xac: {  	p6 =	seq.s32 s1, $0x0;
	p4 =	sgt.s32 s7, $0x1398  }
0xad: {  	s23 =	smov.u32 @p0 s21;
	p3 =	por !p6, !p4  }
0xae: {  	s22 =	smov.u32 @p0 s0;
	s0 =	simm.s32 $0x1;
	p0 =	por !p3, !p3  }
0xaf: {  	s16 =	spop (v2sf);
	s0 =	simm.s32 @!p0 $0x0  }
0xb0: {  	s23 =	smov.u32 @p1 s28;
	s21 =	sadd.s32 s7, s16;
	s0 =	sor.u32 s0, s1  }
0xb1: {  	s22 =	smov.u32 @p1 s2;
	p6 =	sgt.s32 s21, $0x1398;
	p5 =	seq.s32 s0, $0x0  }
0xb2: {  	s23 =	smov.u32 @p2 s24;
	s22 =	smov.u32 @p2 s3;
	p1 =	por !p5, !p6  }
0xb3: {  	s23 =	smov.u32 @p0 s26;
	s22 =	smov.u32 @p0 s6;
	p0 =	por !p1, !p1  }
0xb4: {  	s23 =	smov.u32 @p0 s25  }
0xb5: {  	s21 =	sshll.u32 s23, $0x3;
	s6 =	sshllo.u32 s23, $0x3  }
0xb6: {  	s22 =	smov.u32 @p0 s7;
	s2 =	sshll.u32 s6, $0x4;
	s0 =	sor.u32 $0x6, s21  }
0xb7: {  	s7 =	sor.u32 $0x5, s21;
	s1 =	sand.u32 $0x3FFFFFF0, s2;
	s3 =	sshll.u32 s0, $0x4  }
0xb8: {  	s15 =	sor.u32 $0x4, s21;
	s11 =	sshll.u32 s7, $0x4;
	v3 =	vld [tilespmem:s1+$0x18800];
	s10 =	sand.u32 $0x3FFFFFE0, s3  }
0xb9: {  	s24 =	sshll.u32 s15, $0x4;
	s16 =	sand.u32 $0x3FFFFFD0, s11;
	s3 =	sor.u32 $0x3, s21;
	v4 =	vld [tilespmem:s10+$0x18800]  }
0xba: {  	s2 =	sand.u32 $0x3FFFFFC0, s24;
	v5 =	vld [tilespmem:s16+$0x18800];
	s25 =	sshll.u32 s3, $0x4  }
0xbb: {  	s1 =	sor.u32 $0x2, s21;
	v6 =	vld [tilespmem:s2+$0x18800];
	s26 =	sand.u32 $0x3FFFFFB0, s25  }
0xbc: {  	s10 =	sshll.u32 s1, $0x4;
	v7 =	vld [tilespmem:s26+$0x18800]  }
0xbd: {  	s11 =	sand.u32 $0x3FFFFFA0, s10;
	(xrf0) =	vadd.scan.msk.s32 $0xffff, v3  }
0xbe: {  	v3 =	vld [tilespmem:s11+$0x18800];
	(xrf0) =	vadd.scan.msk.s32 $0xffff, v4  }
0xbf: {  	(xrf0) =	vadd.scan.msk.s32 $0xffff, v5  }
0xc0: {  	(xrf0) =	vadd.scan.msk.s32 $0xffff, v6  }
0xc1: {  	(xrf0) =	vadd.scan.msk.s32 $0xffff, v7;
	_ =	sdelay $0x1  }
0xc2: {  	(xrf0) =	vadd.scan.msk.s32 $0xffff, v3;
	v3, _, _ =	vpop (xrf0)  }
0xc3: {  	v4, _, _ =	vpop (xrf0);
	(v2sf) =	vpush v3, $0xF  }
0xc4: {  	s2 =	sor.u32 $0x1, s21;
	v3, _, _ =	vpop (xrf0);
	(v2sf) =	vpush v4, $0xF  }
0xc5: {  	s16 =	sshll.u32 s2, $0x4;
	v4, _, _ =	vpop (xrf0);
	(v2sf) =	vpush v3, $0xF  }
0xc6: {  	s11 =	sand.u32 $0x3FFFFF90, s16;
	s16 =	sshll.u32 s23, $0x7;
	(v2sf) =	vpush v4, $0xF;
	v4, _, _ =	vpop (xrf0)  }
0xc7: {  	s23 =	sand.u32 $0x3FFFFF80, s16;
	v3 =	vld [tilespmem:s11+$0x18800];
	(v2sf) =	vpush v4, $0xF  }
0xc8: {  	v5 =	vld [tilespmem:s23+$0x18800];
	v4, _, _ =	vpop (xrf0)  }
0xc9: {  	(v2sf) =	vpush v4, $0xF;
	_ =	sdelay $0x2  }
0xca: {  	(xrf0) =	vadd.scan.msk.s32 $0xffff, v3  }
0xcb: {  	(xrf0) =	vadd.scan.msk.s32 $0xffff, v5;
	_ =	sdelay $0x4  }
0xcc: {  	v3, _, _ =	vpop (xrf0);
	s24 =	spop (v2sf)  }
0xcd: {  	(v2sf) =	vpush v3, $0xF;
	v3, _, _ =	vpop (xrf0);
	s25 =	spop (v2sf);
	s23 =	sadd.s32 s22, s24  }
0xce: {  	(v2sf) =	vpush v3, $0xF;
	s26 =	spop (v2sf);
	s25 =	sadd.s32 s23, s25;
	p2 =	sgt.s32 s23, $0x1398  }
0xcf: {  	s11 =	spop (v2sf);
	p0 =	sgt.s32 s25, $0x1398;
	s26 =	sadd.s32 s25, s26  }
0xd0: {  	s16 =	spop (v2sf);
	p4 =	por p2, p0;
	s10 =	simm.s32 @!p0 $0x0  }
0xd1: {  	s0 =	simm.s32 @!p0 $0x0;
	p6 =	sgt.s32 s26, $0x1398;
	s28 =	sadd.s32 s26, s11  }
0xd2: {  	s11 =	simm.s32 $0x0;
	s30 =	spop (v2sf);
	s10 =	simm.s32 @p0 $0x1  }
0xd3: {  	p5 =	por !p4, !p4;
	p3 =	por p4, p6;
	s29 =	sadd.s32 s28, s16  }
0xd4: {  	s0 =	smov.u32 @p2 s6;
	[smem:$0x7FB] =	sst s10;
	p0 =	por !p6, !p5  }
0xd5: {  	v4 =	vimm.s32 $0x0;
	p4 =	por !p3, !p3;
	p5 =	sgt.s32 s28, $0x1398;
	p1 =	sgt.s32 s29, $0x1398  }
0xd6: {  	(v2sf) =	vpush v4, $0x0;
	s30 =	sadd.s32 s29, s30;
	s10 =	simm.s32 @!p2 $0x0;
	p4 =	por !p5, !p4  }
0xd7: {  	p3 =	por p3, p5;
	s10 =	simm.s32 @p2 $0x1;
	p2 =	por !p0, !p0  }
0xd8: {  	p6 =	por !p3, !p3;
	p3 =	por p3, p1;
	[smem:$0x7FC] =	sst s10  }
0xd9: {  	p5 =	por !p1, !p6;
	p6 =	por !p3, !p3;
	p1 =	sgt.s32 s30, $0x1398  }
0xda: {  	p6 =	por !p1, !p6;
	p3 =	por p3, p1;
	p1 =	por !p4, !p4  }
0xdb: {  	s0 =	smov.u32 @p2 s7;
	p5 =	por !p5, !p5;
	s6 =	simm.s32 @!p1 $0x0  }
0xdc: {  	s0 =	smov.u32 @p1 s15;
	s6 =	simm.s32 @p1 $0x1;
	s7 =	spop (v2sf)  }
0xdd: {  	v5 =	vld [tilespmem:s11+$0x0];
	s0 =	smov.u32 @p5 s3;
	s31 =	sadd.s32 s30, s7;
	s10 =	spop (v2sf)  }
0xde: {  	p1 =	por !p3, !p3;
	s3 =	sadd.s32 s31, s10;
	p4 =	sgt.s32 s31, $0x1398  }
0xdf: {  	p6 =	por !p6, !p6;
	p0 =	por !p4, !p1;
	p1 =	slt.s32 s3, $0x1399  }
0xe0: {  	s0 =	smov.u32 @p6 s1;
	p1 =	por p4, p1;
	p0 =	por !p0, !p0  }
0xe1: {  	p3 =	por p1, p3;
	s0 =	smov.u32 @p0 s2  }
0xe2: {  	v5 =	vand.u32 $0x7FFFFFFF, v5;
	s21 =	smov.u32 @p3 s0  }
0xe3: {  	v6 =	vshrl.u32 v5, $0x17;
	v3 =	vmov s21  }
0xe4: {  	vm0 =	veq.s32 v6, v3  }
0xe5: {  	s15 =	spop (v2sf);
	v6 =	vmpcnt.ones.xlane vm0  }
0xe6: {  	[tilespmem:s15+$0x19800] =	vst.msk vm0, v5  }
0xe7: {  	v5 =	vld [tilespmem:s11+$0x10];
	v4 =	vadd.s32 v4, v6  }
0xe8: {  	vm1 =	vlt.s32 v4, $0x57C0  }
0xe9: {  	v4 =	vnsel vm1, $0x57C0, v4  }
0xea: {  	(v2sf) =	vpush v4, $0x0;
	_ =	sdelay $0x1  }
0xeb: {  	v5 =	vand.u32 $0x7FFFFFFF, v5  }
0xec: {  	v6 =	vshrl.u32 v5, $0x17  }
0xed: {  	vm0 =	veq.s32 v6, v3  }
0xee: {  	v6 =	vmpcnt.ones.xlane vm0;
	_ =	sdelay $0x1  }
0xef: {  	v4 =	vadd.s32 v4, v6  }
0xf0: {  	vm1 =	vlt.s32 v4, $0x57C0  }
0xf1: {  	v4 =	vnsel vm1, $0x57C0, v4  }
0xf2: {  	(v2sf) =	vpush v4, $0x0;
	_ =	sdelay $0x4  }
0xf3: {  	s16 =	spop (v2sf)  }
0xf4: {  	[tilespmem:s16+$0x19800] =	vst.msk vm0, v5  }
0xf5: {  	v5 =	vld [tilespmem:s11+$0x20];
	_ =	sdelay $0x4  }
0xf6: {  	v5 =	vand.u32 $0x7FFFFFFF, v5  }
0xf7: {  	v6 =	vshrl.u32 v5, $0x17  }
0xf8: {  	vm0 =	veq.s32 v6, v3  }
0xf9: {  	s24 =	spop (v2sf);
	v6 =	vmpcnt.ones.xlane vm0  }
0xfa: {  	[tilespmem:s24+$0x19800] =	vst.msk vm0, v5  }
0xfb: {  	v5 =	vld [tilespmem:s11+$0x30];
	v4 =	vadd.s32 v4, v6  }
0xfc: {  	vm1 =	vlt.s32 v4, $0x57C0  }
0xfd: {  	v4 =	vnsel vm1, $0x57C0, v4  }
0xfe: {  	(v2sf) =	vpush v4, $0x0;
	_ =	sdelay $0x1  }
0xff: {  	v5 =	vand.u32 $0x7FFFFFFF, v5  }
0x100: {  	v6 =	vshrl.u32 v5, $0x17  }
0x101: {  	vm0 =	veq.s32 v6, v3  }
0x102: {  	v6 =	vmpcnt.ones.xlane vm0;
	_ =	sdelay $0x1  }
0x103: {  	v4 =	vadd.s32 v4, v6  }
0x104: {  	vm1 =	vlt.s32 v4, $0x57C0  }
0x105: {  	v4 =	vnsel vm1, $0x57C0, v4  }
0x106: {  	(v2sf) =	vpush v4, $0x0;
	_ =	sdelay $0x3  }
0x107: {  	[smem:$0x7FD] =	sst s6  }
0x108: {  	s1 =	simm.s32 $0x200;
	s0 =	simm.s32 $0x100;
	s3 =	spop (v2sf)  }
.LBB2_9:
0x109: {  	p4 =	sne.s32 s1, $0x30F00  }
0x10a: {  	s2 =	sshra.s32 s0, $0x2;
	[tilespmem:s3+$0x19800] =	vst.msk vm0, v5;
	s0 =	smov.u32 s1;
	s1 =	sadd.s32 $0x100, s1  }
0x10b: {  	v5 =	vld [tilespmem:s2+$0x0];
	_ =	sdelay $0x4  }
0x10c: {  	v5 =	vand.u32 $0x7FFFFFFF, v5  }
0x10d: {  	v6 =	vshrl.u32 v5, $0x17  }
0x10e: {  	vm0 =	veq.s32 v6, v3;
	s3 =	spop (v2sf)  }
0x10f: {  	[tilespmem:s3+$0x19800] =	vst.msk vm0, v5;
	v5 =	vmpcnt.ones.xlane vm0  }
0x110: {  	v6 =	vld [tilespmem:s2+$0x10]  }
0x111: {  	v4 =	vadd.s32 v4, v5  }
0x112: {  	vm0 =	vlt.s32 v4, $0x57C0  }
0x113: {  	v4 =	vnsel vm0, $0x57C0, v4  }
0x114: {  	(v2sf) =	vpush v4, $0x0  }
0x115: {  	v5 =	vand.u32 $0x7FFFFFFF, v6  }
0x116: {  	v6 =	vshrl.u32 v5, $0x17  }
0x117: {  	vm0 =	veq.s32 v6, v3  }
0x118: {  	v6 =	vmpcnt.ones.xlane vm0;
	_ =	sdelay $0x1  }
0x119: {  	v4 =	vadd.s32 v4, v6  }
0x11a: {  	vm1 =	vlt.s32 v4, $0x57C0  }
0x11b: {  	v4 =	vnsel vm1, $0x57C0, v4  }
0x11c: {  	(v2sf) =	vpush v4, $0x0;
	_ =	sdelay $0x5  }
0x11d: {  	s3 =	spop (v2sf)  }
0x11e: {  	[tilespmem:s3+$0x19800] =	vst.msk vm0, v5  }
0x11f: {  	v5 =	vld [tilespmem:s2+$0x20];
	_ =	sdelay $0x4  }
0x120: {  	v5 =	vand.u32 $0x7FFFFFFF, v5  }
0x121: {  	v6 =	vshrl.u32 v5, $0x17  }
0x122: {  	vm0 =	veq.s32 v6, v3;
	s3 =	spop (v2sf)  }
0x123: {  	[tilespmem:s3+$0x19800] =	vst.msk vm0, v5;
	v5 =	vmpcnt.ones.xlane vm0  }
0x124: {  	v6 =	vld [tilespmem:s2+$0x30]  }
0x125: {  	v4 =	vadd.s32 v4, v5  }
0x126: {  	vm0 =	vlt.s32 v4, $0x57C0  }
0x127: {  	v4 =	vnsel vm0, $0x57C0, v4  }
0x128: {  	(v2sf) =	vpush v4, $0x0  }
0x129: {  	v5 =	vand.u32 $0x7FFFFFFF, v6  }
0x12a: {  	v6 =	vshrl.u32 v5, $0x17  }
0x12b: {  	vm0 =	veq.s32 v6, v3  }
0x12c: {  	v6 =	vmpcnt.ones.xlane vm0;
	_ =	sdelay $0x1  }
0x12d: {  	v4 =	vadd.s32 v4, v6  }
0x12e: {  	vm1 =	vlt.s32 v4, $0x57C0  }
0x12f: {  	v4 =	vnsel vm1, $0x57C0, v4  }
0x130: {  	(v2sf) =	vpush v4, $0x0;
	_ =	sdelay $0x1  }
.Ltmp5:
0x131: {  	(pc) =	sbr.rel @p4 .LBB2_9-.Ltmp5, $2  }
0x132: {  	_ =	sdelay $0x2  }
0x133: {  	s3 =	spop (v2sf)  }
0x134: {  	s0 =	sshra.s32 s0, $0x2;
	[tilespmem:s3+$0x19800] =	vst.msk vm0, v5  }
0x135: {  	v5 =	vld [tilespmem:s0+$0x0];
	_ =	sdelay $0x4  }
0x136: {  	v5 =	vand.u32 $0x7FFFFFFF, v5  }
0x137: {  	v6 =	vshrl.u32 v5, $0x17  }
0x138: {  	vm9 =	veq.s32 v6, v3;
	s1 =	spop (v2sf)  }
0x139: {  	[tilespmem:s1+$0x19800] =	vst.msk vm9, v5;
	v5 =	vmpcnt.ones.xlane vm9  }
0x13a: {  	v61 =	vld [tilespmem:s0+$0x10]  }
0x13b: {  	v4 =	vadd.s32 v4, v5  }
0x13c: {  	vm10 =	vlt.s32 v4, $0x57C0  }
0x13d: {  	v4 =	vnsel vm10, $0x57C0, v4  }
0x13e: {  	(v2sf) =	vpush v4, $0x0  }
0x13f: {  	v5 =	vand.u32 $0x7FFFFFFF, v61  }
0x140: {  	v6 =	vshrl.u32 v5, $0x17  }
0x141: {  	vm11 =	veq.s32 v6, v3  }
0x142: {  	v6 =	vmpcnt.ones.xlane vm11;
	_ =	sdelay $0x1  }
0x143: {  	v4 =	vadd.s32 v4, v6  }
0x144: {  	vm1 =	vlt.s32 v4, $0x57C0  }
0x145: {  	v4 =	vnsel vm1, $0x57C0, v4  }
0x146: {  	(v2sf) =	vpush v4, $0x0;
	_ =	sdelay $0x5  }
0x147: {  	s15 =	spop (v2sf)  }
0x148: {  	[tilespmem:s15+$0x19800] =	vst.msk vm11, v5  }
0x149: {  	v5 =	vld [tilespmem:s0+$0x20];
	_ =	sdelay $0x4  }
0x14a: {  	v5 =	vand.u32 $0x7FFFFFFF, v5  }
0x14b: {  	v62 =	vshrl.u32 v5, $0x17  }
0x14c: {  	vm12 =	veq.s32 v62, v3;
	s16 =	spop (v2sf)  }
0x14d: {  	[tilespmem:s16+$0x19800] =	vst.msk vm12, v5  }
0x14e: {  	v5 =	vld [tilespmem:s0+$0x30];
	_ =	sdelay $0x4  }
0x14f: {  	v6 =	vmpcnt.ones.xlane vm12;
	v5 =	vand.u32 $0x7FFFFFFF, v5  }
0x150: {  	v7 =	vshrl.u32 v5, $0x17  }
0x151: {  	v4 =	vadd.s32 v4, v6;
	vm13 =	veq.s32 v7, v3  }
0x152: {  	vm14 =	vlt.s32 v4, $0x57C0;
	v63 =	vmpcnt.ones.xlane vm13  }
0x153: {  	v4 =	vnsel vm14, $0x57C0, v4  }
0x154: {  	v6 =	vadd.s32 v4, v63  }
0x155: {  	vm15 =	vlt.s32 v6, $0x57C0  }
0x156: {  	(v2sf) =	vpush v4, $0x0;
	v4 =	vnsel vm15, $0x57C0, v6  }
0x157: {  	(v2sf) =	vpush v4, $0x0;
	_ =	sdelay $0xd  }
0x158: {  	s24 =	spop (v2sf)  }
0x159: {  	[tilespmem:s24+$0x19800] =	vst.msk vm13, v5;
	s0 =	spop (v2sf)  }
0x15a: {  	[tilespmem:s0+$0x19800] =	vst v0  }
0x15b: {  	[tilespmem:s0+$0x19810] =	vst v0  }
0x15c: {  	[tilespmem:s0+$0x19820] =	vst v0  }
0x15d: {  	s2 =	simm.s32 $0x200;
	s1 =	simm.s32 $0x0;
	[tilespmem:s0+$0x19830] =	vst v0  }
.LBB2_11:
0x15e: {  	p4 =	seq.s32 s2, $0x3E00;
	[tilespmem:s1+$0x18870] =	vst v0  }
0x15f: {  	[tilespmem:s1+$0x18800] =	vst v0  }
0x160: {  	[tilespmem:s1+$0x18810] =	vst v0  }
.Ltmp6:
0x161: {  	[tilespmem:s1+$0x18820] =	vst v0;
	(pc) =	sbr.rel @!p4 .LBB2_11-.Ltmp6, $4  }
0x162: {  	[tilespmem:s1+$0x18830] =	vst v0  }
0x163: {  	[tilespmem:s1+$0x18840] =	vst v0  }
0x164: {  	[tilespmem:s1+$0x18850] =	vst v0  }
0x165: {  	[tilespmem:s1+$0x18860] =	vst v0;
	s1 =	sshra.s32 s2, $0x2;
	s2 =	sadd.s32 $0x200, s2  }
0x166: {  	[tilespmem:s1+$0x18870] =	vst v0  }
0x167: {  	[tilespmem:s1+$0x18800] =	vst v0  }
0x168: {  	[tilespmem:s1+$0x18810] =	vst v0  }
0x169: {  	[tilespmem:s1+$0x18820] =	vst v0;
	s0 =	sadd.s32 $0xF, s0  }
0x16a: {  	[tilespmem:s1+$0x18830] =	vst v0;
	s16 =	sand.u32 $0xF, s0  }
0x16b: {  	[tilespmem:s1+$0x18840] =	vst v0;
	s2 =	sshra.s32 s0, $0x1F;
	p1 =	slt.s32 s0, $0x1;
	p4 =	sne.s32 s16, $0x0  }
0x16c: {  	[tilespmem:s1+$0x18850] =	vst v0;
	s24 =	sshrl.u32 s2, $0x1C;
	p1 =	por !p1, !p4  }
0x16d: {  	[tilespmem:s1+$0x18860] =	vst v0;
	s1 =	simm.s32 $0x1;
	s0 =	sadd.s32 s24, s0;
	p1 =	por !p1, !p1  }
0x16e: {  	s0 =	sshra.s32 s0, $0x4;
	s1 =	simm.s32 @!p1 $0x0  }
0x16f: {  	s24 =	ssub.s32 s0, s1  }
0x170: {  	p1 =	sgt.s32 s24, $0x0  }
.Ltmp7:
0x171: {  	_ = 	snop;
	(pc) =	sbr.rel @!p1 .LBB2_13-.Ltmp7, $4  }
0x172: {  	_ = 	snop  }
0x173: {  	s1 =	simm.s32 @!p1 $0x0  }
0x174: {  	s1 =	simm.s32 @p1 $0x1  }
0x175: {  	s0 =	simm.s32 $0x19800;
	[smem:$0x7FA] =	sst s1  }
0x176: {  	p1 =	seq.s32 s24, $0x1  }
.Ltmp8:
0x177: {  	_ = 	snop;
	(pc) =	sbr.rel @p1 .LBB2_20-.Ltmp8, $2  }
0x178: {  	_ =	sdelay $0x2  }
0x179: {  	v4 =	vld [tilespmem:s0+$0x0];
	s1 =	sadd.s32 $0xFFFFFFFF, s24  }
.LBB2_19:
0x17a: {  	p4 =	seq.s32 s1, $0x1;
	_ =	sdelay $0x3  }
0x17b: {  	v5 =	vshrl.u32 v4, $0x17;
	v4 =	vshrl.u32 v4, $0xB  }
0x17c: {  	vm0 =	veq.s32 v5, v3;
	v4 =	vand.u32 $0xFF0, v4  }
0x17d: {  	v4 =	vor.u32 v1, v4;
	_ =	sdelay $0x1  }
.Ltmp9:
0x17e: {  	(pc) =	sbr.rel @!p4 .LBB2_19-.Ltmp9, $3  }
0x17f: {  	_ =	sdelay $0x1  }
0x180: {  	s0 =	sadd.s32 $0x10, s0;
	[tilespmem:v4+s12+$0x0] =	vst.idx.add.s32.msk vm0, v2  }
0x181: {  	s1 =	sadd.s32 $0xFFFFFFFF, s1;
	v4 =	vld [tilespmem:s0+$0x0]  }
.LBB2_20:
0x182: {  	_ =	sdelay $0x3  }
0x183: {  	v5 =	vshrl.u32 v4, $0x17;
	v63 =	vshrl.u32 v4, $0xB  }
0x184: {  	vm0 =	veq.s32 v5, v3;
	v3 =	vand.u32 $0xFF0, v63  }
0x185: {  	v3 =	vor.u32 v1, v3;
	_ =	sdelay $0x4  }
0x186: {  	[tilespmem:v3+s12+$0x0] =	vst.idx.add.s32.msk vm0, v2  }
.LBB2_13:
0x187: {  	s11 =	simm.s32 $0x197F0  }
0x188: {  	v3 =	vld [tilespmem:s11+$0xFFFFFF90]  }
0x189: {  	v4 =	vld [tilespmem:s11+$0xFFFFFFA0]  }
0x18a: {  	v5 =	vld [tilespmem:s11+$0xFFFFFFB0]  }
0x18b: {  	v6 =	vld [tilespmem:s11+$0xFFFFFFC0]  }
0x18c: {  	v7 =	vld [tilespmem:s11+$0xFFFFFFD0]  }
0x18d: {  	v8 =	vld [tilespmem:s11+$0xFFFFFFE0]  }
0x18e: {  	v9 =	vld [tilespmem:s11+$0xFFFFFFF0]  }
0x18f: {  	s15 =	simm.s32 $0x19770;
	v10 =	vld [tilespmem:s11+$0x0]  }
0x190: {  	v11 =	vld [tilespmem:s15+$0xFFFFFF90]  }
0x191: {  	v12 =	vld [tilespmem:s15+$0xFFFFFFA0]  }
0x192: {  	v13 =	vld [tilespmem:s15+$0xFFFFFFB0]  }
0x193: {  	v14 =	vld [tilespmem:s15+$0xFFFFFFC0]  }
0x194: {  	v15 =	vld [tilespmem:s15+$0xFFFFFFD0]  }
0x195: {  	v16 =	vld [tilespmem:s15+$0xFFFFFFE0];
	v3 =	vadd.s32 v3, v4  }
0x196: {  	v17 =	vld [tilespmem:s15+$0xFFFFFFF0];
	v3 =	vadd.s32 v5, v3  }
0x197: {  	s16 =	simm.s32 $0x196F0;
	v18 =	vld [tilespmem:s15+$0x0];
	v5 =	vadd.s32 v11, v12;
	v3 =	vadd.s32 v6, v3  }
0x198: {  	v19 =	vld [tilespmem:s16+$0xFFFFFF90];
	v5 =	vadd.s32 v13, v5;
	v3 =	vadd.s32 v7, v3  }
0x199: {  	v20 =	vld [tilespmem:s16+$0xFFFFFFA0];
	v5 =	vadd.s32 v14, v5;
	v3 =	vadd.s32 v8, v3  }
0x19a: {  	v4 =	vld [tilespmem:s16+$0xFFFFFFB0];
	v5 =	vadd.s32 v15, v5;
	v3 =	vadd.s32 v9, v3  }
0x19b: {  	v11 =	vld [tilespmem:s16+$0xFFFFFFC0];
	v5 =	vadd.s32 v16, v5;
	v3 =	vadd.s32 v10, v3  }
0x19c: {  	v6 =	vld [tilespmem:s16+$0xFFFFFFD0];
	v5 =	vadd.s32 v17, v5;
	(xrf0) =	vadd.scan.msk.s32 $0xffff, v3  }
0x19d: {  	v7 =	vld [tilespmem:s16+$0xFFFFFFE0];
	v3 =	vadd.s32 v18, v5  }
0x19e: {  	(xrf0) =	vadd.scan.msk.s32 $0xffff, v3;
	v3 =	vadd.s32 v19, v20  }
0x19f: {  	v3 =	vadd.s32 v4, v3  }
0x1a0: {  	s0 =	sld [smem:$0x7FB];
	v3 =	vadd.s32 v11, v3  }
0x1a1: {  	s7 =	sld [smem:$0x7FC];
	v4 =	vadd.s32 v6, v3  }
0x1a2: {  	v8 =	vld [tilespmem:s16+$0xFFFFFFF0];
	v6 =	vadd.s32 v7, v4;
	v7, _, _ =	vpop (xrf0)  }
0x1a3: {  	p1 =	seq.s32 s0, $0x1;
	v9 =	vld [tilespmem:s16+$0x0];
	(v2sf) =	vpush v7, $0xF  }
0x1a4: {  	s23 =	simm.s32 @!p1 $0x0;
	p1 =	seq.s32 s7, $0x1  }
0x1a5: {  	s23 =	smov.u32 @p1 s22  }
0x1a6: {  	s23 =	smov.u32 @p2 s25;
	s25 =	simm.s32 $0x19670  }
0x1a7: {  	s10 =	sld [smem:$0x7FD];
	v10 =	vld [tilespmem:s25+$0xFFFFFF90];
	v6 =	vadd.s32 v8, v6  }
0x1a8: {  	v5 =	vld [tilespmem:s25+$0xFFFFFFA0];
	v7 =	vadd.s32 v9, v6;
	v9, _, _ =	vpop (xrf0)  }
0x1a9: {  	v62 =	vld [tilespmem:s25+$0xFFFFFFB0];
	(v2sf) =	vpush v9, $0xF  }
0x1aa: {  	p1 =	seq.s32 s10, $0x1;
	v63 =	vld [tilespmem:s25+$0xFFFFFFC0]  }
0x1ab: {  	s2 =	simm.s32 $0x195F0;
	s23 =	smov.u32 @p1 s26;
	v11 =	vld [tilespmem:s25+$0xFFFFFFD0]  }
0x1ac: {  	s3 =	simm.s32 $0x1A;
	s1 =	simm.s32 $0x0;
	s23 =	smov.u32 @p5 s28;
	v3 =	vld [tilespmem:s25+$0xFFFFFFE0];
	(xrf0) =	vadd.scan.msk.s32 $0xffff, v7  }
0x1ad: {  	s0 =	simm.s32 $0x0;
	s22 =	simm.s32 $0x0;
	s23 =	smov.u32 @p6 s29;
	v5 =	vadd.s32 v10, v5;
	v4 =	vld [tilespmem:s25+$0xFFFFFFF0]  }
0x1ae: {  	s26 =	simm.s32 $0x1F;
	s28 =	simm.s32 $0x1D;
	s23 =	smov.u32 @p0 s30;
	v8 =	vadd.s32 v62, v5;
	v5 =	vld [tilespmem:s25+$0x0]  }
0x1af: {  	s29 =	simm.s32 $0x1B;
	s30 =	simm.s32 $0x1C;
	s31 =	smov.u32 @p3 s23;
	v8 =	vadd.s32 v63, v8;
	v6 =	vld [tilespmem:s2+$0xFFFFFF90]  }
0x1b0: {  	s23 =	ssub.s32 $0x1399, s31;
	s31 =	simm.s32 $0x1E;
	s25 =	simm.s32 $0x0;
	v7 =	vld [tilespmem:s2+$0xFFFFFFA0];
	v8 =	vadd.s32 v11, v8  }
.LBB2_14:
0x1b1: {  	p0 =	seq.s32 s3, $0x0;
	v9 =	vld [tilespmem:s2+$0xFFFFFFB0];
	v3 =	vadd.s32 v3, v8;
	s6 =	smov.u32 s0;
	s7 =	smov.u32 s31  }
0x1b2: {  	s31 =	smov.u32 s28;
	s28 =	smov.u32 s30;
	v8 =	vld [tilespmem:s2+$0xFFFFFFC0];
	v3 =	vadd.s32 v4, v3;
	v4, _, _ =	vpop (xrf0);
	s10 =	spop (v2sf)  }
0x1b3: {  	s30 =	smov.u32 s29;
	s29 =	smov.u32 s3;
	v10 =	vld [tilespmem:s2+$0xFFFFFFD0];
	v5 =	vadd.s32 v5, v3;
	(v2sf) =	vpush v4, $0xF;
	s0 =	sadd.s32 s0, s10  }
.Ltmp10:
0x1b4: {  	p1 =	seq.s32 s1, $0x0;
	v3 =	vld [tilespmem:s2+$0xFFFFFFE0];
	(xrf0) =	vadd.scan.msk.s32 $0xffff, v5;
	p2 =	sge.s32 s0, s23;
	(pc) =	sbr.rel @!p0 .LBB2_14-.Ltmp10, $4  }
0x1b5: {  	v5 =	vadd.s32 v6, v7;
	v4 =	vld [tilespmem:s2+$0xFFFFFFF0];
	p1 =	por !p1, !p2  }
0x1b6: {  	s10 =	simm.s32 $0x1;
	v7 =	vadd.s32 v9, v5;
	v5 =	vld [tilespmem:s2+$0x0];
	s2 =	sadd.s32 $0xFFFFFF80, s2;
	p1 =	por !p1, !p1  }
0x1b7: {  	v6 =	vld [tilespmem:s2+$0xFFFFFF90];
	v8 =	vadd.s32 v8, v7;
	s22 =	smov.u32 @p1 s26;
	s10 =	simm.s32 @!p1 $0x0;
	s26 =	smov.u32 s7  }
0x1b8: {  	s3 =	sadd.s32 $0xFFFFFFFF, s3;
	s25 =	smov.u32 @p1 s6;
	v7 =	vld [tilespmem:s2+$0xFFFFFFA0];
	v8 =	vadd.s32 v10, v8;
	s1 =	sor.u32 s10, s1  }
0x1b9: {  	v9 =	vld [tilespmem:s2+$0xFFFFFFB0]  }
0x1ba: {  	v10 =	vld [tilespmem:s2+$0xFFFFFFC0]  }
0x1bb: {  	v11 =	vld [tilespmem:s2+$0xFFFFFFD0]  }
0x1bc: {  	v3 =	vadd.s32 v3, v8;
	v63 =	vld [tilespmem:s2+$0xFFFFFFE0]  }
0x1bd: {  	v3 =	vadd.s32 v4, v3;
	v4 =	vadd.s32 v6, v7;
	v6 =	vld [tilespmem:s2+$0xFFFFFFF0]  }
0x1be: {  	v3 =	vadd.s32 v5, v3;
	v5 =	vld [tilespmem:s2+$0x0];
	v4 =	vadd.s32 v9, v4  }
0x1bf: {  	(xrf0) =	vadd.scan.msk.s32 $0xffff, v3;
	v3 =	vadd.s32 v10, v4  }
0x1c0: {  	v3 =	vadd.s32 v11, v3  }
0x1c1: {  	v4, _, _ =	vpop (xrf0);
	v3 =	vadd.s32 v63, v3  }
0x1c2: {  	(v2sf) =	vpush v4, $0xF;
	v3 =	vadd.s32 v6, v3  }
0x1c3: {  	v3 =	vadd.s32 v5, v3;
	_ =	sdelay $0x1  }
0x1c4: {  	(xrf0) =	vadd.scan.msk.s32 $0xffff, v3  }
0x1c5: {  	v3, _, _ =	vpop (xrf0)  }
0x1c6: {  	s11 =	spop (v2sf);
	(v2sf) =	vpush v3, $0xF  }
0x1c7: {  	s2 =	sadd.s32 s0, s11  }
0x1c8: {  	p0 =	seq.s32 s1, $0x0;
	p1 =	sge.s32 s2, s23  }
0x1c9: {  	p0 =	por !p0, !p1  }
0x1ca: {  	s3 =	simm.s32 $0x1;
	p0 =	por !p0, !p0;
	v3, _, _ =	vpop (xrf0)  }
0x1cb: {  	s3 =	simm.s32 @!p0 $0x0;
	s6 =	spop (v2sf);
	(v2sf) =	vpush v3, $0xF  }
0x1cc: {  	s15 =	sor.u32 s3, s1;
	s3 =	sadd.s32 s2, s6  }
0x1cd: {  	p4 =	seq.s32 s15, $0x0;
	p2 =	sge.s32 s3, s23  }
0x1ce: {  	p1 =	por !p4, !p2  }
0x1cf: {  	s6 =	simm.s32 $0x1;
	p1 =	por !p1, !p1  }
0x1d0: {  	s6 =	simm.s32 @!p1 $0x0;
	s7 =	spop (v2sf)  }
0x1d1: {  	s1 =	sor.u32 s6, s15;
	s6 =	sadd.s32 s3, s7  }
0x1d2: {  	p5 =	seq.s32 s1, $0x0;
	p3 =	sge.s32 s6, s23  }
0x1d3: {  	p2 =	por !p5, !p3  }
0x1d4: {  	s7 =	simm.s32 $0x1;
	p2 =	por !p2, !p2  }
0x1d5: {  	s7 =	simm.s32 @!p2 $0x0;
	s10 =	spop (v2sf)  }
0x1d6: {  	s1 =	sor.u32 s7, s1;
	s7 =	sadd.s32 s6, s10  }
0x1d7: {  	p6 =	seq.s32 s1, $0x0;
	p4 =	sge.s32 s7, s23  }
0x1d8: {  	s22 =	smov.u32 @p0 s26;
	p3 =	por !p6, !p4  }
0x1d9: {  	s25 =	smov.u32 @p0 s0;
	s0 =	simm.s32 $0x1;
	p0 =	por !p3, !p3  }
0x1da: {  	s16 =	spop (v2sf);
	s0 =	simm.s32 @!p0 $0x0  }
0x1db: {  	s22 =	smov.u32 @p1 s31;
	s26 =	sadd.s32 s7, s16;
	s0 =	sor.u32 s0, s1  }
0x1dc: {  	s25 =	smov.u32 @p1 s2;
	p5 =	sge.s32 s26, s23;
	p4 =	seq.s32 s0, $0x0  }
0x1dd: {  	s22 =	smov.u32 @p2 s28;
	s25 =	smov.u32 @p2 s3;
	p1 =	por !p4, !p5  }
0x1de: {  	s22 =	smov.u32 @p0 s30;
	s25 =	smov.u32 @p0 s6;
	p0 =	por !p1, !p1  }
0x1df: {  	s22 =	smov.u32 @p0 s29  }
0x1e0: {  	s6 =	sshll.u32 s22, $0x3;
	s0 =	sshllo.u32 s22, $0x3  }
0x1e1: {  	s25 =	smov.u32 @p0 s7;
	s2 =	sshll.u32 s0, $0x4;
	s7 =	sor.u32 $0x6, s6  }
0x1e2: {  	s16 =	sor.u32 $0x5, s6;
	s1 =	sand.u32 $0x3FFFFFF0, s2;
	s3 =	sshll.u32 s7, $0x4  }
0x1e3: {  	s11 =	sshll.u32 s16, $0x4;
	v3 =	vld [tilespmem:s1+$0x18800];
	s10 =	sand.u32 $0x3FFFFFE0, s3;
	s3 =	sor.u32 $0x4, s6  }
0x1e4: {  	s2 =	sor.u32 $0x3, s6;
	s15 =	sand.u32 $0x3FFFFFD0, s11;
	v4 =	vld [tilespmem:s10+$0x18800];
	s11 =	sshll.u32 s3, $0x4  }
0x1e5: {  	v5 =	vld [tilespmem:s15+$0x18800];
	s10 =	sshll.u32 s2, $0x4;
	s15 =	sor.u32 $0x2, s6;
	s26 =	sand.u32 $0x3FFFFFC0, s11  }
0x1e6: {  	v6 =	vld [tilespmem:s26+$0x18800];
	s26 =	sand.u32 $0x3FFFFFB0, s10;
	s10 =	sshll.u32 s15, $0x4  }
0x1e7: {  	v7 =	vld [tilespmem:s26+$0x18800];
	s26 =	sand.u32 $0x3FFFFFA0, s10  }
0x1e8: {  	(xrf0) =	vadd.scan.msk.s32 $0xffff, v3;
	v3 =	vld [tilespmem:s26+$0x18800]  }
0x1e9: {  	(xrf0) =	vadd.scan.msk.s32 $0xffff, v4  }
0x1ea: {  	(xrf0) =	vadd.scan.msk.s32 $0xffff, v5  }
0x1eb: {  	(xrf0) =	vadd.scan.msk.s32 $0xffff, v6  }
0x1ec: {  	(xrf0) =	vadd.scan.msk.s32 $0xffff, v7  }
0x1ed: {  	(xrf0) =	vadd.scan.msk.s32 $0xffff, v3  }
0x1ee: {  	v3, _, _ =	vpop (xrf0)  }
0x1ef: {  	v4, _, _ =	vpop (xrf0);
	(v2sf) =	vpush v3, $0xF  }
0x1f0: {  	v3, _, _ =	vpop (xrf0);
	(v2sf) =	vpush v4, $0xF  }
0x1f1: {  	s11 =	sor.u32 $0x1, s6;
	v4, _, _ =	vpop (xrf0);
	(v2sf) =	vpush v3, $0xF  }
0x1f2: {  	s10 =	sshll.u32 s11, $0x4;
	(v2sf) =	vpush v4, $0xF;
	v4, _, _ =	vpop (xrf0)  }
0x1f3: {  	s1 =	sand.u32 $0x3FFFFF90, s10;
	(v2sf) =	vpush v4, $0xF;
	v4, _, _ =	vpop (xrf0)  }
0x1f4: {  	s22 =	sshll.u32 s22, $0x7;
	v3 =	vld [tilespmem:s1+$0x18800];
	(v2sf) =	vpush v4, $0xF  }
0x1f5: {  	s22 =	sand.u32 $0x3FFFFF80, s22  }
0x1f6: {  	v5 =	vld [tilespmem:s22+$0x18800];
	_ =	sdelay $0x2  }
0x1f7: {  	(xrf0) =	vadd.scan.msk.s32 $0xffff, v3;
	_ =	sdelay $0x1  }
0x1f8: {  	(xrf0) =	vadd.scan.msk.s32 $0xffff, v5;
	_ =	sdelay $0x2  }
0x1f9: {  	s26 =	spop (v2sf)  }
0x1fa: {  	v3, _, _ =	vpop (xrf0);
	s10 =	spop (v2sf);
	s26 =	sadd.s32 s25, s26  }
0x1fb: {  	(v2sf) =	vpush v3, $0xF;
	s29 =	spop (v2sf);
	s28 =	sadd.s32 s26, s10;
	p1 =	sge.s32 s26, s23  }
0x1fc: {  	v3, _, _ =	vpop (xrf0);
	s1 =	spop (v2sf);
	p0 =	sge.s32 s28, s23;
	s29 =	sadd.s32 s28, s29  }
0x1fd: {  	(v2sf) =	vpush v3, $0xF;
	s22 =	spop (v2sf);
	p6 =	por p1, p0;
	p5 =	sge.s32 s29, s23  }
0x1fe: {  	s30 =	sadd.s32 s29, s1;
	s7 =	simm.s32 @!p0 $0x0;
	s10 =	spop (v2sf)  }
0x1ff: {  	p4 =	por !p6, !p6;
	p3 =	por p6, p5;
	p6 =	sge.s32 s30, s23  }
0x200: {  	s31 =	sadd.s32 s30, s22;
	s7 =	smov.u32 @p1 s0;
	p2 =	por !p5, !p4  }
0x201: {  	p5 =	por !p3, !p3;
	p3 =	por p3, p6;
	s1 =	sadd.s32 s31, s10  }
0x202: {  	s10 =	simm.s32 @!p0 $0x0;
	p4 =	por !p6, !p5;
	p5 =	por !p3, !p3  }
0x203: {  	p6 =	sge.s32 s31, s23;
	s10 =	simm.s32 @p0 $0x1;
	p0 =	sge.s32 s1, s23  }
0x204: {  	p3 =	por p3, p6;
	[smem:$0x7F6] =	sst s10;
	s10 =	simm.s32 @!p1 $0x0  }
0x205: {  	p5 =	por !p6, !p5;
	p6 =	por !p3, !p3;
	s10 =	simm.s32 @p1 $0x1  }
0x206: {  	p1 =	por !p2, !p2;
	p3 =	por p3, p0;
	[smem:$0x7F7] =	sst s10  }
0x207: {  	p2 =	por !p0, !p6;
	s7 =	smov.u32 @p1 s16;
	p0 =	por !p4, !p4  }
0x208: {  	p6 =	por !p3, !p3;
	s16 =	sshll.u32 s21, $0x8;
	s0 =	simm.s32 @!p0 $0x0  }
0x209: {  	s21 =	sld [smem:$0x7FA];
	s7 =	smov.u32 @p0 s3;
	s0 =	simm.s32 @p0 $0x1  }
0x20a: {  	p0 =	por !p5, !p5;
	p5 =	por !p2, !p2;
	s22 =	spop (v2sf)  }
0x20b: {  	[smem:$0x7F8] =	sst s0;
	s3 =	simm.s32 @!p0 $0x0;
	s0 =	sadd.s32 s1, s22  }
0x20c: {  	s7 =	smov.u32 @p0 s2;
	s10 =	spop (v2sf);
	p4 =	sge.s32 s0, s23  }
0x20d: {  	s3 =	simm.s32 @p0 $0x1;
	s2 =	sadd.s32 s0, s10;
	p0 =	por !p4, !p6  }
0x20e: {  	p6 =	slt.s32 s2, s23;
	p2 =	por !p0, !p0;
	p0 =	seq.s32 s21, $0x1  }
.Ltmp11:
0x20f: {  	s7 =	smov.u32 @p5 s15;
	p4 =	por p4, p6;
	(pc) =	sbr.rel @!p0 .LBB2_26-.Ltmp11, $4  }
0x210: {  	p6 =	por p4, p3;
	s7 =	smov.u32 @p2 s11  }
0x211: {  	s6 =	smov.u32 @p6 s7  }
0x212: {  	s22 =	sor.u32 s16, s6  }
0x213: {  	v4 =	vimm.s32 $0x0;
	[smem:$0x7F9] =	sst s3;
	v3 =	vmov s22  }
0x214: {  	p0 =	sne.s32 s24, $0x1  }
.Ltmp12:
0x215: {  	_ = 	snop;
	(pc) =	sbr.rel @!p0 .LBB2_17-.Ltmp12, $2  }
0x216: {  	_ =	sdelay $0x2  }
0x217: {  	s2 =	simm.s32 $0x19800;
	s3 =	sadd.s32 $0xFFFFFFFF, s24;
	(v2sf) =	vpush v4, $0x0;
	p3 =	por $0x0, $0x0  }
0x218: {  	_ =	sdelay $0x1  }
0x219: {  	v5 =	vld [tilespmem:s2+$0x0];
	_ =	sdelay $0x4  }
0x21a: {  	v6 =	vshrl.u32 v5, $0xF  }
0x21b: {  	vm0 =	veq.s32 v6, v3  }
0x21c: {  	p0 =	sne.s32 s3, $0x1;
	v6 =	vmpcnt.ones.xlane vm0  }
.Ltmp13:
0x21d: {  	_ = 	snop;
	(pc) =	sbr.rel @!p0 .LBB2_22-.Ltmp13, $4  }
0x21e: {  	v4 =	vadd.s32 v4, v6  }
0x21f: {  	vm1 =	vlt.s32 v4, $0x3C0  }
0x220: {  	s6 =	sadd.s32 $0xFFFFFFFF, s3;
	v4 =	vnsel vm1, $0x3C0, v4  }
0x221: {  	p3 =	por $0x1, $0x1;
	s3 =	simm.s32 $0x19800;
	(v2sf) =	vpush v4, $0x0;
	s7 =	spop (v2sf)  }
.LBB2_23:
0x222: {  	p4 =	sne.s32 s6, $0x1;
	s6 =	sadd.s32 $0xFFFFFFFF, s6;
	[tilespmem:s7+$0x1F000] =	vst.msk vm0, v5;
	s3 =	sadd.s32 $0x10, s3  }
0x223: {  	_ = 	snop  }
0x224: {  	v5 =	vld [tilespmem:s3+$0x0];
	_ =	sdelay $0x4  }
0x225: {  	v6 =	vshrl.u32 v5, $0xF  }
0x226: {  	vm0 =	veq.s32 v6, v3  }
0x227: {  	v6 =	vmpcnt.ones.xlane vm0  }
.Ltmp14:
0x228: {  	(pc) =	sbr.rel @p4 .LBB2_23-.Ltmp14, $4  }
0x229: {  	v4 =	vadd.s32 v4, v6  }
0x22a: {  	vm1 =	vlt.s32 v4, $0x3C0  }
0x22b: {  	v4 =	vnsel vm1, $0x3C0, v4  }
0x22c: {  	(v2sf) =	vpush v4, $0x0;
	s7 =	spop (v2sf)  }
0x22d: {  	_ = 	snop  }
.LBB2_25:
0x22e: {  	s3 =	sadd.s32 @p3 $0x10, s3  }
0x22f: {  	[tilespmem:s7+$0x1F000] =	vst.msk @p3 vm0, v5;
	s2 =	smov.u32 @p3 s3  }
0x230: {  	v5 =	vld [tilespmem:s2+$0x0];
	_ =	sdelay $0x4  }
0x231: {  	v6 =	vshrl.u32 v5, $0xF  }
0x232: {  	vm15 =	veq.s32 v6, v3  }
0x233: {  	v6 =	vmpcnt.ones.xlane vm15;
	_ =	sdelay $0x1  }
0x234: {  	v4 =	vadd.s32 v4, v6  }
0x235: {  	s24 =	spop (v2sf);
	vm1 =	vlt.s32 v4, $0x3C0  }
0x236: {  	[tilespmem:s24+$0x1F000] =	vst.msk vm15, v5;
	v4 =	vnsel vm1, $0x3C0, v4  }
.LBB2_26:
0x237: {  	(v2sf) =	vpush v4, $0x0  }
0x238: {  	s2 =	sld [smem:$0x7F6]  }
0x239: {  	s24 =	sld [smem:$0x7F7];
	_ =	sdelay $0x1  }
0x23a: {  	p0 =	seq.s32 s2, $0x1  }
0x23b: {  	s26 =	simm.s32 @!p0 $0x0;
	p0 =	seq.s32 s24, $0x1  }
0x23c: {  	s26 =	smov.u32 @p0 s25  }
0x23d: {  	s26 =	smov.u32 @p1 s28;
	s28 =	sld [smem:$0x7F8];
	_ =	sdelay $0x2  }
0x23e: {  	p0 =	seq.s32 s28, $0x1  }
0x23f: {  	s26 =	smov.u32 @p0 s29;
	s29 =	sld [smem:$0x7F9];
	_ =	sdelay $0x2  }
0x240: {  	p0 =	seq.s32 s29, $0x1  }
0x241: {  	s26 =	smov.u32 @p0 s30;
	s2 =	spop (v2sf)  }
0x242: {  	s26 =	smov.u32 @p5 s31;
	[tilespmem:s2+$0x1F000] =	vst v0  }
0x243: {  	s26 =	smov.u32 @p2 s1;
	[tilespmem:s2+$0x1F010] =	vst v0  }
0x244: {  	[tilespmem:s2+$0x1F020] =	vst v0;
	s0 =	smov.u32 @p6 s26  }
0x245: {  	[tilespmem:s2+$0x1F030] =	vst v0;
	s1 =	simm.s32 $0x200;
	s21 =	ssub.s32 s23, s0;
	s0 =	simm.s32 $0x0  }
.LBB2_27:
0x246: {  	p0 =	seq.s32 s1, $0x3E00;
	[tilespmem:s0+$0x18870] =	vst v0  }
0x247: {  	[tilespmem:s0+$0x18800] =	vst v0  }
0x248: {  	[tilespmem:s0+$0x18810] =	vst v0  }
.Ltmp15:
0x249: {  	[tilespmem:s0+$0x18820] =	vst v0;
	(pc) =	sbr.rel @!p0 .LBB2_27-.Ltmp15, $4  }
0x24a: {  	[tilespmem:s0+$0x18830] =	vst v0  }
0x24b: {  	[tilespmem:s0+$0x18840] =	vst v0  }
0x24c: {  	[tilespmem:s0+$0x18850] =	vst v0  }
0x24d: {  	[tilespmem:s0+$0x18860] =	vst v0;
	s0 =	sshra.s32 s1, $0x2;
	s1 =	sadd.s32 $0x200, s1  }
0x24e: {  	[tilespmem:s0+$0x18870] =	vst v0  }
0x24f: {  	[tilespmem:s0+$0x18800] =	vst v0  }
0x250: {  	[tilespmem:s0+$0x18810] =	vst v0  }
0x251: {  	[tilespmem:s0+$0x18820] =	vst v0;
	s30 =	sadd.s32 $0xF, s2  }
0x252: {  	[tilespmem:s0+$0x18830] =	vst v0;
	s1 =	sand.u32 $0xF, s30  }
0x253: {  	[tilespmem:s0+$0x18840] =	vst v0;
	s2 =	sshra.s32 s30, $0x1F;
	p0 =	slt.s32 s30, $0x1;
	p1 =	sne.s32 s1, $0x0  }
0x254: {  	[tilespmem:s0+$0x18850] =	vst v0;
	s31 =	sshrl.u32 s2, $0x1C;
	p0 =	por !p0, !p1  }
0x255: {  	[tilespmem:s0+$0x18860] =	vst v0;
	s1 =	simm.s32 $0x1;
	s0 =	sadd.s32 s31, s30;
	p0 =	por !p0, !p0  }
0x256: {  	s0 =	sshra.s32 s0, $0x4;
	s1 =	simm.s32 @!p0 $0x0  }
0x257: {  	s23 =	ssub.s32 s0, s1  }
0x258: {  	p0 =	sgt.s32 s23, $0x0  }
.Ltmp16:
0x259: {  	_ = 	snop;
	(pc) =	sbr.rel @!p0 .LBB2_29-.Ltmp16, $4  }
0x25a: {  	_ = 	snop  }
0x25b: {  	s0 =	simm.s32 @!p0 $0x0  }
0x25c: {  	s0 =	simm.s32 @p0 $0x1  }
0x25d: {  	[smem:$0x7F5] =	sst s0  }
0x25e: {  	p0 =	seq.s32 s23, $0x1  }
.Ltmp17:
0x25f: {  	_ = 	snop;
	(pc) =	sbr.rel @p0 .LBB2_36-.Ltmp17, $3  }
0x260: {  	_ =	sdelay $0x1  }
0x261: {  	s0 =	simm.s32 $0x1F000  }
0x262: {  	s1 =	sadd.s32 $0xFFFFFFFF, s23;
	v4 =	vld [tilespmem:s0+$0x0]  }
.LBB2_35:
0x263: {  	p0 =	seq.s32 s1, $0x1;
	_ =	sdelay $0x3  }
0x264: {  	v5 =	vshrl.u32 v4, $0xF;
	v4 =	vshrl.u32 v4, $0x3  }
0x265: {  	vm0 =	veq.s32 v5, v3;
	v4 =	vand.u32 $0xFF0, v4  }
0x266: {  	v4 =	vor.u32 v1, v4;
	_ =	sdelay $0x1  }
.Ltmp18:
0x267: {  	(pc) =	sbr.rel @!p0 .LBB2_35-.Ltmp18, $3  }
0x268: {  	_ =	sdelay $0x1  }
0x269: {  	s0 =	sadd.s32 $0x10, s0;
	[tilespmem:v4+s12+$0x0] =	vst.idx.add.s32.msk vm0, v2  }
0x26a: {  	s1 =	sadd.s32 $0xFFFFFFFF, s1;
	v4 =	vld [tilespmem:s0+$0x0]  }
.LBB2_36:
0x26b: {  	_ =	sdelay $0x3  }
0x26c: {  	v5 =	vshrl.u32 v4, $0xF;
	v63 =	vshrl.u32 v4, $0x3  }
0x26d: {  	vm0 =	veq.s32 v5, v3;
	v3 =	vand.u32 $0xFF0, v63  }
0x26e: {  	v3 =	vor.u32 v1, v3;
	_ =	sdelay $0x4  }
0x26f: {  	[tilespmem:v3+s12+$0x0] =	vst.idx.add.s32.msk vm0, v2  }
.LBB2_29:
0x270: {  	s0 =	simm.s32 $0x197F0  }
0x271: {  	v3 =	vld [tilespmem:s0+$0xFFFFFF90]  }
0x272: {  	v4 =	vld [tilespmem:s0+$0xFFFFFFA0]  }
0x273: {  	v5 =	vld [tilespmem:s0+$0xFFFFFFB0]  }
0x274: {  	v6 =	vld [tilespmem:s0+$0xFFFFFFC0]  }
0x275: {  	v7 =	vld [tilespmem:s0+$0xFFFFFFD0]  }
0x276: {  	v8 =	vld [tilespmem:s0+$0xFFFFFFE0]  }
0x277: {  	v9 =	vld [tilespmem:s0+$0xFFFFFFF0]  }
0x278: {  	s15 =	simm.s32 $0x19770;
	v10 =	vld [tilespmem:s0+$0x0]  }
0x279: {  	v11 =	vld [tilespmem:s15+$0xFFFFFF90]  }
0x27a: {  	v12 =	vld [tilespmem:s15+$0xFFFFFFA0]  }
0x27b: {  	v13 =	vld [tilespmem:s15+$0xFFFFFFB0]  }
0x27c: {  	v14 =	vld [tilespmem:s15+$0xFFFFFFC0]  }
0x27d: {  	v15 =	vld [tilespmem:s15+$0xFFFFFFD0]  }
0x27e: {  	v16 =	vld [tilespmem:s15+$0xFFFFFFE0];
	v3 =	vadd.s32 v3, v4  }
0x27f: {  	v17 =	vld [tilespmem:s15+$0xFFFFFFF0];
	v3 =	vadd.s32 v5, v3  }
0x280: {  	s16 =	simm.s32 $0x196F0;
	v18 =	vld [tilespmem:s15+$0x0];
	v5 =	vadd.s32 v11, v12;
	v3 =	vadd.s32 v6, v3  }
0x281: {  	v19 =	vld [tilespmem:s16+$0xFFFFFF90];
	v5 =	vadd.s32 v13, v5;
	v3 =	vadd.s32 v7, v3  }
0x282: {  	v20 =	vld [tilespmem:s16+$0xFFFFFFA0];
	v5 =	vadd.s32 v14, v5;
	v3 =	vadd.s32 v8, v3  }
0x283: {  	v4 =	vld [tilespmem:s16+$0xFFFFFFB0];
	v5 =	vadd.s32 v15, v5;
	v3 =	vadd.s32 v9, v3  }
0x284: {  	v11 =	vld [tilespmem:s16+$0xFFFFFFC0];
	v5 =	vadd.s32 v16, v5;
	v3 =	vadd.s32 v10, v3  }
0x285: {  	v6 =	vld [tilespmem:s16+$0xFFFFFFD0];
	v5 =	vadd.s32 v17, v5;
	(xrf0) =	vadd.scan.msk.s32 $0xffff, v3  }
0x286: {  	v7 =	vld [tilespmem:s16+$0xFFFFFFE0];
	v3 =	vadd.s32 v18, v5  }
0x287: {  	(xrf0) =	vadd.scan.msk.s32 $0xffff, v3;
	v3 =	vadd.s32 v19, v20  }
0x288: {  	v3 =	vadd.s32 v4, v3  }
0x289: {  	v3 =	vadd.s32 v11, v3  }
0x28a: {  	v4 =	vadd.s32 v6, v3  }
0x28b: {  	v8 =	vld [tilespmem:s16+$0xFFFFFFF0];
	v6 =	vadd.s32 v7, v4;
	v7, _, _ =	vpop (xrf0)  }
0x28c: {  	v9 =	vld [tilespmem:s16+$0x0];
	(v2sf) =	vpush v7, $0xF;
	_ =	sdelay $0x2  }
0x28d: {  	s24 =	simm.s32 $0x19670  }
0x28e: {  	v10 =	vld [tilespmem:s24+$0xFFFFFF90];
	v6 =	vadd.s32 v8, v6  }
0x28f: {  	v5 =	vld [tilespmem:s24+$0xFFFFFFA0];
	v7 =	vadd.s32 v9, v6;
	v9, _, _ =	vpop (xrf0)  }
0x290: {  	v62 =	vld [tilespmem:s24+$0xFFFFFFB0];
	(v2sf) =	vpush v9, $0xF  }
0x291: {  	v63 =	vld [tilespmem:s24+$0xFFFFFFC0]  }
0x292: {  	v11 =	vld [tilespmem:s24+$0xFFFFFFD0]  }
0x293: {  	v3 =	vld [tilespmem:s24+$0xFFFFFFE0];
	(xrf0) =	vadd.scan.msk.s32 $0xffff, v7  }
0x294: {  	s25 =	simm.s32 $0x0;
	s26 =	simm.s32 $0x1F;
	v5 =	vadd.s32 v10, v5;
	v4 =	vld [tilespmem:s24+$0xFFFFFFF0]  }
0x295: {  	s31 =	simm.s32 $0x1E;
	s28 =	simm.s32 $0x1D;
	s2 =	simm.s32 $0x195F0;
	v8 =	vadd.s32 v62, v5;
	v5 =	vld [tilespmem:s24+$0x0]  }
0x296: {  	s30 =	simm.s32 $0x1C;
	s29 =	simm.s32 $0x1B;
	s3 =	simm.s32 $0x1A;
	v8 =	vadd.s32 v63, v8;
	v6 =	vld [tilespmem:s2+$0xFFFFFF90]  }
0x297: {  	s1 =	simm.s32 $0x0;
	s0 =	simm.s32 $0x0;
	s24 =	simm.s32 $0x0;
	v7 =	vld [tilespmem:s2+$0xFFFFFFA0];
	v8 =	vadd.s32 v11, v8  }
.LBB2_30:
0x298: {  	p0 =	seq.s32 s3, $0x0;
	v9 =	vld [tilespmem:s2+$0xFFFFFFB0];
	v3 =	vadd.s32 v3, v8;
	s6 =	smov.u32 s0;
	s7 =	smov.u32 s31  }
0x299: {  	s31 =	smov.u32 s28;
	s28 =	smov.u32 s30;
	v8 =	vld [tilespmem:s2+$0xFFFFFFC0];
	v3 =	vadd.s32 v4, v3;
	v4, _, _ =	vpop (xrf0);
	s10 =	spop (v2sf)  }
0x29a: {  	s30 =	smov.u32 s29;
	s29 =	smov.u32 s3;
	v10 =	vld [tilespmem:s2+$0xFFFFFFD0];
	v5 =	vadd.s32 v5, v3;
	(v2sf) =	vpush v4, $0xF;
	s0 =	sadd.s32 s0, s10  }
.Ltmp19:
0x29b: {  	p1 =	seq.s32 s1, $0x0;
	v3 =	vld [tilespmem:s2+$0xFFFFFFE0];
	(xrf0) =	vadd.scan.msk.s32 $0xffff, v5;
	p2 =	sge.s32 s0, s21;
	(pc) =	sbr.rel @!p0 .LBB2_30-.Ltmp19, $4  }
0x29c: {  	v5 =	vadd.s32 v6, v7;
	v4 =	vld [tilespmem:s2+$0xFFFFFFF0];
	p1 =	por !p1, !p2  }
0x29d: {  	s10 =	simm.s32 $0x1;
	v7 =	vadd.s32 v9, v5;
	v5 =	vld [tilespmem:s2+$0x0];
	s2 =	sadd.s32 $0xFFFFFF80, s2;
	p1 =	por !p1, !p1  }
0x29e: {  	v6 =	vld [tilespmem:s2+$0xFFFFFF90];
	v8 =	vadd.s32 v8, v7;
	s25 =	smov.u32 @p1 s26;
	s10 =	simm.s32 @!p1 $0x0;
	s26 =	smov.u32 s7  }
0x29f: {  	s3 =	sadd.s32 $0xFFFFFFFF, s3;
	s24 =	smov.u32 @p1 s6;
	v7 =	vld [tilespmem:s2+$0xFFFFFFA0];
	v8 =	vadd.s32 v10, v8;
	s1 =	sor.u32 s10, s1  }
0x2a0: {  	v9 =	vld [tilespmem:s2+$0xFFFFFFB0]  }
0x2a1: {  	v10 =	vld [tilespmem:s2+$0xFFFFFFC0]  }
0x2a2: {  	v11 =	vld [tilespmem:s2+$0xFFFFFFD0]  }
0x2a3: {  	v3 =	vadd.s32 v3, v8;
	v63 =	vld [tilespmem:s2+$0xFFFFFFE0]  }
0x2a4: {  	v3 =	vadd.s32 v4, v3;
	v4 =	vadd.s32 v6, v7;
	v6 =	vld [tilespmem:s2+$0xFFFFFFF0]  }
0x2a5: {  	v3 =	vadd.s32 v5, v3;
	v5 =	vld [tilespmem:s2+$0x0];
	v4 =	vadd.s32 v9, v4  }
0x2a6: {  	(xrf0) =	vadd.scan.msk.s32 $0xffff, v3;
	v3 =	vadd.s32 v10, v4  }
0x2a7: {  	v3 =	vadd.s32 v11, v3  }
0x2a8: {  	v4, _, _ =	vpop (xrf0);
	v3 =	vadd.s32 v63, v3  }
0x2a9: {  	(v2sf) =	vpush v4, $0xF;
	v3 =	vadd.s32 v6, v3  }
0x2aa: {  	v3 =	vadd.s32 v5, v3;
	_ =	sdelay $0x1  }
0x2ab: {  	(xrf0) =	vadd.scan.msk.s32 $0xffff, v3  }
0x2ac: {  	v3, _, _ =	vpop (xrf0)  }
0x2ad: {  	s15 =	spop (v2sf);
	(v2sf) =	vpush v3, $0xF  }
0x2ae: {  	s2 =	sadd.s32 s0, s15  }
0x2af: {  	p0 =	seq.s32 s1, $0x0;
	p1 =	sge.s32 s2, s21  }
0x2b0: {  	p0 =	por !p0, !p1  }
0x2b1: {  	s3 =	simm.s32 $0x1;
	p0 =	por !p0, !p0;
	v3, _, _ =	vpop (xrf0)  }
0x2b2: {  	s3 =	simm.s32 @!p0 $0x0;
	s6 =	spop (v2sf);
	(v2sf) =	vpush v3, $0xF  }
0x2b3: {  	s16 =	sor.u32 s3, s1;
	s3 =	sadd.s32 s2, s6  }
0x2b4: {  	p4 =	seq.s32 s16, $0x0;
	p2 =	sge.s32 s3, s21  }
0x2b5: {  	p1 =	por !p4, !p2  }
0x2b6: {  	s6 =	simm.s32 $0x1;
	p1 =	por !p1, !p1  }
0x2b7: {  	s6 =	simm.s32 @!p1 $0x0;
	s7 =	spop (v2sf)  }
0x2b8: {  	s1 =	sor.u32 s6, s16;
	s6 =	sadd.s32 s3, s7  }
0x2b9: {  	p5 =	seq.s32 s1, $0x0;
	p3 =	sge.s32 s6, s21  }
0x2ba: {  	p2 =	por !p5, !p3  }
0x2bb: {  	s7 =	simm.s32 $0x1;
	p2 =	por !p2, !p2  }
0x2bc: {  	s7 =	simm.s32 @!p2 $0x0;
	s10 =	spop (v2sf)  }
0x2bd: {  	s1 =	sor.u32 s7, s1;
	s7 =	sadd.s32 s6, s10  }
0x2be: {  	p6 =	seq.s32 s1, $0x0;
	p4 =	sge.s32 s7, s21  }
0x2bf: {  	s25 =	smov.u32 @p0 s26;
	p3 =	por !p6, !p4  }
0x2c0: {  	s24 =	smov.u32 @p0 s0;
	s0 =	simm.s32 $0x1;
	p0 =	por !p3, !p3  }
0x2c1: {  	s26 =	spop (v2sf);
	s0 =	simm.s32 @!p0 $0x0  }
0x2c2: {  	s25 =	smov.u32 @p1 s31;
	s31 =	sadd.s32 s7, s26;
	s0 =	sor.u32 s0, s1  }
0x2c3: {  	s24 =	smov.u32 @p1 s2;
	p5 =	sge.s32 s31, s21;
	p4 =	seq.s32 s0, $0x0  }
0x2c4: {  	s25 =	smov.u32 @p2 s28;
	s24 =	smov.u32 @p2 s3;
	p1 =	por !p4, !p5  }
0x2c5: {  	s25 =	smov.u32 @p0 s30;
	s24 =	smov.u32 @p0 s6;
	p0 =	por !p1, !p1  }
0x2c6: {  	s25 =	smov.u32 @p0 s29  }
0x2c7: {  	s6 =	sshll.u32 s25, $0x3;
	s0 =	sshllo.u32 s25, $0x3  }
0x2c8: {  	s24 =	smov.u32 @p0 s7;
	s3 =	sshll.u32 s0, $0x4;
	s7 =	sor.u32 $0x6, s6  }
0x2c9: {  	s16 =	sor.u32 $0x5, s6;
	s1 =	sand.u32 $0x3FFFFFF0, s3;
	s10 =	sshll.u32 s7, $0x4  }
0x2ca: {  	s15 =	sshll.u32 s16, $0x4;
	s3 =	sor.u32 $0x4, s6;
	v3 =	vld [tilespmem:s1+$0x18800];
	s11 =	sand.u32 $0x3FFFFFE0, s10  }
0x2cb: {  	s2 =	sor.u32 $0x3, s6;
	s26 =	sand.u32 $0x3FFFFFD0, s15;
	s31 =	sshll.u32 s3, $0x4;
	v4 =	vld [tilespmem:s11+$0x18800]  }
0x2cc: {  	v5 =	vld [tilespmem:s26+$0x18800];
	s10 =	sand.u32 $0x3FFFFFC0, s31;
	s11 =	sshll.u32 s2, $0x4  }
0x2cd: {  	s15 =	sor.u32 $0x2, s6;
	v6 =	vld [tilespmem:s10+$0x18800];
	s26 =	sand.u32 $0x3FFFFFB0, s11  }
0x2ce: {  	s31 =	sshll.u32 s15, $0x4;
	v7 =	vld [tilespmem:s26+$0x18800]  }
0x2cf: {  	s11 =	sand.u32 $0x3FFFFFA0, s31;
	(xrf0) =	vadd.scan.msk.s32 $0xffff, v3  }
0x2d0: {  	v3 =	vld [tilespmem:s11+$0x18800];
	(xrf0) =	vadd.scan.msk.s32 $0xffff, v4  }
0x2d1: {  	(xrf0) =	vadd.scan.msk.s32 $0xffff, v5  }
0x2d2: {  	(xrf0) =	vadd.scan.msk.s32 $0xffff, v6  }
0x2d3: {  	(xrf0) =	vadd.scan.msk.s32 $0xffff, v7;
	_ =	sdelay $0x1  }
0x2d4: {  	(xrf0) =	vadd.scan.msk.s32 $0xffff, v3;
	v3, _, _ =	vpop (xrf0)  }
0x2d5: {  	v4, _, _ =	vpop (xrf0);
	(v2sf) =	vpush v3, $0xF  }
0x2d6: {  	v3, _, _ =	vpop (xrf0);
	(v2sf) =	vpush v4, $0xF  }
0x2d7: {  	s11 =	sor.u32 $0x1, s6;
	v4, _, _ =	vpop (xrf0);
	(v2sf) =	vpush v3, $0xF  }
0x2d8: {  	s26 =	sshll.u32 s11, $0x4;
	(v2sf) =	vpush v4, $0xF;
	v4, _, _ =	vpop (xrf0)  }
0x2d9: {  	s31 =	sshll.u32 s25, $0x7;
	s1 =	sand.u32 $0x3FFFFF90, s26;
	(v2sf) =	vpush v4, $0xF  }
0x2da: {  	s25 =	sand.u32 $0x3FFFFF80, s31;
	v3 =	vld [tilespmem:s1+$0x18800];
	v4, _, _ =	vpop (xrf0)  }
0x2db: {  	v5 =	vld [tilespmem:s25+$0x18800];
	(v2sf) =	vpush v4, $0xF;
	_ =	sdelay $0x3  }
0x2dc: {  	(xrf0) =	vadd.scan.msk.s32 $0xffff, v3  }
0x2dd: {  	(xrf0) =	vadd.scan.msk.s32 $0xffff, v5;
	_ =	sdelay $0x3  }
0x2de: {  	s26 =	spop (v2sf)  }
0x2df: {  	v3, _, _ =	vpop (xrf0);
	s31 =	spop (v2sf)  }
0x2e0: {  	(v2sf) =	vpush v3, $0xF;
	v3, _, _ =	vpop (xrf0);
	s25 =	sadd.s32 s24, s26;
	s28 =	spop (v2sf)  }
0x2e1: {  	(v2sf) =	vpush v3, $0xF;
	s26 =	sadd.s32 s25, s31;
	p2 =	sge.s32 s25, s21;
	s1 =	spop (v2sf)  }
0x2e2: {  	p1 =	sge.s32 s26, s21;
	s28 =	sadd.s32 s26, s28;
	s10 =	spop (v2sf)  }
0x2e3: {  	p6 =	por p2, p1;
	p5 =	sge.s32 s28, s21;
	s29 =	sadd.s32 s28, s1  }
0x2e4: {  	s7 =	simm.s32 @!p1 $0x0;
	s31 =	spop (v2sf);
	p4 =	por !p6, !p6  }
0x2e5: {  	p3 =	por p6, p5;
	p6 =	sge.s32 s29, s21;
	s30 =	sadd.s32 s29, s10  }
0x2e6: {  	s10 =	simm.s32 @!p1 $0x0;
	s7 =	smov.u32 @p2 s0;
	p0 =	por !p5, !p4  }
0x2e7: {  	p5 =	por !p3, !p3;
	p3 =	por p3, p6;
	s1 =	sadd.s32 s30, s31  }
0x2e8: {  	s10 =	simm.s32 @p1 $0x1;
	s31 =	sld [smem:$0x7F5];
	p4 =	por !p6, !p5  }
0x2e9: {  	p5 =	por !p3, !p3;
	p6 =	sge.s32 s30, s21;
	[smem:$0x7F2] =	sst s10  }
0x2ea: {  	p1 =	sge.s32 s1, s21;
	s10 =	simm.s32 @!p2 $0x0;
	p5 =	por !p6, !p5  }
0x2eb: {  	p3 =	por p3, p6;
	s10 =	simm.s32 @p2 $0x1;
	p2 =	por !p0, !p0  }
0x2ec: {  	p6 =	por !p3, !p3;
	[smem:$0x7F3] =	sst s10;
	p0 =	por p3, p1  }
0x2ed: {  	s7 =	smov.u32 @p2 s16;
	p6 =	por !p1, !p6;
	p1 =	por !p4, !p4  }
0x2ee: {  	p5 =	por !p5, !p5;
	p4 =	por !p0, !p0;
	s0 =	simm.s32 @!p1 $0x0  }
0x2ef: {  	s7 =	smov.u32 @p1 s3;
	s0 =	simm.s32 @p1 $0x1;
	s10 =	spop (v2sf)  }
0x2f0: {  	[smem:$0x7F4] =	sst s0;
	s0 =	sadd.s32 s1, s10;
	s16 =	spop (v2sf)  }
0x2f1: {  	s7 =	smov.u32 @p5 s2;
	s2 =	sadd.s32 s0, s16;
	p3 =	sge.s32 s0, s21  }
0x2f2: {  	p6 =	por !p6, !p6;
	p1 =	por !p3, !p4;
	p4 =	slt.s32 s2, s21  }
0x2f3: {  	p4 =	por p3, p4;
	p3 =	por !p1, !p1;
	p1 =	seq.s32 s31, $0x1  }
.Ltmp20:
0x2f4: {  	s7 =	smov.u32 @p6 s15;
	(pc) =	sbr.rel @!p1 .LBB2_42-.Ltmp20, $4  }
0x2f5: {  	p0 =	por p4, p0;
	s7 =	smov.u32 @p3 s11  }
0x2f6: {  	s22 =	sshll.u32 s22, $0x8;
	s6 =	smov.u32 @p0 s7  }
0x2f7: {  	s22 =	sor.u32 s22, s6  }
0x2f8: {  	v4 =	vimm.s32 $0x0;
	v3 =	vmov s22  }
0x2f9: {  	p1 =	sne.s32 s23, $0x1  }
.Ltmp21:
0x2fa: {  	_ = 	snop;
	(pc) =	sbr.rel @!p1 .LBB2_33-.Ltmp21, $2  }
0x2fb: {  	_ =	sdelay $0x2  }
0x2fc: {  	s2 =	simm.s32 $0x1F000;
	s3 =	sadd.s32 $0xFFFFFFFF, s23;
	(v2sf) =	vpush v4, $0x0;
	p4 =	por $0x0, $0x0  }
0x2fd: {  	_ =	sdelay $0x1  }
0x2fe: {  	v5 =	vld [tilespmem:s2+$0x0];
	_ =	sdelay $0x4  }
0x2ff: {  	v6 =	vshrl.u32 v5, $0x7  }
0x300: {  	vm0 =	veq.s32 v6, v3  }
0x301: {  	p1 =	sne.s32 s3, $0x1;
	v6 =	vmpcnt.ones.xlane vm0  }
.Ltmp22:
0x302: {  	_ = 	snop;
	(pc) =	sbr.rel @!p1 .LBB2_38-.Ltmp22, $4  }
0x303: {  	s6 =	simm.s32 @!p5 $0x0;
	v4 =	vadd.s32 v4, v6  }
0x304: {  	s6 =	simm.s32 @p5 $0x1;
	vm1 =	vlt.s32 v4, $0x57C0  }
0x305: {  	p4 =	por $0x1, $0x1;
	[smem:$0x7F1] =	sst s6;
	v4 =	vnsel vm1, $0x57C0, v4  }
0x306: {  	s6 =	sadd.s32 $0xFFFFFFFF, s3;
	s3 =	simm.s32 $0x1F000;
	(v2sf) =	vpush v4, $0x0;
	s7 =	spop (v2sf)  }
.LBB2_39:
0x307: {  	p5 =	sne.s32 s6, $0x1;
	s6 =	sadd.s32 $0xFFFFFFFF, s6;
	[tilespmem:s7+$0x19800] =	vst.msk vm0, v5;
	s3 =	sadd.s32 $0x10, s3  }
0x308: {  	_ = 	snop  }
0x309: {  	v5 =	vld [tilespmem:s3+$0x0];
	_ =	sdelay $0x4  }
0x30a: {  	v6 =	vshrl.u32 v5, $0x7  }
0x30b: {  	vm0 =	veq.s32 v6, v3  }
0x30c: {  	v6 =	vmpcnt.ones.xlane vm0  }
.Ltmp23:
0x30d: {  	(pc) =	sbr.rel @p5 .LBB2_39-.Ltmp23, $4  }
0x30e: {  	v4 =	vadd.s32 v4, v6  }
0x30f: {  	vm1 =	vlt.s32 v4, $0x57C0  }
0x310: {  	v4 =	vnsel vm1, $0x57C0, v4  }
0x311: {  	(v2sf) =	vpush v4, $0x0;
	s7 =	spop (v2sf)  }
0x312: {  	s6 =	sld [smem:$0x7F1];
	_ =	sdelay $0x2  }
0x313: {  	p5 =	seq.s32 s6, $0x1  }
.LBB2_41:
0x314: {  	s3 =	sadd.s32 @p4 $0x10, s3  }
0x315: {  	[tilespmem:s7+$0x19800] =	vst.msk @p4 vm0, v5;
	s2 =	smov.u32 @p4 s3  }
0x316: {  	v5 =	vld [tilespmem:s2+$0x0];
	_ =	sdelay $0x4  }
0x317: {  	v6 =	vshrl.u32 v5, $0x7  }
0x318: {  	vm15 =	veq.s32 v6, v3  }
0x319: {  	v6 =	vmpcnt.ones.xlane vm15;
	_ =	sdelay $0x1  }
0x31a: {  	v4 =	vadd.s32 v4, v6  }
0x31b: {  	s31 =	spop (v2sf);
	vm1 =	vlt.s32 v4, $0x57C0  }
0x31c: {  	[tilespmem:s31+$0x19800] =	vst.msk vm15, v5;
	v4 =	vnsel vm1, $0x57C0, v4  }
.LBB2_42:
0x31d: {  	(v2sf) =	vpush v4, $0x0;
	_ =	sdelay $0x6  }
0x31e: {  	s2 =	sld [smem:$0x7F2]  }
0x31f: {  	s23 =	sld [smem:$0x7F3];
	_ =	sdelay $0x1  }
0x320: {  	s31 =	sld [smem:$0x7F4];
	p1 =	seq.s32 s2, $0x1  }
0x321: {  	s25 =	simm.s32 @!p1 $0x0;
	p1 =	seq.s32 s23, $0x1  }
0x322: {  	s25 =	smov.u32 @p1 s24  }
0x323: {  	p1 =	seq.s32 s31, $0x1;
	s25 =	smov.u32 @p2 s26  }
0x324: {  	s25 =	smov.u32 @p1 s28  }
0x325: {  	s25 =	smov.u32 @p5 s29;
	s2 =	spop (v2sf)  }
0x326: {  	s25 =	smov.u32 @p6 s30;
	[tilespmem:s2+$0x19800] =	vst v0  }
0x327: {  	s25 =	smov.u32 @p3 s1;
	[tilespmem:s2+$0x19810] =	vst v0  }
0x328: {  	s0 =	smov.u32 @p0 s25;
	[tilespmem:s2+$0x19820] =	vst v0  }
0x329: {  	s1 =	simm.s32 $0x200;
	s21 =	ssub.s32 s21, s0;
	s0 =	simm.s32 $0x0;
	[tilespmem:s2+$0x19830] =	vst v0  }
.LBB2_43:
0x32a: {  	p0 =	seq.s32 s1, $0x1E00;
	[tilespmem:s0+$0x18870] =	vst v0  }
0x32b: {  	[tilespmem:s0+$0x18800] =	vst v0  }
0x32c: {  	[tilespmem:s0+$0x18810] =	vst v0  }
.Ltmp24:
0x32d: {  	[tilespmem:s0+$0x18820] =	vst v0;
	(pc) =	sbr.rel @!p0 .LBB2_43-.Ltmp24, $4  }
0x32e: {  	[tilespmem:s0+$0x18830] =	vst v0  }
0x32f: {  	[tilespmem:s0+$0x18840] =	vst v0  }
0x330: {  	[tilespmem:s0+$0x18850] =	vst v0  }
0x331: {  	[tilespmem:s0+$0x18860] =	vst v0;
	s0 =	sshra.s32 s1, $0x2;
	s1 =	sadd.s32 $0x200, s1  }
0x332: {  	[tilespmem:s0+$0x18870] =	vst v0  }
0x333: {  	[tilespmem:s0+$0x18800] =	vst v0  }
0x334: {  	[tilespmem:s0+$0x18810] =	vst v0  }
0x335: {  	[tilespmem:s0+$0x18820] =	vst v0;
	s30 =	sadd.s32 $0xF, s2  }
0x336: {  	[tilespmem:s0+$0x18830] =	vst v0;
	s1 =	sand.u32 $0xF, s30  }
0x337: {  	[tilespmem:s0+$0x18840] =	vst v0;
	s2 =	sshra.s32 s30, $0x1F;
	p0 =	slt.s32 s30, $0x1;
	p1 =	sne.s32 s1, $0x0  }
0x338: {  	[tilespmem:s0+$0x18850] =	vst v0;
	s31 =	sshrl.u32 s2, $0x1C;
	p0 =	por !p0, !p1  }
0x339: {  	[tilespmem:s0+$0x18860] =	vst v0;
	s1 =	simm.s32 $0x1;
	s0 =	sadd.s32 s31, s30;
	p0 =	por !p0, !p0  }
0x33a: {  	s0 =	sshra.s32 s0, $0x4;
	s1 =	simm.s32 @!p0 $0x0  }
0x33b: {  	s1 =	ssub.s32 s0, s1  }
0x33c: {  	p0 =	sgt.s32 s1, $0x0  }
.Ltmp25:
0x33d: {  	_ = 	snop;
	(pc) =	sbr.rel @!p0 .LBB2_45-.Ltmp25, $1  }
0x33e: {  	_ =	sdelay $0x3  }
0x33f: {  	p0 =	seq.s32 s1, $0x1  }
.Ltmp26:
0x340: {  	_ = 	snop;
	(pc) =	sbr.rel @p0 .LBB2_67-.Ltmp26, $3  }
0x341: {  	_ =	sdelay $0x1  }
0x342: {  	s0 =	simm.s32 $0x19800  }
0x343: {  	s1 =	sadd.s32 $0xFFFFFFFF, s1;
	v4 =	vld [tilespmem:s0+$0x0]  }
.LBB2_66:
0x344: {  	p0 =	seq.s32 s1, $0x1;
	_ =	sdelay $0x3  }
0x345: {  	v5 =	vshrl.u32 v4, $0x7;
	v4 =	vshll.u32 v4, $0x4  }
0x346: {  	vm0 =	veq.s32 v5, v3;
	v4 =	vor.u32 v1, v4  }
0x347: {  	v4 =	vand.u32 $0x7FF, v4;
	_ =	sdelay $0x1  }
.Ltmp27:
0x348: {  	(pc) =	sbr.rel @!p0 .LBB2_66-.Ltmp27, $3  }
0x349: {  	_ =	sdelay $0x1  }
0x34a: {  	s0 =	sadd.s32 $0x10, s0;
	[tilespmem:v4+s12+$0x0] =	vst.idx.add.s32.msk vm0, v2  }
0x34b: {  	s1 =	sadd.s32 $0xFFFFFFFF, s1;
	v4 =	vld [tilespmem:s0+$0x0]  }
.LBB2_67:
0x34c: {  	_ =	sdelay $0x3  }
0x34d: {  	v5 =	vshrl.u32 v4, $0x7;
	v63 =	vshll.u32 v4, $0x4  }
0x34e: {  	vm0 =	veq.s32 v5, v3;
	v3 =	vor.u32 v1, v63  }
0x34f: {  	v3 =	vand.u32 $0x7FF, v3;
	_ =	sdelay $0x4  }
0x350: {  	[tilespmem:v3+s12+$0x0] =	vst.idx.add.s32.msk vm0, v2  }
.LBB2_45:
0x351: {  	s0 =	simm.s32 $0x18FF0  }
0x352: {  	v3 =	vld [tilespmem:s0+$0xFFFFFF90]  }
0x353: {  	v4 =	vld [tilespmem:s0+$0xFFFFFFA0]  }
0x354: {  	v5 =	vld [tilespmem:s0+$0xFFFFFFB0]  }
0x355: {  	v6 =	vld [tilespmem:s0+$0xFFFFFFC0]  }
0x356: {  	v7 =	vld [tilespmem:s0+$0xFFFFFFD0]  }
0x357: {  	v8 =	vld [tilespmem:s0+$0xFFFFFFE0]  }
0x358: {  	v9 =	vld [tilespmem:s0+$0xFFFFFFF0]  }
0x359: {  	s24 =	simm.s32 $0x18F70;
	v10 =	vld [tilespmem:s0+$0x0]  }
0x35a: {  	v11 =	vld [tilespmem:s24+$0xFFFFFF90]  }
0x35b: {  	v12 =	vld [tilespmem:s24+$0xFFFFFFA0]  }
0x35c: {  	v13 =	vld [tilespmem:s24+$0xFFFFFFB0]  }
0x35d: {  	v14 =	vld [tilespmem:s24+$0xFFFFFFC0]  }
0x35e: {  	v15 =	vld [tilespmem:s24+$0xFFFFFFD0]  }
0x35f: {  	v16 =	vld [tilespmem:s24+$0xFFFFFFE0];
	v3 =	vadd.s32 v3, v4  }
0x360: {  	v17 =	vld [tilespmem:s24+$0xFFFFFFF0];
	v3 =	vadd.s32 v5, v3  }
0x361: {  	s26 =	simm.s32 $0x18EF0;
	v18 =	vld [tilespmem:s24+$0x0];
	v5 =	vadd.s32 v11, v12;
	v3 =	vadd.s32 v6, v3  }
0x362: {  	v19 =	vld [tilespmem:s26+$0xFFFFFF90];
	v5 =	vadd.s32 v13, v5;
	v3 =	vadd.s32 v7, v3  }
0x363: {  	v20 =	vld [tilespmem:s26+$0xFFFFFFA0];
	v5 =	vadd.s32 v14, v5;
	v3 =	vadd.s32 v8, v3  }
0x364: {  	v4 =	vld [tilespmem:s26+$0xFFFFFFB0];
	v5 =	vadd.s32 v15, v5;
	v3 =	vadd.s32 v9, v3  }
0x365: {  	v11 =	vld [tilespmem:s26+$0xFFFFFFC0];
	v5 =	vadd.s32 v16, v5;
	v3 =	vadd.s32 v10, v3  }
0x366: {  	v6 =	vld [tilespmem:s26+$0xFFFFFFD0];
	v5 =	vadd.s32 v17, v5;
	(xrf0) =	vadd.scan.msk.s32 $0xffff, v3  }
0x367: {  	v7 =	vld [tilespmem:s26+$0xFFFFFFE0];
	v3 =	vadd.s32 v18, v5  }
0x368: {  	(xrf0) =	vadd.scan.msk.s32 $0xffff, v3;
	v3 =	vadd.s32 v19, v20  }
0x369: {  	v3 =	vadd.s32 v4, v3  }
0x36a: {  	v3 =	vadd.s32 v11, v3  }
0x36b: {  	v4 =	vadd.s32 v6, v3  }
0x36c: {  	v8 =	vld [tilespmem:s26+$0xFFFFFFF0];
	v6 =	vadd.s32 v7, v4;
	v7, _, _ =	vpop (xrf0)  }
0x36d: {  	v9 =	vld [tilespmem:s26+$0x0];
	(v2sf) =	vpush v7, $0xF;
	_ =	sdelay $0x2  }
0x36e: {  	s31 =	simm.s32 $0x18E70  }
0x36f: {  	v10 =	vld [tilespmem:s31+$0xFFFFFF90];
	v6 =	vadd.s32 v8, v6  }
0x370: {  	v5 =	vld [tilespmem:s31+$0xFFFFFFA0];
	v7 =	vadd.s32 v9, v6;
	v9, _, _ =	vpop (xrf0)  }
0x371: {  	v62 =	vld [tilespmem:s31+$0xFFFFFFB0];
	(v2sf) =	vpush v9, $0xF  }
0x372: {  	v63 =	vld [tilespmem:s31+$0xFFFFFFC0]  }
0x373: {  	v11 =	vld [tilespmem:s31+$0xFFFFFFD0]  }
0x374: {  	v3 =	vld [tilespmem:s31+$0xFFFFFFE0];
	(xrf0) =	vadd.scan.msk.s32 $0xffff, v7  }
0x375: {  	s23 =	simm.s32 $0x0;
	s25 =	simm.s32 $0xF;
	v5 =	vadd.s32 v10, v5;
	v4 =	vld [tilespmem:s31+$0xFFFFFFF0]  }
0x376: {  	s30 =	simm.s32 $0xE;
	s2 =	simm.s32 $0x18DF0;
	s29 =	simm.s32 $0xC;
	v8 =	vadd.s32 v62, v5;
	v5 =	vld [tilespmem:s31+$0x0]  }
0x377: {  	s28 =	simm.s32 $0xB;
	s3 =	simm.s32 $0xA;
	s1 =	simm.s32 $0x0;
	v8 =	vadd.s32 v63, v8;
	v6 =	vld [tilespmem:s2+$0xFFFFFF90]  }
0x378: {  	s0 =	simm.s32 $0x0;
	s24 =	simm.s32 $0x0;
	s26 =	simm.s32 $0xD;
	v7 =	vld [tilespmem:s2+$0xFFFFFFA0];
	v8 =	vadd.s32 v11, v8  }
.LBB2_46:
0x379: {  	p0 =	seq.s32 s3, $0x0;
	v9 =	vld [tilespmem:s2+$0xFFFFFFB0];
	v3 =	vadd.s32 v3, v8;
	s6 =	smov.u32 s0;
	s7 =	smov.u32 s30  }
0x37a: {  	s30 =	smov.u32 s26;
	s26 =	smov.u32 s29;
	v8 =	vld [tilespmem:s2+$0xFFFFFFC0];
	v3 =	vadd.s32 v4, v3;
	v4, _, _ =	vpop (xrf0);
	s10 =	spop (v2sf)  }
0x37b: {  	s29 =	smov.u32 s28;
	s28 =	smov.u32 s3;
	v10 =	vld [tilespmem:s2+$0xFFFFFFD0];
	v5 =	vadd.s32 v5, v3;
	(v2sf) =	vpush v4, $0xF;
	s0 =	sadd.s32 s0, s10  }
.Ltmp28:
0x37c: {  	p1 =	seq.s32 s1, $0x0;
	v3 =	vld [tilespmem:s2+$0xFFFFFFE0];
	(xrf0) =	vadd.scan.msk.s32 $0xffff, v5;
	p2 =	sge.s32 s0, s21;
	(pc) =	sbr.rel @!p0 .LBB2_46-.Ltmp28, $4  }
0x37d: {  	v5 =	vadd.s32 v6, v7;
	v4 =	vld [tilespmem:s2+$0xFFFFFFF0];
	p1 =	por !p1, !p2  }
0x37e: {  	s10 =	simm.s32 $0x1;
	v7 =	vadd.s32 v9, v5;
	v5 =	vld [tilespmem:s2+$0x0];
	s2 =	sadd.s32 $0xFFFFFF80, s2;
	p1 =	por !p1, !p1  }
0x37f: {  	v6 =	vld [tilespmem:s2+$0xFFFFFF90];
	v8 =	vadd.s32 v8, v7;
	s23 =	smov.u32 @p1 s25;
	s10 =	simm.s32 @!p1 $0x0;
	s25 =	smov.u32 s7  }
0x380: {  	s3 =	sadd.s32 $0xFFFFFFFF, s3;
	s24 =	smov.u32 @p1 s6;
	v7 =	vld [tilespmem:s2+$0xFFFFFFA0];
	v8 =	vadd.s32 v10, v8;
	s1 =	sor.u32 s10, s1  }
0x381: {  	v9 =	vld [tilespmem:s2+$0xFFFFFFB0]  }
0x382: {  	v10 =	vld [tilespmem:s2+$0xFFFFFFC0]  }
0x383: {  	v11 =	vld [tilespmem:s2+$0xFFFFFFD0]  }
0x384: {  	v3 =	vadd.s32 v3, v8;
	v8 =	vld [tilespmem:s2+$0xFFFFFFE0]  }
0x385: {  	v3 =	vadd.s32 v4, v3;
	v4 =	vadd.s32 v6, v7;
	v6 =	vld [tilespmem:s2+$0xFFFFFFF0]  }
0x386: {  	v3 =	vadd.s32 v5, v3;
	v5 =	vld [tilespmem:s2+$0x0];
	v4 =	vadd.s32 v9, v4  }
0x387: {  	(xrf0) =	vadd.scan.msk.s32 $0xffff, v3;
	v3 =	vadd.s32 v10, v4  }
0x388: {  	v3 =	vadd.s32 v11, v3  }
0x389: {  	v4, _, _ =	vpop (xrf0);
	v3 =	vadd.s32 v8, v3  }
0x38a: {  	(v2sf) =	vpush v4, $0xF;
	v3 =	vadd.s32 v6, v3  }
0x38b: {  	v3 =	vadd.s32 v5, v3;
	_ =	sdelay $0x1  }
0x38c: {  	(xrf0) =	vadd.scan.msk.s32 $0xffff, v3  }
0x38d: {  	v3, _, _ =	vpop (xrf0)  }
0x38e: {  	s11 =	spop (v2sf);
	(v2sf) =	vpush v3, $0xF  }
0x38f: {  	s2 =	sadd.s32 s0, s11  }
0x390: {  	p0 =	seq.s32 s1, $0x0;
	p1 =	sge.s32 s2, s21  }
0x391: {  	p0 =	por !p0, !p1  }
0x392: {  	s3 =	simm.s32 $0x1;
	p0 =	por !p0, !p0;
	v3, _, _ =	vpop (xrf0)  }
0x393: {  	s3 =	simm.s32 @!p0 $0x0;
	s6 =	spop (v2sf);
	(v2sf) =	vpush v3, $0xF  }
0x394: {  	s15 =	sor.u32 s3, s1;
	s3 =	sadd.s32 s2, s6  }
0x395: {  	p4 =	seq.s32 s15, $0x0;
	p2 =	sge.s32 s3, s21  }
0x396: {  	p1 =	por !p4, !p2  }
0x397: {  	s6 =	simm.s32 $0x1;
	p1 =	por !p1, !p1  }
0x398: {  	s6 =	simm.s32 @!p1 $0x0;
	s7 =	spop (v2sf)  }
0x399: {  	s1 =	sor.u32 s6, s15;
	s6 =	sadd.s32 s3, s7  }
0x39a: {  	p5 =	seq.s32 s1, $0x0;
	p3 =	sge.s32 s6, s21  }
0x39b: {  	p2 =	por !p5, !p3  }
0x39c: {  	s7 =	simm.s32 $0x1;
	p2 =	por !p2, !p2  }
0x39d: {  	s7 =	simm.s32 @!p2 $0x0;
	s10 =	spop (v2sf)  }
0x39e: {  	s1 =	sor.u32 s7, s1;
	s7 =	sadd.s32 s6, s10  }
0x39f: {  	p6 =	seq.s32 s1, $0x0;
	p4 =	sge.s32 s7, s21  }
0x3a0: {  	s23 =	smov.u32 @p0 s25;
	p3 =	por !p6, !p4  }
0x3a1: {  	s24 =	smov.u32 @p0 s0;
	s0 =	simm.s32 $0x1;
	p0 =	por !p3, !p3  }
0x3a2: {  	s16 =	spop (v2sf);
	s0 =	simm.s32 @!p0 $0x0  }
0x3a3: {  	s23 =	smov.u32 @p1 s30;
	s25 =	sadd.s32 s7, s16;
	s0 =	sor.u32 s0, s1  }
0x3a4: {  	s24 =	smov.u32 @p1 s2;
	p6 =	sge.s32 s25, s21;
	p5 =	seq.s32 s0, $0x0  }
0x3a5: {  	s23 =	smov.u32 @p2 s26;
	s24 =	smov.u32 @p2 s3;
	p1 =	por !p5, !p6  }
0x3a6: {  	s23 =	smov.u32 @p0 s29;
	s24 =	smov.u32 @p0 s6;
	p0 =	por !p1, !p1  }
0x3a7: {  	s23 =	smov.u32 @p0 s28  }
0x3a8: {  	s0 =	sshll.u32 s23, $0x3;
	s11 =	sshllo.u32 s23, $0x3  }
0x3a9: {  	s29 =	sshll.u32 s11, $0x4;
	s1 =	sor.u32 $0x6, s0  }
0x3aa: {  	s2 =	sand.u32 $0x3FFFFFF0, s29;
	s30 =	sshll.u32 s1, $0x4  }
0x3ab: {  	v3 =	vld [tilespmem:s2+$0x18800];
	s31 =	sand.u32 $0x3FFFFFE0, s30  }
0x3ac: {  	s10 =	sor.u32 $0x5, s0;
	v4 =	vld [tilespmem:s31+$0x18800]  }
0x3ad: {  	s3 =	sshll.u32 s10, $0x4  }
0x3ae: {  	s24 =	smov.u32 @p0 s7;
	s7 =	sor.u32 $0x4, s0;
	s2 =	sand.u32 $0x3FFFFFD0, s3  }
0x3af: {  	s6 =	sshll.u32 s7, $0x4;
	v5 =	vld [tilespmem:s2+$0x18800]  }
0x3b0: {  	s2 =	sand.u32 $0x3FFFFFC0, s6;
	s6 =	sor.u32 $0x3, s0;
	(xrf0) =	vadd.scan.msk.s32 $0xffff, v3  }
0x3b1: {  	s15 =	sshll.u32 s6, $0x4;
	v3 =	vld [tilespmem:s2+$0x18800];
	(xrf0) =	vadd.scan.msk.s32 $0xffff, v4  }
0x3b2: {  	s3 =	sor.u32 $0x2, s0;
	s2 =	sand.u32 $0x3FFFFFB0, s15  }
0x3b3: {  	s16 =	sshll.u32 s3, $0x4;
	v4 =	vld [tilespmem:s2+$0x18800]  }
0x3b4: {  	s15 =	sand.u32 $0x3FFFFFA0, s16;
	s2 =	sor.u32 $0x1, s0;
	(xrf0) =	vadd.scan.msk.s32 $0xffff, v5  }
0x3b5: {  	v5 =	vld [tilespmem:s15+$0x18800];
	s25 =	sshll.u32 s2, $0x4  }
0x3b6: {  	s15 =	sand.u32 $0x3FFFFF90, s25;
	v6, _, _ =	vpop (xrf0);
	(xrf0) =	vadd.scan.msk.s32 $0xffff, v3  }
0x3b7: {  	s26 =	sshll.u32 s23, $0x7;
	v3 =	vld [tilespmem:s15+$0x18800];
	(v2sf) =	vpush v6, $0xF;
	v6, _, _ =	vpop (xrf0)  }
0x3b8: {  	s15 =	sand.u32 $0x3FFFFF80, s26;
	(xrf0) =	vadd.scan.msk.s32 $0xffff, v4;
	(v2sf) =	vpush v6, $0xF  }
0x3b9: {  	v4 =	vld [tilespmem:s15+$0x18800]  }
0x3ba: {  	v6, _, _ =	vpop (xrf0);
	(xrf0) =	vadd.scan.msk.s32 $0xffff, v5  }
0x3bb: {  	(v2sf) =	vpush v6, $0xF  }
0x3bc: {  	v5, _, _ =	vpop (xrf0);
	(xrf0) =	vadd.scan.msk.s32 $0xffff, v3  }
0x3bd: {  	(v2sf) =	vpush v5, $0xF  }
0x3be: {  	v3, _, _ =	vpop (xrf0);
	(xrf0) =	vadd.scan.msk.s32 $0xffff, v4  }
0x3bf: {  	(v2sf) =	vpush v3, $0xF  }
0x3c0: {  	v3, _, _ =	vpop (xrf0)  }
0x3c1: {  	(v2sf) =	vpush v3, $0xF  }
0x3c2: {  	v3, _, _ =	vpop (xrf0)  }
0x3c3: {  	(v2sf) =	vpush v3, $0xF  }
0x3c4: {  	v3, _, _ =	vpop (xrf0)  }
0x3c5: {  	(v2sf) =	vpush v3, $0xF  }
0x3c6: {  	s28 =	spop (v2sf)  }
0x3c7: {  	s15 =	sadd.s32 s24, s28;
	s16 =	spop (v2sf)  }
0x3c8: {  	s16 =	sadd.s32 s15, s16  }
0x3c9: {  	p0 =	sge.s32 s16, s21  }
0x3ca: {  	p1 =	sge.s32 s15, s21;
	s29 =	spop (v2sf);
	s1 =	simm.s32 @!p0 $0x0  }
0x3cb: {  	s30 =	sadd.s32 s16, s29;
	p0 =	por p1, p0;
	s1 =	smov.u32 @p1 s11  }
0x3cc: {  	p1 =	sge.s32 s30, s21;
	s31 =	spop (v2sf);
	s10 =	smov.u32 @p0 s1  }
0x3cd: {  	p0 =	por p0, p1;
	s1 =	smov.u32 @p1 s10;
	s15 =	sadd.s32 s30, s31  }
0x3ce: {  	s16 =	spop (v2sf);
	p1 =	sge.s32 s15, s21;
	s7 =	smov.u32 @p0 s1  }
0x3cf: {  	s23 =	sadd.s32 s15, s16;
	s1 =	smov.u32 @p1 s7;
	p0 =	por p0, p1  }
0x3d0: {  	s24 =	spop (v2sf);
	p1 =	sge.s32 s23, s21;
	s6 =	smov.u32 @p0 s1  }
0x3d1: {  	s25 =	sadd.s32 s23, s24;
	p0 =	por p0, p1;
	s1 =	smov.u32 @p1 s6  }
0x3d2: {  	p1 =	sge.s32 s25, s21;
	s26 =	spop (v2sf);
	s3 =	smov.u32 @p0 s1  }
0x3d3: {  	p0 =	por p0, p1;
	s1 =	smov.u32 @p1 s3;
	s28 =	sadd.s32 s25, s26  }
0x3d4: {  	s29 =	spop (v2sf);
	p1 =	sge.s32 s28, s21;
	s2 =	smov.u32 @p0 s1  }
0x3d5: {  	s30 =	sadd.s32 s28, s29;
	s1 =	smov.u32 @p1 s2  }
0x3d6: {  	p2 =	slt.s32 s30, s21;
	s0 =	smov.u32 @p0 s1  }
0x3d7: {  	s0 =	smov.u32 @p2 s1  }
0x3d8: {  	s31 =	sshll.u32 s22, $0x7;
	s0 =	smov.u32 @p1 s1  }
0x3d9: {  	s0 =	sor.u32 s31, s0  }
0x3da: {  	v3 =	vmov s0;
	s0 =	simm.s32 $0x0  }
0x3db: {  	v10 =	vld [tilespmem:s0+$0x0]  }
0x3dc: {  	v9 =	vld [tilespmem:s0+$0x10]  }
0x3dd: {  	v8 =	vld [tilespmem:s0+$0x20]  }
0x3de: {  	v7 =	vld [tilespmem:s0+$0x30]  }
0x3df: {  	v6 =	vld [tilespmem:s0+$0x40]  }
0x3e0: {  	v5 =	vld [tilespmem:s0+$0x50];
	v4 =	vand.u32 $0x7FFFFFFF, v10  }
0x3e1: {  	s1 =	simm.s32 $0x200;
	v11 =	vand.u32 $0x7FFFFFFF, v9;
	vm0 =	vgt.s32 v3, v4;
	v4 =	vld [tilespmem:s0+$0x60]  }
.LBB2_48:
0x3e2: {  	p0 =	sne.s32 s1, $0x30E00;
	v10 =	vsel vm0, $0x0, v10;
	vm0 =	vgt.s32 v3, v11;
	v11 =	vand.u32 $0x7FFFFFFF, v8;
	v12 =	vld [tilespmem:s0+$0x70]  }
0x3e3: {  	s2 =	sshra.s32 s1, $0x2;
	[tilespmem:s0+$0x0] =	vst v10;
	v9 =	vsel vm0, $0x0, v9;
	vm0 =	vgt.s32 v3, v11;
	v11 =	vand.u32 $0x7FFFFFFF, v7  }
0x3e4: {  	v10 =	vld [tilespmem:s2+$0x0];
	[tilespmem:s0+$0x10] =	vst v9;
	v8 =	vsel vm0, $0x0, v8;
	vm0 =	vgt.s32 v3, v11;
	v11 =	vand.u32 $0x7FFFFFFF, v6  }
0x3e5: {  	v9 =	vld [tilespmem:s2+$0x10];
	[tilespmem:s0+$0x20] =	vst v8;
	v7 =	vsel vm0, $0x0, v7;
	vm0 =	vgt.s32 v3, v11;
	v11 =	vand.u32 $0x7FFFFFFF, v5  }
.Ltmp29:
0x3e6: {  	v8 =	vld [tilespmem:s2+$0x20];
	[tilespmem:s0+$0x30] =	vst v7;
	v6 =	vsel vm0, $0x0, v6;
	vm0 =	vgt.s32 v3, v11;
	v11 =	vand.u32 $0x7FFFFFFF, v4;
	(pc) =	sbr.rel @p0 .LBB2_48-.Ltmp29, $4  }
0x3e7: {  	v7 =	vld [tilespmem:s2+$0x30];
	[tilespmem:s0+$0x40] =	vst v6;
	v5 =	vsel vm0, $0x0, v5;
	vm0 =	vgt.s32 v3, v11;
	v11 =	vand.u32 $0x7FFFFFFF, v12  }
0x3e8: {  	v6 =	vld [tilespmem:s2+$0x40];
	[tilespmem:s0+$0x50] =	vst v5;
	v4 =	vsel vm0, $0x0, v4;
	vm0 =	vgt.s32 v3, v11  }
0x3e9: {  	v11 =	vand.u32 $0x7FFFFFFF, v10;
	v5 =	vld [tilespmem:s2+$0x50];
	[tilespmem:s0+$0x60] =	vst v4;
	v12 =	vsel vm0, $0x0, v12  }
0x3ea: {  	s1 =	sadd.s32 $0x200, s1;
	vm0 =	vgt.s32 v3, v11;
	v11 =	vand.u32 $0x7FFFFFFF, v9;
	v4 =	vld [tilespmem:s2+$0x60];
	[tilespmem:s0+$0x70] =	vst v12;
	s0 =	smov.u32 s2  }
0x3eb: {  	v10 =	vsel vm0, $0x0, v10;
	vm9 =	vgt.s32 v3, v11;
	v53 =	vand.u32 $0x7FFFFFFF, v8;
	v12 =	vld [tilespmem:s0+$0x70]  }
0x3ec: {  	[tilespmem:s0+$0x0] =	vst v10;
	v9 =	vsel vm9, $0x0, v9;
	vm10 =	vgt.s32 v3, v53;
	v54 =	vand.u32 $0x7FFFFFFF, v7  }
0x3ed: {  	[tilespmem:s0+$0x10] =	vst v9;
	v55 =	vsel vm10, $0x0, v8;
	vm11 =	vgt.s32 v3, v54;
	v56 =	vand.u32 $0x7FFFFFFF, v6  }
0x3ee: {  	[tilespmem:s0+$0x20] =	vst v55;
	v57 =	vsel vm11, $0x0, v7;
	vm12 =	vgt.s32 v3, v56;
	v58 =	vand.u32 $0x7FFFFFFF, v5  }
0x3ef: {  	[tilespmem:s0+$0x30] =	vst v57;
	v59 =	vsel vm12, $0x0, v6;
	vm13 =	vgt.s32 v3, v58;
	v60 =	vand.u32 $0x7FFFFFFF, v4  }
0x3f0: {  	[tilespmem:s0+$0x40] =	vst v59;
	v61 =	vsel vm13, $0x0, v5;
	vm14 =	vgt.s32 v3, v60;
	v62 =	vand.u32 $0x7FFFFFFF, v12  }
0x3f1: {  	[tilespmem:s0+$0x50] =	vst v61;
	v63 =	vsel vm14, $0x0, v4;
	vm15 =	vgt.s32 v3, v62  }
0x3f2: {  	[tilespmem:s0+$0x60] =	vst v63;
	v3 =	vsel vm15, $0x0, v12  }
0x3f3: {  	s1 =	sadd.s32 s5, s20;
	[tilespmem:s0+$0x70] =	vst v3;
	s0 =	simm.s32 $0x0  }
0x3f4: {  	[hbm4b:s1+s8] =	stream.strided.scatter [tilespmem:s0], [sflag:$0x3], $0xC400, s9, s8, $0x38;
	[tilespmem:$0x1F400] =	vst v63  }
0x3f5: {  	_ =	swait.ge [sflag:s13], $0xC400  }
0x3f6: {  	[sflag:s13] =	ssyncset.done $0x0  }
0x3f7: {  	s2 =	simm.s32 $0x200;
	s1 =	simm.s32 $0x0;
	[sflag:s13] =	ssyncadd.s32 $0xFFFF3C00  }
.LBB2_50:
0x3f8: {  	p0 =	sne.s32 s2, $0x3E00;
	[tilespmem:s1+$0x18870] =	vst v0  }
0x3f9: {  	[tilespmem:s1+$0x18800] =	vst v0  }
0x3fa: {  	[tilespmem:s1+$0x18810] =	vst v0  }
.Ltmp30:
0x3fb: {  	[tilespmem:s1+$0x18820] =	vst v0;
	(pc) =	sbr.rel @p0 .LBB2_50-.Ltmp30, $4  }
0x3fc: {  	[tilespmem:s1+$0x18830] =	vst v0  }
0x3fd: {  	[tilespmem:s1+$0x18840] =	vst v0  }
0x3fe: {  	[tilespmem:s1+$0x18850] =	vst v0  }
0x3ff: {  	[tilespmem:s1+$0x18860] =	vst v0;
	s1 =	sshra.s32 s2, $0x2;
	s2 =	sadd.s32 $0x200, s2  }
0x400: {  	[tilespmem:s1+$0x18870] =	vst v0  }
0x401: {  	[tilespmem:s1+$0x18800] =	vst v0  }
0x402: {  	[tilespmem:s1+$0x18810] =	vst v0  }
0x403: {  	[tilespmem:s1+$0x18820] =	vst v0  }
0x404: {  	[tilespmem:s1+$0x18830] =	vst v0  }
0x405: {  	[tilespmem:s1+$0x18840] =	vst v0  }
0x406: {  	[tilespmem:s1+$0x18850] =	vst v0  }
0x407: {  	[tilespmem:s1+$0x18860] =	vst v0  }
.LBB2_52:
0x408: {  	s1 =	sshra.s32 s0, $0x2  }
0x409: {  	v3 =	vld [tilespmem:s1+$0xC400];
	_ =	sdelay $0x4  }
0x40a: {  	v3 =	vshrl.u32 v3, $0x13  }
0x40b: {  	v3 =	vand.u32 $0xFF0, v3  }
0x40c: {  	v3 =	vor.u32 v1, v3;
	_ =	sdelay $0x4  }
0x40d: {  	[tilespmem:v3+s12+$0x0] =	vst.idx.add.s32.msk $0xffff, v2  }
0x40e: {  	v3 =	vld [tilespmem:s1+$0xC410];
	_ =	sdelay $0x4  }
0x40f: {  	v3 =	vshrl.u32 v3, $0x13  }
0x410: {  	v3 =	vand.u32 $0xFF0, v3  }
0x411: {  	v3 =	vor.u32 v1, v3;
	_ =	sdelay $0x4  }
0x412: {  	[tilespmem:v3+s12+$0x0] =	vst.idx.add.s32.msk $0xffff, v2  }
0x413: {  	v3 =	vld [tilespmem:s1+$0xC420];
	_ =	sdelay $0x4  }
0x414: {  	v3 =	vshrl.u32 v3, $0x13  }
0x415: {  	v3 =	vand.u32 $0xFF0, v3  }
0x416: {  	v3 =	vor.u32 v1, v3;
	_ =	sdelay $0x4  }
0x417: {  	[tilespmem:v3+s12+$0x0] =	vst.idx.add.s32.msk $0xffff, v2  }
0x418: {  	v3 =	vld [tilespmem:s1+$0xC430];
	_ =	sdelay $0x4  }
0x419: {  	v3 =	vshrl.u32 v3, $0x13  }
0x41a: {  	v3 =	vand.u32 $0xFF0, v3  }
0x41b: {  	v3 =	vor.u32 v1, v3;
	_ =	sdelay $0x4  }
0x41c: {  	[tilespmem:v3+s12+$0x0] =	vst.idx.add.s32.msk $0xffff, v2  }
0x41d: {  	v3 =	vld [tilespmem:s1+$0xC440];
	_ =	sdelay $0x4  }
0x41e: {  	v3 =	vshrl.u32 v3, $0x13  }
0x41f: {  	v3 =	vand.u32 $0xFF0, v3  }
0x420: {  	v3 =	vor.u32 v1, v3;
	_ =	sdelay $0x4  }
0x421: {  	[tilespmem:v3+s12+$0x0] =	vst.idx.add.s32.msk $0xffff, v2  }
0x422: {  	v3 =	vld [tilespmem:s1+$0xC450];
	_ =	sdelay $0x4  }
0x423: {  	v3 =	vshrl.u32 v3, $0x13  }
0x424: {  	v3 =	vand.u32 $0xFF0, v3  }
0x425: {  	v3 =	vor.u32 v1, v3;
	_ =	sdelay $0x4  }
0x426: {  	[tilespmem:v3+s12+$0x0] =	vst.idx.add.s32.msk $0xffff, v2  }
0x427: {  	v3 =	vld [tilespmem:s1+$0xC460];
	_ =	sdelay $0x4  }
0x428: {  	v3 =	vshrl.u32 v3, $0x13  }
0x429: {  	v3 =	vand.u32 $0xFF0, v3  }
0x42a: {  	v3 =	vor.u32 v1, v3;
	_ =	sdelay $0x4  }
0x42b: {  	[tilespmem:v3+s12+$0x0] =	vst.idx.add.s32.msk $0xffff, v2  }
0x42c: {  	v3 =	vld [tilespmem:s1+$0xC470];
	_ =	sdelay $0x4  }
0x42d: {  	v3 =	vshrl.u32 v3, $0x13  }
0x42e: {  	v3 =	vand.u32 $0xFF0, v3  }
0x42f: {  	p0 =	seq.s32 s0, $0x30E00;
	v3 =	vor.u32 v1, v3  }
.Ltmp31:
0x430: {  	_ = 	snop;
	(pc) =	sbr.rel @!p0 .LBB2_52-.Ltmp31, $2  }
0x431: {  	_ =	sdelay $0x2  }
0x432: {  	s0 =	sadd.s32 $0x200, s0;
	[tilespmem:v3+s12+$0x0] =	vst.idx.add.s32.msk $0xffff, v2  }
0x433: {  	s0 =	simm.s32 $0x197F0  }
0x434: {  	v3 =	vld [tilespmem:s0+$0xFFFFFF90]  }
0x435: {  	v4 =	vld [tilespmem:s0+$0xFFFFFFA0]  }
0x436: {  	v5 =	vld [tilespmem:s0+$0xFFFFFFB0]  }
0x437: {  	v6 =	vld [tilespmem:s0+$0xFFFFFFC0]  }
0x438: {  	v7 =	vld [tilespmem:s0+$0xFFFFFFD0]  }
0x439: {  	v8 =	vld [tilespmem:s0+$0xFFFFFFE0]  }
0x43a: {  	v9 =	vld [tilespmem:s0+$0xFFFFFFF0]  }
0x43b: {  	s29 =	simm.s32 $0x19770;
	v10 =	vld [tilespmem:s0+$0x0]  }
0x43c: {  	v11 =	vld [tilespmem:s29+$0xFFFFFF90]  }
0x43d: {  	v12 =	vld [tilespmem:s29+$0xFFFFFFA0]  }
0x43e: {  	v13 =	vld [tilespmem:s29+$0xFFFFFFB0]  }
0x43f: {  	v14 =	vld [tilespmem:s29+$0xFFFFFFC0]  }
0x440: {  	v15 =	vld [tilespmem:s29+$0xFFFFFFD0]  }
0x441: {  	v16 =	vld [tilespmem:s29+$0xFFFFFFE0];
	v3 =	vadd.s32 v3, v4  }
0x442: {  	v17 =	vld [tilespmem:s29+$0xFFFFFFF0];
	v3 =	vadd.s32 v5, v3  }
0x443: {  	s30 =	simm.s32 $0x196F0;
	v18 =	vld [tilespmem:s29+$0x0];
	v5 =	vadd.s32 v11, v12;
	v3 =	vadd.s32 v6, v3  }
0x444: {  	v19 =	vld [tilespmem:s30+$0xFFFFFF90];
	v5 =	vadd.s32 v13, v5;
	v3 =	vadd.s32 v7, v3  }
0x445: {  	v20 =	vld [tilespmem:s30+$0xFFFFFFA0];
	v5 =	vadd.s32 v14, v5;
	v3 =	vadd.s32 v8, v3  }
0x446: {  	v4 =	vld [tilespmem:s30+$0xFFFFFFB0];
	v5 =	vadd.s32 v15, v5;
	v3 =	vadd.s32 v9, v3  }
0x447: {  	v11 =	vld [tilespmem:s30+$0xFFFFFFC0];
	v5 =	vadd.s32 v16, v5;
	v3 =	vadd.s32 v10, v3  }
0x448: {  	v6 =	vld [tilespmem:s30+$0xFFFFFFD0];
	v5 =	vadd.s32 v17, v5;
	(xrf0) =	vadd.scan.msk.s32 $0xffff, v3  }
0x449: {  	v7 =	vld [tilespmem:s30+$0xFFFFFFE0];
	v3 =	vadd.s32 v18, v5  }
0x44a: {  	(xrf0) =	vadd.scan.msk.s32 $0xffff, v3;
	v3 =	vadd.s32 v19, v20  }
0x44b: {  	v3 =	vadd.s32 v4, v3  }
0x44c: {  	v3 =	vadd.s32 v11, v3  }
0x44d: {  	v4 =	vadd.s32 v6, v3  }
0x44e: {  	v8 =	vld [tilespmem:s30+$0xFFFFFFF0];
	v6 =	vadd.s32 v7, v4;
	v7, _, _ =	vpop (xrf0)  }
0x44f: {  	v9 =	vld [tilespmem:s30+$0x0];
	(v2sf) =	vpush v7, $0xF;
	_ =	sdelay $0x2  }
0x450: {  	s31 =	simm.s32 $0x19670  }
0x451: {  	v10 =	vld [tilespmem:s31+$0xFFFFFF90];
	v6 =	vadd.s32 v8, v6  }
0x452: {  	v5 =	vld [tilespmem:s31+$0xFFFFFFA0];
	v7 =	vadd.s32 v9, v6;
	v9, _, _ =	vpop (xrf0)  }
0x453: {  	v62 =	vld [tilespmem:s31+$0xFFFFFFB0];
	(v2sf) =	vpush v9, $0xF  }
0x454: {  	v63 =	vld [tilespmem:s31+$0xFFFFFFC0]  }
0x455: {  	v11 =	vld [tilespmem:s31+$0xFFFFFFD0]  }
0x456: {  	v3 =	vld [tilespmem:s31+$0xFFFFFFE0];
	(xrf0) =	vadd.scan.msk.s32 $0xffff, v7  }
0x457: {  	s22 =	simm.s32 $0x0;
	s20 =	simm.s32 $0x1F;
	v5 =	vadd.s32 v10, v5;
	v4 =	vld [tilespmem:s31+$0xFFFFFFF0]  }
0x458: {  	s26 =	simm.s32 $0x1E;
	s23 =	simm.s32 $0x1D;
	s2 =	simm.s32 $0x195F0;
	v8 =	vadd.s32 v62, v5;
	v5 =	vld [tilespmem:s31+$0x0]  }
0x459: {  	s25 =	simm.s32 $0x1C;
	s24 =	simm.s32 $0x1B;
	s3 =	simm.s32 $0x1A;
	v8 =	vadd.s32 v63, v8;
	v6 =	vld [tilespmem:s2+$0xFFFFFF90]  }
0x45a: {  	s1 =	simm.s32 $0x0;
	s21 =	simm.s32 $0x0;
	s0 =	simm.s32 $0x0;
	v7 =	vld [tilespmem:s2+$0xFFFFFFA0];
	v8 =	vadd.s32 v11, v8  }
.LBB2_54:
0x45b: {  	p0 =	seq.s32 s3, $0x0;
	v9 =	vld [tilespmem:s2+$0xFFFFFFB0];
	v3 =	vadd.s32 v3, v8;
	s6 =	smov.u32 s0;
	s7 =	smov.u32 s26  }
0x45c: {  	s26 =	smov.u32 s23;
	s23 =	smov.u32 s25;
	v8 =	vld [tilespmem:s2+$0xFFFFFFC0];
	v3 =	vadd.s32 v4, v3;
	v4, _, _ =	vpop (xrf0);
	s10 =	spop (v2sf)  }
0x45d: {  	s25 =	smov.u32 s24;
	s24 =	smov.u32 s3;
	v10 =	vld [tilespmem:s2+$0xFFFFFFD0];
	v5 =	vadd.s32 v5, v3;
	(v2sf) =	vpush v4, $0xF;
	s0 =	sadd.s32 s0, s10  }
.Ltmp32:
0x45e: {  	p1 =	seq.s32 s1, $0x0;
	v3 =	vld [tilespmem:s2+$0xFFFFFFE0];
	(xrf0) =	vadd.scan.msk.s32 $0xffff, v5;
	p2 =	sgt.s32 s0, $0x1398;
	(pc) =	sbr.rel @!p0 .LBB2_54-.Ltmp32, $4  }
0x45f: {  	v5 =	vadd.s32 v6, v7;
	v4 =	vld [tilespmem:s2+$0xFFFFFFF0];
	p1 =	por !p1, !p2  }
0x460: {  	s10 =	simm.s32 $0x1;
	v7 =	vadd.s32 v9, v5;
	v5 =	vld [tilespmem:s2+$0x0];
	s2 =	sadd.s32 $0xFFFFFF80, s2;
	p1 =	por !p1, !p1  }
0x461: {  	v6 =	vld [tilespmem:s2+$0xFFFFFF90];
	v8 =	vadd.s32 v8, v7;
	s22 =	smov.u32 @p1 s20;
	s10 =	simm.s32 @!p1 $0x0;
	s20 =	smov.u32 s7  }
0x462: {  	s3 =	sadd.s32 $0xFFFFFFFF, s3;
	s21 =	smov.u32 @p1 s6;
	v7 =	vld [tilespmem:s2+$0xFFFFFFA0];
	v8 =	vadd.s32 v10, v8;
	s1 =	sor.u32 s10, s1  }
0x463: {  	v9 =	vld [tilespmem:s2+$0xFFFFFFB0]  }
0x464: {  	v10 =	vld [tilespmem:s2+$0xFFFFFFC0]  }
0x465: {  	v11 =	vld [tilespmem:s2+$0xFFFFFFD0]  }
0x466: {  	v3 =	vadd.s32 v3, v8;
	v63 =	vld [tilespmem:s2+$0xFFFFFFE0]  }
0x467: {  	v3 =	vadd.s32 v4, v3;
	v4 =	vadd.s32 v6, v7;
	v6 =	vld [tilespmem:s2+$0xFFFFFFF0]  }
0x468: {  	v3 =	vadd.s32 v5, v3;
	v5 =	vld [tilespmem:s2+$0x0];
	v4 =	vadd.s32 v9, v4  }
0x469: {  	(xrf0) =	vadd.scan.msk.s32 $0xffff, v3;
	v3 =	vadd.s32 v10, v4  }
0x46a: {  	v3 =	vadd.s32 v11, v3  }
0x46b: {  	v4, _, _ =	vpop (xrf0);
	v3 =	vadd.s32 v63, v3  }
0x46c: {  	(v2sf) =	vpush v4, $0xF;
	v3 =	vadd.s32 v6, v3  }
0x46d: {  	v3 =	vadd.s32 v5, v3;
	_ =	sdelay $0x1  }
0x46e: {  	(xrf0) =	vadd.scan.msk.s32 $0xffff, v3  }
0x46f: {  	v3, _, _ =	vpop (xrf0)  }
0x470: {  	s15 =	spop (v2sf);
	(v2sf) =	vpush v3, $0xF  }
0x471: {  	s2 =	sadd.s32 s0, s15  }
0x472: {  	p0 =	seq.s32 s1, $0x0;
	p1 =	sgt.s32 s2, $0x1398  }
0x473: {  	p0 =	por !p0, !p1  }
0x474: {  	s3 =	simm.s32 $0x1;
	p0 =	por !p0, !p0;
	v3, _, _ =	vpop (xrf0)  }
0x475: {  	s3 =	simm.s32 @!p0 $0x0;
	s6 =	spop (v2sf);
	(v2sf) =	vpush v3, $0xF  }
0x476: {  	s16 =	sor.u32 s3, s1;
	s3 =	sadd.s32 s2, s6  }
0x477: {  	p4 =	seq.s32 s16, $0x0;
	p2 =	sgt.s32 s3, $0x1398  }
0x478: {  	p1 =	por !p4, !p2  }
0x479: {  	s6 =	simm.s32 $0x1;
	p1 =	por !p1, !p1  }
0x47a: {  	s6 =	simm.s32 @!p1 $0x0;
	s7 =	spop (v2sf)  }
0x47b: {  	s1 =	sor.u32 s6, s16;
	s6 =	sadd.s32 s3, s7  }
0x47c: {  	p5 =	seq.s32 s1, $0x0;
	p3 =	sgt.s32 s6, $0x1398  }
0x47d: {  	p2 =	por !p5, !p3  }
0x47e: {  	s7 =	simm.s32 $0x1;
	p2 =	por !p2, !p2  }
0x47f: {  	s7 =	simm.s32 @!p2 $0x0;
	s10 =	spop (v2sf)  }
0x480: {  	s1 =	sor.u32 s7, s1;
	s7 =	sadd.s32 s6, s10  }
0x481: {  	p6 =	seq.s32 s1, $0x0;
	p4 =	sgt.s32 s7, $0x1398  }
0x482: {  	s22 =	smov.u32 @p0 s20;
	p3 =	por !p6, !p4  }
0x483: {  	s21 =	smov.u32 @p0 s0;
	s0 =	simm.s32 $0x1;
	p0 =	por !p3, !p3  }
0x484: {  	s31 =	spop (v2sf);
	s0 =	simm.s32 @!p0 $0x0  }
0x485: {  	s22 =	smov.u32 @p1 s26;
	s10 =	sadd.s32 s7, s31;
	s0 =	sor.u32 s0, s1  }
0x486: {  	s21 =	smov.u32 @p1 s2;
	p6 =	sgt.s32 s10, $0x1398;
	p5 =	seq.s32 s0, $0x0  }
0x487: {  	s22 =	smov.u32 @p2 s23;
	s21 =	smov.u32 @p2 s3;
	p1 =	por !p5, !p6  }
0x488: {  	s22 =	smov.u32 @p0 s25;
	s21 =	smov.u32 @p0 s6;
	p0 =	por !p1, !p1  }
0x489: {  	s22 =	smov.u32 @p0 s24  }
0x48a: {  	s20 =	sshll.u32 s22, $0x3;
	s6 =	sshllo.u32 s22, $0x3  }
0x48b: {  	s21 =	smov.u32 @p0 s7;
	s11 =	sshll.u32 s6, $0x4;
	s0 =	sor.u32 $0x6, s20  }
0x48c: {  	s7 =	sor.u32 $0x5, s20;
	s1 =	sand.u32 $0x3FFFFFF0, s11;
	s15 =	sshll.u32 s0, $0x4  }
0x48d: {  	s3 =	sor.u32 $0x4, s20;
	s23 =	sshll.u32 s7, $0x4;
	v3 =	vld [tilespmem:s1+$0x18800];
	s16 =	sand.u32 $0x3FFFFFE0, s15  }
0x48e: {  	s25 =	sshll.u32 s3, $0x4;
	s24 =	sand.u32 $0x3FFFFFD0, s23;
	v4 =	vld [tilespmem:s16+$0x18800]  }
0x48f: {  	s2 =	sor.u32 $0x3, s20;
	s10 =	sand.u32 $0x3FFFFFC0, s25;
	v5 =	vld [tilespmem:s24+$0x18800]  }
0x490: {  	s11 =	sshll.u32 s2, $0x4;
	s1 =	sor.u32 $0x2, s20;
	v6 =	vld [tilespmem:s10+$0x18800]  }
0x491: {  	s26 =	sand.u32 $0x3FFFFFB0, s11;
	s31 =	sshll.u32 s1, $0x4  }
0x492: {  	v7 =	vld [tilespmem:s26+$0x18800];
	s15 =	sand.u32 $0x3FFFFFA0, s31;
	(xrf0) =	vadd.scan.msk.s32 $0xffff, v3  }
0x493: {  	v3 =	vld [tilespmem:s15+$0x18800];
	(xrf0) =	vadd.scan.msk.s32 $0xffff, v4  }
0x494: {  	(xrf0) =	vadd.scan.msk.s32 $0xffff, v5  }
0x495: {  	(xrf0) =	vadd.scan.msk.s32 $0xffff, v6;
	_ =	sdelay $0x1  }
0x496: {  	(xrf0) =	vadd.scan.msk.s32 $0xffff, v7  }
0x497: {  	(xrf0) =	vadd.scan.msk.s32 $0xffff, v3;
	v3, _, _ =	vpop (xrf0)  }
0x498: {  	v4, _, _ =	vpop (xrf0);
	(v2sf) =	vpush v3, $0xF  }
0x499: {  	s11 =	sor.u32 $0x1, s20;
	v3, _, _ =	vpop (xrf0);
	(v2sf) =	vpush v4, $0xF  }
0x49a: {  	s16 =	sshll.u32 s11, $0x4;
	v4, _, _ =	vpop (xrf0);
	(v2sf) =	vpush v3, $0xF  }
0x49b: {  	s10 =	sand.u32 $0x3FFFFF90, s16;
	s15 =	sshll.u32 s22, $0x7;
	(v2sf) =	vpush v4, $0xF  }
0x49c: {  	s23 =	sand.u32 $0x3FFFFF80, s15;
	v3 =	vld [tilespmem:s10+$0x18800];
	v4, _, _ =	vpop (xrf0)  }
0x49d: {  	v5 =	vld [tilespmem:s23+$0x18800];
	(v2sf) =	vpush v4, $0xF  }
0x49e: {  	v4, _, _ =	vpop (xrf0)  }
0x49f: {  	(v2sf) =	vpush v4, $0xF;
	_ =	sdelay $0x1  }
0x4a0: {  	(xrf0) =	vadd.scan.msk.s32 $0xffff, v3  }
0x4a1: {  	(xrf0) =	vadd.scan.msk.s32 $0xffff, v5;
	_ =	sdelay $0x4  }
0x4a2: {  	v3, _, _ =	vpop (xrf0);
	s24 =	spop (v2sf)  }
0x4a3: {  	(v2sf) =	vpush v3, $0xF;
	v3, _, _ =	vpop (xrf0);
	s25 =	spop (v2sf)  }
0x4a4: {  	s15 =	simm.s32 $0x0;
	(v2sf) =	vpush v3, $0xF;
	s22 =	sadd.s32 s21, s24;
	s16 =	spop (v2sf)  }
0x4a5: {  	s24 =	sadd.s32 s22, s25;
	p2 =	sgt.s32 s22, $0x1398;
	s26 =	spop (v2sf)  }
0x4a6: {  	p0 =	sgt.s32 s24, $0x1398;
	s25 =	sadd.s32 s24, s16;
	s10 =	simm.s32 @!p2 $0x0  }
0x4a7: {  	s23 =	spop (v2sf);
	p4 =	por p2, p0;
	s16 =	simm.s32 @!p0 $0x0  }
0x4a8: {  	s0 =	simm.s32 @!p0 $0x0;
	p6 =	sgt.s32 s25, $0x1398;
	s26 =	sadd.s32 s25, s26  }
0x4a9: {  	s10 =	simm.s32 @p2 $0x1;
	s31 =	spop (v2sf);
	s16 =	simm.s32 @p0 $0x1  }
0x4aa: {  	p5 =	por !p4, !p4;
	p3 =	por p4, p6;
	s28 =	sadd.s32 s26, s23  }
0x4ab: {  	v4 =	vimm.s32 $0x0;
	[smem:$0x7EF] =	sst s10;
	s0 =	smov.u32 @p2 s6;
	p0 =	por !p6, !p5  }
0x4ac: {  	(v2sf) =	vpush v4, $0x0;
	p4 =	por !p3, !p3;
	p5 =	sgt.s32 s26, $0x1398;
	p1 =	sgt.s32 s28, $0x1398  }
0x4ad: {  	s29 =	sadd.s32 s28, s31;
	p4 =	por !p5, !p4;
	p3 =	por p3, p5  }
0x4ae: {  	p2 =	por !p0, !p0;
	p6 =	por !p3, !p3;
	p3 =	por p3, p1  }
0x4af: {  	p5 =	por !p1, !p6;
	p6 =	por !p3, !p3;
	p1 =	sgt.s32 s29, $0x1398  }
0x4b0: {  	p6 =	por !p1, !p6;
	p3 =	por p3, p1;
	p1 =	por !p4, !p4  }
0x4b1: {  	s0 =	smov.u32 @p2 s7;
	p5 =	por !p5, !p5;
	s6 =	simm.s32 @!p1 $0x0  }
0x4b2: {  	s0 =	smov.u32 @p1 s3;
	s6 =	simm.s32 @p1 $0x1;
	s7 =	spop (v2sf)  }
0x4b3: {  	v5 =	vld [tilespmem:s15+$0xC400];
	s0 =	smov.u32 @p5 s2;
	s30 =	sadd.s32 s29, s7;
	s10 =	spop (v2sf)  }
0x4b4: {  	p1 =	por !p3, !p3;
	s2 =	sadd.s32 s30, s10;
	p4 =	sgt.s32 s30, $0x1398  }
0x4b5: {  	p6 =	por !p6, !p6;
	p0 =	por !p4, !p1;
	p1 =	slt.s32 s2, $0x1399  }
0x4b6: {  	s0 =	smov.u32 @p6 s1;
	p1 =	por p4, p1;
	p0 =	por !p0, !p0  }
0x4b7: {  	p3 =	por p1, p3;
	s0 =	smov.u32 @p0 s11  }
0x4b8: {  	v5 =	vand.u32 $0x7FFFFFFF, v5;
	s20 =	smov.u32 @p3 s0  }
0x4b9: {  	v6 =	vshrl.u32 v5, $0x17;
	v3 =	vmov s20  }
0x4ba: {  	vm0 =	veq.s32 v6, v3  }
0x4bb: {  	[smem:$0x7EE] =	sst s16;
	s16 =	spop (v2sf);
	v6 =	vmpcnt.ones.xlane vm0  }
0x4bc: {  	[tilespmem:s16+$0x19800] =	vst.msk vm0, v5  }
0x4bd: {  	v5 =	vld [tilespmem:s15+$0xC410];
	v4 =	vadd.s32 v4, v6  }
0x4be: {  	vm1 =	vlt.s32 v4, $0x57C0  }
0x4bf: {  	v4 =	vnsel vm1, $0x57C0, v4  }
0x4c0: {  	(v2sf) =	vpush v4, $0x0;
	_ =	sdelay $0x1  }
0x4c1: {  	v5 =	vand.u32 $0x7FFFFFFF, v5  }
0x4c2: {  	v6 =	vshrl.u32 v5, $0x17  }
0x4c3: {  	vm0 =	veq.s32 v6, v3  }
0x4c4: {  	v6 =	vmpcnt.ones.xlane vm0;
	_ =	sdelay $0x1  }
0x4c5: {  	v4 =	vadd.s32 v4, v6  }
0x4c6: {  	vm1 =	vlt.s32 v4, $0x57C0  }
0x4c7: {  	v4 =	vnsel vm1, $0x57C0, v4  }
0x4c8: {  	(v2sf) =	vpush v4, $0x0;
	_ =	sdelay $0x4  }
0x4c9: {  	s23 =	spop (v2sf)  }
0x4ca: {  	[tilespmem:s23+$0x19800] =	vst.msk vm0, v5  }
0x4cb: {  	v5 =	vld [tilespmem:s15+$0xC420];
	_ =	sdelay $0x4  }
0x4cc: {  	v5 =	vand.u32 $0x7FFFFFFF, v5  }
0x4cd: {  	v6 =	vshrl.u32 v5, $0x17  }
0x4ce: {  	vm0 =	veq.s32 v6, v3  }
0x4cf: {  	s31 =	spop (v2sf);
	v6 =	vmpcnt.ones.xlane vm0  }
0x4d0: {  	[tilespmem:s31+$0x19800] =	vst.msk vm0, v5  }
0x4d1: {  	v5 =	vld [tilespmem:s15+$0xC430];
	v4 =	vadd.s32 v4, v6  }
0x4d2: {  	vm1 =	vlt.s32 v4, $0x57C0  }
0x4d3: {  	v4 =	vnsel vm1, $0x57C0, v4  }
0x4d4: {  	(v2sf) =	vpush v4, $0x0;
	_ =	sdelay $0x1  }
0x4d5: {  	v5 =	vand.u32 $0x7FFFFFFF, v5  }
0x4d6: {  	v6 =	vshrl.u32 v5, $0x17  }
0x4d7: {  	vm0 =	veq.s32 v6, v3  }
0x4d8: {  	v6 =	vmpcnt.ones.xlane vm0;
	_ =	sdelay $0x1  }
0x4d9: {  	v4 =	vadd.s32 v4, v6  }
0x4da: {  	vm1 =	vlt.s32 v4, $0x57C0  }
0x4db: {  	v4 =	vnsel vm1, $0x57C0, v4  }
0x4dc: {  	(v2sf) =	vpush v4, $0x0;
	_ =	sdelay $0x3  }
0x4dd: {  	[smem:$0x7F0] =	sst s6  }
0x4de: {  	s1 =	simm.s32 $0x200;
	s0 =	simm.s32 $0x100;
	s3 =	spop (v2sf)  }
.LBB2_56:
0x4df: {  	p4 =	sne.s32 s1, $0x30F00  }
0x4e0: {  	s2 =	sshra.s32 s0, $0x2;
	[tilespmem:s3+$0x19800] =	vst.msk vm0, v5;
	s0 =	smov.u32 s1;
	s1 =	sadd.s32 $0x100, s1  }
0x4e1: {  	v5 =	vld [tilespmem:s2+$0xC400];
	_ =	sdelay $0x4  }
0x4e2: {  	v5 =	vand.u32 $0x7FFFFFFF, v5  }
0x4e3: {  	v6 =	vshrl.u32 v5, $0x17  }
0x4e4: {  	vm0 =	veq.s32 v6, v3;
	s3 =	spop (v2sf)  }
0x4e5: {  	[tilespmem:s3+$0x19800] =	vst.msk vm0, v5;
	v5 =	vmpcnt.ones.xlane vm0  }
0x4e6: {  	v6 =	vld [tilespmem:s2+$0xC410]  }
0x4e7: {  	v4 =	vadd.s32 v4, v5  }
0x4e8: {  	vm0 =	vlt.s32 v4, $0x57C0  }
0x4e9: {  	v4 =	vnsel vm0, $0x57C0, v4  }
0x4ea: {  	(v2sf) =	vpush v4, $0x0  }
0x4eb: {  	v5 =	vand.u32 $0x7FFFFFFF, v6  }
0x4ec: {  	v6 =	vshrl.u32 v5, $0x17  }
0x4ed: {  	vm0 =	veq.s32 v6, v3  }
0x4ee: {  	v6 =	vmpcnt.ones.xlane vm0;
	_ =	sdelay $0x1  }
0x4ef: {  	v4 =	vadd.s32 v4, v6  }
0x4f0: {  	vm1 =	vlt.s32 v4, $0x57C0  }
0x4f1: {  	v4 =	vnsel vm1, $0x57C0, v4  }
0x4f2: {  	(v2sf) =	vpush v4, $0x0;
	_ =	sdelay $0x5  }
0x4f3: {  	s3 =	spop (v2sf)  }
0x4f4: {  	[tilespmem:s3+$0x19800] =	vst.msk vm0, v5  }
0x4f5: {  	v5 =	vld [tilespmem:s2+$0xC420];
	_ =	sdelay $0x4  }
0x4f6: {  	v5 =	vand.u32 $0x7FFFFFFF, v5  }
0x4f7: {  	v6 =	vshrl.u32 v5, $0x17  }
0x4f8: {  	vm0 =	veq.s32 v6, v3;
	s3 =	spop (v2sf)  }
0x4f9: {  	[tilespmem:s3+$0x19800] =	vst.msk vm0, v5;
	v5 =	vmpcnt.ones.xlane vm0  }
0x4fa: {  	v6 =	vld [tilespmem:s2+$0xC430]  }
0x4fb: {  	v4 =	vadd.s32 v4, v5  }
0x4fc: {  	vm0 =	vlt.s32 v4, $0x57C0  }
0x4fd: {  	v4 =	vnsel vm0, $0x57C0, v4  }
0x4fe: {  	(v2sf) =	vpush v4, $0x0  }
0x4ff: {  	v5 =	vand.u32 $0x7FFFFFFF, v6  }
0x500: {  	v6 =	vshrl.u32 v5, $0x17  }
0x501: {  	vm0 =	veq.s32 v6, v3  }
0x502: {  	v6 =	vmpcnt.ones.xlane vm0;
	_ =	sdelay $0x1  }
0x503: {  	v4 =	vadd.s32 v4, v6  }
0x504: {  	vm1 =	vlt.s32 v4, $0x57C0  }
0x505: {  	v4 =	vnsel vm1, $0x57C0, v4  }
0x506: {  	(v2sf) =	vpush v4, $0x0;
	_ =	sdelay $0x1  }
.Ltmp33:
0x507: {  	(pc) =	sbr.rel @p4 .LBB2_56-.Ltmp33, $2  }
0x508: {  	_ =	sdelay $0x2  }
0x509: {  	s3 =	spop (v2sf)  }
0x50a: {  	s0 =	sshra.s32 s0, $0x2;
	[tilespmem:s3+$0x19800] =	vst.msk vm0, v5  }
0x50b: {  	v5 =	vld [tilespmem:s0+$0xC400];
	_ =	sdelay $0x4  }
0x50c: {  	v5 =	vand.u32 $0x7FFFFFFF, v5  }
0x50d: {  	v6 =	vshrl.u32 v5, $0x17  }
0x50e: {  	vm9 =	veq.s32 v6, v3;
	s1 =	spop (v2sf)  }
0x50f: {  	[tilespmem:s1+$0x19800] =	vst.msk vm9, v5;
	v5 =	vmpcnt.ones.xlane vm9  }
0x510: {  	v61 =	vld [tilespmem:s0+$0xC410]  }
0x511: {  	v4 =	vadd.s32 v4, v5  }
0x512: {  	vm10 =	vlt.s32 v4, $0x57C0  }
0x513: {  	v4 =	vnsel vm10, $0x57C0, v4  }
0x514: {  	(v2sf) =	vpush v4, $0x0  }
0x515: {  	v5 =	vand.u32 $0x7FFFFFFF, v61  }
0x516: {  	v6 =	vshrl.u32 v5, $0x17  }
0x517: {  	vm11 =	veq.s32 v6, v3  }
0x518: {  	v6 =	vmpcnt.ones.xlane vm11;
	_ =	sdelay $0x1  }
0x519: {  	v4 =	vadd.s32 v4, v6  }
0x51a: {  	vm1 =	vlt.s32 v4, $0x57C0  }
0x51b: {  	v4 =	vnsel vm1, $0x57C0, v4  }
0x51c: {  	(v2sf) =	vpush v4, $0x0;
	_ =	sdelay $0x5  }
0x51d: {  	s16 =	spop (v2sf)  }
0x51e: {  	[tilespmem:s16+$0x19800] =	vst.msk vm11, v5  }
0x51f: {  	v5 =	vld [tilespmem:s0+$0xC420];
	_ =	sdelay $0x4  }
0x520: {  	v5 =	vand.u32 $0x7FFFFFFF, v5  }
0x521: {  	v62 =	vshrl.u32 v5, $0x17  }
0x522: {  	vm12 =	veq.s32 v62, v3;
	s23 =	spop (v2sf)  }
0x523: {  	[tilespmem:s23+$0x19800] =	vst.msk vm12, v5  }
0x524: {  	v5 =	vld [tilespmem:s0+$0xC430];
	_ =	sdelay $0x4  }
0x525: {  	v6 =	vmpcnt.ones.xlane vm12;
	v5 =	vand.u32 $0x7FFFFFFF, v5  }
0x526: {  	v7 =	vshrl.u32 v5, $0x17  }
0x527: {  	v4 =	vadd.s32 v4, v6;
	vm13 =	veq.s32 v7, v3  }
0x528: {  	vm14 =	vlt.s32 v4, $0x57C0;
	v63 =	vmpcnt.ones.xlane vm13  }
0x529: {  	v4 =	vnsel vm14, $0x57C0, v4  }
0x52a: {  	v6 =	vadd.s32 v4, v63  }
0x52b: {  	vm15 =	vlt.s32 v6, $0x57C0  }
0x52c: {  	(v2sf) =	vpush v4, $0x0;
	v4 =	vnsel vm15, $0x57C0, v6  }
0x52d: {  	(v2sf) =	vpush v4, $0x0;
	_ =	sdelay $0xd  }
0x52e: {  	s31 =	spop (v2sf)  }
0x52f: {  	[tilespmem:s31+$0x19800] =	vst.msk vm13, v5;
	s0 =	spop (v2sf)  }
0x530: {  	[tilespmem:s0+$0x19800] =	vst v0  }
0x531: {  	[tilespmem:s0+$0x19810] =	vst v0  }
0x532: {  	[tilespmem:s0+$0x19820] =	vst v0  }
0x533: {  	s2 =	simm.s32 $0x200;
	s1 =	simm.s32 $0x0;
	[tilespmem:s0+$0x19830] =	vst v0  }
.LBB2_58:
0x534: {  	p4 =	seq.s32 s2, $0x3E00;
	[tilespmem:s1+$0x18870] =	vst v0  }
0x535: {  	[tilespmem:s1+$0x18800] =	vst v0  }
0x536: {  	[tilespmem:s1+$0x18810] =	vst v0  }
.Ltmp34:
0x537: {  	[tilespmem:s1+$0x18820] =	vst v0;
	(pc) =	sbr.rel @!p4 .LBB2_58-.Ltmp34, $4  }
0x538: {  	[tilespmem:s1+$0x18830] =	vst v0  }
0x539: {  	[tilespmem:s1+$0x18840] =	vst v0  }
0x53a: {  	[tilespmem:s1+$0x18850] =	vst v0  }
0x53b: {  	[tilespmem:s1+$0x18860] =	vst v0;
	s1 =	sshra.s32 s2, $0x2;
	s2 =	sadd.s32 $0x200, s2  }
0x53c: {  	[tilespmem:s1+$0x18870] =	vst v0  }
0x53d: {  	[tilespmem:s1+$0x18800] =	vst v0  }
0x53e: {  	[tilespmem:s1+$0x18810] =	vst v0  }
0x53f: {  	[tilespmem:s1+$0x18820] =	vst v0;
	s0 =	sadd.s32 $0xF, s0  }
0x540: {  	[tilespmem:s1+$0x18830] =	vst v0;
	s23 =	sand.u32 $0xF, s0  }
0x541: {  	[tilespmem:s1+$0x18840] =	vst v0;
	s2 =	sshra.s32 s0, $0x1F;
	p1 =	slt.s32 s0, $0x1;
	p4 =	sne.s32 s23, $0x0  }
0x542: {  	[tilespmem:s1+$0x18850] =	vst v0;
	s31 =	sshrl.u32 s2, $0x1C;
	p1 =	por !p1, !p4  }
0x543: {  	[tilespmem:s1+$0x18860] =	vst v0;
	s1 =	simm.s32 $0x1;
	s0 =	sadd.s32 s31, s0;
	p1 =	por !p1, !p1  }
0x544: {  	s0 =	sshra.s32 s0, $0x4;
	s1 =	simm.s32 @!p1 $0x0  }
0x545: {  	s23 =	ssub.s32 s0, s1  }
0x546: {  	p1 =	sgt.s32 s23, $0x0  }
.Ltmp35:
0x547: {  	_ = 	snop;
	(pc) =	sbr.rel @!p1 .LBB2_60-.Ltmp35, $4  }
0x548: {  	_ = 	snop  }
0x549: {  	s1 =	simm.s32 @!p1 $0x0  }
0x54a: {  	s1 =	simm.s32 @p1 $0x1  }
0x54b: {  	s0 =	simm.s32 $0x19800;
	[smem:$0x7ED] =	sst s1  }
0x54c: {  	p1 =	seq.s32 s23, $0x1  }
.Ltmp36:
0x54d: {  	_ = 	snop;
	(pc) =	sbr.rel @p1 .LBB2_70-.Ltmp36, $2  }
0x54e: {  	_ =	sdelay $0x2  }
0x54f: {  	v4 =	vld [tilespmem:s0+$0x0];
	s1 =	sadd.s32 $0xFFFFFFFF, s23  }
.LBB2_69:
0x550: {  	p4 =	seq.s32 s1, $0x1;
	_ =	sdelay $0x3  }
0x551: {  	v5 =	vshrl.u32 v4, $0x17;
	v4 =	vshrl.u32 v4, $0xB  }
0x552: {  	vm0 =	veq.s32 v5, v3;
	v4 =	vand.u32 $0xFF0, v4  }
0x553: {  	v4 =	vor.u32 v1, v4;
	_ =	sdelay $0x1  }
.Ltmp37:
0x554: {  	(pc) =	sbr.rel @!p4 .LBB2_69-.Ltmp37, $3  }
0x555: {  	_ =	sdelay $0x1  }
0x556: {  	s0 =	sadd.s32 $0x10, s0;
	[tilespmem:v4+s12+$0x0] =	vst.idx.add.s32.msk vm0, v2  }
0x557: {  	s1 =	sadd.s32 $0xFFFFFFFF, s1;
	v4 =	vld [tilespmem:s0+$0x0]  }
.LBB2_70:
0x558: {  	_ =	sdelay $0x3  }
0x559: {  	v5 =	vshrl.u32 v4, $0x17;
	v63 =	vshrl.u32 v4, $0xB  }
0x55a: {  	vm0 =	veq.s32 v5, v3;
	v3 =	vand.u32 $0xFF0, v63  }
0x55b: {  	v3 =	vor.u32 v1, v3;
	_ =	sdelay $0x4  }
0x55c: {  	[tilespmem:v3+s12+$0x0] =	vst.idx.add.s32.msk vm0, v2  }
.LBB2_60:
0x55d: {  	s16 =	simm.s32 $0x197F0  }
0x55e: {  	v3 =	vld [tilespmem:s16+$0xFFFFFF90]  }
0x55f: {  	s0 =	sld [smem:$0x7EE];
	v4 =	vld [tilespmem:s16+$0xFFFFFFA0]  }
0x560: {  	s11 =	sld [smem:$0x7EF];
	v5 =	vld [tilespmem:s16+$0xFFFFFFB0]  }
0x561: {  	v6 =	vld [tilespmem:s16+$0xFFFFFFC0]  }
0x562: {  	v7 =	vld [tilespmem:s16+$0xFFFFFFD0];
	p1 =	seq.s32 s0, $0x1  }
0x563: {  	v8 =	vld [tilespmem:s16+$0xFFFFFFE0];
	s22 =	simm.s32 @!p1 $0x0;
	p1 =	seq.s32 s11, $0x1  }
0x564: {  	v9 =	vld [tilespmem:s16+$0xFFFFFFF0];
	s22 =	smov.u32 @p1 s21  }
0x565: {  	v10 =	vld [tilespmem:s16+$0x0];
	s22 =	smov.u32 @p2 s24;
	s24 =	simm.s32 $0x19770  }
0x566: {  	v11 =	vld [tilespmem:s24+$0xFFFFFF90]  }
0x567: {  	v12 =	vld [tilespmem:s24+$0xFFFFFFA0]  }
0x568: {  	s15 =	sld [smem:$0x7F0];
	v13 =	vld [tilespmem:s24+$0xFFFFFFB0]  }
0x569: {  	v14 =	vld [tilespmem:s24+$0xFFFFFFC0]  }
0x56a: {  	v15 =	vld [tilespmem:s24+$0xFFFFFFD0]  }
0x56b: {  	p1 =	seq.s32 s15, $0x1;
	v3 =	vadd.s32 v3, v4;
	v16 =	vld [tilespmem:s24+$0xFFFFFFE0]  }
0x56c: {  	s22 =	smov.u32 @p1 s25;
	v17 =	vld [tilespmem:s24+$0xFFFFFFF0];
	v3 =	vadd.s32 v5, v3  }
0x56d: {  	v18 =	vld [tilespmem:s24+$0x0];
	s22 =	smov.u32 @p5 s26;
	s26 =	simm.s32 $0x196F0;
	v3 =	vadd.s32 v6, v3;
	v5 =	vadd.s32 v11, v12  }
0x56e: {  	v19 =	vld [tilespmem:s26+$0xFFFFFF90];
	v3 =	vadd.s32 v7, v3;
	v5 =	vadd.s32 v13, v5  }
0x56f: {  	v20 =	vld [tilespmem:s26+$0xFFFFFFA0];
	v3 =	vadd.s32 v8, v3;
	v5 =	vadd.s32 v14, v5  }
0x570: {  	v4 =	vld [tilespmem:s26+$0xFFFFFFB0];
	v3 =	vadd.s32 v9, v3;
	v5 =	vadd.s32 v15, v5  }
0x571: {  	v11 =	vld [tilespmem:s26+$0xFFFFFFC0];
	v3 =	vadd.s32 v10, v3;
	v5 =	vadd.s32 v16, v5  }
0x572: {  	v6 =	vld [tilespmem:s26+$0xFFFFFFD0];
	(xrf0) =	vadd.scan.msk.s32 $0xffff, v3;
	v5 =	vadd.s32 v17, v5  }
0x573: {  	v7 =	vld [tilespmem:s26+$0xFFFFFFE0];
	v3 =	vadd.s32 v18, v5  }
0x574: {  	(xrf0) =	vadd.scan.msk.s32 $0xffff, v3;
	v3 =	vadd.s32 v19, v20  }
0x575: {  	v3 =	vadd.s32 v4, v3  }
0x576: {  	v3 =	vadd.s32 v11, v3  }
0x577: {  	v4 =	vadd.s32 v6, v3  }
0x578: {  	v8 =	vld [tilespmem:s26+$0xFFFFFFF0];
	v6 =	vadd.s32 v7, v4;
	v7, _, _ =	vpop (xrf0)  }
0x579: {  	v9 =	vld [tilespmem:s26+$0x0];
	(v2sf) =	vpush v7, $0xF;
	_ =	sdelay $0x2  }
0x57a: {  	s31 =	simm.s32 $0x19670  }
0x57b: {  	v10 =	vld [tilespmem:s31+$0xFFFFFF90];
	v6 =	vadd.s32 v8, v6  }
0x57c: {  	v5 =	vld [tilespmem:s31+$0xFFFFFFA0];
	v7 =	vadd.s32 v9, v6;
	v9, _, _ =	vpop (xrf0)  }
0x57d: {  	v62 =	vld [tilespmem:s31+$0xFFFFFFB0];
	(v2sf) =	vpush v9, $0xF  }
0x57e: {  	v63 =	vld [tilespmem:s31+$0xFFFFFFC0]  }
0x57f: {  	v11 =	vld [tilespmem:s31+$0xFFFFFFD0]  }
0x580: {  	s2 =	simm.s32 $0x195F0;
	s3 =	simm.s32 $0x1A;
	s1 =	simm.s32 $0x0;
	v3 =	vld [tilespmem:s31+$0xFFFFFFE0];
	(xrf0) =	vadd.scan.msk.s32 $0xffff, v7  }
0x581: {  	s0 =	simm.s32 $0x0;
	s21 =	simm.s32 $0x0;
	s22 =	smov.u32 @p6 s28;
	v5 =	vadd.s32 v10, v5;
	v4 =	vld [tilespmem:s31+$0xFFFFFFF0]  }
0x582: {  	s25 =	simm.s32 $0x1F;
	s24 =	simm.s32 $0x0;
	s22 =	smov.u32 @p0 s29;
	v8 =	vadd.s32 v62, v5;
	v5 =	vld [tilespmem:s31+$0x0]  }
0x583: {  	s28 =	simm.s32 $0x1B;
	s29 =	simm.s32 $0x1C;
	s30 =	smov.u32 @p3 s22;
	v8 =	vadd.s32 v63, v8;
	v6 =	vld [tilespmem:s2+$0xFFFFFF90]  }
0x584: {  	s22 =	ssub.s32 $0x1399, s30;
	s30 =	simm.s32 $0x1E;
	s26 =	simm.s32 $0x1D;
	v7 =	vld [tilespmem:s2+$0xFFFFFFA0];
	v8 =	vadd.s32 v11, v8  }
.LBB2_61:
0x585: {  	p0 =	seq.s32 s3, $0x0;
	v9 =	vld [tilespmem:s2+$0xFFFFFFB0];
	v3 =	vadd.s32 v3, v8;
	s6 =	smov.u32 s0;
	s7 =	smov.u32 s30  }
0x586: {  	s30 =	smov.u32 s26;
	s26 =	smov.u32 s29;
	v8 =	vld [tilespmem:s2+$0xFFFFFFC0];
	v3 =	vadd.s32 v4, v3;
	v4, _, _ =	vpop (xrf0);
	s10 =	spop (v2sf)  }
0x587: {  	s29 =	smov.u32 s28;
	s28 =	smov.u32 s3;
	v10 =	vld [tilespmem:s2+$0xFFFFFFD0];
	v5 =	vadd.s32 v5, v3;
	(v2sf) =	vpush v4, $0xF;
	s0 =	sadd.s32 s0, s10  }
.Ltmp38:
0x588: {  	p1 =	seq.s32 s1, $0x0;
	v3 =	vld [tilespmem:s2+$0xFFFFFFE0];
	(xrf0) =	vadd.scan.msk.s32 $0xffff, v5;
	p2 =	sge.s32 s0, s22;
	(pc) =	sbr.rel @!p0 .LBB2_61-.Ltmp38, $4  }
0x589: {  	v5 =	vadd.s32 v6, v7;
	v4 =	vld [tilespmem:s2+$0xFFFFFFF0];
	p1 =	por !p1, !p2  }
0x58a: {  	s10 =	simm.s32 $0x1;
	v7 =	vadd.s32 v9, v5;
	v5 =	vld [tilespmem:s2+$0x0];
	s2 =	sadd.s32 $0xFFFFFF80, s2;
	p1 =	por !p1, !p1  }
0x58b: {  	v6 =	vld [tilespmem:s2+$0xFFFFFF90];
	v8 =	vadd.s32 v8, v7;
	s21 =	smov.u32 @p1 s25;
	s10 =	simm.s32 @!p1 $0x0;
	s25 =	smov.u32 s7  }
0x58c: {  	s3 =	sadd.s32 $0xFFFFFFFF, s3;
	s24 =	smov.u32 @p1 s6;
	v7 =	vld [tilespmem:s2+$0xFFFFFFA0];
	v8 =	vadd.s32 v10, v8;
	s1 =	sor.u32 s10, s1  }
0x58d: {  	v9 =	vld [tilespmem:s2+$0xFFFFFFB0]  }
0x58e: {  	v10 =	vld [tilespmem:s2+$0xFFFFFFC0]  }
0x58f: {  	v11 =	vld [tilespmem:s2+$0xFFFFFFD0]  }
0x590: {  	v3 =	vadd.s32 v3, v8;
	v63 =	vld [tilespmem:s2+$0xFFFFFFE0]  }
0x591: {  	v3 =	vadd.s32 v4, v3;
	v4 =	vadd.s32 v6, v7;
	v6 =	vld [tilespmem:s2+$0xFFFFFFF0]  }
0x592: {  	v3 =	vadd.s32 v5, v3;
	v5 =	vld [tilespmem:s2+$0x0];
	v4 =	vadd.s32 v9, v4  }
0x593: {  	(xrf0) =	vadd.scan.msk.s32 $0xffff, v3;
	v3 =	vadd.s32 v10, v4  }
0x594: {  	v3 =	vadd.s32 v11, v3  }
0x595: {  	v4, _, _ =	vpop (xrf0);
	v3 =	vadd.s32 v63, v3  }
0x596: {  	(v2sf) =	vpush v4, $0xF;
	v3 =	vadd.s32 v6, v3  }
0x597: {  	v3 =	vadd.s32 v5, v3;
	_ =	sdelay $0x1  }
0x598: {  	(xrf0) =	vadd.scan.msk.s32 $0xffff, v3  }
0x599: {  	v3, _, _ =	vpop (xrf0)  }
0x59a: {  	s15 =	spop (v2sf);
	(v2sf) =	vpush v3, $0xF  }
0x59b: {  	s2 =	sadd.s32 s0, s15  }
0x59c: {  	p0 =	seq.s32 s1, $0x0;
	p1 =	sge.s32 s2, s22  }
0x59d: {  	p0 =	por !p0, !p1  }
0x59e: {  	s3 =	simm.s32 $0x1;
	p0 =	por !p0, !p0;
	v3, _, _ =	vpop (xrf0)  }
0x59f: {  	s3 =	simm.s32 @!p0 $0x0;
	s6 =	spop (v2sf);
	(v2sf) =	vpush v3, $0xF  }
0x5a0: {  	s16 =	sor.u32 s3, s1;
	s3 =	sadd.s32 s2, s6  }
0x5a1: {  	p4 =	seq.s32 s16, $0x0;
	p2 =	sge.s32 s3, s22  }
0x5a2: {  	p1 =	por !p4, !p2  }
0x5a3: {  	s6 =	simm.s32 $0x1;
	p1 =	por !p1, !p1  }
0x5a4: {  	s6 =	simm.s32 @!p1 $0x0;
	s7 =	spop (v2sf)  }
0x5a5: {  	s1 =	sor.u32 s6, s16;
	s6 =	sadd.s32 s3, s7  }
0x5a6: {  	p5 =	seq.s32 s1, $0x0;
	p3 =	sge.s32 s6, s22  }
0x5a7: {  	p2 =	por !p5, !p3  }
0x5a8: {  	s7 =	simm.s32 $0x1;
	p2 =	por !p2, !p2  }
0x5a9: {  	s7 =	simm.s32 @!p2 $0x0;
	s10 =	spop (v2sf)  }
0x5aa: {  	s1 =	sor.u32 s7, s1;
	s7 =	sadd.s32 s6, s10  }
0x5ab: {  	p6 =	seq.s32 s1, $0x0;
	p4 =	sge.s32 s7, s22  }
0x5ac: {  	s21 =	smov.u32 @p0 s25;
	p3 =	por !p6, !p4  }
0x5ad: {  	s24 =	smov.u32 @p0 s0;
	s0 =	simm.s32 $0x1;
	p0 =	por !p3, !p3  }
0x5ae: {  	s25 =	spop (v2sf);
	s0 =	simm.s32 @!p0 $0x0  }
0x5af: {  	s21 =	smov.u32 @p1 s30;
	s31 =	sadd.s32 s7, s25;
	s0 =	sor.u32 s0, s1  }
0x5b0: {  	s24 =	smov.u32 @p1 s2;
	p5 =	sge.s32 s31, s22;
	p4 =	seq.s32 s0, $0x0  }
0x5b1: {  	s21 =	smov.u32 @p2 s26;
	s24 =	smov.u32 @p2 s3;
	p1 =	por !p4, !p5  }
0x5b2: {  	s21 =	smov.u32 @p0 s29;
	s24 =	smov.u32 @p0 s6;
	p0 =	por !p1, !p1  }
0x5b3: {  	s21 =	smov.u32 @p0 s28  }
0x5b4: {  	s6 =	sshll.u32 s21, $0x3;
	s0 =	sshllo.u32 s21, $0x3  }
0x5b5: {  	s24 =	smov.u32 @p0 s7;
	s10 =	sshll.u32 s0, $0x4;
	s7 =	sor.u32 $0x6, s6  }
0x5b6: {  	s16 =	sor.u32 $0x5, s6;
	s1 =	sand.u32 $0x3FFFFFF0, s10;
	s11 =	sshll.u32 s7, $0x4  }
0x5b7: {  	s3 =	sor.u32 $0x4, s6;
	s25 =	sshll.u32 s16, $0x4;
	v3 =	vld [tilespmem:s1+$0x18800];
	s15 =	sand.u32 $0x3FFFFFE0, s11  }
0x5b8: {  	s2 =	sor.u32 $0x3, s6;
	s31 =	sshll.u32 s3, $0x4;
	s26 =	sand.u32 $0x3FFFFFD0, s25;
	v4 =	vld [tilespmem:s15+$0x18800]  }
0x5b9: {  	s10 =	sand.u32 $0x3FFFFFC0, s31;
	s11 =	sshll.u32 s2, $0x4;
	v5 =	vld [tilespmem:s26+$0x18800]  }
0x5ba: {  	s15 =	sor.u32 $0x2, s6;
	v6 =	vld [tilespmem:s10+$0x18800];
	s25 =	sand.u32 $0x3FFFFFB0, s11  }
0x5bb: {  	s26 =	sshll.u32 s15, $0x4;
	v7 =	vld [tilespmem:s25+$0x18800]  }
0x5bc: {  	s31 =	sand.u32 $0x3FFFFFA0, s26;
	(xrf0) =	vadd.scan.msk.s32 $0xffff, v3  }
0x5bd: {  	v3 =	vld [tilespmem:s31+$0x18800];
	(xrf0) =	vadd.scan.msk.s32 $0xffff, v4  }
0x5be: {  	(xrf0) =	vadd.scan.msk.s32 $0xffff, v5  }
0x5bf: {  	(xrf0) =	vadd.scan.msk.s32 $0xffff, v6  }
0x5c0: {  	(xrf0) =	vadd.scan.msk.s32 $0xffff, v7;
	_ =	sdelay $0x1  }
0x5c1: {  	(xrf0) =	vadd.scan.msk.s32 $0xffff, v3;
	v3, _, _ =	vpop (xrf0)  }
0x5c2: {  	v4, _, _ =	vpop (xrf0);
	(v2sf) =	vpush v3, $0xF  }
0x5c3: {  	v3, _, _ =	vpop (xrf0);
	(v2sf) =	vpush v4, $0xF  }
0x5c4: {  	s11 =	sor.u32 $0x1, s6;
	v4, _, _ =	vpop (xrf0);
	(v2sf) =	vpush v3, $0xF  }
0x5c5: {  	s10 =	sshll.u32 s11, $0x4;
	(v2sf) =	vpush v4, $0xF;
	v4, _, _ =	vpop (xrf0)  }
0x5c6: {  	s1 =	sand.u32 $0x3FFFFF90, s10;
	(v2sf) =	vpush v4, $0xF  }
0x5c7: {  	s21 =	sshll.u32 s21, $0x7;
	v3 =	vld [tilespmem:s1+$0x18800];
	v4, _, _ =	vpop (xrf0)  }
0x5c8: {  	s25 =	sand.u32 $0x3FFFFF80, s21;
	(v2sf) =	vpush v4, $0xF  }
0x5c9: {  	v5 =	vld [tilespmem:s25+$0x18800];
	_ =	sdelay $0x2  }
0x5ca: {  	(xrf0) =	vadd.scan.msk.s32 $0xffff, v3;
	_ =	sdelay $0x1  }
0x5cb: {  	(xrf0) =	vadd.scan.msk.s32 $0xffff, v5;
	_ =	sdelay $0x2  }
0x5cc: {  	s26 =	spop (v2sf)  }
0x5cd: {  	v3, _, _ =	vpop (xrf0);
	s31 =	spop (v2sf);
	s25 =	sadd.s32 s24, s26  }
0x5ce: {  	(v2sf) =	vpush v3, $0xF;
	s21 =	spop (v2sf);
	s26 =	sadd.s32 s25, s31  }
0x5cf: {  	v3, _, _ =	vpop (xrf0);
	p1 =	sge.s32 s25, s22;
	s1 =	spop (v2sf);
	p0 =	sge.s32 s26, s22  }
0x5d0: {  	(v2sf) =	vpush v3, $0xF;
	s28 =	sadd.s32 s26, s21;
	s10 =	spop (v2sf);
	p6 =	por p1, p0  }
0x5d1: {  	p5 =	sge.s32 s28, s22;
	s29 =	sadd.s32 s28, s1;
	s7 =	simm.s32 @!p0 $0x0  }
0x5d2: {  	s31 =	spop (v2sf);
	p4 =	por !p6, !p6;
	p3 =	por p6, p5  }
0x5d3: {  	p6 =	sge.s32 s29, s22;
	s30 =	sadd.s32 s29, s10;
	s10 =	simm.s32 @!p0 $0x0  }
0x5d4: {  	s7 =	smov.u32 @p1 s0;
	p2 =	por !p5, !p4;
	p5 =	por !p3, !p3  }
0x5d5: {  	p3 =	por p3, p6;
	s1 =	sadd.s32 s30, s31;
	s10 =	simm.s32 @p0 $0x1  }
0x5d6: {  	s31 =	sld [smem:$0x7ED];
	p4 =	por !p6, !p5;
	p5 =	por !p3, !p3  }
0x5d7: {  	p6 =	sge.s32 s30, s22;
	[smem:$0x7E9] =	sst s10;
	p0 =	sge.s32 s1, s22  }
0x5d8: {  	s10 =	simm.s32 @!p1 $0x0;
	p5 =	por !p6, !p5;
	p3 =	por p3, p6  }
0x5d9: {  	s10 =	simm.s32 @p1 $0x1;
	p1 =	por !p2, !p2;
	p6 =	por !p3, !p3  }
0x5da: {  	p3 =	por p3, p0;
	p2 =	por !p0, !p6;
	p0 =	por !p4, !p4  }
0x5db: {  	[smem:$0x7EA] =	sst s10;
	s7 =	smov.u32 @p1 s16;
	s0 =	simm.s32 @!p0 $0x0  }
0x5dc: {  	p6 =	por !p3, !p3;
	s7 =	smov.u32 @p0 s3;
	s0 =	simm.s32 @p0 $0x1  }
0x5dd: {  	p0 =	por !p5, !p5;
	p5 =	por !p2, !p2;
	s10 =	spop (v2sf)  }
0x5de: {  	[smem:$0x7EB] =	sst s0;
	s3 =	simm.s32 @!p0 $0x0;
	s0 =	sadd.s32 s1, s10  }
0x5df: {  	s7 =	smov.u32 @p0 s2;
	s16 =	spop (v2sf);
	p4 =	sge.s32 s0, s22  }
0x5e0: {  	s3 =	simm.s32 @p0 $0x1;
	s2 =	sadd.s32 s0, s16;
	p0 =	por !p4, !p6  }
0x5e1: {  	p6 =	slt.s32 s2, s22;
	p2 =	por !p0, !p0;
	p0 =	seq.s32 s31, $0x1  }
.Ltmp39:
0x5e2: {  	s7 =	smov.u32 @p5 s15;
	p4 =	por p4, p6;
	(pc) =	sbr.rel @!p0 .LBB2_76-.Ltmp39, $4  }
0x5e3: {  	p6 =	por p4, p3;
	s7 =	smov.u32 @p2 s11  }
0x5e4: {  	s21 =	sshll.u32 s20, $0x8;
	s6 =	smov.u32 @p6 s7  }
0x5e5: {  	s21 =	sor.u32 s21, s6  }
0x5e6: {  	v4 =	vimm.s32 $0x0;
	[smem:$0x7EC] =	sst s3;
	v3 =	vmov s21  }
0x5e7: {  	p0 =	sne.s32 s23, $0x1  }
.Ltmp40:
0x5e8: {  	_ = 	snop;
	(pc) =	sbr.rel @!p0 .LBB2_64-.Ltmp40, $2  }
0x5e9: {  	_ =	sdelay $0x2  }
0x5ea: {  	s2 =	simm.s32 $0x19800;
	s3 =	sadd.s32 $0xFFFFFFFF, s23;
	(v2sf) =	vpush v4, $0x0;
	p3 =	por $0x0, $0x0  }
0x5eb: {  	_ =	sdelay $0x1  }
0x5ec: {  	v5 =	vld [tilespmem:s2+$0x0];
	_ =	sdelay $0x4  }
0x5ed: {  	v6 =	vshrl.u32 v5, $0xF  }
0x5ee: {  	vm0 =	veq.s32 v6, v3  }
0x5ef: {  	p0 =	sne.s32 s3, $0x1;
	v6 =	vmpcnt.ones.xlane vm0  }
.Ltmp41:
0x5f0: {  	_ = 	snop;
	(pc) =	sbr.rel @!p0 .LBB2_72-.Ltmp41, $4  }
0x5f1: {  	v4 =	vadd.s32 v4, v6  }
0x5f2: {  	vm1 =	vlt.s32 v4, $0x3C0  }
0x5f3: {  	s6 =	sadd.s32 $0xFFFFFFFF, s3;
	v4 =	vnsel vm1, $0x3C0, v4  }
0x5f4: {  	p3 =	por $0x1, $0x1;
	s3 =	simm.s32 $0x19800;
	(v2sf) =	vpush v4, $0x0;
	s7 =	spop (v2sf)  }
.LBB2_73:
0x5f5: {  	p4 =	sne.s32 s6, $0x1;
	s6 =	sadd.s32 $0xFFFFFFFF, s6;
	[tilespmem:s7+$0x1F000] =	vst.msk vm0, v5;
	s3 =	sadd.s32 $0x10, s3  }
0x5f6: {  	_ = 	snop  }
0x5f7: {  	v5 =	vld [tilespmem:s3+$0x0];
	_ =	sdelay $0x4  }
0x5f8: {  	v6 =	vshrl.u32 v5, $0xF  }
0x5f9: {  	vm0 =	veq.s32 v6, v3  }
0x5fa: {  	v6 =	vmpcnt.ones.xlane vm0  }
.Ltmp42:
0x5fb: {  	(pc) =	sbr.rel @p4 .LBB2_73-.Ltmp42, $4  }
0x5fc: {  	v4 =	vadd.s32 v4, v6  }
0x5fd: {  	vm1 =	vlt.s32 v4, $0x3C0  }
0x5fe: {  	v4 =	vnsel vm1, $0x3C0, v4  }
0x5ff: {  	(v2sf) =	vpush v4, $0x0;
	s7 =	spop (v2sf)  }
0x600: {  	_ = 	snop  }
.LBB2_75:
0x601: {  	s3 =	sadd.s32 @p3 $0x10, s3  }
0x602: {  	[tilespmem:s7+$0x1F000] =	vst.msk @p3 vm0, v5;
	s2 =	smov.u32 @p3 s3  }
0x603: {  	v5 =	vld [tilespmem:s2+$0x0];
	_ =	sdelay $0x4  }
0x604: {  	v6 =	vshrl.u32 v5, $0xF  }
0x605: {  	vm15 =	veq.s32 v6, v3  }
0x606: {  	v6 =	vmpcnt.ones.xlane vm15;
	_ =	sdelay $0x1  }
0x607: {  	v4 =	vadd.s32 v4, v6  }
0x608: {  	s31 =	spop (v2sf);
	vm1 =	vlt.s32 v4, $0x3C0  }
0x609: {  	[tilespmem:s31+$0x1F000] =	vst.msk vm15, v5;
	v4 =	vnsel vm1, $0x3C0, v4  }
.LBB2_76:
0x60a: {  	(v2sf) =	vpush v4, $0x0;
	_ =	sdelay $0x3  }
0x60b: {  	s2 =	sld [smem:$0x7E9]  }
0x60c: {  	s23 =	sld [smem:$0x7EA];
	_ =	sdelay $0x1  }
0x60d: {  	p0 =	seq.s32 s2, $0x1  }
0x60e: {  	s25 =	simm.s32 @!p0 $0x0;
	p0 =	seq.s32 s23, $0x1  }
0x60f: {  	s25 =	smov.u32 @p0 s24  }
0x610: {  	s25 =	smov.u32 @p1 s26;
	s26 =	sld [smem:$0x7EB]  }
0x611: {  	s31 =	sld [smem:$0x7EC];
	_ =	sdelay $0x1  }
0x612: {  	p0 =	seq.s32 s26, $0x1  }
0x613: {  	s25 =	smov.u32 @p0 s28;
	p0 =	seq.s32 s31, $0x1  }
0x614: {  	s25 =	smov.u32 @p0 s29;
	s2 =	spop (v2sf)  }
0x615: {  	s25 =	smov.u32 @p5 s30;
	[tilespmem:s2+$0x1F000] =	vst v0  }
0x616: {  	s25 =	smov.u32 @p2 s1;
	[tilespmem:s2+$0x1F010] =	vst v0  }
0x617: {  	s0 =	smov.u32 @p6 s25;
	[tilespmem:s2+$0x1F020] =	vst v0  }
0x618: {  	s1 =	simm.s32 $0x200;
	s20 =	ssub.s32 s22, s0;
	s0 =	simm.s32 $0x0;
	[tilespmem:s2+$0x1F030] =	vst v0  }
.LBB2_77:
0x619: {  	p0 =	seq.s32 s1, $0x3E00;
	[tilespmem:s0+$0x18870] =	vst v0  }
0x61a: {  	[tilespmem:s0+$0x18800] =	vst v0  }
0x61b: {  	[tilespmem:s0+$0x18810] =	vst v0  }
.Ltmp43:
0x61c: {  	[tilespmem:s0+$0x18820] =	vst v0;
	(pc) =	sbr.rel @!p0 .LBB2_77-.Ltmp43, $4  }
0x61d: {  	[tilespmem:s0+$0x18830] =	vst v0  }
0x61e: {  	[tilespmem:s0+$0x18840] =	vst v0  }
0x61f: {  	[tilespmem:s0+$0x18850] =	vst v0  }
0x620: {  	[tilespmem:s0+$0x18860] =	vst v0;
	s0 =	sshra.s32 s1, $0x2;
	s1 =	sadd.s32 $0x200, s1  }
0x621: {  	[tilespmem:s0+$0x18870] =	vst v0  }
0x622: {  	[tilespmem:s0+$0x18800] =	vst v0  }
0x623: {  	[tilespmem:s0+$0x18810] =	vst v0  }
0x624: {  	[tilespmem:s0+$0x18820] =	vst v0;
	s30 =	sadd.s32 $0xF, s2  }
0x625: {  	[tilespmem:s0+$0x18830] =	vst v0;
	s1 =	sand.u32 $0xF, s30  }
0x626: {  	[tilespmem:s0+$0x18840] =	vst v0;
	s2 =	sshra.s32 s30, $0x1F;
	p0 =	slt.s32 s30, $0x1;
	p1 =	sne.s32 s1, $0x0  }
0x627: {  	[tilespmem:s0+$0x18850] =	vst v0;
	s31 =	sshrl.u32 s2, $0x1C;
	p0 =	por !p0, !p1  }
0x628: {  	[tilespmem:s0+$0x18860] =	vst v0;
	s1 =	simm.s32 $0x1;
	s0 =	sadd.s32 s31, s30;
	p0 =	por !p0, !p0  }
0x629: {  	s0 =	sshra.s32 s0, $0x4;
	s1 =	simm.s32 @!p0 $0x0  }
0x62a: {  	s22 =	ssub.s32 s0, s1  }
0x62b: {  	p0 =	sgt.s32 s22, $0x0  }
.Ltmp44:
0x62c: {  	_ = 	snop;
	(pc) =	sbr.rel @!p0 .LBB2_79-.Ltmp44, $4  }
0x62d: {  	_ = 	snop  }
0x62e: {  	s0 =	simm.s32 @!p0 $0x0  }
0x62f: {  	s0 =	simm.s32 @p0 $0x1  }
0x630: {  	[smem:$0x7E8] =	sst s0  }
0x631: {  	p0 =	seq.s32 s22, $0x1  }
.Ltmp45:
0x632: {  	_ = 	snop;
	(pc) =	sbr.rel @p0 .LBB2_86-.Ltmp45, $3  }
0x633: {  	_ =	sdelay $0x1  }
0x634: {  	s0 =	simm.s32 $0x1F000  }
0x635: {  	s1 =	sadd.s32 $0xFFFFFFFF, s22;
	v4 =	vld [tilespmem:s0+$0x0]  }
.LBB2_85:
0x636: {  	p0 =	seq.s32 s1, $0x1;
	_ =	sdelay $0x3  }
0x637: {  	v5 =	vshrl.u32 v4, $0xF;
	v4 =	vshrl.u32 v4, $0x3  }
0x638: {  	vm0 =	veq.s32 v5, v3;
	v4 =	vand.u32 $0xFF0, v4  }
0x639: {  	v4 =	vor.u32 v1, v4;
	_ =	sdelay $0x1  }
.Ltmp46:
0x63a: {  	(pc) =	sbr.rel @!p0 .LBB2_85-.Ltmp46, $3  }
0x63b: {  	_ =	sdelay $0x1  }
0x63c: {  	s0 =	sadd.s32 $0x10, s0;
	[tilespmem:v4+s12+$0x0] =	vst.idx.add.s32.msk vm0, v2  }
0x63d: {  	s1 =	sadd.s32 $0xFFFFFFFF, s1;
	v4 =	vld [tilespmem:s0+$0x0]  }
.LBB2_86:
0x63e: {  	_ =	sdelay $0x3  }
0x63f: {  	v5 =	vshrl.u32 v4, $0xF;
	v63 =	vshrl.u32 v4, $0x3  }
0x640: {  	vm0 =	veq.s32 v5, v3;
	v3 =	vand.u32 $0xFF0, v63  }
0x641: {  	v3 =	vor.u32 v1, v3;
	_ =	sdelay $0x4  }
0x642: {  	[tilespmem:v3+s12+$0x0] =	vst.idx.add.s32.msk vm0, v2  }
.LBB2_79:
0x643: {  	s0 =	simm.s32 $0x197F0  }
0x644: {  	v3 =	vld [tilespmem:s0+$0xFFFFFF90]  }
0x645: {  	v4 =	vld [tilespmem:s0+$0xFFFFFFA0]  }
0x646: {  	v5 =	vld [tilespmem:s0+$0xFFFFFFB0]  }
0x647: {  	v6 =	vld [tilespmem:s0+$0xFFFFFFC0]  }
0x648: {  	v7 =	vld [tilespmem:s0+$0xFFFFFFD0]  }
0x649: {  	v8 =	vld [tilespmem:s0+$0xFFFFFFE0]  }
0x64a: {  	v9 =	vld [tilespmem:s0+$0xFFFFFFF0]  }
0x64b: {  	s23 =	simm.s32 $0x19770;
	v10 =	vld [tilespmem:s0+$0x0]  }
0x64c: {  	v11 =	vld [tilespmem:s23+$0xFFFFFF90]  }
0x64d: {  	v12 =	vld [tilespmem:s23+$0xFFFFFFA0]  }
0x64e: {  	v13 =	vld [tilespmem:s23+$0xFFFFFFB0]  }
0x64f: {  	v14 =	vld [tilespmem:s23+$0xFFFFFFC0]  }
0x650: {  	v15 =	vld [tilespmem:s23+$0xFFFFFFD0]  }
0x651: {  	v16 =	vld [tilespmem:s23+$0xFFFFFFE0];
	v3 =	vadd.s32 v3, v4  }
0x652: {  	v17 =	vld [tilespmem:s23+$0xFFFFFFF0];
	v3 =	vadd.s32 v5, v3  }
0x653: {  	s26 =	simm.s32 $0x196F0;
	v18 =	vld [tilespmem:s23+$0x0];
	v5 =	vadd.s32 v11, v12;
	v3 =	vadd.s32 v6, v3  }
0x654: {  	v19 =	vld [tilespmem:s26+$0xFFFFFF90];
	v5 =	vadd.s32 v13, v5;
	v3 =	vadd.s32 v7, v3  }
0x655: {  	v20 =	vld [tilespmem:s26+$0xFFFFFFA0];
	v5 =	vadd.s32 v14, v5;
	v3 =	vadd.s32 v8, v3  }
0x656: {  	v4 =	vld [tilespmem:s26+$0xFFFFFFB0];
	v5 =	vadd.s32 v15, v5;
	v3 =	vadd.s32 v9, v3  }
0x657: {  	v11 =	vld [tilespmem:s26+$0xFFFFFFC0];
	v5 =	vadd.s32 v16, v5;
	v3 =	vadd.s32 v10, v3  }
0x658: {  	v6 =	vld [tilespmem:s26+$0xFFFFFFD0];
	v5 =	vadd.s32 v17, v5;
	(xrf0) =	vadd.scan.msk.s32 $0xffff, v3  }
0x659: {  	v7 =	vld [tilespmem:s26+$0xFFFFFFE0];
	v3 =	vadd.s32 v18, v5  }
0x65a: {  	(xrf0) =	vadd.scan.msk.s32 $0xffff, v3;
	v3 =	vadd.s32 v19, v20  }
0x65b: {  	v3 =	vadd.s32 v4, v3  }
0x65c: {  	v3 =	vadd.s32 v11, v3  }
0x65d: {  	v4 =	vadd.s32 v6, v3  }
0x65e: {  	v8 =	vld [tilespmem:s26+$0xFFFFFFF0];
	v6 =	vadd.s32 v7, v4;
	v7, _, _ =	vpop (xrf0)  }
0x65f: {  	v9 =	vld [tilespmem:s26+$0x0];
	(v2sf) =	vpush v7, $0xF;
	_ =	sdelay $0x2  }
0x660: {  	s31 =	simm.s32 $0x19670  }
0x661: {  	v10 =	vld [tilespmem:s31+$0xFFFFFF90];
	v6 =	vadd.s32 v8, v6  }
0x662: {  	v5 =	vld [tilespmem:s31+$0xFFFFFFA0];
	v7 =	vadd.s32 v9, v6;
	v9, _, _ =	vpop (xrf0)  }
0x663: {  	v62 =	vld [tilespmem:s31+$0xFFFFFFB0];
	(v2sf) =	vpush v9, $0xF  }
0x664: {  	v63 =	vld [tilespmem:s31+$0xFFFFFFC0]  }
0x665: {  	v11 =	vld [tilespmem:s31+$0xFFFFFFD0]  }
0x666: {  	v3 =	vld [tilespmem:s31+$0xFFFFFFE0];
	(xrf0) =	vadd.scan.msk.s32 $0xffff, v7  }
0x667: {  	s24 =	simm.s32 $0x0;
	s25 =	simm.s32 $0x1F;
	v5 =	vadd.s32 v10, v5;
	v4 =	vld [tilespmem:s31+$0xFFFFFFF0]  }
0x668: {  	s30 =	simm.s32 $0x1E;
	s2 =	simm.s32 $0x195F0;
	s29 =	simm.s32 $0x1C;
	v8 =	vadd.s32 v62, v5;
	v5 =	vld [tilespmem:s31+$0x0]  }
0x669: {  	s28 =	simm.s32 $0x1B;
	s3 =	simm.s32 $0x1A;
	s1 =	simm.s32 $0x0;
	v8 =	vadd.s32 v63, v8;
	v6 =	vld [tilespmem:s2+$0xFFFFFF90]  }
0x66a: {  	s0 =	simm.s32 $0x0;
	s23 =	simm.s32 $0x0;
	s26 =	simm.s32 $0x1D;
	v7 =	vld [tilespmem:s2+$0xFFFFFFA0];
	v8 =	vadd.s32 v11, v8  }
.LBB2_80:
0x66b: {  	p0 =	seq.s32 s3, $0x0;
	v9 =	vld [tilespmem:s2+$0xFFFFFFB0];
	v3 =	vadd.s32 v3, v8;
	s6 =	smov.u32 s0;
	s7 =	smov.u32 s30  }
0x66c: {  	s30 =	smov.u32 s26;
	s26 =	smov.u32 s29;
	v8 =	vld [tilespmem:s2+$0xFFFFFFC0];
	v3 =	vadd.s32 v4, v3;
	v4, _, _ =	vpop (xrf0);
	s10 =	spop (v2sf)  }
0x66d: {  	s29 =	smov.u32 s28;
	s28 =	smov.u32 s3;
	v10 =	vld [tilespmem:s2+$0xFFFFFFD0];
	v5 =	vadd.s32 v5, v3;
	(v2sf) =	vpush v4, $0xF;
	s0 =	sadd.s32 s0, s10  }
.Ltmp47:
0x66e: {  	p1 =	seq.s32 s1, $0x0;
	v3 =	vld [tilespmem:s2+$0xFFFFFFE0];
	(xrf0) =	vadd.scan.msk.s32 $0xffff, v5;
	p2 =	sge.s32 s0, s20;
	(pc) =	sbr.rel @!p0 .LBB2_80-.Ltmp47, $4  }
0x66f: {  	v5 =	vadd.s32 v6, v7;
	v4 =	vld [tilespmem:s2+$0xFFFFFFF0];
	p1 =	por !p1, !p2  }
0x670: {  	s10 =	simm.s32 $0x1;
	v7 =	vadd.s32 v9, v5;
	v5 =	vld [tilespmem:s2+$0x0];
	s2 =	sadd.s32 $0xFFFFFF80, s2;
	p1 =	por !p1, !p1  }
0x671: {  	v6 =	vld [tilespmem:s2+$0xFFFFFF90];
	v8 =	vadd.s32 v8, v7;
	s24 =	smov.u32 @p1 s25;
	s10 =	simm.s32 @!p1 $0x0;
	s25 =	smov.u32 s7  }
0x672: {  	s3 =	sadd.s32 $0xFFFFFFFF, s3;
	s23 =	smov.u32 @p1 s6;
	v7 =	vld [tilespmem:s2+$0xFFFFFFA0];
	v8 =	vadd.s32 v10, v8;
	s1 =	sor.u32 s10, s1  }
0x673: {  	v9 =	vld [tilespmem:s2+$0xFFFFFFB0]  }
0x674: {  	v10 =	vld [tilespmem:s2+$0xFFFFFFC0]  }
0x675: {  	v11 =	vld [tilespmem:s2+$0xFFFFFFD0]  }
0x676: {  	v3 =	vadd.s32 v3, v8;
	v63 =	vld [tilespmem:s2+$0xFFFFFFE0]  }
0x677: {  	v3 =	vadd.s32 v4, v3;
	v4 =	vadd.s32 v6, v7;
	v6 =	vld [tilespmem:s2+$0xFFFFFFF0]  }
0x678: {  	v3 =	vadd.s32 v5, v3;
	v5 =	vld [tilespmem:s2+$0x0];
	v4 =	vadd.s32 v9, v4  }
0x679: {  	(xrf0) =	vadd.scan.msk.s32 $0xffff, v3;
	v3 =	vadd.s32 v10, v4  }
0x67a: {  	v3 =	vadd.s32 v11, v3  }
0x67b: {  	v4, _, _ =	vpop (xrf0);
	v3 =	vadd.s32 v63, v3  }
0x67c: {  	(v2sf) =	vpush v4, $0xF;
	v3 =	vadd.s32 v6, v3  }
0x67d: {  	v3 =	vadd.s32 v5, v3;
	_ =	sdelay $0x1  }
0x67e: {  	(xrf0) =	vadd.scan.msk.s32 $0xffff, v3  }
0x67f: {  	v3, _, _ =	vpop (xrf0)  }
0x680: {  	s15 =	spop (v2sf);
	(v2sf) =	vpush v3, $0xF  }
0x681: {  	s2 =	sadd.s32 s0, s15  }
0x682: {  	p0 =	seq.s32 s1, $0x0;
	p1 =	sge.s32 s2, s20  }
0x683: {  	p0 =	por !p0, !p1  }
0x684: {  	s3 =	simm.s32 $0x1;
	p0 =	por !p0, !p0;
	v3, _, _ =	vpop (xrf0)  }
0x685: {  	s3 =	simm.s32 @!p0 $0x0;
	s6 =	spop (v2sf);
	(v2sf) =	vpush v3, $0xF  }
0x686: {  	s16 =	sor.u32 s3, s1;
	s3 =	sadd.s32 s2, s6  }
0x687: {  	p4 =	seq.s32 s16, $0x0;
	p2 =	sge.s32 s3, s20  }
0x688: {  	p1 =	por !p4, !p2  }
0x689: {  	s6 =	simm.s32 $0x1;
	p1 =	por !p1, !p1  }
0x68a: {  	s6 =	simm.s32 @!p1 $0x0;
	s7 =	spop (v2sf)  }
0x68b: {  	s1 =	sor.u32 s6, s16;
	s6 =	sadd.s32 s3, s7  }
0x68c: {  	p5 =	seq.s32 s1, $0x0;
	p3 =	sge.s32 s6, s20  }
0x68d: {  	p2 =	por !p5, !p3  }
0x68e: {  	s7 =	simm.s32 $0x1;
	p2 =	por !p2, !p2  }
0x68f: {  	s7 =	simm.s32 @!p2 $0x0;
	s10 =	spop (v2sf)  }
0x690: {  	s1 =	sor.u32 s7, s1;
	s7 =	sadd.s32 s6, s10  }
0x691: {  	p6 =	seq.s32 s1, $0x0;
	p4 =	sge.s32 s7, s20  }
0x692: {  	s24 =	smov.u32 @p0 s25;
	p3 =	por !p6, !p4  }
0x693: {  	s23 =	smov.u32 @p0 s0;
	s0 =	simm.s32 $0x1;
	p0 =	por !p3, !p3  }
0x694: {  	s25 =	spop (v2sf);
	s0 =	simm.s32 @!p0 $0x0  }
0x695: {  	s24 =	smov.u32 @p1 s30;
	s31 =	sadd.s32 s7, s25;
	s0 =	sor.u32 s0, s1  }
0x696: {  	s23 =	smov.u32 @p1 s2;
	p5 =	sge.s32 s31, s20;
	p4 =	seq.s32 s0, $0x0  }
0x697: {  	s24 =	smov.u32 @p2 s26;
	s23 =	smov.u32 @p2 s3;
	p1 =	por !p4, !p5  }
0x698: {  	s24 =	smov.u32 @p0 s29;
	s23 =	smov.u32 @p0 s6;
	p0 =	por !p1, !p1  }
0x699: {  	s24 =	smov.u32 @p0 s28  }
0x69a: {  	s6 =	sshll.u32 s24, $0x3;
	s0 =	sshllo.u32 s24, $0x3  }
0x69b: {  	s23 =	smov.u32 @p0 s7;
	s3 =	sshll.u32 s0, $0x4;
	s7 =	sor.u32 $0x6, s6  }
0x69c: {  	s16 =	sor.u32 $0x5, s6;
	s1 =	sand.u32 $0x3FFFFFF0, s3;
	s10 =	sshll.u32 s7, $0x4  }
0x69d: {  	s15 =	sshll.u32 s16, $0x4;
	s3 =	sor.u32 $0x4, s6;
	v3 =	vld [tilespmem:s1+$0x18800];
	s11 =	sand.u32 $0x3FFFFFE0, s10  }
0x69e: {  	s2 =	sor.u32 $0x3, s6;
	s25 =	sand.u32 $0x3FFFFFD0, s15;
	s26 =	sshll.u32 s3, $0x4;
	v4 =	vld [tilespmem:s11+$0x18800]  }
0x69f: {  	s31 =	sshll.u32 s2, $0x4;
	v5 =	vld [tilespmem:s25+$0x18800];
	s30 =	sand.u32 $0x3FFFFFC0, s26  }
0x6a0: {  	s15 =	sor.u32 $0x2, s6;
	s11 =	sand.u32 $0x3FFFFFB0, s31;
	v6 =	vld [tilespmem:s30+$0x18800]  }
0x6a1: {  	s25 =	sshll.u32 s15, $0x4;
	v7 =	vld [tilespmem:s11+$0x18800]  }
0x6a2: {  	s26 =	sand.u32 $0x3FFFFFA0, s25;
	(xrf0) =	vadd.scan.msk.s32 $0xffff, v3  }
0x6a3: {  	v3 =	vld [tilespmem:s26+$0x18800];
	(xrf0) =	vadd.scan.msk.s32 $0xffff, v4  }
0x6a4: {  	(xrf0) =	vadd.scan.msk.s32 $0xffff, v5  }
0x6a5: {  	(xrf0) =	vadd.scan.msk.s32 $0xffff, v6  }
0x6a6: {  	(xrf0) =	vadd.scan.msk.s32 $0xffff, v7;
	_ =	sdelay $0x1  }
0x6a7: {  	(xrf0) =	vadd.scan.msk.s32 $0xffff, v3;
	v3, _, _ =	vpop (xrf0)  }
0x6a8: {  	v4, _, _ =	vpop (xrf0);
	(v2sf) =	vpush v3, $0xF  }
0x6a9: {  	v3, _, _ =	vpop (xrf0);
	(v2sf) =	vpush v4, $0xF  }
0x6aa: {  	s11 =	sor.u32 $0x1, s6;
	v4, _, _ =	vpop (xrf0);
	(v2sf) =	vpush v3, $0xF  }
0x6ab: {  	s30 =	sshll.u32 s11, $0x4;
	(v2sf) =	vpush v4, $0xF;
	v4, _, _ =	vpop (xrf0)  }
0x6ac: {  	s31 =	sshll.u32 s24, $0x7;
	s1 =	sand.u32 $0x3FFFFF90, s30;
	(v2sf) =	vpush v4, $0xF  }
0x6ad: {  	s24 =	sand.u32 $0x3FFFFF80, s31;
	v3 =	vld [tilespmem:s1+$0x18800];
	v4, _, _ =	vpop (xrf0)  }
0x6ae: {  	v5 =	vld [tilespmem:s24+$0x18800];
	(v2sf) =	vpush v4, $0xF;
	_ =	sdelay $0x3  }
0x6af: {  	(xrf0) =	vadd.scan.msk.s32 $0xffff, v3  }
0x6b0: {  	(xrf0) =	vadd.scan.msk.s32 $0xffff, v5;
	_ =	sdelay $0x3  }
0x6b1: {  	s25 =	spop (v2sf)  }
0x6b2: {  	v3, _, _ =	vpop (xrf0);
	s30 =	spop (v2sf)  }
0x6b3: {  	(v2sf) =	vpush v3, $0xF;
	v3, _, _ =	vpop (xrf0);
	s24 =	sadd.s32 s23, s25;
	s26 =	spop (v2sf)  }
0x6b4: {  	(v2sf) =	vpush v3, $0xF;
	s25 =	sadd.s32 s24, s30;
	p2 =	sge.s32 s24, s20;
	s1 =	spop (v2sf)  }
0x6b5: {  	p1 =	sge.s32 s25, s20;
	s26 =	sadd.s32 s25, s26;
	s10 =	spop (v2sf)  }
0x6b6: {  	p6 =	por p2, p1;
	p5 =	sge.s32 s26, s20;
	s28 =	sadd.s32 s26, s1  }
0x6b7: {  	s7 =	simm.s32 @!p1 $0x0;
	s31 =	spop (v2sf);
	p4 =	por !p6, !p6  }
0x6b8: {  	p3 =	por p6, p5;
	p6 =	sge.s32 s28, s20;
	s29 =	sadd.s32 s28, s10  }
0x6b9: {  	s10 =	simm.s32 @!p1 $0x0;
	s7 =	smov.u32 @p2 s0;
	p0 =	por !p5, !p4  }
0x6ba: {  	p5 =	por !p3, !p3;
	p3 =	por p3, p6;
	s1 =	sadd.s32 s29, s31  }
0x6bb: {  	s10 =	simm.s32 @p1 $0x1;
	s31 =	sld [smem:$0x7E8];
	p4 =	por !p6, !p5  }
0x6bc: {  	p5 =	por !p3, !p3;
	p6 =	sge.s32 s29, s20;
	[smem:$0x7E5] =	sst s10  }
0x6bd: {  	p1 =	sge.s32 s1, s20;
	s10 =	simm.s32 @!p2 $0x0;
	p5 =	por !p6, !p5  }
0x6be: {  	p3 =	por p3, p6;
	s10 =	simm.s32 @p2 $0x1;
	p2 =	por !p0, !p0  }
0x6bf: {  	p6 =	por !p3, !p3;
	[smem:$0x7E6] =	sst s10;
	p0 =	por p3, p1  }
0x6c0: {  	s7 =	smov.u32 @p2 s16;
	p6 =	por !p1, !p6;
	p1 =	por !p4, !p4  }
0x6c1: {  	p5 =	por !p5, !p5;
	p4 =	por !p0, !p0;
	s0 =	simm.s32 @!p1 $0x0  }
0x6c2: {  	s7 =	smov.u32 @p1 s3;
	s0 =	simm.s32 @p1 $0x1;
	s10 =	spop (v2sf)  }
0x6c3: {  	[smem:$0x7E7] =	sst s0;
	s0 =	sadd.s32 s1, s10;
	s16 =	spop (v2sf)  }
0x6c4: {  	s7 =	smov.u32 @p5 s2;
	s2 =	sadd.s32 s0, s16;
	p3 =	sge.s32 s0, s20  }
0x6c5: {  	p6 =	por !p6, !p6;
	p1 =	por !p3, !p4;
	p4 =	slt.s32 s2, s20  }
0x6c6: {  	p4 =	por p3, p4;
	p3 =	por !p1, !p1;
	p1 =	seq.s32 s31, $0x1  }
.Ltmp48:
0x6c7: {  	s7 =	smov.u32 @p6 s15;
	(pc) =	sbr.rel @!p1 .LBB2_92-.Ltmp48, $4  }
0x6c8: {  	p0 =	por p4, p0;
	s7 =	smov.u32 @p3 s11  }
0x6c9: {  	s30 =	sshll.u32 s21, $0x8;
	s6 =	smov.u32 @p0 s7  }
0x6ca: {  	s21 =	sor.u32 s30, s6  }
0x6cb: {  	v4 =	vimm.s32 $0x0;
	v3 =	vmov s21  }
0x6cc: {  	p1 =	sne.s32 s22, $0x1  }
.Ltmp49:
0x6cd: {  	_ = 	snop;
	(pc) =	sbr.rel @!p1 .LBB2_83-.Ltmp49, $2  }
0x6ce: {  	_ =	sdelay $0x2  }
0x6cf: {  	s2 =	simm.s32 $0x1F000;
	s3 =	sadd.s32 $0xFFFFFFFF, s22;
	(v2sf) =	vpush v4, $0x0;
	p4 =	por $0x0, $0x0  }
0x6d0: {  	_ =	sdelay $0x1  }
0x6d1: {  	v5 =	vld [tilespmem:s2+$0x0];
	_ =	sdelay $0x4  }
0x6d2: {  	v6 =	vshrl.u32 v5, $0x7  }
0x6d3: {  	vm0 =	veq.s32 v6, v3  }
0x6d4: {  	p1 =	sne.s32 s3, $0x1;
	v6 =	vmpcnt.ones.xlane vm0  }
.Ltmp50:
0x6d5: {  	_ = 	snop;
	(pc) =	sbr.rel @!p1 .LBB2_88-.Ltmp50, $4  }
0x6d6: {  	s6 =	simm.s32 @!p5 $0x0;
	v4 =	vadd.s32 v4, v6  }
0x6d7: {  	s6 =	simm.s32 @p5 $0x1;
	vm1 =	vlt.s32 v4, $0x57C0  }
0x6d8: {  	p4 =	por $0x1, $0x1;
	[smem:$0x7E4] =	sst s6;
	v4 =	vnsel vm1, $0x57C0, v4  }
0x6d9: {  	s6 =	sadd.s32 $0xFFFFFFFF, s3;
	s3 =	simm.s32 $0x1F000;
	(v2sf) =	vpush v4, $0x0;
	s7 =	spop (v2sf)  }
.LBB2_89:
0x6da: {  	p5 =	sne.s32 s6, $0x1;
	s6 =	sadd.s32 $0xFFFFFFFF, s6;
	[tilespmem:s7+$0x19800] =	vst.msk vm0, v5;
	s3 =	sadd.s32 $0x10, s3  }
0x6db: {  	_ = 	snop  }
0x6dc: {  	v5 =	vld [tilespmem:s3+$0x0];
	_ =	sdelay $0x4  }
0x6dd: {  	v6 =	vshrl.u32 v5, $0x7  }
0x6de: {  	vm0 =	veq.s32 v6, v3  }
0x6df: {  	v6 =	vmpcnt.ones.xlane vm0  }
.Ltmp51:
0x6e0: {  	(pc) =	sbr.rel @p5 .LBB2_89-.Ltmp51, $4  }
0x6e1: {  	v4 =	vadd.s32 v4, v6  }
0x6e2: {  	vm1 =	vlt.s32 v4, $0x57C0  }
0x6e3: {  	v4 =	vnsel vm1, $0x57C0, v4  }
0x6e4: {  	(v2sf) =	vpush v4, $0x0;
	s7 =	spop (v2sf)  }
0x6e5: {  	s6 =	sld [smem:$0x7E4];
	_ =	sdelay $0x2  }
0x6e6: {  	p5 =	seq.s32 s6, $0x1  }
.LBB2_91:
0x6e7: {  	s3 =	sadd.s32 @p4 $0x10, s3  }
0x6e8: {  	[tilespmem:s7+$0x19800] =	vst.msk @p4 vm0, v5;
	s2 =	smov.u32 @p4 s3  }
0x6e9: {  	v5 =	vld [tilespmem:s2+$0x0];
	_ =	sdelay $0x4  }
0x6ea: {  	v6 =	vshrl.u32 v5, $0x7  }
0x6eb: {  	vm15 =	veq.s32 v6, v3  }
0x6ec: {  	v6 =	vmpcnt.ones.xlane vm15;
	_ =	sdelay $0x1  }
0x6ed: {  	v4 =	vadd.s32 v4, v6  }
0x6ee: {  	s31 =	spop (v2sf);
	vm1 =	vlt.s32 v4, $0x57C0  }
0x6ef: {  	[tilespmem:s31+$0x19800] =	vst.msk vm15, v5;
	v4 =	vnsel vm1, $0x57C0, v4  }
.LBB2_92:
0x6f0: {  	(v2sf) =	vpush v4, $0x0;
	_ =	sdelay $0x6  }
0x6f1: {  	s2 =	sld [smem:$0x7E5]  }
0x6f2: {  	s30 =	sld [smem:$0x7E6];
	_ =	sdelay $0x1  }
0x6f3: {  	s31 =	sld [smem:$0x7E7];
	p1 =	seq.s32 s2, $0x1  }
0x6f4: {  	s24 =	simm.s32 @!p1 $0x0;
	p1 =	seq.s32 s30, $0x1  }
0x6f5: {  	s24 =	smov.u32 @p1 s23  }
0x6f6: {  	p1 =	seq.s32 s31, $0x1;
	s24 =	smov.u32 @p2 s25  }
0x6f7: {  	s24 =	smov.u32 @p1 s26  }
0x6f8: {  	s24 =	smov.u32 @p5 s28;
	s2 =	spop (v2sf)  }
0x6f9: {  	s24 =	smov.u32 @p6 s29;
	[tilespmem:s2+$0x19800] =	vst v0  }
0x6fa: {  	s24 =	smov.u32 @p3 s1;
	[tilespmem:s2+$0x19810] =	vst v0  }
0x6fb: {  	s0 =	smov.u32 @p0 s24;
	[tilespmem:s2+$0x19820] =	vst v0  }
0x6fc: {  	s1 =	simm.s32 $0x200;
	s20 =	ssub.s32 s20, s0;
	s0 =	simm.s32 $0x0;
	[tilespmem:s2+$0x19830] =	vst v0  }
.LBB2_93:
0x6fd: {  	p0 =	seq.s32 s1, $0x1E00;
	[tilespmem:s0+$0x18870] =	vst v0  }
0x6fe: {  	[tilespmem:s0+$0x18800] =	vst v0  }
0x6ff: {  	[tilespmem:s0+$0x18810] =	vst v0  }
.Ltmp52:
0x700: {  	[tilespmem:s0+$0x18820] =	vst v0;
	(pc) =	sbr.rel @!p0 .LBB2_93-.Ltmp52, $4  }
0x701: {  	[tilespmem:s0+$0x18830] =	vst v0  }
0x702: {  	[tilespmem:s0+$0x18840] =	vst v0  }
0x703: {  	[tilespmem:s0+$0x18850] =	vst v0  }
0x704: {  	[tilespmem:s0+$0x18860] =	vst v0;
	s0 =	sshra.s32 s1, $0x2;
	s1 =	sadd.s32 $0x200, s1  }
0x705: {  	[tilespmem:s0+$0x18870] =	vst v0  }
0x706: {  	[tilespmem:s0+$0x18800] =	vst v0  }
0x707: {  	[tilespmem:s0+$0x18810] =	vst v0  }
0x708: {  	[tilespmem:s0+$0x18820] =	vst v0;
	s30 =	sadd.s32 $0xF, s2  }
0x709: {  	[tilespmem:s0+$0x18830] =	vst v0;
	s1 =	sand.u32 $0xF, s30  }
0x70a: {  	[tilespmem:s0+$0x18840] =	vst v0;
	s2 =	sshra.s32 s30, $0x1F;
	p0 =	slt.s32 s30, $0x1;
	p1 =	sne.s32 s1, $0x0  }
0x70b: {  	[tilespmem:s0+$0x18850] =	vst v0;
	s31 =	sshrl.u32 s2, $0x1C;
	p0 =	por !p0, !p1  }
0x70c: {  	[tilespmem:s0+$0x18860] =	vst v0;
	s1 =	simm.s32 $0x1;
	s0 =	sadd.s32 s31, s30;
	p0 =	por !p0, !p0  }
0x70d: {  	s0 =	sshra.s32 s0, $0x4;
	s1 =	simm.s32 @!p0 $0x0  }
0x70e: {  	s1 =	ssub.s32 s0, s1  }
0x70f: {  	p0 =	sgt.s32 s1, $0x0  }
.Ltmp53:
0x710: {  	_ = 	snop;
	(pc) =	sbr.rel @!p0 .LBB2_95-.Ltmp53, $1  }
0x711: {  	_ =	sdelay $0x3  }
0x712: {  	p0 =	seq.s32 s1, $0x1  }
.Ltmp54:
0x713: {  	_ = 	snop;
	(pc) =	sbr.rel @p0 .LBB2_103-.Ltmp54, $3  }
0x714: {  	_ =	sdelay $0x1  }
0x715: {  	s0 =	simm.s32 $0x19800  }
0x716: {  	s1 =	sadd.s32 $0xFFFFFFFF, s1;
	v4 =	vld [tilespmem:s0+$0x0]  }
.LBB2_102:
0x717: {  	p0 =	seq.s32 s1, $0x1;
	_ =	sdelay $0x3  }
0x718: {  	v5 =	vshrl.u32 v4, $0x7;
	v4 =	vshll.u32 v4, $0x4  }
0x719: {  	vm0 =	veq.s32 v5, v3;
	v4 =	vor.u32 v1, v4  }
0x71a: {  	v4 =	vand.u32 $0x7FF, v4;
	_ =	sdelay $0x1  }
.Ltmp55:
0x71b: {  	(pc) =	sbr.rel @!p0 .LBB2_102-.Ltmp55, $3  }
0x71c: {  	_ =	sdelay $0x1  }
0x71d: {  	s0 =	sadd.s32 $0x10, s0;
	[tilespmem:v4+s12+$0x0] =	vst.idx.add.s32.msk vm0, v2  }
0x71e: {  	s1 =	sadd.s32 $0xFFFFFFFF, s1;
	v4 =	vld [tilespmem:s0+$0x0]  }
.LBB2_103:
0x71f: {  	_ =	sdelay $0x3  }
0x720: {  	v5 =	vshrl.u32 v4, $0x7;
	v63 =	vshll.u32 v4, $0x4  }
0x721: {  	vm0 =	veq.s32 v5, v3;
	v3 =	vor.u32 v1, v63  }
0x722: {  	v3 =	vand.u32 $0x7FF, v3;
	_ =	sdelay $0x4  }
0x723: {  	[tilespmem:v3+s12+$0x0] =	vst.idx.add.s32.msk vm0, v2  }
.LBB2_95:
0x724: {  	s0 =	simm.s32 $0x18FF0  }
0x725: {  	v3 =	vld [tilespmem:s0+$0xFFFFFF90]  }
0x726: {  	v4 =	vld [tilespmem:s0+$0xFFFFFFA0]  }
0x727: {  	v5 =	vld [tilespmem:s0+$0xFFFFFFB0]  }
0x728: {  	v6 =	vld [tilespmem:s0+$0xFFFFFFC0]  }
0x729: {  	v7 =	vld [tilespmem:s0+$0xFFFFFFD0]  }
0x72a: {  	v8 =	vld [tilespmem:s0+$0xFFFFFFE0]  }
0x72b: {  	v9 =	vld [tilespmem:s0+$0xFFFFFFF0]  }
0x72c: {  	s26 =	simm.s32 $0x18F70;
	v10 =	vld [tilespmem:s0+$0x0]  }
0x72d: {  	v11 =	vld [tilespmem:s26+$0xFFFFFF90]  }
0x72e: {  	v12 =	vld [tilespmem:s26+$0xFFFFFFA0]  }
0x72f: {  	v13 =	vld [tilespmem:s26+$0xFFFFFFB0]  }
0x730: {  	v14 =	vld [tilespmem:s26+$0xFFFFFFC0]  }
0x731: {  	v15 =	vld [tilespmem:s26+$0xFFFFFFD0]  }
0x732: {  	v16 =	vld [tilespmem:s26+$0xFFFFFFE0];
	v3 =	vadd.s32 v3, v4  }
0x733: {  	v17 =	vld [tilespmem:s26+$0xFFFFFFF0];
	v3 =	vadd.s32 v5, v3  }
0x734: {  	s30 =	simm.s32 $0x18EF0;
	v18 =	vld [tilespmem:s26+$0x0];
	v5 =	vadd.s32 v11, v12;
	v3 =	vadd.s32 v6, v3  }
0x735: {  	v19 =	vld [tilespmem:s30+$0xFFFFFF90];
	v5 =	vadd.s32 v13, v5;
	v3 =	vadd.s32 v7, v3  }
0x736: {  	v20 =	vld [tilespmem:s30+$0xFFFFFFA0];
	v5 =	vadd.s32 v14, v5;
	v3 =	vadd.s32 v8, v3  }
0x737: {  	v4 =	vld [tilespmem:s30+$0xFFFFFFB0];
	v5 =	vadd.s32 v15, v5;
	v3 =	vadd.s32 v9, v3  }
0x738: {  	v11 =	vld [tilespmem:s30+$0xFFFFFFC0];
	v5 =	vadd.s32 v16, v5;
	v3 =	vadd.s32 v10, v3  }
0x739: {  	v6 =	vld [tilespmem:s30+$0xFFFFFFD0];
	v5 =	vadd.s32 v17, v5;
	(xrf0) =	vadd.scan.msk.s32 $0xffff, v3  }
0x73a: {  	v7 =	vld [tilespmem:s30+$0xFFFFFFE0];
	v3 =	vadd.s32 v18, v5  }
0x73b: {  	(xrf0) =	vadd.scan.msk.s32 $0xffff, v3;
	v3 =	vadd.s32 v19, v20  }
0x73c: {  	v3 =	vadd.s32 v4, v3  }
0x73d: {  	v3 =	vadd.s32 v11, v3  }
0x73e: {  	v4 =	vadd.s32 v6, v3  }
0x73f: {  	v8 =	vld [tilespmem:s30+$0xFFFFFFF0];
	v6 =	vadd.s32 v7, v4;
	v7, _, _ =	vpop (xrf0)  }
0x740: {  	v9 =	vld [tilespmem:s30+$0x0];
	(v2sf) =	vpush v7, $0xF;
	_ =	sdelay $0x2  }
0x741: {  	s31 =	simm.s32 $0x18E70  }
0x742: {  	v10 =	vld [tilespmem:s31+$0xFFFFFF90];
	v6 =	vadd.s32 v8, v6  }
0x743: {  	v5 =	vld [tilespmem:s31+$0xFFFFFFA0];
	v7 =	vadd.s32 v9, v6;
	v9, _, _ =	vpop (xrf0)  }
0x744: {  	v62 =	vld [tilespmem:s31+$0xFFFFFFB0];
	(v2sf) =	vpush v9, $0xF  }
0x745: {  	v63 =	vld [tilespmem:s31+$0xFFFFFFC0]  }
0x746: {  	v11 =	vld [tilespmem:s31+$0xFFFFFFD0]  }
0x747: {  	v3 =	vld [tilespmem:s31+$0xFFFFFFE0];
	(xrf0) =	vadd.scan.msk.s32 $0xffff, v7  }
0x748: {  	s22 =	simm.s32 $0x0;
	s24 =	simm.s32 $0xF;
	v5 =	vadd.s32 v10, v5;
	v4 =	vld [tilespmem:s31+$0xFFFFFFF0]  }
0x749: {  	s29 =	simm.s32 $0xE;
	s25 =	simm.s32 $0xD;
	s2 =	simm.s32 $0x18DF0;
	v8 =	vadd.s32 v62, v5;
	v5 =	vld [tilespmem:s31+$0x0]  }
0x74a: {  	s28 =	simm.s32 $0xC;
	s3 =	simm.s32 $0xA;
	s1 =	simm.s32 $0x0;
	v8 =	vadd.s32 v63, v8;
	v6 =	vld [tilespmem:s2+$0xFFFFFF90]  }
0x74b: {  	s23 =	simm.s32 $0x0;
	s26 =	simm.s32 $0xB;
	s0 =	simm.s32 $0x0;
	v7 =	vld [tilespmem:s2+$0xFFFFFFA0];
	v8 =	vadd.s32 v11, v8  }
.LBB2_96:
0x74c: {  	p0 =	seq.s32 s3, $0x0;
	v9 =	vld [tilespmem:s2+$0xFFFFFFB0];
	v3 =	vadd.s32 v3, v8;
	s6 =	smov.u32 s0;
	s7 =	smov.u32 s29  }
0x74d: {  	s29 =	smov.u32 s25;
	s25 =	smov.u32 s28;
	v8 =	vld [tilespmem:s2+$0xFFFFFFC0];
	v3 =	vadd.s32 v4, v3;
	v4, _, _ =	vpop (xrf0);
	s10 =	spop (v2sf)  }
0x74e: {  	s28 =	smov.u32 s26;
	s26 =	smov.u32 s3;
	v10 =	vld [tilespmem:s2+$0xFFFFFFD0];
	v5 =	vadd.s32 v5, v3;
	(v2sf) =	vpush v4, $0xF;
	s0 =	sadd.s32 s0, s10  }
.Ltmp56:
0x74f: {  	p1 =	seq.s32 s1, $0x0;
	v3 =	vld [tilespmem:s2+$0xFFFFFFE0];
	(xrf0) =	vadd.scan.msk.s32 $0xffff, v5;
	p2 =	sge.s32 s0, s20;
	(pc) =	sbr.rel @!p0 .LBB2_96-.Ltmp56, $4  }
0x750: {  	v5 =	vadd.s32 v6, v7;
	v4 =	vld [tilespmem:s2+$0xFFFFFFF0];
	p1 =	por !p1, !p2  }
0x751: {  	s10 =	simm.s32 $0x1;
	v7 =	vadd.s32 v9, v5;
	v5 =	vld [tilespmem:s2+$0x0];
	s2 =	sadd.s32 $0xFFFFFF80, s2;
	p1 =	por !p1, !p1  }
0x752: {  	v6 =	vld [tilespmem:s2+$0xFFFFFF90];
	v8 =	vadd.s32 v8, v7;
	s22 =	smov.u32 @p1 s24;
	s10 =	simm.s32 @!p1 $0x0;
	s24 =	smov.u32 s7  }
0x753: {  	s3 =	sadd.s32 $0xFFFFFFFF, s3;
	s23 =	smov.u32 @p1 s6;
	v7 =	vld [tilespmem:s2+$0xFFFFFFA0];
	v8 =	vadd.s32 v10, v8;
	s1 =	sor.u32 s10, s1  }
0x754: {  	v9 =	vld [tilespmem:s2+$0xFFFFFFB0]  }
0x755: {  	v10 =	vld [tilespmem:s2+$0xFFFFFFC0]  }
0x756: {  	v11 =	vld [tilespmem:s2+$0xFFFFFFD0]  }
0x757: {  	v3 =	vadd.s32 v3, v8;
	v8 =	vld [tilespmem:s2+$0xFFFFFFE0]  }
0x758: {  	v3 =	vadd.s32 v4, v3;
	v4 =	vadd.s32 v6, v7;
	v6 =	vld [tilespmem:s2+$0xFFFFFFF0]  }
0x759: {  	v3 =	vadd.s32 v5, v3;
	v5 =	vld [tilespmem:s2+$0x0];
	v4 =	vadd.s32 v9, v4  }
0x75a: {  	(xrf0) =	vadd.scan.msk.s32 $0xffff, v3;
	v3 =	vadd.s32 v10, v4  }
0x75b: {  	v3 =	vadd.s32 v11, v3  }
0x75c: {  	v4, _, _ =	vpop (xrf0);
	v3 =	vadd.s32 v8, v3  }
0x75d: {  	(v2sf) =	vpush v4, $0xF;
	v3 =	vadd.s32 v6, v3  }
0x75e: {  	v3 =	vadd.s32 v5, v3;
	_ =	sdelay $0x1  }
0x75f: {  	(xrf0) =	vadd.scan.msk.s32 $0xffff, v3  }
0x760: {  	v3, _, _ =	vpop (xrf0)  }
0x761: {  	s15 =	spop (v2sf);
	(v2sf) =	vpush v3, $0xF  }
0x762: {  	s2 =	sadd.s32 s0, s15  }
0x763: {  	p0 =	seq.s32 s1, $0x0;
	p1 =	sge.s32 s2, s20  }
0x764: {  	p0 =	por !p0, !p1  }
0x765: {  	s3 =	simm.s32 $0x1;
	p0 =	por !p0, !p0;
	v3, _, _ =	vpop (xrf0)  }
0x766: {  	s3 =	simm.s32 @!p0 $0x0;
	s6 =	spop (v2sf);
	(v2sf) =	vpush v3, $0xF  }
0x767: {  	s16 =	sor.u32 s3, s1;
	s3 =	sadd.s32 s2, s6  }
0x768: {  	p4 =	seq.s32 s16, $0x0;
	p2 =	sge.s32 s3, s20  }
0x769: {  	p1 =	por !p4, !p2  }
0x76a: {  	s6 =	simm.s32 $0x1;
	p1 =	por !p1, !p1  }
0x76b: {  	s6 =	simm.s32 @!p1 $0x0;
	s7 =	spop (v2sf)  }
0x76c: {  	s1 =	sor.u32 s6, s16;
	s6 =	sadd.s32 s3, s7  }
0x76d: {  	p5 =	seq.s32 s1, $0x0;
	p3 =	sge.s32 s6, s20  }
0x76e: {  	p2 =	por !p5, !p3  }
0x76f: {  	s7 =	simm.s32 $0x1;
	p2 =	por !p2, !p2  }
0x770: {  	s7 =	simm.s32 @!p2 $0x0;
	s10 =	spop (v2sf)  }
0x771: {  	s1 =	sor.u32 s7, s1;
	s7 =	sadd.s32 s6, s10  }
0x772: {  	p6 =	seq.s32 s1, $0x0;
	p4 =	sge.s32 s7, s20  }
0x773: {  	s22 =	smov.u32 @p0 s24;
	p3 =	por !p6, !p4  }
0x774: {  	s23 =	smov.u32 @p0 s0;
	s0 =	simm.s32 $0x1;
	p0 =	por !p3, !p3  }
0x775: {  	s24 =	spop (v2sf);
	s0 =	simm.s32 @!p0 $0x0  }
0x776: {  	s22 =	smov.u32 @p1 s29;
	s29 =	sadd.s32 s7, s24;
	s0 =	sor.u32 s0, s1  }
0x777: {  	s23 =	smov.u32 @p1 s2;
	p6 =	sge.s32 s29, s20;
	p5 =	seq.s32 s0, $0x0  }
0x778: {  	s22 =	smov.u32 @p2 s25;
	s23 =	smov.u32 @p2 s3;
	p1 =	por !p5, !p6  }
0x779: {  	s22 =	smov.u32 @p0 s28;
	s23 =	smov.u32 @p0 s6;
	p0 =	por !p1, !p1  }
0x77a: {  	s22 =	smov.u32 @p0 s26  }
0x77b: {  	s0 =	sshll.u32 s22, $0x3;
	s11 =	sshllo.u32 s22, $0x3  }
0x77c: {  	s30 =	sshll.u32 s11, $0x4;
	s1 =	sor.u32 $0x6, s0  }
0x77d: {  	s2 =	sand.u32 $0x3FFFFFF0, s30;
	s31 =	sshll.u32 s1, $0x4  }
0x77e: {  	v3 =	vld [tilespmem:s2+$0x18800];
	s6 =	sand.u32 $0x3FFFFFE0, s31  }
0x77f: {  	s10 =	sor.u32 $0x5, s0;
	v4 =	vld [tilespmem:s6+$0x18800]  }
0x780: {  	s23 =	smov.u32 @p0 s7;
	s7 =	sshll.u32 s10, $0x4  }
0x781: {  	s2 =	sand.u32 $0x3FFFFFD0, s7;
	s7 =	sor.u32 $0x4, s0  }
0x782: {  	v5 =	vld [tilespmem:s2+$0x18800];
	s15 =	sshll.u32 s7, $0x4  }
0x783: {  	s6 =	sor.u32 $0x3, s0;
	s2 =	sand.u32 $0x3FFFFFC0, s15;
	(xrf0) =	vadd.scan.msk.s32 $0xffff, v3  }
0x784: {  	s16 =	sshll.u32 s6, $0x4;
	v3 =	vld [tilespmem:s2+$0x18800];
	(xrf0) =	vadd.scan.msk.s32 $0xffff, v4  }
0x785: {  	s3 =	sor.u32 $0x2, s0;
	s2 =	sand.u32 $0x3FFFFFB0, s16  }
0x786: {  	s24 =	sshll.u32 s3, $0x4;
	v4 =	vld [tilespmem:s2+$0x18800]  }
0x787: {  	s15 =	sand.u32 $0x3FFFFFA0, s24;
	s2 =	sor.u32 $0x1, s0;
	(xrf0) =	vadd.scan.msk.s32 $0xffff, v5  }
0x788: {  	v5 =	vld [tilespmem:s15+$0x18800];
	s25 =	sshll.u32 s2, $0x4  }
0x789: {  	s15 =	sand.u32 $0x3FFFFF90, s25;
	v6, _, _ =	vpop (xrf0);
	(xrf0) =	vadd.scan.msk.s32 $0xffff, v3  }
0x78a: {  	s26 =	sshll.u32 s22, $0x7;
	v3 =	vld [tilespmem:s15+$0x18800];
	(v2sf) =	vpush v6, $0xF;
	v6, _, _ =	vpop (xrf0)  }
0x78b: {  	s15 =	sand.u32 $0x3FFFFF80, s26;
	(xrf0) =	vadd.scan.msk.s32 $0xffff, v4;
	(v2sf) =	vpush v6, $0xF  }
0x78c: {  	v4 =	vld [tilespmem:s15+$0x18800]  }
0x78d: {  	v6, _, _ =	vpop (xrf0);
	(xrf0) =	vadd.scan.msk.s32 $0xffff, v5  }
0x78e: {  	(v2sf) =	vpush v6, $0xF  }
0x78f: {  	v5, _, _ =	vpop (xrf0);
	(xrf0) =	vadd.scan.msk.s32 $0xffff, v3  }
0x790: {  	(v2sf) =	vpush v5, $0xF  }
0x791: {  	v3, _, _ =	vpop (xrf0);
	(xrf0) =	vadd.scan.msk.s32 $0xffff, v4  }
0x792: {  	(v2sf) =	vpush v3, $0xF  }
0x793: {  	v3, _, _ =	vpop (xrf0)  }
0x794: {  	(v2sf) =	vpush v3, $0xF  }
0x795: {  	v3, _, _ =	vpop (xrf0)  }
0x796: {  	(v2sf) =	vpush v3, $0xF  }
0x797: {  	v3, _, _ =	vpop (xrf0)  }
0x798: {  	(v2sf) =	vpush v3, $0xF  }
0x799: {  	s28 =	spop (v2sf)  }
0x79a: {  	s15 =	sadd.s32 s23, s28;
	s16 =	spop (v2sf)  }
0x79b: {  	s16 =	sadd.s32 s15, s16  }
0x79c: {  	p0 =	sge.s32 s16, s20  }
0x79d: {  	p1 =	sge.s32 s15, s20;
	s29 =	spop (v2sf);
	s1 =	simm.s32 @!p0 $0x0  }
0x79e: {  	s30 =	sadd.s32 s16, s29;
	p0 =	por p1, p0;
	s1 =	smov.u32 @p1 s11  }
0x79f: {  	p1 =	sge.s32 s30, s20;
	s31 =	spop (v2sf);
	s10 =	smov.u32 @p0 s1  }
0x7a0: {  	p0 =	por p0, p1;
	s1 =	smov.u32 @p1 s10;
	s16 =	sadd.s32 s30, s31  }
0x7a1: {  	s22 =	spop (v2sf);
	p1 =	sge.s32 s16, s20;
	s7 =	smov.u32 @p0 s1  }
0x7a2: {  	s23 =	sadd.s32 s16, s22;
	s1 =	smov.u32 @p1 s7;
	p0 =	por p0, p1  }
0x7a3: {  	s24 =	spop (v2sf);
	p1 =	sge.s32 s23, s20;
	s6 =	smov.u32 @p0 s1  }
0x7a4: {  	s25 =	sadd.s32 s23, s24;
	p0 =	por p0, p1;
	s1 =	smov.u32 @p1 s6  }
0x7a5: {  	p1 =	sge.s32 s25, s20;
	s26 =	spop (v2sf);
	s3 =	smov.u32 @p0 s1  }
0x7a6: {  	p0 =	por p0, p1;
	s1 =	smov.u32 @p1 s3;
	s28 =	sadd.s32 s25, s26  }
0x7a7: {  	s29 =	spop (v2sf);
	p1 =	sge.s32 s28, s20;
	s2 =	smov.u32 @p0 s1  }
0x7a8: {  	s30 =	sadd.s32 s28, s29;
	s1 =	smov.u32 @p1 s2  }
0x7a9: {  	p2 =	slt.s32 s30, s20;
	s0 =	smov.u32 @p0 s1  }
0x7aa: {  	s0 =	smov.u32 @p2 s1  }
0x7ab: {  	s31 =	sshll.u32 s21, $0x7;
	s0 =	smov.u32 @p1 s1  }
0x7ac: {  	s0 =	sor.u32 s31, s0  }
0x7ad: {  	v3 =	vmov s0;
	s0 =	simm.s32 $0x0  }
0x7ae: {  	v10 =	vld [tilespmem:s0+$0xC400]  }
0x7af: {  	v9 =	vld [tilespmem:s0+$0xC410]  }
0x7b0: {  	v8 =	vld [tilespmem:s0+$0xC420]  }
0x7b1: {  	v7 =	vld [tilespmem:s0+$0xC430]  }
0x7b2: {  	v6 =	vld [tilespmem:s0+$0xC440]  }
0x7b3: {  	v5 =	vld [tilespmem:s0+$0xC450];
	v4 =	vand.u32 $0x7FFFFFFF, v10  }
0x7b4: {  	s3 =	simm.s32 $0xC400;
	s1 =	simm.s32 $0x200;
	v11 =	vand.u32 $0x7FFFFFFF, v9;
	vm0 =	vgt.s32 v3, v4;
	v4 =	vld [tilespmem:s0+$0xC460]  }
.LBB2_98:
0x7b5: {  	p0 =	sne.s32 s1, $0x30E00;
	v10 =	vsel vm0, $0x0, v10;
	vm0 =	vgt.s32 v3, v11;
	v11 =	vand.u32 $0x7FFFFFFF, v8;
	v12 =	vld [tilespmem:s0+$0xC470]  }
0x7b6: {  	s2 =	sshra.s32 s1, $0x2;
	[tilespmem:s0+$0xC400] =	vst v10;
	v9 =	vsel vm0, $0x0, v9;
	vm0 =	vgt.s32 v3, v11;
	v11 =	vand.u32 $0x7FFFFFFF, v7  }
0x7b7: {  	v10 =	vld [tilespmem:s2+$0xC400];
	[tilespmem:s0+$0xC410] =	vst v9;
	v8 =	vsel vm0, $0x0, v8;
	vm0 =	vgt.s32 v3, v11;
	v11 =	vand.u32 $0x7FFFFFFF, v6  }
0x7b8: {  	v9 =	vld [tilespmem:s2+$0xC410];
	[tilespmem:s0+$0xC420] =	vst v8;
	v7 =	vsel vm0, $0x0, v7;
	vm0 =	vgt.s32 v3, v11;
	v11 =	vand.u32 $0x7FFFFFFF, v5  }
.Ltmp57:
0x7b9: {  	v8 =	vld [tilespmem:s2+$0xC420];
	[tilespmem:s0+$0xC430] =	vst v7;
	v6 =	vsel vm0, $0x0, v6;
	vm0 =	vgt.s32 v3, v11;
	v11 =	vand.u32 $0x7FFFFFFF, v4;
	(pc) =	sbr.rel @p0 .LBB2_98-.Ltmp57, $4  }
0x7ba: {  	v7 =	vld [tilespmem:s2+$0xC430];
	[tilespmem:s0+$0xC440] =	vst v6;
	v5 =	vsel vm0, $0x0, v5;
	vm0 =	vgt.s32 v3, v11;
	v11 =	vand.u32 $0x7FFFFFFF, v12  }
0x7bb: {  	v6 =	vld [tilespmem:s2+$0xC440];
	[tilespmem:s0+$0xC450] =	vst v5;
	v4 =	vsel vm0, $0x0, v4;
	vm0 =	vgt.s32 v3, v11  }
0x7bc: {  	v11 =	vand.u32 $0x7FFFFFFF, v10;
	v5 =	vld [tilespmem:s2+$0xC450];
	[tilespmem:s0+$0xC460] =	vst v4;
	v12 =	vsel vm0, $0x0, v12  }
0x7bd: {  	s1 =	sadd.s32 $0x200, s1;
	vm0 =	vgt.s32 v3, v11;
	v11 =	vand.u32 $0x7FFFFFFF, v9;
	v4 =	vld [tilespmem:s2+$0xC460];
	[tilespmem:s0+$0xC470] =	vst v12;
	s0 =	smov.u32 s2  }
0x7be: {  	v10 =	vsel vm0, $0x0, v10;
	vm9 =	vgt.s32 v3, v11;
	v53 =	vand.u32 $0x7FFFFFFF, v8;
	v12 =	vld [tilespmem:s0+$0xC470]  }
0x7bf: {  	[tilespmem:s0+$0xC400] =	vst v10;
	v9 =	vsel vm9, $0x0, v9;
	vm10 =	vgt.s32 v3, v53;
	v54 =	vand.u32 $0x7FFFFFFF, v7  }
0x7c0: {  	[tilespmem:s0+$0xC410] =	vst v9;
	v55 =	vsel vm10, $0x0, v8;
	vm11 =	vgt.s32 v3, v54;
	v56 =	vand.u32 $0x7FFFFFFF, v6  }
0x7c1: {  	[tilespmem:s0+$0xC420] =	vst v55;
	v57 =	vsel vm11, $0x0, v7;
	vm12 =	vgt.s32 v3, v56;
	v58 =	vand.u32 $0x7FFFFFFF, v5  }
0x7c2: {  	[tilespmem:s0+$0xC430] =	vst v57;
	v59 =	vsel vm12, $0x0, v6;
	vm13 =	vgt.s32 v3, v58;
	v60 =	vand.u32 $0x7FFFFFFF, v4  }
0x7c3: {  	[tilespmem:s0+$0xC440] =	vst v59;
	v61 =	vsel vm13, $0x0, v5;
	vm14 =	vgt.s32 v3, v60;
	v62 =	vand.u32 $0x7FFFFFFF, v12  }
0x7c4: {  	[tilespmem:s0+$0xC450] =	vst v61;
	v63 =	vsel vm14, $0x0, v4;
	vm15 =	vgt.s32 v3, v62  }
0x7c5: {  	p0 =	seq.s32 s17, $0x5;
	[tilespmem:s0+$0xC460] =	vst v63;
	v3 =	vsel vm15, $0x0, v12  }
.Ltmp58:
0x7c6: {  	s31 =	sadd.s32 s5, s19;
	[tilespmem:s0+$0xC470] =	vst v3;
	(pc) =	sbr.rel @p0 .LBB2_104-.Ltmp58, $4  }
0x7c7: {  	[hbm4b:s31+s8] =	stream.strided.scatter [tilespmem:s3], [sflag:$0x4], $0xC400, s9, s8, $0x38;
	[tilespmem:$0x1F400] =	vst v63  }
0x7c8: {  	_ =	swait.ge [sflag:s14], $0xC400  }
0x7c9: {  	[sflag:s14] =	ssyncset.done $0x0  }
0x7ca: {  	[sflag:s14] =	ssyncadd.s32 $0xFFFF3C00  }
0x7cb: {  	s0 =	sadd.s32 $0x2, s18  }
0x7cc: {  	s1 =	sshrl.u32 s0, $0x3  }
0x7cd: {  	s0 =	sshll.u32 s0, $0x7;
	s1 =	smul.u32 $0x62000, s1  }
.Ltmp59:
0x7ce: {  	s0 =	sand.u32 $0x300, s0;
	(pc) =	sbr.rel .LBB2_2-.Ltmp59, $4  }
0x7cf: {  	s0 =	sor.u32 s0, s1  }
0x7d0: {  	s0 =	sshrl.u32 s0, $0x3  }
0x7d1: {  	s31 =	simm.s32 $0x0;
	s17 =	sadd.s32 $0x1, s17;
	s0 =	sadd.s32 s4, s0  }
0x7d2: {  	[tilespmem:s31], [sflag:$0x1] =	stream.strided.gather [hbm4b:s0+s8], $0xC400, s9, s8, $0x38;
	[tilespmem:$0x1F400] =	vst v63  }
.LBB2_17:
.Ltmp60:
0x7d3: {  	(pc) =	sbr.rel .LBB2_25-.Ltmp60, $2  }
0x7d4: {  	_ =	sdelay $0x2  }
0x7d5: {  	s3 =	simm.s32 $0x19800  }
.LBB2_33:
.Ltmp61:
0x7d6: {  	(pc) =	sbr.rel .LBB2_41-.Ltmp61, $2  }
0x7d7: {  	_ =	sdelay $0x2  }
0x7d8: {  	s3 =	simm.s32 $0x1F000  }
.LBB2_64:
.Ltmp62:
0x7d9: {  	(pc) =	sbr.rel .LBB2_75-.Ltmp62, $2  }
0x7da: {  	_ =	sdelay $0x2  }
0x7db: {  	s3 =	simm.s32 $0x19800  }
.LBB2_83:
.Ltmp63:
0x7dc: {  	(pc) =	sbr.rel .LBB2_91-.Ltmp63, $2  }
0x7dd: {  	_ =	sdelay $0x2  }
0x7de: {  	s3 =	simm.s32 $0x1F000  }
.LBB2_22:
.Ltmp64:
0x7df: {  	(pc) =	sbr.rel .LBB2_25-.Ltmp64, $2  }
0x7e0: {  	_ =	sdelay $0x2  }
0x7e1: {  	s3 =	simm.s32 $0x19800  }
.LBB2_38:
.Ltmp65:
0x7e2: {  	(pc) =	sbr.rel .LBB2_41-.Ltmp65, $2  }
0x7e3: {  	s6 =	sld [smem:$0x7F1];
	_ =	sdelay $0x2  }
0x7e4: {  	s3 =	simm.s32 $0x1F000;
	p5 =	seq.s32 s6, $0x1  }
.LBB2_72:
.Ltmp66:
0x7e5: {  	(pc) =	sbr.rel .LBB2_75-.Ltmp66, $2  }
0x7e6: {  	_ =	sdelay $0x2  }
0x7e7: {  	s3 =	simm.s32 $0x19800  }
.LBB2_88:
.Ltmp67:
0x7e8: {  	(pc) =	sbr.rel .LBB2_91-.Ltmp67, $2  }
0x7e9: {  	s6 =	sld [smem:$0x7E4];
	_ =	sdelay $0x2  }
0x7ea: {  	s3 =	simm.s32 $0x1F000;
	p5 =	seq.s32 s6, $0x1  }
.LBB2_105:
0x7eb: {  	_ =	sfence.sel $0x180000  }
0x7ec: {  	[bflag:$0x0] =	sbarrier.arrive $0xFFFF  }
0x7ed: {  	_ =	strace $0x90000047  }
0x7ee: {  	s0 =	stileid.u32;
	[bflag:$0x2] =	sbarrier.arrive $0xFFFF  }
0x7ef: {  	p0 =	sne.s32 s0, $0x0;
	s0 =	rddreg [dreg:$0x1]  }
0x7f0: {  	s0 =	sadd.s32 @!p0 $0x100000, s0  }
0x7f1: {  	[sflag:s0] =	ssyncadd.tile.s32 @!p0 $0x1;
	_ =	shalt  }
.Lfunc_end2:
_tile_overlayer_lowered:
.L_overlay_start_2:
0x7f2: {  	(tag) =	ssettag $0x2  }
0x7f3: {  	s0 =	rddreg [dreg:$0x0];
	s2 =	stileid.u32  }
0x7f4: {  	s1 =	rddreg [dreg:$0x1];
	p0 =	sne.s32 s2, $0x0  }
0x7f5: {  	s3 =	rddreg [dreg:$0x2];
	[bflag:$0x3] =	sbarrier.arrive $0xFFFF;
	s2 =	simm.s32 @!p0 $0x1C05  }
0x7f6: {  	[timem:s3], [sflag:s2] =	dma.local @!p0 [hbm:s0], s1  }
0x7f7: {  	s0 =	simm.s32 @!p0 $0x5  }
0x7f8: {  	_ =	swait.ge @!p0 [sflag:s0], s1  }
0x7f9: {  	s1 =	ssub.s32 @!p0 $0x0, s1;
	[sflag:s0] =	ssyncset.done @!p0 $0x0  }
0x7fa: {  	[sflag:s0] =	ssyncadd.s32 @!p0 s1  }
0x7fb: {  	[bflag:$0x3] =	sbarrier.arrive $0xFFFF  }
0x7fc: {  	_ =	shalt  }

</sc_bundles>
